<compile_context>
chip_gen: v7x
topology: tpu7x:2x2x1
jax: 0.10.2.dev20260603
libtpu: 0.0.44.dev20260713+nightly
codegen_flags: <defaults>
</compile_context>

<pallas_src>
import functools

import jax
import jax.numpy as jnp
from jax import lax
from jax.experimental import pallas as pl
from jax.experimental.pallas import tpu as pltpu
from jax.experimental.pallas import tpu_sc as plsc

N = 10000
E = 320000
D_IN = 128
HID = 16
NCLS = 32

NW = 32
NP = 10112
RPT = NP // 16
CH = 128
NCH = 80
EPW = CH * NCH
EP = NW * EPW

_mesh = plsc.VectorSubcoreMesh(core_axis_name="c", subcore_axis_name="s")
_sc_params = pltpu.CompilerParams(use_tc_tiling_on_sc=False)


@functools.partial(
    pl.kernel,
    out_type=(
        jax.ShapeDtypeStruct((2, NP), jnp.float32),
        jax.ShapeDtypeStruct((2, NP), jnp.float32),
    ),
    mesh=_mesh,
    scratch_types=[
        pltpu.VMEM((NCH, CH), jnp.int32),
        pltpu.VMEM((NCH, CH), jnp.int32),
        pltpu.VMEM((CH,), jnp.float32),
        pltpu.VMEM((RPT,), jnp.float32),
        pltpu.VMEM_SHARED((NP,), jnp.float32),
        pltpu.VMEM_SHARED((NP,), jnp.float32),
        pltpu.SemaphoreType.DMA,
        pltpu.SemaphoreType.DMA,
    ],
    compiler_params=_sc_params,
)
def _deg_kernel(src_hbm, dst_hbm, ones_hbm, z1_hbm, dego_hbm, degi_hbm,
                src_v, dst_v, ones_v, z1_v, dego_sh, degi_sh, sem_a, sem_b):
    c = lax.axis_index("c")
    s = lax.axis_index("s")
    wid = c * 16 + s
    pltpu.sync_copy(src_hbm.at[wid], src_v)
    pltpu.sync_copy(dst_hbm.at[wid], dst_v)
    pltpu.sync_copy(ones_hbm, ones_v)
    pltpu.sync_copy(z1_hbm, z1_v)
    sl = pl.ds(s * RPT, RPT)
    pltpu.sync_copy(z1_v, dego_sh.at[sl])
    pltpu.sync_copy(z1_v, degi_sh.at[sl])
    plsc.subcore_barrier()

    pltpu.async_copy(ones_v, dego_sh.at[src_v.at[0]], sem_a, add=True)
    pltpu.async_copy(ones_v, degi_sh.at[dst_v.at[0]], sem_b, add=True)

    def body(j, carry):
        pltpu.async_copy(ones_v, dego_sh.at[src_v.at[j]], sem_a, add=True)
        pltpu.async_copy(ones_v, degi_sh.at[dst_v.at[j]], sem_b, add=True)
        pltpu.make_async_copy(ones_v, dego_sh.at[src_v.at[j - 1]],
                              sem_a).wait()
        pltpu.make_async_copy(ones_v, degi_sh.at[dst_v.at[j - 1]],
                              sem_b).wait()
        return carry

    lax.fori_loop(1, NCH, body, None)
    pltpu.make_async_copy(ones_v, dego_sh.at[src_v.at[NCH - 1]],
                          sem_a).wait()
    pltpu.make_async_copy(ones_v, degi_sh.at[dst_v.at[NCH - 1]],
                          sem_b).wait()
    plsc.subcore_barrier()
    pltpu.sync_copy(dego_sh.at[sl], dego_hbm.at[c].at[sl])
    pltpu.sync_copy(degi_sh.at[sl], degi_hbm.at[c].at[sl])


def _make_edge_kernel(F):
    @functools.partial(
        pl.kernel,
        out_type=jax.ShapeDtypeStruct((4, NP, F), jnp.float32),
        mesh=_mesh,
        scratch_types=[
            pltpu.VMEM((NCH, CH), jnp.int32),
            pltpu.VMEM((NCH, CH), jnp.int32),
            pltpu.VMEM((CH, F), jnp.float32),
            pltpu.VMEM((CH, F), jnp.float32),
            pltpu.VMEM((CH, F), jnp.float32),
            pltpu.VMEM((CH, F), jnp.float32),
            pltpu.VMEM((RPT, F), jnp.float32),
            pltpu.VMEM_SHARED((NP, F), jnp.float32),
            pltpu.VMEM_SHARED((NP, F), jnp.float32),
            pltpu.VMEM_SHARED((NP, F), jnp.float32),
            pltpu.SemaphoreType.DMA,
            pltpu.SemaphoreType.DMA,
            pltpu.SemaphoreType.DMA,
            pltpu.SemaphoreType.DMA,
            pltpu.SemaphoreType.DMA,
            pltpu.SemaphoreType.DMA,
            pltpu.SemaphoreType.DMA,
            pltpu.SemaphoreType.DMA,
        ],
        compiler_params=_sc_params,
    )
    def edge_kernel(table_hbm, src_hbm, dst_hbm, zeros_hbm, out_hbm,
                    src_v, dst_v, b0, b1, b2, b3, zero_v, agg_a, agg_b,
                    tab_sh, g0, g1, g2, g3, s0, s1, s2, s3):
        c = lax.axis_index("c")
        s = lax.axis_index("s")
        wid = c * 16 + s
        pltpu.sync_copy(src_hbm.at[wid], src_v)
        pltpu.sync_copy(dst_hbm.at[wid], dst_v)
        pltpu.sync_copy(zeros_hbm, zero_v)
        sl = pl.ds(s * RPT, RPT)
        pltpu.sync_copy(table_hbm.at[sl], tab_sh.at[sl])
        pltpu.sync_copy(zero_v, agg_a.at[sl])
        pltpu.sync_copy(zero_v, agg_b.at[sl])
        plsc.subcore_barrier()

        def run_pipeline(agg_sh):
            bufs = (b0, b1, b2, b3)
            gsems = (g0, g1, g2, g3)
            ssems = (s0, s1, s2, s3)

            def gat(j, b):
                pltpu.async_copy(tab_sh.at[src_v.at[j]], bufs[b], gsems[b])

            def gwait(j, b):
                pltpu.make_async_copy(tab_sh.at[src_v.at[j]], bufs[b],
                                      gsems[b]).wait()

            def sct(j, b):
                pltpu.async_copy(bufs[b], agg_sh.at[dst_v.at[j]], ssems[b],
                                 add=True)

            def swait(j, b):
                pltpu.make_async_copy(bufs[b], agg_sh.at[dst_v.at[j]],
                                      ssems[b]).wait()

            gat(0, 0)
            gat(1, 1)
            gat(2, 2)
            gwait(0, 0)
            sct(0, 0)
            gat(3, 3)
            gwait(1, 1)
            sct(1, 1)
            swait(0, 0)
            gat(4, 0)
            gwait(2, 2)
            sct(2, 2)
            swait(1, 1)
            gat(5, 1)
            gwait(3, 3)
            sct(3, 3)

            def body(i, carry):
                for b in range(4):
                    j = 4 * i + b
                    bb = (b + 2) % 4
                    swait(j - 2, bb)
                    gat(j + 2, bb)
                    gwait(j, b)
                    sct(j, b)
                return carry

            lax.fori_loop(1, (NCH - 8) // 4 + 1, body, None)
            swait(NCH - 6, 2)
            gat(NCH - 2, 2)
            gwait(NCH - 4, 0)
            sct(NCH - 4, 0)
            swait(NCH - 5, 3)
            gat(NCH - 1, 3)
            gwait(NCH - 3, 1)
            sct(NCH - 3, 1)
            gwait(NCH - 2, 2)
            sct(NCH - 2, 2)
            gwait(NCH - 1, 3)
            sct(NCH - 1, 3)
            swait(NCH - 4, 0)
            swait(NCH - 3, 1)
            swait(NCH - 2, 2)
            swait(NCH - 1, 3)


        @pl.when(s % 2 == 0)
        def _even():
            run_pipeline(agg_a)

        @pl.when(s % 2 == 1)
        def _odd():
            run_pipeline(agg_b)

        plsc.subcore_barrier()
        pltpu.sync_copy(agg_a.at[sl], out_hbm.at[2 * c].at[sl])
        pltpu.sync_copy(agg_b.at[sl], out_hbm.at[2 * c + 1].at[sl])

    return edge_kernel


_edge16 = _make_edge_kernel(HID)
_edge32 = _make_edge_kernel(NCLS)


def _mm1_body(feat_ref, w1_ref, xw_ref):
    xw_ref[...] = jnp.dot(feat_ref[...], w1_ref[...],
                          preferred_element_type=jnp.float32)


def _norm_body(xw_ref, dpo_ref, dpi_ref, t1_ref, ns_ref, nd_ref):
    ns = lax.rsqrt(jnp.maximum(dpo_ref[0] + dpo_ref[1], 1.0))
    nd = lax.rsqrt(jnp.maximum(dpi_ref[0] + dpi_ref[1], 1.0))
    t1_ref[...] = xw_ref[...] * ns
    ns_ref[...] = ns
    nd_ref[...] = nd


def _mid_body(aggp_ref, nd_ref, ns_ref, b1_ref, w2_ref, t2_ref):
    acc = (aggp_ref[0] + aggp_ref[1]) + (aggp_ref[2] + aggp_ref[3])
    h = acc * nd_ref[...] + b1_ref[...]
    x = jnp.maximum(h, 0.0)
    t2_ref[...] = jnp.dot(x, w2_ref[...],
                          preferred_element_type=jnp.float32) * ns_ref[...]


def _out_body(aggp_ref, nd_ref, b2_ref, out_ref):
    acc = (aggp_ref[0] + aggp_ref[1]) + (aggp_ref[2] + aggp_ref[3])
    out_ref[...] = acc * nd_ref[...] + b2_ref[...]


def _tc_call(body, out_shapes, *args):
    return pl.pallas_call(body, out_shape=out_shapes)(*args)


def kernel(features, edge_index, W1, b1, W2, b2):
    f32 = jnp.float32
    pad_idx = jnp.full((EP - E,), NP - 1, jnp.int32)
    src_r = jnp.concatenate([edge_index[0], pad_idx]).reshape(NW, NCH, CH)
    dst_r = jnp.concatenate([edge_index[1], pad_idx]).reshape(NW, NCH, CH)
    ones1 = jnp.ones((CH,), f32)
    z1 = jnp.zeros((RPT,), f32)
    z16 = jnp.zeros((RPT, HID), f32)
    z32 = jnp.zeros((RPT, NCLS), f32)
    feat_pad = jnp.pad(features, ((0, NP - N), (0, 0)))

    dego_p, degi_p = _deg_kernel(src_r, dst_r, ones1, z1)
    xw1 = _tc_call(_mm1_body, jax.ShapeDtypeStruct((NP, HID), f32),
                   feat_pad, W1)

    t1, ns, nd = _tc_call(
        _norm_body,
        (jax.ShapeDtypeStruct((NP, HID), f32),
         jax.ShapeDtypeStruct((NP, 1), f32),
         jax.ShapeDtypeStruct((NP, 1), f32)),
        xw1, dego_p.reshape(2, NP, 1), degi_p.reshape(2, NP, 1))

    agg1_p = _edge16(t1, src_r, dst_r, z16)

    t2 = _tc_call(
        _mid_body,
        jax.ShapeDtypeStruct((NP, NCLS), f32),
        agg1_p, nd, ns, b1.reshape(1, HID), W2)

    agg2_p = _edge32(t2, src_r, dst_r, z32)

    out = _tc_call(
        _out_body,
        jax.ShapeDtypeStruct((NP, NCLS), f32),
        agg2_p, nd, b2.reshape(1, NCLS))

    return out[:N]

# --- scband reference (transcript-rebuilt; emitter-appended) ---
"""Pipeline reference for scband-gcn-net-30202210026005 (READ-ONLY COPY).

The authoritative reference and input builder live on the scoring server;
editing this copy changes nothing except your own understanding.
"""

import jax, jax.numpy as jnp
import numpy as np

N = 10000
E = 320000
D_IN = 128
HID = 16
NCLS = 32


def setup_inputs(seed: int = 0) -> dict:
    key = jax.random.key(seed)
    k1, k2, k3, k4 = jax.random.split(key, 4)
    features = jax.random.normal(k1, (N, D_IN), dtype=jnp.float32)
    edge_index = jax.random.randint(k2, (2, E), 0, N, dtype=jnp.int32)
    # GraphConv weights: glorot-style init
    W1 = jax.random.normal(k3, (D_IN, HID), dtype=jnp.float32) * (1.0 / np.sqrt(D_IN))
    b1 = jnp.zeros((HID,), dtype=jnp.float32)
    W2 = jax.random.normal(k4, (HID, NCLS), dtype=jnp.float32) * (1.0 / np.sqrt(HID))
    b2 = jnp.zeros((NCLS,), dtype=jnp.float32)
    return {"features": features, "edge_index": edge_index, "W1": W1, "b1": b1, "W2": W2, "b2": b2}


def _graph_conv(x, edge_index, W, b, activation=None):
    # DGL GraphConv with norm='both':
    #   h = D_in^{-1/2} * A * D_out^{-1/2} * X * W + b
    src = edge_index[0]
    dst = edge_index[1]
    ones = jnp.ones((src.shape[0],), dtype=jnp.float32)
    deg_out = jax.ops.segment_sum(ones, src, num_segments=N)
    deg_in = jax.ops.segment_sum(ones, dst, num_segments=N)
    norm_src = jnp.power(jnp.clip(deg_out, 1.0), -0.5)
    norm_dst = jnp.power(jnp.clip(deg_in, 1.0), -0.5)
    # mult W first (in_feats > out_feats path in DGL), then aggregate
    xw = x @ W
    m = jnp.take(xw, src, axis=0) * norm_src[src][:, None]
    agg = jax.ops.segment_sum(m, dst, num_segments=N)
    h = agg * norm_dst[:, None] + b
    if activation is not None:
        h = activation(h)
    return h


def reference(features, edge_index, W1, b1, W2, b2):
    # layer0 has activation=F.relu inside GraphConv; outer F.relu applied again (idempotent)
    x = jax.nn.relu(_graph_conv(features, edge_index, W1, b1, activation=jax.nn.relu))
    out = _graph_conv(x, edge_index, W2, b2, activation=None)
    return out

if __name__ == "__main__":
    import jax
    _d = setup_inputs()
    print(jax.jit(kernel)(*tuple(_d.values())))

</pallas_src>

<mosaic_0001>
#map = affine_map<(d0, d1) -> (0, 0)>
#map1 = affine_map<(d0, d1) -> (0, 0, 0)>
module attributes {stable_mosaic.version = 14 : i64} {
  func.func @edge_kernel(%arg0: i32, %arg1: i32, %arg2: memref<10112x16xf32, #tpu.memory_space<hbm>>, %arg3: memref<32x80x128xi32, #tpu.memory_space<hbm>>, %arg4: memref<32x80x128xi32, #tpu.memory_space<hbm>>, %arg5: memref<632x16xf32, #tpu.memory_space<hbm>>, %arg6: memref<4x10112x16xf32, #tpu.memory_space<hbm>>, %arg7: memref<80x128xi32, #tpu.memory_space<vmem>>, %arg8: memref<80x128xi32, #tpu.memory_space<vmem>>, %arg9: memref<128x16xf32, #tpu.memory_space<vmem>>, %arg10: memref<128x16xf32, #tpu.memory_space<vmem>>, %arg11: memref<128x16xf32, #tpu.memory_space<vmem>>, %arg12: memref<128x16xf32, #tpu.memory_space<vmem>>, %arg13: memref<632x16xf32, #tpu.memory_space<vmem>>, %arg14: memref<10112x16xf32, #tpu.memory_space<vmem_shared>>, %arg15: memref<10112x16xf32, #tpu.memory_space<vmem_shared>>, %arg16: memref<10112x16xf32, #tpu.memory_space<vmem_shared>>, %arg17: memref<!tpu.dma_semaphore, #tpu.memory_space<semaphore_mem>>, %arg18: memref<!tpu.dma_semaphore, #tpu.memory_space<semaphore_mem>>, %arg19: memref<!tpu.dma_semaphore, #tpu.memory_space<semaphore_mem>>, %arg20: memref<!tpu.dma_semaphore, #tpu.memory_space<semaphore_mem>>, %arg21: memref<!tpu.dma_semaphore, #tpu.memory_space<semaphore_mem>>, %arg22: memref<!tpu.dma_semaphore, #tpu.memory_space<semaphore_mem>>, %arg23: memref<!tpu.dma_semaphore, #tpu.memory_space<semaphore_mem>>, %arg24: memref<!tpu.dma_semaphore, #tpu.memory_space<semaphore_mem>>) attributes {dimension_semantics = [#tpu.dimension_semantics<core_parallel>, #tpu.dimension_semantics<subcore_parallel>], iteration_bounds = array<i64: 2, 16>, scalar_prefetch = 0 : i64, scratch_operands = 18 : i64, tpu.core_type = #tpu.core_type<sc_vector_subcore>, window_params = [{transform_indices = #map}, {transform_indices = #map1}, {transform_indices = #map1}, {transform_indices = #map}, {transform_indices = #map1}]} {
    %mul3A = arith.constant 16 : i32
    %mul3A_0 = arith.muli %arg0, %mul3A : i32
    %add3A = arith.addi %mul3A_0, %arg1 : i32
    "tpu.region"() ({
      %run_scoped3A = tpu.sem_alloc : memref<!tpu.dma_semaphore, #tpu.memory_space<semaphore_mem>>
      %dma_start3A = arith.constant 0 : i32
      %dma_start3A_43 = arith.constant 0 : i32
      %dma_start3A_44 = tpu.memref_slice %arg3[%add3A, %dma_start3A, %dma_start3A_43] : memref<32x80x128xi32, #tpu.memory_space<hbm>> -> memref<1x80x128xi32, #tpu.memory_space<hbm>>
      %dma_start3A_45 = tpu.memref_squeeze %dma_start3A_44 : memref<1x80x128xi32, #tpu.memory_space<hbm>> -> memref<80x128xi32, #tpu.memory_space<hbm>>
      %dma_start3A_46 = arith.constant 0 : i32
      %dma_start3A_47 = arith.constant 0 : i32
      %dma_start3A_48 = tpu.memref_slice %arg3[%add3A, %dma_start3A_46, %dma_start3A_47] : memref<32x80x128xi32, #tpu.memory_space<hbm>> -> memref<1x80x128xi32, #tpu.memory_space<hbm>>
      %dma_start3A_49 = tpu.memref_squeeze %dma_start3A_48 : memref<1x80x128xi32, #tpu.memory_space<hbm>> -> memref<80x128xi32, #tpu.memory_space<hbm>>
      tpu.enqueue_dma source(%dma_start3A_49 : memref<80x128xi32, #tpu.memory_space<hbm>>) target(%arg7 : memref<80x128xi32, #tpu.memory_space<vmem>>) target_semaphore(%run_scoped3A : memref<!tpu.dma_semaphore, #tpu.memory_space<semaphore_mem>>)
      %dma_wait3A = arith.constant 0 : i32
      %dma_wait3A_50 = arith.constant 0 : i32
      %dma_wait3A_51 = tpu.memref_slice %arg3[%add3A, %dma_wait3A, %dma_wait3A_50] : memref<32x80x128xi32, #tpu.memory_space<hbm>> -> memref<1x80x128xi32, #tpu.memory_space<hbm>>
      %dma_wait3A_52 = tpu.memref_squeeze %dma_wait3A_51 : memref<1x80x128xi32, #tpu.memory_space<hbm>> -> memref<80x128xi32, #tpu.memory_space<hbm>>
      %dma_wait3A_53 = arith.constant 0 : i32
      %dma_wait3A_54 = arith.constant 0 : i32
      %dma_wait3A_55 = tpu.memref_slice %arg3[%add3A, %dma_wait3A_53, %dma_wait3A_54] : memref<32x80x128xi32, #tpu.memory_space<hbm>> -> memref<1x80x128xi32, #tpu.memory_space<hbm>>
      %dma_wait3A_56 = tpu.memref_squeeze %dma_wait3A_55 : memref<1x80x128xi32, #tpu.memory_space<hbm>> -> memref<80x128xi32, #tpu.memory_space<hbm>>
      tpu.wait_dma2 semaphore(%run_scoped3A : memref<!tpu.dma_semaphore, #tpu.memory_space<semaphore_mem>>) src(%dma_wait3A_56 : memref<80x128xi32, #tpu.memory_space<hbm>>) dst(%arg7 : memref<80x128xi32, #tpu.memory_space<vmem>>)
      tpu.yield
    }) : () -> ()
    "tpu.region"() ({
      %run_scoped3A = tpu.sem_alloc : memref<!tpu.dma_semaphore, #tpu.memory_space<semaphore_mem>>
      %dma_start3A = arith.constant 0 : i32
      %dma_start3A_43 = arith.constant 0 : i32
      %dma_start3A_44 = tpu.memref_slice %arg4[%add3A, %dma_start3A, %dma_start3A_43] : memref<32x80x128xi32, #tpu.memory_space<hbm>> -> memref<1x80x128xi32, #tpu.memory_space<hbm>>
      %dma_start3A_45 = tpu.memref_squeeze %dma_start3A_44 : memref<1x80x128xi32, #tpu.memory_space<hbm>> -> memref<80x128xi32, #tpu.memory_space<hbm>>
      %dma_start3A_46 = arith.constant 0 : i32
      %dma_start3A_47 = arith.constant 0 : i32
      %dma_start3A_48 = tpu.memref_slice %arg4[%add3A, %dma_start3A_46, %dma_start3A_47] : memref<32x80x128xi32, #tpu.memory_space<hbm>> -> memref<1x80x128xi32, #tpu.memory_space<hbm>>
      %dma_start3A_49 = tpu.memref_squeeze %dma_start3A_48 : memref<1x80x128xi32, #tpu.memory_space<hbm>> -> memref<80x128xi32, #tpu.memory_space<hbm>>
      tpu.enqueue_dma source(%dma_start3A_49 : memref<80x128xi32, #tpu.memory_space<hbm>>) target(%arg8 : memref<80x128xi32, #tpu.memory_space<vmem>>) target_semaphore(%run_scoped3A : memref<!tpu.dma_semaphore, #tpu.memory_space<semaphore_mem>>)
      %dma_wait3A = arith.constant 0 : i32
      %dma_wait3A_50 = arith.constant 0 : i32
      %dma_wait3A_51 = tpu.memref_slice %arg4[%add3A, %dma_wait3A, %dma_wait3A_50] : memref<32x80x128xi32, #tpu.memory_space<hbm>> -> memref<1x80x128xi32, #tpu.memory_space<hbm>>
      %dma_wait3A_52 = tpu.memref_squeeze %dma_wait3A_51 : memref<1x80x128xi32, #tpu.memory_space<hbm>> -> memref<80x128xi32, #tpu.memory_space<hbm>>
      %dma_wait3A_53 = arith.constant 0 : i32
      %dma_wait3A_54 = arith.constant 0 : i32
      %dma_wait3A_55 = tpu.memref_slice %arg4[%add3A, %dma_wait3A_53, %dma_wait3A_54] : memref<32x80x128xi32, #tpu.memory_space<hbm>> -> memref<1x80x128xi32, #tpu.memory_space<hbm>>
      %dma_wait3A_56 = tpu.memref_squeeze %dma_wait3A_55 : memref<1x80x128xi32, #tpu.memory_space<hbm>> -> memref<80x128xi32, #tpu.memory_space<hbm>>
      tpu.wait_dma2 semaphore(%run_scoped3A : memref<!tpu.dma_semaphore, #tpu.memory_space<semaphore_mem>>) src(%dma_wait3A_56 : memref<80x128xi32, #tpu.memory_space<hbm>>) dst(%arg8 : memref<80x128xi32, #tpu.memory_space<vmem>>)
      tpu.yield
    }) : () -> ()
    "tpu.region"() ({
      %run_scoped3A = tpu.sem_alloc : memref<!tpu.dma_semaphore, #tpu.memory_space<semaphore_mem>>
      tpu.enqueue_dma source(%arg5 : memref<632x16xf32, #tpu.memory_space<hbm>>) target(%arg13 : memref<632x16xf32, #tpu.memory_space<vmem>>) target_semaphore(%run_scoped3A : memref<!tpu.dma_semaphore, #tpu.memory_space<semaphore_mem>>)
      tpu.wait_dma2 semaphore(%run_scoped3A : memref<!tpu.dma_semaphore, #tpu.memory_space<semaphore_mem>>) src(%arg5 : memref<632x16xf32, #tpu.memory_space<hbm>>) dst(%arg13 : memref<632x16xf32, #tpu.memory_space<vmem>>)
      tpu.yield
    }) : () -> ()
    %mul3A_1 = arith.constant 632 : i32
    %mul3A_2 = arith.muli %arg1, %mul3A_1 : i32
    "tpu.region"() ({
      %run_scoped3A = tpu.sem_alloc : memref<!tpu.dma_semaphore, #tpu.memory_space<semaphore_mem>>
      %dma_start3A = arith.constant 0 : i32
      %dma_start3A_43 = tpu.memref_slice %arg16[%mul3A_2, %dma_start3A] : memref<10112x16xf32, #tpu.memory_space<vmem_shared>> -> memref<632x16xf32, #tpu.memory_space<vmem_shared>>
      %dma_start3A_44 = arith.constant 0 : i32
      %dma_start3A_45 = tpu.memref_slice %arg2[%mul3A_2, %dma_start3A_44] : memref<10112x16xf32, #tpu.memory_space<hbm>> -> memref<632x16xf32, #tpu.memory_space<hbm>>
      tpu.enqueue_dma source(%dma_start3A_45 : memref<632x16xf32, #tpu.memory_space<hbm>>) target(%dma_start3A_43 : memref<632x16xf32, #tpu.memory_space<vmem_shared>>) target_semaphore(%run_scoped3A : memref<!tpu.dma_semaphore, #tpu.memory_space<semaphore_mem>>)
      %dma_wait3A = arith.constant 0 : i32
      %dma_wait3A_46 = tpu.memref_slice %arg16[%mul3A_2, %dma_wait3A] : memref<10112x16xf32, #tpu.memory_space<vmem_shared>> -> memref<632x16xf32, #tpu.memory_space<vmem_shared>>
      %dma_wait3A_47 = arith.constant 0 : i32
      %dma_wait3A_48 = tpu.memref_slice %arg2[%mul3A_2, %dma_wait3A_47] : memref<10112x16xf32, #tpu.memory_space<hbm>> -> memref<632x16xf32, #tpu.memory_space<hbm>>
      tpu.wait_dma2 semaphore(%run_scoped3A : memref<!tpu.dma_semaphore, #tpu.memory_space<semaphore_mem>>) src(%dma_wait3A_48 : memref<632x16xf32, #tpu.memory_space<hbm>>) dst(%dma_wait3A_46 : memref<632x16xf32, #tpu.memory_space<vmem_shared>>)
      tpu.yield
    }) : () -> ()
    "tpu.region"() ({
      %run_scoped3A = tpu.sem_alloc : memref<!tpu.dma_semaphore, #tpu.memory_space<semaphore_mem>>
      %dma_start3A = arith.constant 0 : i32
      %dma_start3A_43 = tpu.memref_slice %arg14[%mul3A_2, %dma_start3A] : memref<10112x16xf32, #tpu.memory_space<vmem_shared>> -> memref<632x16xf32, #tpu.memory_space<vmem_shared>>
      %dma_start3A_44 = arith.constant 0 : i32
      %dma_start3A_45 = tpu.memref_slice %arg14[%mul3A_2, %dma_start3A_44] : memref<10112x16xf32, #tpu.memory_space<vmem_shared>> -> memref<632x16xf32, #tpu.memory_space<vmem_shared>>
      tpu.enqueue_dma source(%arg13 : memref<632x16xf32, #tpu.memory_space<vmem>>) target(%dma_start3A_45 : memref<632x16xf32, #tpu.memory_space<vmem_shared>>) target_semaphore(%run_scoped3A : memref<!tpu.dma_semaphore, #tpu.memory_space<semaphore_mem>>)
      %dma_wait3A = arith.constant 0 : i32
      %dma_wait3A_46 = tpu.memref_slice %arg14[%mul3A_2, %dma_wait3A] : memref<10112x16xf32, #tpu.memory_space<vmem_shared>> -> memref<632x16xf32, #tpu.memory_space<vmem_shared>>
      %dma_wait3A_47 = arith.constant 0 : i32
      %dma_wait3A_48 = tpu.memref_slice %arg14[%mul3A_2, %dma_wait3A_47] : memref<10112x16xf32, #tpu.memory_space<vmem_shared>> -> memref<632x16xf32, #tpu.memory_space<vmem_shared>>
      tpu.wait_dma2 semaphore(%run_scoped3A : memref<!tpu.dma_semaphore, #tpu.memory_space<semaphore_mem>>) src(%arg13 : memref<632x16xf32, #tpu.memory_space<vmem>>) dst(%dma_wait3A_48 : memref<632x16xf32, #tpu.memory_space<vmem_shared>>)
      tpu.yield
    }) : () -> ()
    "tpu.region"() ({
      %run_scoped3A = tpu.sem_alloc : memref<!tpu.dma_semaphore, #tpu.memory_space<semaphore_mem>>
      %dma_start3A = arith.constant 0 : i32
      %dma_start3A_43 = tpu.memref_slice %arg15[%mul3A_2, %dma_start3A] : memref<10112x16xf32, #tpu.memory_space<vmem_shared>> -> memref<632x16xf32, #tpu.memory_space<vmem_shared>>
      %dma_start3A_44 = arith.constant 0 : i32
      %dma_start3A_45 = tpu.memref_slice %arg15[%mul3A_2, %dma_start3A_44] : memref<10112x16xf32, #tpu.memory_space<vmem_shared>> -> memref<632x16xf32, #tpu.memory_space<vmem_shared>>
      tpu.enqueue_dma source(%arg13 : memref<632x16xf32, #tpu.memory_space<vmem>>) target(%dma_start3A_45 : memref<632x16xf32, #tpu.memory_space<vmem_shared>>) target_semaphore(%run_scoped3A : memref<!tpu.dma_semaphore, #tpu.memory_space<semaphore_mem>>)
      %dma_wait3A = arith.constant 0 : i32
      %dma_wait3A_46 = tpu.memref_slice %arg15[%mul3A_2, %dma_wait3A] : memref<10112x16xf32, #tpu.memory_space<vmem_shared>> -> memref<632x16xf32, #tpu.memory_space<vmem_shared>>
      %dma_wait3A_47 = arith.constant 0 : i32
      %dma_wait3A_48 = tpu.memref_slice %arg15[%mul3A_2, %dma_wait3A_47] : memref<10112x16xf32, #tpu.memory_space<vmem_shared>> -> memref<632x16xf32, #tpu.memory_space<vmem_shared>>
      tpu.wait_dma2 semaphore(%run_scoped3A : memref<!tpu.dma_semaphore, #tpu.memory_space<semaphore_mem>>) src(%arg13 : memref<632x16xf32, #tpu.memory_space<vmem>>) dst(%dma_wait3A_48 : memref<632x16xf32, #tpu.memory_space<vmem_shared>>)
      tpu.yield
    }) : () -> ()
    %barrier3A = arith.constant 0 : index
    tpu.barrier barrier_id(%barrier3A)
    %jit3A = arith.constant 2 : i32
    %eq3A = arith.constant 0 : i32
    %eq3A_3 = arith.cmpi eq, %jit3A, %eq3A : i32
    %jit3A_4 = arith.constant 1 : i32
    %select_n3A = arith.select %eq3A_3, %jit3A_4, %jit3A : i32
    %rem3A = arith.remsi %arg1, %select_n3A : i32
    %ne3A = arith.constant 0 : i32
    %ne3A_5 = arith.cmpi ne, %rem3A, %ne3A : i32
    %lt3A = arith.constant 0 : i32
    %lt3A_6 = arith.cmpi slt, %rem3A, %lt3A : i32
    %lt3A_7 = arith.constant 0 : i32
    %lt3A_8 = arith.cmpi slt, %select_n3A, %lt3A_7 : i32
    %ne3A_9 = arith.xori %lt3A_6, %lt3A_8 : i1
    %and3A = arith.andi %ne3A_9, %ne3A_5 : i1
    %add3A_10 = arith.addi %rem3A, %select_n3A : i32
    %select_n3A_11 = arith.select %and3A, %add3A_10, %rem3A : i32
    %eq3A_12 = arith.constant 0 : i32
    %eq3A_13 = arith.cmpi eq, %select_n3A_11, %eq3A_12 : i32
    %convert_element_type3A = arith.extui %eq3A_13 : i1 to i32
    %cond3A = arith.constant 0 : i32
    %cond3A_14 = arith.cmpi ne, %convert_element_type3A, %cond3A : i32
    scf.if %cond3A_14 {
      %dma_start3A = arith.constant 0 : i32
      %dma_start3A_43 = arith.constant 0 : i32
      %dma_start3A_44 = tpu.memref_slice %arg7[%dma_start3A, %dma_start3A_43] : memref<80x128xi32, #tpu.memory_space<vmem>> -> memref<1x128xi32, #tpu.memory_space<vmem>>
      %dma_start3A_45 = tpu.memref_squeeze %dma_start3A_44 : memref<1x128xi32, #tpu.memory_space<vmem>> -> memref<128xi32, #tpu.memory_space<vmem>>
      %dma_start3A_46 = arith.constant 0 : i32
      %dma_start3A_47 = arith.constant 0 : i32
      %dma_start3A_48 = tpu.memref_slice %arg16[%dma_start3A_46, %dma_start3A_47] : memref<10112x16xf32, #tpu.memory_space<vmem_shared>> -> memref<10112x16xf32, #tpu.memory_space<vmem_shared>>
      tpu.enqueue_indirect_dma source(%dma_start3A_48 : memref<10112x16xf32, #tpu.memory_space<vmem_shared>>) target(%arg9 : memref<128x16xf32, #tpu.memory_space<vmem>>) offsets(%dma_start3A_45 : memref<128xi32, #tpu.memory_space<vmem>>) semaphore(%arg17 : memref<!tpu.dma_semaphore, #tpu.memory_space<semaphore_mem>>)
      %dma_start3A_49 = arith.constant 1 : i32
      %dma_start3A_50 = arith.constant 0 : i32
      %dma_start3A_51 = tpu.memref_slice %arg7[%dma_start3A_49, %dma_start3A_50] : memref<80x128xi32, #tpu.memory_space<vmem>> -> memref<1x128xi32, #tpu.memory_space<vmem>>
      %dma_start3A_52 = tpu.memref_squeeze %dma_start3A_51 : memref<1x128xi32, #tpu.memory_space<vmem>> -> memref<128xi32, #tpu.memory_space<vmem>>
      %dma_start3A_53 = arith.constant 0 : i32
      %dma_start3A_54 = arith.constant 0 : i32
      %dma_start3A_55 = tpu.memref_slice %arg16[%dma_start3A_53, %dma_start3A_54] : memref<10112x16xf32, #tpu.memory_space<vmem_shared>> -> memref<10112x16xf32, #tpu.memory_space<vmem_shared>>
      tpu.enqueue_indirect_dma source(%dma_start3A_55 : memref<10112x16xf32, #tpu.memory_space<vmem_shared>>) target(%arg10 : memref<128x16xf32, #tpu.memory_space<vmem>>) offsets(%dma_start3A_52 : memref<128xi32, #tpu.memory_space<vmem>>) semaphore(%arg18 : memref<!tpu.dma_semaphore, #tpu.memory_space<semaphore_mem>>)
      %dma_start3A_56 = arith.constant 2 : i32
      %dma_start3A_57 = arith.constant 0 : i32
      %dma_start3A_58 = tpu.memref_slice %arg7[%dma_start3A_56, %dma_start3A_57] : memref<80x128xi32, #tpu.memory_space<vmem>> -> memref<1x128xi32, #tpu.memory_space<vmem>>
      %dma_start3A_59 = tpu.memref_squeeze %dma_start3A_58 : memref<1x128xi32, #tpu.memory_space<vmem>> -> memref<128xi32, #tpu.memory_space<vmem>>
      %dma_start3A_60 = arith.constant 0 : i32
      %dma_start3A_61 = arith.constant 0 : i32
      %dma_start3A_62 = tpu.memref_slice %arg16[%dma_start3A_60, %dma_start3A_61] : memref<10112x16xf32, #tpu.memory_space<vmem_shared>> -> memref<10112x16xf32, #tpu.memory_space<vmem_shared>>
      tpu.enqueue_indirect_dma source(%dma_start3A_62 : memref<10112x16xf32, #tpu.memory_space<vmem_shared>>) target(%arg11 : memref<128x16xf32, #tpu.memory_space<vmem>>) offsets(%dma_start3A_59 : memref<128xi32, #tpu.memory_space<vmem>>) semaphore(%arg19 : memref<!tpu.dma_semaphore, #tpu.memory_space<semaphore_mem>>)
      %dma_wait3A = arith.constant 0 : i32
      %dma_wait3A_63 = arith.constant 0 : i32
      %dma_wait3A_64 = tpu.memref_slice %arg7[%dma_wait3A, %dma_wait3A_63] : memref<80x128xi32, #tpu.memory_space<vmem>> -> memref<1x128xi32, #tpu.memory_space<vmem>>
      %dma_wait3A_65 = tpu.memref_squeeze %dma_wait3A_64 : memref<1x128xi32, #tpu.memory_space<vmem>> -> memref<128xi32, #tpu.memory_space<vmem>>
      %dma_wait3A_66 = arith.constant 0 : i32
      %dma_wait3A_67 = arith.constant 0 : i32
      %dma_wait3A_68 = tpu.memref_slice %arg16[%dma_wait3A_66, %dma_wait3A_67] : memref<10112x16xf32, #tpu.memory_space<vmem_shared>> -> memref<10112x16xf32, #tpu.memory_space<vmem_shared>>
      tpu.wait_indirect_dma semaphore(%arg17 : memref<!tpu.dma_semaphore, #tpu.memory_space<semaphore_mem>>) src(%dma_wait3A_68 : memref<10112x16xf32, #tpu.memory_space<vmem_shared>>) dst(%arg9 : memref<128x16xf32, #tpu.memory_space<vmem>>)
      %dma_start3A_69 = arith.constant 0 : i32
      %dma_start3A_70 = arith.constant 0 : i32
      %dma_start3A_71 = tpu.memref_slice %arg8[%dma_start3A_69, %dma_start3A_70] : memref<80x128xi32, #tpu.memory_space<vmem>> -> memref<1x128xi32, #tpu.memory_space<vmem>>
      %dma_start3A_72 = tpu.memref_squeeze %dma_start3A_71 : memref<1x128xi32, #tpu.memory_space<vmem>> -> memref<128xi32, #tpu.memory_space<vmem>>
      %dma_start3A_73 = arith.constant 0 : i32
      %dma_start3A_74 = arith.constant 0 : i32
      %dma_start3A_75 = tpu.memref_slice %arg14[%dma_start3A_73, %dma_start3A_74] : memref<10112x16xf32, #tpu.memory_space<vmem_shared>> -> memref<10112x16xf32, #tpu.memory_space<vmem_shared>>
      tpu.enqueue_indirect_dma source(%arg9 : memref<128x16xf32, #tpu.memory_space<vmem>>) target(%dma_start3A_75 : memref<10112x16xf32, #tpu.memory_space<vmem_shared>>) offsets(%dma_start3A_72 : memref<128xi32, #tpu.memory_space<vmem>>) semaphore(%arg21 : memref<!tpu.dma_semaphore, #tpu.memory_space<semaphore_mem>>) {add = true}
      %dma_start3A_76 = arith.constant 3 : i32
      %dma_start3A_77 = arith.constant 0 : i32
      %dma_start3A_78 = tpu.memref_slice %arg7[%dma_start3A_76, %dma_start3A_77] : memref<80x128xi32, #tpu.memory_space<vmem>> -> memref<1x128xi32, #tpu.memory_space<vmem>>
      %dma_start3A_79 = tpu.memref_squeeze %dma_start3A_78 : memref<1x128xi32, #tpu.memory_space<vmem>> -> memref<128xi32, #tpu.memory_space<vmem>>
      %dma_start3A_80 = arith.constant 0 : i32
      %dma_start3A_81 = arith.constant 0 : i32
      %dma_start3A_82 = tpu.memref_slice %arg16[%dma_start3A_80, %dma_start3A_81] : memref<10112x16xf32, #tpu.memory_space<vmem_shared>> -> memref<10112x16xf32, #tpu.memory_space<vmem_shared>>
      tpu.enqueue_indirect_dma source(%dma_start3A_82 : memref<10112x16xf32, #tpu.memory_space<vmem_shared>>) target(%arg12 : memref<128x16xf32, #tpu.memory_space<vmem>>) offsets(%dma_start3A_79 : memref<128xi32, #tpu.memory_space<vmem>>) semaphore(%arg20 : memref<!tpu.dma_semaphore, #tpu.memory_space<semaphore_mem>>)
      %dma_wait3A_83 = arith.constant 1 : i32
      %dma_wait3A_84 = arith.constant 0 : i32
      %dma_wait3A_85 = tpu.memref_slice %arg7[%dma_wait3A_83, %dma_wait3A_84] : memref<80x128xi32, #tpu.memory_space<vmem>> -> memref<1x128xi32, #tpu.memory_space<vmem>>
      %dma_wait3A_86 = tpu.memref_squeeze %dma_wait3A_85 : memref<1x128xi32, #tpu.memory_space<vmem>> -> memref<128xi32, #tpu.memory_space<vmem>>
      %dma_wait3A_87 = arith.constant 0 : i32
      %dma_wait3A_88 = arith.constant 0 : i32
      %dma_wait3A_89 = tpu.memref_slice %arg16[%dma_wait3A_87, %dma_wait3A_88] : memref<10112x16xf32, #tpu.memory_space<vmem_shared>> -> memref<10112x16xf32, #tpu.memory_space<vmem_shared>>
      tpu.wait_indirect_dma semaphore(%arg18 : memref<!tpu.dma_semaphore, #tpu.memory_space<semaphore_mem>>) src(%dma_wait3A_89 : memref<10112x16xf32, #tpu.memory_space<vmem_shared>>) dst(%arg10 : memref<128x16xf32, #tpu.memory_space<vmem>>)
      %dma_start3A_90 = arith.constant 1 : i32
      %dma_start3A_91 = arith.constant 0 : i32
      %dma_start3A_92 = tpu.memref_slice %arg8[%dma_start3A_90, %dma_start3A_91] : memref<80x128xi32, #tpu.memory_space<vmem>> -> memref<1x128xi32, #tpu.memory_space<vmem>>
      %dma_start3A_93 = tpu.memref_squeeze %dma_start3A_92 : memref<1x128xi32, #tpu.memory_space<vmem>> -> memref<128xi32, #tpu.memory_space<vmem>>
      %dma_start3A_94 = arith.constant 0 : i32
      %dma_start3A_95 = arith.constant 0 : i32
      %dma_start3A_96 = tpu.memref_slice %arg14[%dma_start3A_94, %dma_start3A_95] : memref<10112x16xf32, #tpu.memory_space<vmem_shared>> -> memref<10112x16xf32, #tpu.memory_space<vmem_shared>>
      tpu.enqueue_indirect_dma source(%arg10 : memref<128x16xf32, #tpu.memory_space<vmem>>) target(%dma_start3A_96 : memref<10112x16xf32, #tpu.memory_space<vmem_shared>>) offsets(%dma_start3A_93 : memref<128xi32, #tpu.memory_space<vmem>>) semaphore(%arg22 : memref<!tpu.dma_semaphore, #tpu.memory_space<semaphore_mem>>) {add = true}
      %dma_wait3A_97 = arith.constant 0 : i32
      %dma_wait3A_98 = arith.constant 0 : i32
      %dma_wait3A_99 = tpu.memref_slice %arg8[%dma_wait3A_97, %dma_wait3A_98] : memref<80x128xi32, #tpu.memory_space<vmem>> -> memref<1x128xi32, #tpu.memory_space<vmem>>
      %dma_wait3A_100 = tpu.memref_squeeze %dma_wait3A_99 : memref<1x128xi32, #tpu.memory_space<vmem>> -> memref<128xi32, #tpu.memory_space<vmem>>
      %dma_wait3A_101 = arith.constant 0 : i32
      %dma_wait3A_102 = arith.constant 0 : i32
      %dma_wait3A_103 = tpu.memref_slice %arg14[%dma_wait3A_101, %dma_wait3A_102] : memref<10112x16xf32, #tpu.memory_space<vmem_shared>> -> memref<10112x16xf32, #tpu.memory_space<vmem_shared>>
      tpu.wait_indirect_dma semaphore(%arg21 : memref<!tpu.dma_semaphore, #tpu.memory_space<semaphore_mem>>) src(%arg9 : memref<128x16xf32, #tpu.memory_space<vmem>>) dst(%dma_wait3A_103 : memref<10112x16xf32, #tpu.memory_space<vmem_shared>>)
      %dma_start3A_104 = arith.constant 4 : i32
      %dma_start3A_105 = arith.constant 0 : i32
      %dma_start3A_106 = tpu.memref_slice %arg7[%dma_start3A_104, %dma_start3A_105] : memref<80x128xi32, #tpu.memory_space<vmem>> -> memref<1x128xi32, #tpu.memory_space<vmem>>
      %dma_start3A_107 = tpu.memref_squeeze %dma_start3A_106 : memref<1x128xi32, #tpu.memory_space<vmem>> -> memref<128xi32, #tpu.memory_space<vmem>>
      %dma_start3A_108 = arith.constant 0 : i32
      %dma_start3A_109 = arith.constant 0 : i32
      %dma_start3A_110 = tpu.memref_slice %arg16[%dma_start3A_108, %dma_start3A_109] : memref<10112x16xf32, #tpu.memory_space<vmem_shared>> -> memref<10112x16xf32, #tpu.memory_space<vmem_shared>>
      tpu.enqueue_indirect_dma source(%dma_start3A_110 : memref<10112x16xf32, #tpu.memory_space<vmem_shared>>) target(%arg9 : memref<128x16xf32, #tpu.memory_space<vmem>>) offsets(%dma_start3A_107 : memref<128xi32, #tpu.memory_space<vmem>>) semaphore(%arg17 : memref<!tpu.dma_semaphore, #tpu.memory_space<semaphore_mem>>)
      %dma_wait3A_111 = arith.constant 2 : i32
      %dma_wait3A_112 = arith.constant 0 : i32
      %dma_wait3A_113 = tpu.memref_slice %arg7[%dma_wait3A_111, %dma_wait3A_112] : memref<80x128xi32, #tpu.memory_space<vmem>> -> memref<1x128xi32, #tpu.memory_space<vmem>>
      %dma_wait3A_114 = tpu.memref_squeeze %dma_wait3A_113 : memref<1x128xi32, #tpu.memory_space<vmem>> -> memref<128xi32, #tpu.memory_space<vmem>>
      %dma_wait3A_115 = arith.constant 0 : i32
      %dma_wait3A_116 = arith.constant 0 : i32
      %dma_wait3A_117 = tpu.memref_slice %arg16[%dma_wait3A_115, %dma_wait3A_116] : memref<10112x16xf32, #tpu.memory_space<vmem_shared>> -> memref<10112x16xf32, #tpu.memory_space<vmem_shared>>
      tpu.wait_indirect_dma semaphore(%arg19 : memref<!tpu.dma_semaphore, #tpu.memory_space<semaphore_mem>>) src(%dma_wait3A_117 : memref<10112x16xf32, #tpu.memory_space<vmem_shared>>) dst(%arg11 : memref<128x16xf32, #tpu.memory_space<vmem>>)
      %dma_start3A_118 = arith.constant 2 : i32
      %dma_start3A_119 = arith.constant 0 : i32
      %dma_start3A_120 = tpu.memref_slice %arg8[%dma_start3A_118, %dma_start3A_119] : memref<80x128xi32, #tpu.memory_space<vmem>> -> memref<1x128xi32, #tpu.memory_space<vmem>>
      %dma_start3A_121 = tpu.memref_squeeze %dma_start3A_120 : memref<1x128xi32, #tpu.memory_space<vmem>> -> memref<128xi32, #tpu.memory_space<vmem>>
      %dma_start3A_122 = arith.constant 0 : i32
      %dma_start3A_123 = arith.constant 0 : i32
      %dma_start3A_124 = tpu.memref_slice %arg14[%dma_start3A_122, %dma_start3A_123] : memref<10112x16xf32, #tpu.memory_space<vmem_shared>> -> memref<10112x16xf32, #tpu.memory_space<vmem_shared>>
      tpu.enqueue_indirect_dma source(%arg11 : memref<128x16xf32, #tpu.memory_space<vmem>>) target(%dma_start3A_124 : memref<10112x16xf32, #tpu.memory_space<vmem_shared>>) offsets(%dma_start3A_121 : memref<128xi32, #tpu.memory_space<vmem>>) semaphore(%arg23 : memref<!tpu.dma_semaphore, #tpu.memory_space<semaphore_mem>>) {add = true}
      %dma_wait3A_125 = arith.constant 1 : i32
      %dma_wait3A_126 = arith.constant 0 : i32
      %dma_wait3A_127 = tpu.memref_slice %arg8[%dma_wait3A_125, %dma_wait3A_126] : memref<80x128xi32, #tpu.memory_space<vmem>> -> memref<1x128xi32, #tpu.memory_space<vmem>>
      %dma_wait3A_128 = tpu.memref_squeeze %dma_wait3A_127 : memref<1x128xi32, #tpu.memory_space<vmem>> -> memref<128xi32, #tpu.memory_space<vmem>>
      %dma_wait3A_129 = arith.constant 0 : i32
      %dma_wait3A_130 = arith.constant 0 : i32
      %dma_wait3A_131 = tpu.memref_slice %arg14[%dma_wait3A_129, %dma_wait3A_130] : memref<10112x16xf32, #tpu.memory_space<vmem_shared>> -> memref<10112x16xf32, #tpu.memory_space<vmem_shared>>
      tpu.wait_indirect_dma semaphore(%arg22 : memref<!tpu.dma_semaphore, #tpu.memory_space<semaphore_mem>>) src(%arg10 : memref<128x16xf32, #tpu.memory_space<vmem>>) dst(%dma_wait3A_131 : memref<10112x16xf32, #tpu.memory_space<vmem_shared>>)
      %dma_start3A_132 = arith.constant 5 : i32
      %dma_start3A_133 = arith.constant 0 : i32
      %dma_start3A_134 = tpu.memref_slice %arg7[%dma_start3A_132, %dma_start3A_133] : memref<80x128xi32, #tpu.memory_space<vmem>> -> memref<1x128xi32, #tpu.memory_space<vmem>>
      %dma_start3A_135 = tpu.memref_squeeze %dma_start3A_134 : memref<1x128xi32, #tpu.memory_space<vmem>> -> memref<128xi32, #tpu.memory_space<vmem>>
      %dma_start3A_136 = arith.constant 0 : i32
      %dma_start3A_137 = arith.constant 0 : i32
      %dma_start3A_138 = tpu.memref_slice %arg16[%dma_start3A_136, %dma_start3A_137] : memref<10112x16xf32, #tpu.memory_space<vmem_shared>> -> memref<10112x16xf32, #tpu.memory_space<vmem_shared>>
      tpu.enqueue_indirect_dma source(%dma_start3A_138 : memref<10112x16xf32, #tpu.memory_space<vmem_shared>>) target(%arg10 : memref<128x16xf32, #tpu.memory_space<vmem>>) offsets(%dma_start3A_135 : memref<128xi32, #tpu.memory_space<vmem>>) semaphore(%arg18 : memref<!tpu.dma_semaphore, #tpu.memory_space<semaphore_mem>>)
      %dma_wait3A_139 = arith.constant 3 : i32
      %dma_wait3A_140 = arith.constant 0 : i32
      %dma_wait3A_141 = tpu.memref_slice %arg7[%dma_wait3A_139, %dma_wait3A_140] : memref<80x128xi32, #tpu.memory_space<vmem>> -> memref<1x128xi32, #tpu.memory_space<vmem>>
      %dma_wait3A_142 = tpu.memref_squeeze %dma_wait3A_141 : memref<1x128xi32, #tpu.memory_space<vmem>> -> memref<128xi32, #tpu.memory_space<vmem>>
      %dma_wait3A_143 = arith.constant 0 : i32
      %dma_wait3A_144 = arith.constant 0 : i32
      %dma_wait3A_145 = tpu.memref_slice %arg16[%dma_wait3A_143, %dma_wait3A_144] : memref<10112x16xf32, #tpu.memory_space<vmem_shared>> -> memref<10112x16xf32, #tpu.memory_space<vmem_shared>>
      tpu.wait_indirect_dma semaphore(%arg20 : memref<!tpu.dma_semaphore, #tpu.memory_space<semaphore_mem>>) src(%dma_wait3A_145 : memref<10112x16xf32, #tpu.memory_space<vmem_shared>>) dst(%arg12 : memref<128x16xf32, #tpu.memory_space<vmem>>)
      %dma_start3A_146 = arith.constant 3 : i32
      %dma_start3A_147 = arith.constant 0 : i32
      %dma_start3A_148 = tpu.memref_slice %arg8[%dma_start3A_146, %dma_start3A_147] : memref<80x128xi32, #tpu.memory_space<vmem>> -> memref<1x128xi32, #tpu.memory_space<vmem>>
      %dma_start3A_149 = tpu.memref_squeeze %dma_start3A_148 : memref<1x128xi32, #tpu.memory_space<vmem>> -> memref<128xi32, #tpu.memory_space<vmem>>
      %dma_start3A_150 = arith.constant 0 : i32
      %dma_start3A_151 = arith.constant 0 : i32
      %dma_start3A_152 = tpu.memref_slice %arg14[%dma_start3A_150, %dma_start3A_151] : memref<10112x16xf32, #tpu.memory_space<vmem_shared>> -> memref<10112x16xf32, #tpu.memory_space<vmem_shared>>
      tpu.enqueue_indirect_dma source(%arg12 : memref<128x16xf32, #tpu.memory_space<vmem>>) target(%dma_start3A_152 : memref<10112x16xf32, #tpu.memory_space<vmem_shared>>) offsets(%dma_start3A_149 : memref<128xi32, #tpu.memory_space<vmem>>) semaphore(%arg24 : memref<!tpu.dma_semaphore, #tpu.memory_space<semaphore_mem>>) {add = true}
      %scan3A = arith.constant 1 : i32
      %scan3A_153 = arith.constant 18 : i32
      %scan3A_154 = arith.addi %scan3A, %scan3A_153 : i32
      %scan3A_155 = arith.constant 1 : i32
      scf.for %scan3A_269 = %scan3A to %scan3A_154 step %scan3A_155  : i32 {
        %mul3A_270 = arith.constant 4 : i32
        %mul3A_271 = arith.muli %mul3A_270, %scan3A_269 : i32
        %add3A_272 = arith.constant 0 : i32
        %add3A_273 = arith.addi %mul3A_271, %add3A_272 : i32
        %sub3A = arith.constant 2 : i32
        %sub3A_274 = arith.subi %add3A_273, %sub3A : i32
        %dma_wait3A_275 = arith.constant 0 : i32
        %dma_wait3A_276 = tpu.memref_slice %arg8[%sub3A_274, %dma_wait3A_275] : memref<80x128xi32, #tpu.memory_space<vmem>> -> memref<1x128xi32, #tpu.memory_space<vmem>>
        %dma_wait3A_277 = tpu.memref_squeeze %dma_wait3A_276 : memref<1x128xi32, #tpu.memory_space<vmem>> -> memref<128xi32, #tpu.memory_space<vmem>>
        %dma_wait3A_278 = arith.constant 0 : i32
        %dma_wait3A_279 = arith.constant 0 : i32
        %dma_wait3A_280 = tpu.memref_slice %arg14[%dma_wait3A_278, %dma_wait3A_279] : memref<10112x16xf32, #tpu.memory_space<vmem_shared>> -> memref<10112x16xf32, #tpu.memory_space<vmem_shared>>
        tpu.wait_indirect_dma semaphore(%arg23 : memref<!tpu.dma_semaphore, #tpu.memory_space<semaphore_mem>>) src(%arg11 : memref<128x16xf32, #tpu.memory_space<vmem>>) dst(%dma_wait3A_280 : memref<10112x16xf32, #tpu.memory_space<vmem_shared>>)
        %add3A_281 = arith.constant 2 : i32
        %add3A_282 = arith.addi %add3A_273, %add3A_281 : i32
        %dma_start3A_283 = arith.constant 0 : i32
        %dma_start3A_284 = tpu.memref_slice %arg7[%add3A_282, %dma_start3A_283] : memref<80x128xi32, #tpu.memory_space<vmem>> -> memref<1x128xi32, #tpu.memory_space<vmem>>
        %dma_start3A_285 = tpu.memref_squeeze %dma_start3A_284 : memref<1x128xi32, #tpu.memory_space<vmem>> -> memref<128xi32, #tpu.memory_space<vmem>>
        %dma_start3A_286 = arith.constant 0 : i32
        %dma_start3A_287 = arith.constant 0 : i32
        %dma_start3A_288 = tpu.memref_slice %arg16[%dma_start3A_286, %dma_start3A_287] : memref<10112x16xf32, #tpu.memory_space<vmem_shared>> -> memref<10112x16xf32, #tpu.memory_space<vmem_shared>>
        tpu.enqueue_indirect_dma source(%dma_start3A_288 : memref<10112x16xf32, #tpu.memory_space<vmem_shared>>) target(%arg11 : memref<128x16xf32, #tpu.memory_space<vmem>>) offsets(%dma_start3A_285 : memref<128xi32, #tpu.memory_space<vmem>>) semaphore(%arg19 : memref<!tpu.dma_semaphore, #tpu.memory_space<semaphore_mem>>)
        %dma_wait3A_289 = arith.constant 0 : i32
        %dma_wait3A_290 = tpu.memref_slice %arg7[%add3A_273, %dma_wait3A_289] : memref<80x128xi32, #tpu.memory_space<vmem>> -> memref<1x128xi32, #tpu.memory_space<vmem>>
        %dma_wait3A_291 = tpu.memref_squeeze %dma_wait3A_290 : memref<1x128xi32, #tpu.memory_space<vmem>> -> memref<128xi32, #tpu.memory_space<vmem>>
        %dma_wait3A_292 = arith.constant 0 : i32
        %dma_wait3A_293 = arith.constant 0 : i32
        %dma_wait3A_294 = tpu.memref_slice %arg16[%dma_wait3A_292, %dma_wait3A_293] : memref<10112x16xf32, #tpu.memory_space<vmem_shared>> -> memref<10112x16xf32, #tpu.memory_space<vmem_shared>>
        tpu.wait_indirect_dma semaphore(%arg17 : memref<!tpu.dma_semaphore, #tpu.memory_space<semaphore_mem>>) src(%dma_wait3A_294 : memref<10112x16xf32, #tpu.memory_space<vmem_shared>>) dst(%arg9 : memref<128x16xf32, #tpu.memory_space<vmem>>)
        %dma_start3A_295 = arith.constant 0 : i32
        %dma_start3A_296 = tpu.memref_slice %arg8[%add3A_273, %dma_start3A_295] : memref<80x128xi32, #tpu.memory_space<vmem>> -> memref<1x128xi32, #tpu.memory_space<vmem>>
        %dma_start3A_297 = tpu.memref_squeeze %dma_start3A_296 : memref<1x128xi32, #tpu.memory_space<vmem>> -> memref<128xi32, #tpu.memory_space<vmem>>
        %dma_start3A_298 = arith.constant 0 : i32
        %dma_start3A_299 = arith.constant 0 : i32
        %dma_start3A_300 = tpu.memref_slice %arg14[%dma_start3A_298, %dma_start3A_299] : memref<10112x16xf32, #tpu.memory_space<vmem_shared>> -> memref<10112x16xf32, #tpu.memory_space<vmem_shared>>
        tpu.enqueue_indirect_dma source(%arg9 : memref<128x16xf32, #tpu.memory_space<vmem>>) target(%dma_start3A_300 : memref<10112x16xf32, #tpu.memory_space<vmem_shared>>) offsets(%dma_start3A_297 : memref<128xi32, #tpu.memory_space<vmem>>) semaphore(%arg21 : memref<!tpu.dma_semaphore, #tpu.memory_space<semaphore_mem>>) {add = true}
        %mul3A_301 = arith.constant 4 : i32
        %mul3A_302 = arith.muli %mul3A_301, %scan3A_269 : i32
        %add3A_303 = arith.constant 1 : i32
        %add3A_304 = arith.addi %mul3A_302, %add3A_303 : i32
        %sub3A_305 = arith.constant 2 : i32
        %sub3A_306 = arith.subi %add3A_304, %sub3A_305 : i32
        %dma_wait3A_307 = arith.constant 0 : i32
        %dma_wait3A_308 = tpu.memref_slice %arg8[%sub3A_306, %dma_wait3A_307] : memref<80x128xi32, #tpu.memory_space<vmem>> -> memref<1x128xi32, #tpu.memory_space<vmem>>
        %dma_wait3A_309 = tpu.memref_squeeze %dma_wait3A_308 : memref<1x128xi32, #tpu.memory_space<vmem>> -> memref<128xi32, #tpu.memory_space<vmem>>
        %dma_wait3A_310 = arith.constant 0 : i32
        %dma_wait3A_311 = arith.constant 0 : i32
        %dma_wait3A_312 = tpu.memref_slice %arg14[%dma_wait3A_310, %dma_wait3A_311] : memref<10112x16xf32, #tpu.memory_space<vmem_shared>> -> memref<10112x16xf32, #tpu.memory_space<vmem_shared>>
        tpu.wait_indirect_dma semaphore(%arg24 : memref<!tpu.dma_semaphore, #tpu.memory_space<semaphore_mem>>) src(%arg12 : memref<128x16xf32, #tpu.memory_space<vmem>>) dst(%dma_wait3A_312 : memref<10112x16xf32, #tpu.memory_space<vmem_shared>>)
        %add3A_313 = arith.constant 2 : i32
        %add3A_314 = arith.addi %add3A_304, %add3A_313 : i32
        %dma_start3A_315 = arith.constant 0 : i32
        %dma_start3A_316 = tpu.memref_slice %arg7[%add3A_314, %dma_start3A_315] : memref<80x128xi32, #tpu.memory_space<vmem>> -> memref<1x128xi32, #tpu.memory_space<vmem>>
        %dma_start3A_317 = tpu.memref_squeeze %dma_start3A_316 : memref<1x128xi32, #tpu.memory_space<vmem>> -> memref<128xi32, #tpu.memory_space<vmem>>
        %dma_start3A_318 = arith.constant 0 : i32
        %dma_start3A_319 = arith.constant 0 : i32
        %dma_start3A_320 = tpu.memref_slice %arg16[%dma_start3A_318, %dma_start3A_319] : memref<10112x16xf32, #tpu.memory_space<vmem_shared>> -> memref<10112x16xf32, #tpu.memory_space<vmem_shared>>
        tpu.enqueue_indirect_dma source(%dma_start3A_320 : memref<10112x16xf32, #tpu.memory_space<vmem_shared>>) target(%arg12 : memref<128x16xf32, #tpu.memory_space<vmem>>) offsets(%dma_start3A_317 : memref<128xi32, #tpu.memory_space<vmem>>) semaphore(%arg20 : memref<!tpu.dma_semaphore, #tpu.memory_space<semaphore_mem>>)
        %dma_wait3A_321 = arith.constant 0 : i32
        %dma_wait3A_322 = tpu.memref_slice %arg7[%add3A_304, %dma_wait3A_321] : memref<80x128xi32, #tpu.memory_space<vmem>> -> memref<1x128xi32, #tpu.memory_space<vmem>>
        %dma_wait3A_323 = tpu.memref_squeeze %dma_wait3A_322 : memref<1x128xi32, #tpu.memory_space<vmem>> -> memref<128xi32, #tpu.memory_space<vmem>>
        %dma_wait3A_324 = arith.constant 0 : i32
        %dma_wait3A_325 = arith.constant 0 : i32
        %dma_wait3A_326 = tpu.memref_slice %arg16[%dma_wait3A_324, %dma_wait3A_325] : memref<10112x16xf32, #tpu.memory_space<vmem_shared>> -> memref<10112x16xf32, #tpu.memory_space<vmem_shared>>
        tpu.wait_indirect_dma semaphore(%arg18 : memref<!tpu.dma_semaphore, #tpu.memory_space<semaphore_mem>>) src(%dma_wait3A_326 : memref<10112x16xf32, #tpu.memory_space<vmem_shared>>) dst(%arg10 : memref<128x16xf32, #tpu.memory_space<vmem>>)
        %dma_start3A_327 = arith.constant 0 : i32
        %dma_start3A_328 = tpu.memref_slice %arg8[%add3A_304, %dma_start3A_327] : memref<80x128xi32, #tpu.memory_space<vmem>> -> memref<1x128xi32, #tpu.memory_space<vmem>>
        %dma_start3A_329 = tpu.memref_squeeze %dma_start3A_328 : memref<1x128xi32, #tpu.memory_space<vmem>> -> memref<128xi32, #tpu.memory_space<vmem>>
        %dma_start3A_330 = arith.constant 0 : i32
        %dma_start3A_331 = arith.constant 0 : i32
        %dma_start3A_332 = tpu.memref_slice %arg14[%dma_start3A_330, %dma_start3A_331] : memref<10112x16xf32, #tpu.memory_space<vmem_shared>> -> memref<10112x16xf32, #tpu.memory_space<vmem_shared>>
        tpu.enqueue_indirect_dma source(%arg10 : memref<128x16xf32, #tpu.memory_space<vmem>>) target(%dma_start3A_332 : memref<10112x16xf32, #tpu.memory_space<vmem_shared>>) offsets(%dma_start3A_329 : memref<128xi32, #tpu.memory_space<vmem>>) semaphore(%arg22 : memref<!tpu.dma_semaphore, #tpu.memory_space<semaphore_mem>>) {add = true}
        %mul3A_333 = arith.constant 4 : i32
        %mul3A_334 = arith.muli %mul3A_333, %scan3A_269 : i32
        %add3A_335 = arith.constant 2 : i32
        %add3A_336 = arith.addi %mul3A_334, %add3A_335 : i32
        %sub3A_337 = arith.constant 2 : i32
        %sub3A_338 = arith.subi %add3A_336, %sub3A_337 : i32
        %dma_wait3A_339 = arith.constant 0 : i32
        %dma_wait3A_340 = tpu.memref_slice %arg8[%sub3A_338, %dma_wait3A_339] : memref<80x128xi32, #tpu.memory_space<vmem>> -> memref<1x128xi32, #tpu.memory_space<vmem>>
        %dma_wait3A_341 = tpu.memref_squeeze %dma_wait3A_340 : memref<1x128xi32, #tpu.memory_space<vmem>> -> memref<128xi32, #tpu.memory_space<vmem>>
        %dma_wait3A_342 = arith.constant 0 : i32
        %dma_wait3A_343 = arith.constant 0 : i32
        %dma_wait3A_344 = tpu.memref_slice %arg14[%dma_wait3A_342, %dma_wait3A_343] : memref<10112x16xf32, #tpu.memory_space<vmem_shared>> -> memref<10112x16xf32, #tpu.memory_space<vmem_shared>>
        tpu.wait_indirect_dma semaphore(%arg21 : memref<!tpu.dma_semaphore, #tpu.memory_space<semaphore_mem>>) src(%arg9 : memref<128x16xf32, #tpu.memory_space<vmem>>) dst(%dma_wait3A_344 : memref<10112x16xf32, #tpu.memory_space<vmem_shared>>)
        %add3A_345 = arith.constant 2 : i32
        %add3A_346 = arith.addi %add3A_336, %add3A_345 : i32
        %dma_start3A_347 = arith.constant 0 : i32
        %dma_start3A_348 = tpu.memref_slice %arg7[%add3A_346, %dma_start3A_347] : memref<80x128xi32, #tpu.memory_space<vmem>> -> memref<1x128xi32, #tpu.memory_space<vmem>>
        %dma_start3A_349 = tpu.memref_squeeze %dma_start3A_348 : memref<1x128xi32, #tpu.memory_space<vmem>> -> memref<128xi32, #tpu.memory_space<vmem>>
        %dma_start3A_350 = arith.constant 0 : i32
        %dma_start3A_351 = arith.constant 0 : i32
        %dma_start3A_352 = tpu.memref_slice %arg16[%dma_start3A_350, %dma_start3A_351] : memref<10112x16xf32, #tpu.memory_space<vmem_shared>> -> memref<10112x16xf32, #tpu.memory_space<vmem_shared>>
        tpu.enqueue_indirect_dma source(%dma_start3A_352 : memref<10112x16xf32, #tpu.memory_space<vmem_shared>>) target(%arg9 : memref<128x16xf32, #tpu.memory_space<vmem>>) offsets(%dma_start3A_349 : memref<128xi32, #tpu.memory_space<vmem>>) semaphore(%arg17 : memref<!tpu.dma_semaphore, #tpu.memory_space<semaphore_mem>>)
        %dma_wait3A_353 = arith.constant 0 : i32
        %dma_wait3A_354 = tpu.memref_slice %arg7[%add3A_336, %dma_wait3A_353] : memref<80x128xi32, #tpu.memory_space<vmem>> -> memref<1x128xi32, #tpu.memory_space<vmem>>
        %dma_wait3A_355 = tpu.memref_squeeze %dma_wait3A_354 : memref<1x128xi32, #tpu.memory_space<vmem>> -> memref<128xi32, #tpu.memory_space<vmem>>
        %dma_wait3A_356 = arith.constant 0 : i32
        %dma_wait3A_357 = arith.constant 0 : i32
        %dma_wait3A_358 = tpu.memref_slice %arg16[%dma_wait3A_356, %dma_wait3A_357] : memref<10112x16xf32, #tpu.memory_space<vmem_shared>> -> memref<10112x16xf32, #tpu.memory_space<vmem_shared>>
        tpu.wait_indirect_dma semaphore(%arg19 : memref<!tpu.dma_semaphore, #tpu.memory_space<semaphore_mem>>) src(%dma_wait3A_358 : memref<10112x16xf32, #tpu.memory_space<vmem_shared>>) dst(%arg11 : memref<128x16xf32, #tpu.memory_space<vmem>>)
        %dma_start3A_359 = arith.constant 0 : i32
        %dma_start3A_360 = tpu.memref_slice %arg8[%add3A_336, %dma_start3A_359] : memref<80x128xi32, #tpu.memory_space<vmem>> -> memref<1x128xi32, #tpu.memory_space<vmem>>
        %dma_start3A_361 = tpu.memref_squeeze %dma_start3A_360 : memref<1x128xi32, #tpu.memory_space<vmem>> -> memref<128xi32, #tpu.memory_space<vmem>>
        %dma_start3A_362 = arith.constant 0 : i32
        %dma_start3A_363 = arith.constant 0 : i32
        %dma_start3A_364 = tpu.memref_slice %arg14[%dma_start3A_362, %dma_start3A_363] : memref<10112x16xf32, #tpu.memory_space<vmem_shared>> -> memref<10112x16xf32, #tpu.memory_space<vmem_shared>>
        tpu.enqueue_indirect_dma source(%arg11 : memref<128x16xf32, #tpu.memory_space<vmem>>) target(%dma_start3A_364 : memref<10112x16xf32, #tpu.memory_space<vmem_shared>>) offsets(%dma_start3A_361 : memref<128xi32, #tpu.memory_space<vmem>>) semaphore(%arg23 : memref<!tpu.dma_semaphore, #tpu.memory_space<semaphore_mem>>) {add = true}
        %mul3A_365 = arith.constant 4 : i32
        %mul3A_366 = arith.muli %mul3A_365, %scan3A_269 : i32
        %add3A_367 = arith.constant 3 : i32
        %add3A_368 = arith.addi %mul3A_366, %add3A_367 : i32
        %sub3A_369 = arith.constant 2 : i32
        %sub3A_370 = arith.subi %add3A_368, %sub3A_369 : i32
        %dma_wait3A_371 = arith.constant 0 : i32
        %dma_wait3A_372 = tpu.memref_slice %arg8[%sub3A_370, %dma_wait3A_371] : memref<80x128xi32, #tpu.memory_space<vmem>> -> memref<1x128xi32, #tpu.memory_space<vmem>>
        %dma_wait3A_373 = tpu.memref_squeeze %dma_wait3A_372 : memref<1x128xi32, #tpu.memory_space<vmem>> -> memref<128xi32, #tpu.memory_space<vmem>>
        %dma_wait3A_374 = arith.constant 0 : i32
        %dma_wait3A_375 = arith.constant 0 : i32
        %dma_wait3A_376 = tpu.memref_slice %arg14[%dma_wait3A_374, %dma_wait3A_375] : memref<10112x16xf32, #tpu.memory_space<vmem_shared>> -> memref<10112x16xf32, #tpu.memory_space<vmem_shared>>
        tpu.wait_indirect_dma semaphore(%arg22 : memref<!tpu.dma_semaphore, #tpu.memory_space<semaphore_mem>>) src(%arg10 : memref<128x16xf32, #tpu.memory_space<vmem>>) dst(%dma_wait3A_376 : memref<10112x16xf32, #tpu.memory_space<vmem_shared>>)
        %add3A_377 = arith.constant 2 : i32
        %add3A_378 = arith.addi %add3A_368, %add3A_377 : i32
        %dma_start3A_379 = arith.constant 0 : i32
        %dma_start3A_380 = tpu.memref_slice %arg7[%add3A_378, %dma_start3A_379] : memref<80x128xi32, #tpu.memory_space<vmem>> -> memref<1x128xi32, #tpu.memory_space<vmem>>
        %dma_start3A_381 = tpu.memref_squeeze %dma_start3A_380 : memref<1x128xi32, #tpu.memory_space<vmem>> -> memref<128xi32, #tpu.memory_space<vmem>>
        %dma_start3A_382 = arith.constant 0 : i32
        %dma_start3A_383 = arith.constant 0 : i32
        %dma_start3A_384 = tpu.memref_slice %arg16[%dma_start3A_382, %dma_start3A_383] : memref<10112x16xf32, #tpu.memory_space<vmem_shared>> -> memref<10112x16xf32, #tpu.memory_space<vmem_shared>>
        tpu.enqueue_indirect_dma source(%dma_start3A_384 : memref<10112x16xf32, #tpu.memory_space<vmem_shared>>) target(%arg10 : memref<128x16xf32, #tpu.memory_space<vmem>>) offsets(%dma_start3A_381 : memref<128xi32, #tpu.memory_space<vmem>>) semaphore(%arg18 : memref<!tpu.dma_semaphore, #tpu.memory_space<semaphore_mem>>)
        %dma_wait3A_385 = arith.constant 0 : i32
        %dma_wait3A_386 = tpu.memref_slice %arg7[%add3A_368, %dma_wait3A_385] : memref<80x128xi32, #tpu.memory_space<vmem>> -> memref<1x128xi32, #tpu.memory_space<vmem>>
        %dma_wait3A_387 = tpu.memref_squeeze %dma_wait3A_386 : memref<1x128xi32, #tpu.memory_space<vmem>> -> memref<128xi32, #tpu.memory_space<vmem>>
        %dma_wait3A_388 = arith.constant 0 : i32
        %dma_wait3A_389 = arith.constant 0 : i32
        %dma_wait3A_390 = tpu.memref_slice %arg16[%dma_wait3A_388, %dma_wait3A_389] : memref<10112x16xf32, #tpu.memory_space<vmem_shared>> -> memref<10112x16xf32, #tpu.memory_space<vmem_shared>>
        tpu.wait_indirect_dma semaphore(%arg20 : memref<!tpu.dma_semaphore, #tpu.memory_space<semaphore_mem>>) src(%dma_wait3A_390 : memref<10112x16xf32, #tpu.memory_space<vmem_shared>>) dst(%arg12 : memref<128x16xf32, #tpu.memory_space<vmem>>)
        %dma_start3A_391 = arith.constant 0 : i32
        %dma_start3A_392 = tpu.memref_slice %arg8[%add3A_368, %dma_start3A_391] : memref<80x128xi32, #tpu.memory_space<vmem>> -> memref<1x128xi32, #tpu.memory_space<vmem>>
        %dma_start3A_393 = tpu.memref_squeeze %dma_start3A_392 : memref<1x128xi32, #tpu.memory_space<vmem>> -> memref<128xi32, #tpu.memory_space<vmem>>
        %dma_start3A_394 = arith.constant 0 : i32
        %dma_start3A_395 = arith.constant 0 : i32
        %dma_start3A_396 = tpu.memref_slice %arg14[%dma_start3A_394, %dma_start3A_395] : memref<10112x16xf32, #tpu.memory_space<vmem_shared>> -> memref<10112x16xf32, #tpu.memory_space<vmem_shared>>
        tpu.enqueue_indirect_dma source(%arg12 : memref<128x16xf32, #tpu.memory_space<vmem>>) target(%dma_start3A_396 : memref<10112x16xf32, #tpu.memory_space<vmem_shared>>) offsets(%dma_start3A_393 : memref<128xi32, #tpu.memory_space<vmem>>) semaphore(%arg24 : memref<!tpu.dma_semaphore, #tpu.memory_space<semaphore_mem>>) {add = true}
      }
      %scan3A_156 = arith.constant 18 : i32
      %dma_wait3A_157 = arith.constant 74 : i32
      %dma_wait3A_158 = arith.constant 0 : i32
      %dma_wait3A_159 = tpu.memref_slice %arg8[%dma_wait3A_157, %dma_wait3A_158] : memref<80x128xi32, #tpu.memory_space<vmem>> -> memref<1x128xi32, #tpu.memory_space<vmem>>
      %dma_wait3A_160 = tpu.memref_squeeze %dma_wait3A_159 : memref<1x128xi32, #tpu.memory_space<vmem>> -> memref<128xi32, #tpu.memory_space<vmem>>
      %dma_wait3A_161 = arith.constant 0 : i32
      %dma_wait3A_162 = arith.constant 0 : i32
      %dma_wait3A_163 = tpu.memref_slice %arg14[%dma_wait3A_161, %dma_wait3A_162] : memref<10112x16xf32, #tpu.memory_space<vmem_shared>> -> memref<10112x16xf32, #tpu.memory_space<vmem_shared>>
      tpu.wait_indirect_dma semaphore(%arg23 : memref<!tpu.dma_semaphore, #tpu.memory_space<semaphore_mem>>) src(%arg11 : memref<128x16xf32, #tpu.memory_space<vmem>>) dst(%dma_wait3A_163 : memref<10112x16xf32, #tpu.memory_space<vmem_shared>>)
      %dma_start3A_164 = arith.constant 78 : i32
      %dma_start3A_165 = arith.constant 0 : i32
      %dma_start3A_166 = tpu.memref_slice %arg7[%dma_start3A_164, %dma_start3A_165] : memref<80x128xi32, #tpu.memory_space<vmem>> -> memref<1x128xi32, #tpu.memory_space<vmem>>
      %dma_start3A_167 = tpu.memref_squeeze %dma_start3A_166 : memref<1x128xi32, #tpu.memory_space<vmem>> -> memref<128xi32, #tpu.memory_space<vmem>>
      %dma_start3A_168 = arith.constant 0 : i32
      %dma_start3A_169 = arith.constant 0 : i32
      %dma_start3A_170 = tpu.memref_slice %arg16[%dma_start3A_168, %dma_start3A_169] : memref<10112x16xf32, #tpu.memory_space<vmem_shared>> -> memref<10112x16xf32, #tpu.memory_space<vmem_shared>>
      tpu.enqueue_indirect_dma source(%dma_start3A_170 : memref<10112x16xf32, #tpu.memory_space<vmem_shared>>) target(%arg11 : memref<128x16xf32, #tpu.memory_space<vmem>>) offsets(%dma_start3A_167 : memref<128xi32, #tpu.memory_space<vmem>>) semaphore(%arg19 : memref<!tpu.dma_semaphore, #tpu.memory_space<semaphore_mem>>)
      %dma_wait3A_171 = arith.constant 76 : i32
      %dma_wait3A_172 = arith.constant 0 : i32
      %dma_wait3A_173 = tpu.memref_slice %arg7[%dma_wait3A_171, %dma_wait3A_172] : memref<80x128xi32, #tpu.memory_space<vmem>> -> memref<1x128xi32, #tpu.memory_space<vmem>>
      %dma_wait3A_174 = tpu.memref_squeeze %dma_wait3A_173 : memref<1x128xi32, #tpu.memory_space<vmem>> -> memref<128xi32, #tpu.memory_space<vmem>>
      %dma_wait3A_175 = arith.constant 0 : i32
      %dma_wait3A_176 = arith.constant 0 : i32
      %dma_wait3A_177 = tpu.memref_slice %arg16[%dma_wait3A_175, %dma_wait3A_176] : memref<10112x16xf32, #tpu.memory_space<vmem_shared>> -> memref<10112x16xf32, #tpu.memory_space<vmem_shared>>
      tpu.wait_indirect_dma semaphore(%arg17 : memref<!tpu.dma_semaphore, #tpu.memory_space<semaphore_mem>>) src(%dma_wait3A_177 : memref<10112x16xf32, #tpu.memory_space<vmem_shared>>) dst(%arg9 : memref<128x16xf32, #tpu.memory_space<vmem>>)
      %dma_start3A_178 = arith.constant 76 : i32
      %dma_start3A_179 = arith.constant 0 : i32
      %dma_start3A_180 = tpu.memref_slice %arg8[%dma_start3A_178, %dma_start3A_179] : memref<80x128xi32, #tpu.memory_space<vmem>> -> memref<1x128xi32, #tpu.memory_space<vmem>>
      %dma_start3A_181 = tpu.memref_squeeze %dma_start3A_180 : memref<1x128xi32, #tpu.memory_space<vmem>> -> memref<128xi32, #tpu.memory_space<vmem>>
      %dma_start3A_182 = arith.constant 0 : i32
      %dma_start3A_183 = arith.constant 0 : i32
      %dma_start3A_184 = tpu.memref_slice %arg14[%dma_start3A_182, %dma_start3A_183] : memref<10112x16xf32, #tpu.memory_space<vmem_shared>> -> memref<10112x16xf32, #tpu.memory_space<vmem_shared>>
      tpu.enqueue_indirect_dma source(%arg9 : memref<128x16xf32, #tpu.memory_space<vmem>>) target(%dma_start3A_184 : memref<10112x16xf32, #tpu.memory_space<vmem_shared>>) offsets(%dma_start3A_181 : memref<128xi32, #tpu.memory_space<vmem>>) semaphore(%arg21 : memref<!tpu.dma_semaphore, #tpu.memory_space<semaphore_mem>>) {add = true}
      %dma_wait3A_185 = arith.constant 75 : i32
      %dma_wait3A_186 = arith.constant 0 : i32
      %dma_wait3A_187 = tpu.memref_slice %arg8[%dma_wait3A_185, %dma_wait3A_186] : memref<80x128xi32, #tpu.memory_space<vmem>> -> memref<1x128xi32, #tpu.memory_space<vmem>>
      %dma_wait3A_188 = tpu.memref_squeeze %dma_wait3A_187 : memref<1x128xi32, #tpu.memory_space<vmem>> -> memref<128xi32, #tpu.memory_space<vmem>>
      %dma_wait3A_189 = arith.constant 0 : i32
      %dma_wait3A_190 = arith.constant 0 : i32
      %dma_wait3A_191 = tpu.memref_slice %arg14[%dma_wait3A_189, %dma_wait3A_190] : memref<10112x16xf32, #tpu.memory_space<vmem_shared>> -> memref<10112x16xf32, #tpu.memory_space<vmem_shared>>
      tpu.wait_indirect_dma semaphore(%arg24 : memref<!tpu.dma_semaphore, #tpu.memory_space<semaphore_mem>>) src(%arg12 : memref<128x16xf32, #tpu.memory_space<vmem>>) dst(%dma_wait3A_191 : memref<10112x16xf32, #tpu.memory_space<vmem_shared>>)
      %dma_start3A_192 = arith.constant 79 : i32
      %dma_start3A_193 = arith.constant 0 : i32
      %dma_start3A_194 = tpu.memref_slice %arg7[%dma_start3A_192, %dma_start3A_193] : memref<80x128xi32, #tpu.memory_space<vmem>> -> memref<1x128xi32, #tpu.memory_space<vmem>>
      %dma_start3A_195 = tpu.memref_squeeze %dma_start3A_194 : memref<1x128xi32, #tpu.memory_space<vmem>> -> memref<128xi32, #tpu.memory_space<vmem>>
      %dma_start3A_196 = arith.constant 0 : i32
      %dma_start3A_197 = arith.constant 0 : i32
      %dma_start3A_198 = tpu.memref_slice %arg16[%dma_start3A_196, %dma_start3A_197] : memref<10112x16xf32, #tpu.memory_space<vmem_shared>> -> memref<10112x16xf32, #tpu.memory_space<vmem_shared>>
      tpu.enqueue_indirect_dma source(%dma_start3A_198 : memref<10112x16xf32, #tpu.memory_space<vmem_shared>>) target(%arg12 : memref<128x16xf32, #tpu.memory_space<vmem>>) offsets(%dma_start3A_195 : memref<128xi32, #tpu.memory_space<vmem>>) semaphore(%arg20 : memref<!tpu.dma_semaphore, #tpu.memory_space<semaphore_mem>>)
      %dma_wait3A_199 = arith.constant 77 : i32
      %dma_wait3A_200 = arith.constant 0 : i32
      %dma_wait3A_201 = tpu.memref_slice %arg7[%dma_wait3A_199, %dma_wait3A_200] : memref<80x128xi32, #tpu.memory_space<vmem>> -> memref<1x128xi32, #tpu.memory_space<vmem>>
      %dma_wait3A_202 = tpu.memref_squeeze %dma_wait3A_201 : memref<1x128xi32, #tpu.memory_space<vmem>> -> memref<128xi32, #tpu.memory_space<vmem>>
      %dma_wait3A_203 = arith.constant 0 : i32
      %dma_wait3A_204 = arith.constant 0 : i32
      %dma_wait3A_205 = tpu.memref_slice %arg16[%dma_wait3A_203, %dma_wait3A_204] : memref<10112x16xf32, #tpu.memory_space<vmem_shared>> -> memref<10112x16xf32, #tpu.memory_space<vmem_shared>>
      tpu.wait_indirect_dma semaphore(%arg18 : memref<!tpu.dma_semaphore, #tpu.memory_space<semaphore_mem>>) src(%dma_wait3A_205 : memref<10112x16xf32, #tpu.memory_space<vmem_shared>>) dst(%arg10 : memref<128x16xf32, #tpu.memory_space<vmem>>)
      %dma_start3A_206 = arith.constant 77 : i32
      %dma_start3A_207 = arith.constant 0 : i32
      %dma_start3A_208 = tpu.memref_slice %arg8[%dma_start3A_206, %dma_start3A_207] : memref<80x128xi32, #tpu.memory_space<vmem>> -> memref<1x128xi32, #tpu.memory_space<vmem>>
      %dma_start3A_209 = tpu.memref_squeeze %dma_start3A_208 : memref<1x128xi32, #tpu.memory_space<vmem>> -> memref<128xi32, #tpu.memory_space<vmem>>
      %dma_start3A_210 = arith.constant 0 : i32
      %dma_start3A_211 = arith.constant 0 : i32
      %dma_start3A_212 = tpu.memref_slice %arg14[%dma_start3A_210, %dma_start3A_211] : memref<10112x16xf32, #tpu.memory_space<vmem_shared>> -> memref<10112x16xf32, #tpu.memory_space<vmem_shared>>
      tpu.enqueue_indirect_dma source(%arg10 : memref<128x16xf32, #tpu.memory_space<vmem>>) target(%dma_start3A_212 : memref<10112x16xf32, #tpu.memory_space<vmem_shared>>) offsets(%dma_start3A_209 : memref<128xi32, #tpu.memory_space<vmem>>) semaphore(%arg22 : memref<!tpu.dma_semaphore, #tpu.memory_space<semaphore_mem>>) {add = true}
      %dma_wait3A_213 = arith.constant 78 : i32
      %dma_wait3A_214 = arith.constant 0 : i32
      %dma_wait3A_215 = tpu.memref_slice %arg7[%dma_wait3A_213, %dma_wait3A_214] : memref<80x128xi32, #tpu.memory_space<vmem>> -> memref<1x128xi32, #tpu.memory_space<vmem>>
      %dma_wait3A_216 = tpu.memref_squeeze %dma_wait3A_215 : memref<1x128xi32, #tpu.memory_space<vmem>> -> memref<128xi32, #tpu.memory_space<vmem>>
      %dma_wait3A_217 = arith.constant 0 : i32
      %dma_wait3A_218 = arith.constant 0 : i32
      %dma_wait3A_219 = tpu.memref_slice %arg16[%dma_wait3A_217, %dma_wait3A_218] : memref<10112x16xf32, #tpu.memory_space<vmem_shared>> -> memref<10112x16xf32, #tpu.memory_space<vmem_shared>>
      tpu.wait_indirect_dma semaphore(%arg19 : memref<!tpu.dma_semaphore, #tpu.memory_space<semaphore_mem>>) src(%dma_wait3A_219 : memref<10112x16xf32, #tpu.memory_space<vmem_shared>>) dst(%arg11 : memref<128x16xf32, #tpu.memory_space<vmem>>)
      %dma_start3A_220 = arith.constant 78 : i32
      %dma_start3A_221 = arith.constant 0 : i32
      %dma_start3A_222 = tpu.memref_slice %arg8[%dma_start3A_220, %dma_start3A_221] : memref<80x128xi32, #tpu.memory_space<vmem>> -> memref<1x128xi32, #tpu.memory_space<vmem>>
      %dma_start3A_223 = tpu.memref_squeeze %dma_start3A_222 : memref<1x128xi32, #tpu.memory_space<vmem>> -> memref<128xi32, #tpu.memory_space<vmem>>
      %dma_start3A_224 = arith.constant 0 : i32
      %dma_start3A_225 = arith.constant 0 : i32
      %dma_start3A_226 = tpu.memref_slice %arg14[%dma_start3A_224, %dma_start3A_225] : memref<10112x16xf32, #tpu.memory_space<vmem_shared>> -> memref<10112x16xf32, #tpu.memory_space<vmem_shared>>
      tpu.enqueue_indirect_dma source(%arg11 : memref<128x16xf32, #tpu.memory_space<vmem>>) target(%dma_start3A_226 : memref<10112x16xf32, #tpu.memory_space<vmem_shared>>) offsets(%dma_start3A_223 : memref<128xi32, #tpu.memory_space<vmem>>) semaphore(%arg23 : memref<!tpu.dma_semaphore, #tpu.memory_space<semaphore_mem>>) {add = true}
      %dma_wait3A_227 = arith.constant 79 : i32
      %dma_wait3A_228 = arith.constant 0 : i32
      %dma_wait3A_229 = tpu.memref_slice %arg7[%dma_wait3A_227, %dma_wait3A_228] : memref<80x128xi32, #tpu.memory_space<vmem>> -> memref<1x128xi32, #tpu.memory_space<vmem>>
      %dma_wait3A_230 = tpu.memref_squeeze %dma_wait3A_229 : memref<1x128xi32, #tpu.memory_space<vmem>> -> memref<128xi32, #tpu.memory_space<vmem>>
      %dma_wait3A_231 = arith.constant 0 : i32
      %dma_wait3A_232 = arith.constant 0 : i32
      %dma_wait3A_233 = tpu.memref_slice %arg16[%dma_wait3A_231, %dma_wait3A_232] : memref<10112x16xf32, #tpu.memory_space<vmem_shared>> -> memref<10112x16xf32, #tpu.memory_space<vmem_shared>>
      tpu.wait_indirect_dma semaphore(%arg20 : memref<!tpu.dma_semaphore, #tpu.memory_space<semaphore_mem>>) src(%dma_wait3A_233 : memref<10112x16xf32, #tpu.memory_space<vmem_shared>>) dst(%arg12 : memref<128x16xf32, #tpu.memory_space<vmem>>)
      %dma_start3A_234 = arith.constant 79 : i32
      %dma_start3A_235 = arith.constant 0 : i32
      %dma_start3A_236 = tpu.memref_slice %arg8[%dma_start3A_234, %dma_start3A_235] : memref<80x128xi32, #tpu.memory_space<vmem>> -> memref<1x128xi32, #tpu.memory_space<vmem>>
      %dma_start3A_237 = tpu.memref_squeeze %dma_start3A_236 : memref<1x128xi32, #tpu.memory_space<vmem>> -> memref<128xi32, #tpu.memory_space<vmem>>
      %dma_start3A_238 = arith.constant 0 : i32
      %dma_start3A_239 = arith.constant 0 : i32
      %dma_start3A_240 = tpu.memref_slice %arg14[%dma_start3A_238, %dma_start3A_239] : memref<10112x16xf32, #tpu.memory_space<vmem_shared>> -> memref<10112x16xf32, #tpu.memory_space<vmem_shared>>
      tpu.enqueue_indirect_dma source(%arg12 : memref<128x16xf32, #tpu.memory_space<vmem>>) target(%dma_start3A_240 : memref<10112x16xf32, #tpu.memory_space<vmem_shared>>) offsets(%dma_start3A_237 : memref<128xi32, #tpu.memory_space<vmem>>) semaphore(%arg24 : memref<!tpu.dma_semaphore, #tpu.memory_space<semaphore_mem>>) {add = true}
      %dma_wait3A_241 = arith.constant 76 : i32
      %dma_wait3A_242 = arith.constant 0 : i32
      %dma_wait3A_243 = tpu.memref_slice %arg8[%dma_wait3A_241, %dma_wait3A_242] : memref<80x128xi32, #tpu.memory_space<vmem>> -> memref<1x128xi32, #tpu.memory_space<vmem>>
      %dma_wait3A_244 = tpu.memref_squeeze %dma_wait3A_243 : memref<1x128xi32, #tpu.memory_space<vmem>> -> memref<128xi32, #tpu.memory_space<vmem>>
      %dma_wait3A_245 = arith.constant 0 : i32
      %dma_wait3A_246 = arith.constant 0 : i32
      %dma_wait3A_247 = tpu.memref_slice %arg14[%dma_wait3A_245, %dma_wait3A_246] : memref<10112x16xf32, #tpu.memory_space<vmem_shared>> -> memref<10112x16xf32, #tpu.memory_space<vmem_shared>>
      tpu.wait_indirect_dma semaphore(%arg21 : memref<!tpu.dma_semaphore, #tpu.memory_space<semaphore_mem>>) src(%arg9 : memref<128x16xf32, #tpu.memory_space<vmem>>) dst(%dma_wait3A_247 : memref<10112x16xf32, #tpu.memory_space<vmem_shared>>)
      %dma_wait3A_248 = arith.constant 77 : i32
      %dma_wait3A_249 = arith.constant 0 : i32
      %dma_wait3A_250 = tpu.memref_slice %arg8[%dma_wait3A_248, %dma_wait3A_249] : memref<80x128xi32, #tpu.memory_space<vmem>> -> memref<1x128xi32, #tpu.memory_space<vmem>>
      %dma_wait3A_251 = tpu.memref_squeeze %dma_wait3A_250 : memref<1x128xi32, #tpu.memory_space<vmem>> -> memref<128xi32, #tpu.memory_space<vmem>>
      %dma_wait3A_252 = arith.constant 0 : i32
      %dma_wait3A_253 = arith.constant 0 : i32
      %dma_wait3A_254 = tpu.memref_slice %arg14[%dma_wait3A_252, %dma_wait3A_253] : memref<10112x16xf32, #tpu.memory_space<vmem_shared>> -> memref<10112x16xf32, #tpu.memory_space<vmem_shared>>
      tpu.wait_indirect_dma semaphore(%arg22 : memref<!tpu.dma_semaphore, #tpu.memory_space<semaphore_mem>>) src(%arg10 : memref<128x16xf32, #tpu.memory_space<vmem>>) dst(%dma_wait3A_254 : memref<10112x16xf32, #tpu.memory_space<vmem_shared>>)
      %dma_wait3A_255 = arith.constant 78 : i32
      %dma_wait3A_256 = arith.constant 0 : i32
      %dma_wait3A_257 = tpu.memref_slice %arg8[%dma_wait3A_255, %dma_wait3A_256] : memref<80x128xi32, #tpu.memory_space<vmem>> -> memref<1x128xi32, #tpu.memory_space<vmem>>
      %dma_wait3A_258 = tpu.memref_squeeze %dma_wait3A_257 : memref<1x128xi32, #tpu.memory_space<vmem>> -> memref<128xi32, #tpu.memory_space<vmem>>
      %dma_wait3A_259 = arith.constant 0 : i32
      %dma_wait3A_260 = arith.constant 0 : i32
      %dma_wait3A_261 = tpu.memref_slice %arg14[%dma_wait3A_259, %dma_wait3A_260] : memref<10112x16xf32, #tpu.memory_space<vmem_shared>> -> memref<10112x16xf32, #tpu.memory_space<vmem_shared>>
      tpu.wait_indirect_dma semaphore(%arg23 : memref<!tpu.dma_semaphore, #tpu.memory_space<semaphore_mem>>) src(%arg11 : memref<128x16xf32, #tpu.memory_space<vmem>>) dst(%dma_wait3A_261 : memref<10112x16xf32, #tpu.memory_space<vmem_shared>>)
      %dma_wait3A_262 = arith.constant 79 : i32
      %dma_wait3A_263 = arith.constant 0 : i32
      %dma_wait3A_264 = tpu.memref_slice %arg8[%dma_wait3A_262, %dma_wait3A_263] : memref<80x128xi32, #tpu.memory_space<vmem>> -> memref<1x128xi32, #tpu.memory_space<vmem>>
      %dma_wait3A_265 = tpu.memref_squeeze %dma_wait3A_264 : memref<1x128xi32, #tpu.memory_space<vmem>> -> memref<128xi32, #tpu.memory_space<vmem>>
      %dma_wait3A_266 = arith.constant 0 : i32
      %dma_wait3A_267 = arith.constant 0 : i32
      %dma_wait3A_268 = tpu.memref_slice %arg14[%dma_wait3A_266, %dma_wait3A_267] : memref<10112x16xf32, #tpu.memory_space<vmem_shared>> -> memref<10112x16xf32, #tpu.memory_space<vmem_shared>>
      tpu.wait_indirect_dma semaphore(%arg24 : memref<!tpu.dma_semaphore, #tpu.memory_space<semaphore_mem>>) src(%arg12 : memref<128x16xf32, #tpu.memory_space<vmem>>) dst(%dma_wait3A_268 : memref<10112x16xf32, #tpu.memory_space<vmem_shared>>)
    } else {
    }
    %jit3A_15 = arith.constant 2 : i32
    %eq3A_16 = arith.constant 0 : i32
    %eq3A_17 = arith.cmpi eq, %jit3A_15, %eq3A_16 : i32
    %jit3A_18 = arith.constant 1 : i32
    %select_n3A_19 = arith.select %eq3A_17, %jit3A_18, %jit3A_15 : i32
    %rem3A_20 = arith.remsi %arg1, %select_n3A_19 : i32
    %ne3A_21 = arith.constant 0 : i32
    %ne3A_22 = arith.cmpi ne, %rem3A_20, %ne3A_21 : i32
    %lt3A_23 = arith.constant 0 : i32
    %lt3A_24 = arith.cmpi slt, %rem3A_20, %lt3A_23 : i32
    %lt3A_25 = arith.constant 0 : i32
    %lt3A_26 = arith.cmpi slt, %select_n3A_19, %lt3A_25 : i32
    %ne3A_27 = arith.xori %lt3A_24, %lt3A_26 : i1
    %and3A_28 = arith.andi %ne3A_27, %ne3A_22 : i1
    %add3A_29 = arith.addi %rem3A_20, %select_n3A_19 : i32
    %select_n3A_30 = arith.select %and3A_28, %add3A_29, %rem3A_20 : i32
    %eq3A_31 = arith.constant 1 : i32
    %eq3A_32 = arith.cmpi eq, %select_n3A_30, %eq3A_31 : i32
    %convert_element_type3A_33 = arith.extui %eq3A_32 : i1 to i32
    %cond3A_34 = arith.constant 0 : i32
    %cond3A_35 = arith.cmpi ne, %convert_element_type3A_33, %cond3A_34 : i32
    scf.if %cond3A_35 {
      %dma_start3A = arith.constant 0 : i32
      %dma_start3A_43 = arith.constant 0 : i32
      %dma_start3A_44 = tpu.memref_slice %arg7[%dma_start3A, %dma_start3A_43] : memref<80x128xi32, #tpu.memory_space<vmem>> -> memref<1x128xi32, #tpu.memory_space<vmem>>
      %dma_start3A_45 = tpu.memref_squeeze %dma_start3A_44 : memref<1x128xi32, #tpu.memory_space<vmem>> -> memref<128xi32, #tpu.memory_space<vmem>>
      %dma_start3A_46 = arith.constant 0 : i32
      %dma_start3A_47 = arith.constant 0 : i32
      %dma_start3A_48 = tpu.memref_slice %arg16[%dma_start3A_46, %dma_start3A_47] : memref<10112x16xf32, #tpu.memory_space<vmem_shared>> -> memref<10112x16xf32, #tpu.memory_space<vmem_shared>>
      tpu.enqueue_indirect_dma source(%dma_start3A_48 : memref<10112x16xf32, #tpu.memory_space<vmem_shared>>) target(%arg9 : memref<128x16xf32, #tpu.memory_space<vmem>>) offsets(%dma_start3A_45 : memref<128xi32, #tpu.memory_space<vmem>>) semaphore(%arg17 : memref<!tpu.dma_semaphore, #tpu.memory_space<semaphore_mem>>)
      %dma_start3A_49 = arith.constant 1 : i32
      %dma_start3A_50 = arith.constant 0 : i32
      %dma_start3A_51 = tpu.memref_slice %arg7[%dma_start3A_49, %dma_start3A_50] : memref<80x128xi32, #tpu.memory_space<vmem>> -> memref<1x128xi32, #tpu.memory_space<vmem>>
      %dma_start3A_52 = tpu.memref_squeeze %dma_start3A_51 : memref<1x128xi32, #tpu.memory_space<vmem>> -> memref<128xi32, #tpu.memory_space<vmem>>
      %dma_start3A_53 = arith.constant 0 : i32
      %dma_start3A_54 = arith.constant 0 : i32
      %dma_start3A_55 = tpu.memref_slice %arg16[%dma_start3A_53, %dma_start3A_54] : memref<10112x16xf32, #tpu.memory_space<vmem_shared>> -> memref<10112x16xf32, #tpu.memory_space<vmem_shared>>
      tpu.enqueue_indirect_dma source(%dma_start3A_55 : memref<10112x16xf32, #tpu.memory_space<vmem_shared>>) target(%arg10 : memref<128x16xf32, #tpu.memory_space<vmem>>) offsets(%dma_start3A_52 : memref<128xi32, #tpu.memory_space<vmem>>) semaphore(%arg18 : memref<!tpu.dma_semaphore, #tpu.memory_space<semaphore_mem>>)
      %dma_start3A_56 = arith.constant 2 : i32
      %dma_start3A_57 = arith.constant 0 : i32
      %dma_start3A_58 = tpu.memref_slice %arg7[%dma_start3A_56, %dma_start3A_57] : memref<80x128xi32, #tpu.memory_space<vmem>> -> memref<1x128xi32, #tpu.memory_space<vmem>>
      %dma_start3A_59 = tpu.memref_squeeze %dma_start3A_58 : memref<1x128xi32, #tpu.memory_space<vmem>> -> memref<128xi32, #tpu.memory_space<vmem>>
      %dma_start3A_60 = arith.constant 0 : i32
      %dma_start3A_61 = arith.constant 0 : i32
      %dma_start3A_62 = tpu.memref_slice %arg16[%dma_start3A_60, %dma_start3A_61] : memref<10112x16xf32, #tpu.memory_space<vmem_shared>> -> memref<10112x16xf32, #tpu.memory_space<vmem_shared>>
      tpu.enqueue_indirect_dma source(%dma_start3A_62 : memref<10112x16xf32, #tpu.memory_space<vmem_shared>>) target(%arg11 : memref<128x16xf32, #tpu.memory_space<vmem>>) offsets(%dma_start3A_59 : memref<128xi32, #tpu.memory_space<vmem>>) semaphore(%arg19 : memref<!tpu.dma_semaphore, #tpu.memory_space<semaphore_mem>>)
      %dma_wait3A = arith.constant 0 : i32
      %dma_wait3A_63 = arith.constant 0 : i32
      %dma_wait3A_64 = tpu.memref_slice %arg7[%dma_wait3A, %dma_wait3A_63] : memref<80x128xi32, #tpu.memory_space<vmem>> -> memref<1x128xi32, #tpu.memory_space<vmem>>
      %dma_wait3A_65 = tpu.memref_squeeze %dma_wait3A_64 : memref<1x128xi32, #tpu.memory_space<vmem>> -> memref<128xi32, #tpu.memory_space<vmem>>
      %dma_wait3A_66 = arith.constant 0 : i32
      %dma_wait3A_67 = arith.constant 0 : i32
      %dma_wait3A_68 = tpu.memref_slice %arg16[%dma_wait3A_66, %dma_wait3A_67] : memref<10112x16xf32, #tpu.memory_space<vmem_shared>> -> memref<10112x16xf32, #tpu.memory_space<vmem_shared>>
      tpu.wait_indirect_dma semaphore(%arg17 : memref<!tpu.dma_semaphore, #tpu.memory_space<semaphore_mem>>) src(%dma_wait3A_68 : memref<10112x16xf32, #tpu.memory_space<vmem_shared>>) dst(%arg9 : memref<128x16xf32, #tpu.memory_space<vmem>>)
      %dma_start3A_69 = arith.constant 0 : i32
      %dma_start3A_70 = arith.constant 0 : i32
      %dma_start3A_71 = tpu.memref_slice %arg8[%dma_start3A_69, %dma_start3A_70] : memref<80x128xi32, #tpu.memory_space<vmem>> -> memref<1x128xi32, #tpu.memory_space<vmem>>
      %dma_start3A_72 = tpu.memref_squeeze %dma_start3A_71 : memref<1x128xi32, #tpu.memory_space<vmem>> -> memref<128xi32, #tpu.memory_space<vmem>>
      %dma_start3A_73 = arith.constant 0 : i32
      %dma_start3A_74 = arith.constant 0 : i32
      %dma_start3A_75 = tpu.memref_slice %arg15[%dma_start3A_73, %dma_start3A_74] : memref<10112x16xf32, #tpu.memory_space<vmem_shared>> -> memref<10112x16xf32, #tpu.memory_space<vmem_shared>>
      tpu.enqueue_indirect_dma source(%arg9 : memref<128x16xf32, #tpu.memory_space<vmem>>) target(%dma_start3A_75 : memref<10112x16xf32, #tpu.memory_space<vmem_shared>>) offsets(%dma_start3A_72 : memref<128xi32, #tpu.memory_space<vmem>>) semaphore(%arg21 : memref<!tpu.dma_semaphore, #tpu.memory_space<semaphore_mem>>) {add = true}
      %dma_start3A_76 = arith.constant 3 : i32
      %dma_start3A_77 = arith.constant 0 : i32
      %dma_start3A_78 = tpu.memref_slice %arg7[%dma_start3A_76, %dma_start3A_77] : memref<80x128xi32, #tpu.memory_space<vmem>> -> memref<1x128xi32, #tpu.memory_space<vmem>>
      %dma_start3A_79 = tpu.memref_squeeze %dma_start3A_78 : memref<1x128xi32, #tpu.memory_space<vmem>> -> memref<128xi32, #tpu.memory_space<vmem>>
      %dma_start3A_80 = arith.constant 0 : i32
      %dma_start3A_81 = arith.constant 0 : i32
      %dma_start3A_82 = tpu.memref_slice %arg16[%dma_start3A_80, %dma_start3A_81] : memref<10112x16xf32, #tpu.memory_space<vmem_shared>> -> memref<10112x16xf32, #tpu.memory_space<vmem_shared>>
      tpu.enqueue_indirect_dma source(%dma_start3A_82 : memref<10112x16xf32, #tpu.memory_space<vmem_shared>>) target(%arg12 : memref<128x16xf32, #tpu.memory_space<vmem>>) offsets(%dma_start3A_79 : memref<128xi32, #tpu.memory_space<vmem>>) semaphore(%arg20 : memref<!tpu.dma_semaphore, #tpu.memory_space<semaphore_mem>>)
      %dma_wait3A_83 = arith.constant 1 : i32
      %dma_wait3A_84 = arith.constant 0 : i32
      %dma_wait3A_85 = tpu.memref_slice %arg7[%dma_wait3A_83, %dma_wait3A_84] : memref<80x128xi32, #tpu.memory_space<vmem>> -> memref<1x128xi32, #tpu.memory_space<vmem>>
      %dma_wait3A_86 = tpu.memref_squeeze %dma_wait3A_85 : memref<1x128xi32, #tpu.memory_space<vmem>> -> memref<128xi32, #tpu.memory_space<vmem>>
      %dma_wait3A_87 = arith.constant 0 : i32
      %dma_wait3A_88 = arith.constant 0 : i32
      %dma_wait3A_89 = tpu.memref_slice %arg16[%dma_wait3A_87, %dma_wait3A_88] : memref<10112x16xf32, #tpu.memory_space<vmem_shared>> -> memref<10112x16xf32, #tpu.memory_space<vmem_shared>>
      tpu.wait_indirect_dma semaphore(%arg18 : memref<!tpu.dma_semaphore, #tpu.memory_space<semaphore_mem>>) src(%dma_wait3A_89 : memref<10112x16xf32, #tpu.memory_space<vmem_shared>>) dst(%arg10 : memref<128x16xf32, #tpu.memory_space<vmem>>)
      %dma_start3A_90 = arith.constant 1 : i32
      %dma_start3A_91 = arith.constant 0 : i32
      %dma_start3A_92 = tpu.memref_slice %arg8[%dma_start3A_90, %dma_start3A_91] : memref<80x128xi32, #tpu.memory_space<vmem>> -> memref<1x128xi32, #tpu.memory_space<vmem>>
      %dma_start3A_93 = tpu.memref_squeeze %dma_start3A_92 : memref<1x128xi32, #tpu.memory_space<vmem>> -> memref<128xi32, #tpu.memory_space<vmem>>
      %dma_start3A_94 = arith.constant 0 : i32
      %dma_start3A_95 = arith.constant 0 : i32
      %dma_start3A_96 = tpu.memref_slice %arg15[%dma_start3A_94, %dma_start3A_95] : memref<10112x16xf32, #tpu.memory_space<vmem_shared>> -> memref<10112x16xf32, #tpu.memory_space<vmem_shared>>
      tpu.enqueue_indirect_dma source(%arg10 : memref<128x16xf32, #tpu.memory_space<vmem>>) target(%dma_start3A_96 : memref<10112x16xf32, #tpu.memory_space<vmem_shared>>) offsets(%dma_start3A_93 : memref<128xi32, #tpu.memory_space<vmem>>) semaphore(%arg22 : memref<!tpu.dma_semaphore, #tpu.memory_space<semaphore_mem>>) {add = true}
      %dma_wait3A_97 = arith.constant 0 : i32
      %dma_wait3A_98 = arith.constant 0 : i32
      %dma_wait3A_99 = tpu.memref_slice %arg8[%dma_wait3A_97, %dma_wait3A_98] : memref<80x128xi32, #tpu.memory_space<vmem>> -> memref<1x128xi32, #tpu.memory_space<vmem>>
      %dma_wait3A_100 = tpu.memref_squeeze %dma_wait3A_99 : memref<1x128xi32, #tpu.memory_space<vmem>> -> memref<128xi32, #tpu.memory_space<vmem>>
      %dma_wait3A_101 = arith.constant 0 : i32
      %dma_wait3A_102 = arith.constant 0 : i32
      %dma_wait3A_103 = tpu.memref_slice %arg15[%dma_wait3A_101, %dma_wait3A_102] : memref<10112x16xf32, #tpu.memory_space<vmem_shared>> -> memref<10112x16xf32, #tpu.memory_space<vmem_shared>>
      tpu.wait_indirect_dma semaphore(%arg21 : memref<!tpu.dma_semaphore, #tpu.memory_space<semaphore_mem>>) src(%arg9 : memref<128x16xf32, #tpu.memory_space<vmem>>) dst(%dma_wait3A_103 : memref<10112x16xf32, #tpu.memory_space<vmem_shared>>)
      %dma_start3A_104 = arith.constant 4 : i32
      %dma_start3A_105 = arith.constant 0 : i32
      %dma_start3A_106 = tpu.memref_slice %arg7[%dma_start3A_104, %dma_start3A_105] : memref<80x128xi32, #tpu.memory_space<vmem>> -> memref<1x128xi32, #tpu.memory_space<vmem>>
      %dma_start3A_107 = tpu.memref_squeeze %dma_start3A_106 : memref<1x128xi32, #tpu.memory_space<vmem>> -> memref<128xi32, #tpu.memory_space<vmem>>
      %dma_start3A_108 = arith.constant 0 : i32
      %dma_start3A_109 = arith.constant 0 : i32
      %dma_start3A_110 = tpu.memref_slice %arg16[%dma_start3A_108, %dma_start3A_109] : memref<10112x16xf32, #tpu.memory_space<vmem_shared>> -> memref<10112x16xf32, #tpu.memory_space<vmem_shared>>
      tpu.enqueue_indirect_dma source(%dma_start3A_110 : memref<10112x16xf32, #tpu.memory_space<vmem_shared>>) target(%arg9 : memref<128x16xf32, #tpu.memory_space<vmem>>) offsets(%dma_start3A_107 : memref<128xi32, #tpu.memory_space<vmem>>) semaphore(%arg17 : memref<!tpu.dma_semaphore, #tpu.memory_space<semaphore_mem>>)
      %dma_wait3A_111 = arith.constant 2 : i32
      %dma_wait3A_112 = arith.constant 0 : i32
      %dma_wait3A_113 = tpu.memref_slice %arg7[%dma_wait3A_111, %dma_wait3A_112] : memref<80x128xi32, #tpu.memory_space<vmem>> -> memref<1x128xi32, #tpu.memory_space<vmem>>
      %dma_wait3A_114 = tpu.memref_squeeze %dma_wait3A_113 : memref<1x128xi32, #tpu.memory_space<vmem>> -> memref<128xi32, #tpu.memory_space<vmem>>
      %dma_wait3A_115 = arith.constant 0 : i32
      %dma_wait3A_116 = arith.constant 0 : i32
      %dma_wait3A_117 = tpu.memref_slice %arg16[%dma_wait3A_115, %dma_wait3A_116] : memref<10112x16xf32, #tpu.memory_space<vmem_shared>> -> memref<10112x16xf32, #tpu.memory_space<vmem_shared>>
      tpu.wait_indirect_dma semaphore(%arg19 : memref<!tpu.dma_semaphore, #tpu.memory_space<semaphore_mem>>) src(%dma_wait3A_117 : memref<10112x16xf32, #tpu.memory_space<vmem_shared>>) dst(%arg11 : memref<128x16xf32, #tpu.memory_space<vmem>>)
      %dma_start3A_118 = arith.constant 2 : i32
      %dma_start3A_119 = arith.constant 0 : i32
      %dma_start3A_120 = tpu.memref_slice %arg8[%dma_start3A_118, %dma_start3A_119] : memref<80x128xi32, #tpu.memory_space<vmem>> -> memref<1x128xi32, #tpu.memory_space<vmem>>
      %dma_start3A_121 = tpu.memref_squeeze %dma_start3A_120 : memref<1x128xi32, #tpu.memory_space<vmem>> -> memref<128xi32, #tpu.memory_space<vmem>>
      %dma_start3A_122 = arith.constant 0 : i32
      %dma_start3A_123 = arith.constant 0 : i32
      %dma_start3A_124 = tpu.memref_slice %arg15[%dma_start3A_122, %dma_start3A_123] : memref<10112x16xf32, #tpu.memory_space<vmem_shared>> -> memref<10112x16xf32, #tpu.memory_space<vmem_shared>>
      tpu.enqueue_indirect_dma source(%arg11 : memref<128x16xf32, #tpu.memory_space<vmem>>) target(%dma_start3A_124 : memref<10112x16xf32, #tpu.memory_space<vmem_shared>>) offsets(%dma_start3A_121 : memref<128xi32, #tpu.memory_space<vmem>>) semaphore(%arg23 : memref<!tpu.dma_semaphore, #tpu.memory_space<semaphore_mem>>) {add = true}
      %dma_wait3A_125 = arith.constant 1 : i32
      %dma_wait3A_126 = arith.constant 0 : i32
      %dma_wait3A_127 = tpu.memref_slice %arg8[%dma_wait3A_125, %dma_wait3A_126] : memref<80x128xi32, #tpu.memory_space<vmem>> -> memref<1x128xi32, #tpu.memory_space<vmem>>
      %dma_wait3A_128 = tpu.memref_squeeze %dma_wait3A_127 : memref<1x128xi32, #tpu.memory_space<vmem>> -> memref<128xi32, #tpu.memory_space<vmem>>
      %dma_wait3A_129 = arith.constant 0 : i32
      %dma_wait3A_130 = arith.constant 0 : i32
      %dma_wait3A_131 = tpu.memref_slice %arg15[%dma_wait3A_129, %dma_wait3A_130] : memref<10112x16xf32, #tpu.memory_space<vmem_shared>> -> memref<10112x16xf32, #tpu.memory_space<vmem_shared>>
      tpu.wait_indirect_dma semaphore(%arg22 : memref<!tpu.dma_semaphore, #tpu.memory_space<semaphore_mem>>) src(%arg10 : memref<128x16xf32, #tpu.memory_space<vmem>>) dst(%dma_wait3A_131 : memref<10112x16xf32, #tpu.memory_space<vmem_shared>>)
      %dma_start3A_132 = arith.constant 5 : i32
      %dma_start3A_133 = arith.constant 0 : i32
      %dma_start3A_134 = tpu.memref_slice %arg7[%dma_start3A_132, %dma_start3A_133] : memref<80x128xi32, #tpu.memory_space<vmem>> -> memref<1x128xi32, #tpu.memory_space<vmem>>
      %dma_start3A_135 = tpu.memref_squeeze %dma_start3A_134 : memref<1x128xi32, #tpu.memory_space<vmem>> -> memref<128xi32, #tpu.memory_space<vmem>>
      %dma_start3A_136 = arith.constant 0 : i32
      %dma_start3A_137 = arith.constant 0 : i32
      %dma_start3A_138 = tpu.memref_slice %arg16[%dma_start3A_136, %dma_start3A_137] : memref<10112x16xf32, #tpu.memory_space<vmem_shared>> -> memref<10112x16xf32, #tpu.memory_space<vmem_shared>>
      tpu.enqueue_indirect_dma source(%dma_start3A_138 : memref<10112x16xf32, #tpu.memory_space<vmem_shared>>) target(%arg10 : memref<128x16xf32, #tpu.memory_space<vmem>>) offsets(%dma_start3A_135 : memref<128xi32, #tpu.memory_space<vmem>>) semaphore(%arg18 : memref<!tpu.dma_semaphore, #tpu.memory_space<semaphore_mem>>)
      %dma_wait3A_139 = arith.constant 3 : i32
      %dma_wait3A_140 = arith.constant 0 : i32
      %dma_wait3A_141 = tpu.memref_slice %arg7[%dma_wait3A_139, %dma_wait3A_140] : memref<80x128xi32, #tpu.memory_space<vmem>> -> memref<1x128xi32, #tpu.memory_space<vmem>>
      %dma_wait3A_142 = tpu.memref_squeeze %dma_wait3A_141 : memref<1x128xi32, #tpu.memory_space<vmem>> -> memref<128xi32, #tpu.memory_space<vmem>>
      %dma_wait3A_143 = arith.constant 0 : i32
      %dma_wait3A_144 = arith.constant 0 : i32
      %dma_wait3A_145 = tpu.memref_slice %arg16[%dma_wait3A_143, %dma_wait3A_144] : memref<10112x16xf32, #tpu.memory_space<vmem_shared>> -> memref<10112x16xf32, #tpu.memory_space<vmem_shared>>
      tpu.wait_indirect_dma semaphore(%arg20 : memref<!tpu.dma_semaphore, #tpu.memory_space<semaphore_mem>>) src(%dma_wait3A_145 : memref<10112x16xf32, #tpu.memory_space<vmem_shared>>) dst(%arg12 : memref<128x16xf32, #tpu.memory_space<vmem>>)
      %dma_start3A_146 = arith.constant 3 : i32
      %dma_start3A_147 = arith.constant 0 : i32
      %dma_start3A_148 = tpu.memref_slice %arg8[%dma_start3A_146, %dma_start3A_147] : memref<80x128xi32, #tpu.memory_space<vmem>> -> memref<1x128xi32, #tpu.memory_space<vmem>>
      %dma_start3A_149 = tpu.memref_squeeze %dma_start3A_148 : memref<1x128xi32, #tpu.memory_space<vmem>> -> memref<128xi32, #tpu.memory_space<vmem>>
      %dma_start3A_150 = arith.constant 0 : i32
      %dma_start3A_151 = arith.constant 0 : i32
      %dma_start3A_152 = tpu.memref_slice %arg15[%dma_start3A_150, %dma_start3A_151] : memref<10112x16xf32, #tpu.memory_space<vmem_shared>> -> memref<10112x16xf32, #tpu.memory_space<vmem_shared>>
      tpu.enqueue_indirect_dma source(%arg12 : memref<128x16xf32, #tpu.memory_space<vmem>>) target(%dma_start3A_152 : memref<10112x16xf32, #tpu.memory_space<vmem_shared>>) offsets(%dma_start3A_149 : memref<128xi32, #tpu.memory_space<vmem>>) semaphore(%arg24 : memref<!tpu.dma_semaphore, #tpu.memory_space<semaphore_mem>>) {add = true}
      %scan3A = arith.constant 1 : i32
      %scan3A_153 = arith.constant 18 : i32
      %scan3A_154 = arith.addi %scan3A, %scan3A_153 : i32
      %scan3A_155 = arith.constant 1 : i32
      scf.for %scan3A_269 = %scan3A to %scan3A_154 step %scan3A_155  : i32 {
        %mul3A_270 = arith.constant 4 : i32
        %mul3A_271 = arith.muli %mul3A_270, %scan3A_269 : i32
        %add3A_272 = arith.constant 0 : i32
        %add3A_273 = arith.addi %mul3A_271, %add3A_272 : i32
        %sub3A = arith.constant 2 : i32
        %sub3A_274 = arith.subi %add3A_273, %sub3A : i32
        %dma_wait3A_275 = arith.constant 0 : i32
        %dma_wait3A_276 = tpu.memref_slice %arg8[%sub3A_274, %dma_wait3A_275] : memref<80x128xi32, #tpu.memory_space<vmem>> -> memref<1x128xi32, #tpu.memory_space<vmem>>
        %dma_wait3A_277 = tpu.memref_squeeze %dma_wait3A_276 : memref<1x128xi32, #tpu.memory_space<vmem>> -> memref<128xi32, #tpu.memory_space<vmem>>
        %dma_wait3A_278 = arith.constant 0 : i32
        %dma_wait3A_279 = arith.constant 0 : i32
        %dma_wait3A_280 = tpu.memref_slice %arg15[%dma_wait3A_278, %dma_wait3A_279] : memref<10112x16xf32, #tpu.memory_space<vmem_shared>> -> memref<10112x16xf32, #tpu.memory_space<vmem_shared>>
        tpu.wait_indirect_dma semaphore(%arg23 : memref<!tpu.dma_semaphore, #tpu.memory_space<semaphore_mem>>) src(%arg11 : memref<128x16xf32, #tpu.memory_space<vmem>>) dst(%dma_wait3A_280 : memref<10112x16xf32, #tpu.memory_space<vmem_shared>>)
        %add3A_281 = arith.constant 2 : i32
        %add3A_282 = arith.addi %add3A_273, %add3A_281 : i32
        %dma_start3A_283 = arith.constant 0 : i32
        %dma_start3A_284 = tpu.memref_slice %arg7[%add3A_282, %dma_start3A_283] : memref<80x128xi32, #tpu.memory_space<vmem>> -> memref<1x128xi32, #tpu.memory_space<vmem>>
        %dma_start3A_285 = tpu.memref_squeeze %dma_start3A_284 : memref<1x128xi32, #tpu.memory_space<vmem>> -> memref<128xi32, #tpu.memory_space<vmem>>
        %dma_start3A_286 = arith.constant 0 : i32
        %dma_start3A_287 = arith.constant 0 : i32
        %dma_start3A_288 = tpu.memref_slice %arg16[%dma_start3A_286, %dma_start3A_287] : memref<10112x16xf32, #tpu.memory_space<vmem_shared>> -> memref<10112x16xf32, #tpu.memory_space<vmem_shared>>
        tpu.enqueue_indirect_dma source(%dma_start3A_288 : memref<10112x16xf32, #tpu.memory_space<vmem_shared>>) target(%arg11 : memref<128x16xf32, #tpu.memory_space<vmem>>) offsets(%dma_start3A_285 : memref<128xi32, #tpu.memory_space<vmem>>) semaphore(%arg19 : memref<!tpu.dma_semaphore, #tpu.memory_space<semaphore_mem>>)
        %dma_wait3A_289 = arith.constant 0 : i32
        %dma_wait3A_290 = tpu.memref_slice %arg7[%add3A_273, %dma_wait3A_289] : memref<80x128xi32, #tpu.memory_space<vmem>> -> memref<1x128xi32, #tpu.memory_space<vmem>>
        %dma_wait3A_291 = tpu.memref_squeeze %dma_wait3A_290 : memref<1x128xi32, #tpu.memory_space<vmem>> -> memref<128xi32, #tpu.memory_space<vmem>>
        %dma_wait3A_292 = arith.constant 0 : i32
        %dma_wait3A_293 = arith.constant 0 : i32
        %dma_wait3A_294 = tpu.memref_slice %arg16[%dma_wait3A_292, %dma_wait3A_293] : memref<10112x16xf32, #tpu.memory_space<vmem_shared>> -> memref<10112x16xf32, #tpu.memory_space<vmem_shared>>
        tpu.wait_indirect_dma semaphore(%arg17 : memref<!tpu.dma_semaphore, #tpu.memory_space<semaphore_mem>>) src(%dma_wait3A_294 : memref<10112x16xf32, #tpu.memory_space<vmem_shared>>) dst(%arg9 : memref<128x16xf32, #tpu.memory_space<vmem>>)
        %dma_start3A_295 = arith.constant 0 : i32
        %dma_start3A_296 = tpu.memref_slice %arg8[%add3A_273, %dma_start3A_295] : memref<80x128xi32, #tpu.memory_space<vmem>> -> memref<1x128xi32, #tpu.memory_space<vmem>>
        %dma_start3A_297 = tpu.memref_squeeze %dma_start3A_296 : memref<1x128xi32, #tpu.memory_space<vmem>> -> memref<128xi32, #tpu.memory_space<vmem>>
        %dma_start3A_298 = arith.constant 0 : i32
        %dma_start3A_299 = arith.constant 0 : i32
        %dma_start3A_300 = tpu.memref_slice %arg15[%dma_start3A_298, %dma_start3A_299] : memref<10112x16xf32, #tpu.memory_space<vmem_shared>> -> memref<10112x16xf32, #tpu.memory_space<vmem_shared>>
        tpu.enqueue_indirect_dma source(%arg9 : memref<128x16xf32, #tpu.memory_space<vmem>>) target(%dma_start3A_300 : memref<10112x16xf32, #tpu.memory_space<vmem_shared>>) offsets(%dma_start3A_297 : memref<128xi32, #tpu.memory_space<vmem>>) semaphore(%arg21 : memref<!tpu.dma_semaphore, #tpu.memory_space<semaphore_mem>>) {add = true}
        %mul3A_301 = arith.constant 4 : i32
        %mul3A_302 = arith.muli %mul3A_301, %scan3A_269 : i32
        %add3A_303 = arith.constant 1 : i32
        %add3A_304 = arith.addi %mul3A_302, %add3A_303 : i32
        %sub3A_305 = arith.constant 2 : i32
        %sub3A_306 = arith.subi %add3A_304, %sub3A_305 : i32
        %dma_wait3A_307 = arith.constant 0 : i32
        %dma_wait3A_308 = tpu.memref_slice %arg8[%sub3A_306, %dma_wait3A_307] : memref<80x128xi32, #tpu.memory_space<vmem>> -> memref<1x128xi32, #tpu.memory_space<vmem>>
        %dma_wait3A_309 = tpu.memref_squeeze %dma_wait3A_308 : memref<1x128xi32, #tpu.memory_space<vmem>> -> memref<128xi32, #tpu.memory_space<vmem>>
        %dma_wait3A_310 = arith.constant 0 : i32
        %dma_wait3A_311 = arith.constant 0 : i32
        %dma_wait3A_312 = tpu.memref_slice %arg15[%dma_wait3A_310, %dma_wait3A_311] : memref<10112x16xf32, #tpu.memory_space<vmem_shared>> -> memref<10112x16xf32, #tpu.memory_space<vmem_shared>>
        tpu.wait_indirect_dma semaphore(%arg24 : memref<!tpu.dma_semaphore, #tpu.memory_space<semaphore_mem>>) src(%arg12 : memref<128x16xf32, #tpu.memory_space<vmem>>) dst(%dma_wait3A_312 : memref<10112x16xf32, #tpu.memory_space<vmem_shared>>)
        %add3A_313 = arith.constant 2 : i32
        %add3A_314 = arith.addi %add3A_304, %add3A_313 : i32
        %dma_start3A_315 = arith.constant 0 : i32
        %dma_start3A_316 = tpu.memref_slice %arg7[%add3A_314, %dma_start3A_315] : memref<80x128xi32, #tpu.memory_space<vmem>> -> memref<1x128xi32, #tpu.memory_space<vmem>>
        %dma_start3A_317 = tpu.memref_squeeze %dma_start3A_316 : memref<1x128xi32, #tpu.memory_space<vmem>> -> memref<128xi32, #tpu.memory_space<vmem>>
        %dma_start3A_318 = arith.constant 0 : i32
        %dma_start3A_319 = arith.constant 0 : i32
        %dma_start3A_320 = tpu.memref_slice %arg16[%dma_start3A_318, %dma_start3A_319] : memref<10112x16xf32, #tpu.memory_space<vmem_shared>> -> memref<10112x16xf32, #tpu.memory_space<vmem_shared>>
        tpu.enqueue_indirect_dma source(%dma_start3A_320 : memref<10112x16xf32, #tpu.memory_space<vmem_shared>>) target(%arg12 : memref<128x16xf32, #tpu.memory_space<vmem>>) offsets(%dma_start3A_317 : memref<128xi32, #tpu.memory_space<vmem>>) semaphore(%arg20 : memref<!tpu.dma_semaphore, #tpu.memory_space<semaphore_mem>>)
        %dma_wait3A_321 = arith.constant 0 : i32
        %dma_wait3A_322 = tpu.memref_slice %arg7[%add3A_304, %dma_wait3A_321] : memref<80x128xi32, #tpu.memory_space<vmem>> -> memref<1x128xi32, #tpu.memory_space<vmem>>
        %dma_wait3A_323 = tpu.memref_squeeze %dma_wait3A_322 : memref<1x128xi32, #tpu.memory_space<vmem>> -> memref<128xi32, #tpu.memory_space<vmem>>
        %dma_wait3A_324 = arith.constant 0 : i32
        %dma_wait3A_325 = arith.constant 0 : i32
        %dma_wait3A_326 = tpu.memref_slice %arg16[%dma_wait3A_324, %dma_wait3A_325] : memref<10112x16xf32, #tpu.memory_space<vmem_shared>> -> memref<10112x16xf32, #tpu.memory_space<vmem_shared>>
        tpu.wait_indirect_dma semaphore(%arg18 : memref<!tpu.dma_semaphore, #tpu.memory_space<semaphore_mem>>) src(%dma_wait3A_326 : memref<10112x16xf32, #tpu.memory_space<vmem_shared>>) dst(%arg10 : memref<128x16xf32, #tpu.memory_space<vmem>>)
        %dma_start3A_327 = arith.constant 0 : i32
        %dma_start3A_328 = tpu.memref_slice %arg8[%add3A_304, %dma_start3A_327] : memref<80x128xi32, #tpu.memory_space<vmem>> -> memref<1x128xi32, #tpu.memory_space<vmem>>
        %dma_start3A_329 = tpu.memref_squeeze %dma_start3A_328 : memref<1x128xi32, #tpu.memory_space<vmem>> -> memref<128xi32, #tpu.memory_space<vmem>>
        %dma_start3A_330 = arith.constant 0 : i32
        %dma_start3A_331 = arith.constant 0 : i32
        %dma_start3A_332 = tpu.memref_slice %arg15[%dma_start3A_330, %dma_start3A_331] : memref<10112x16xf32, #tpu.memory_space<vmem_shared>> -> memref<10112x16xf32, #tpu.memory_space<vmem_shared>>
        tpu.enqueue_indirect_dma source(%arg10 : memref<128x16xf32, #tpu.memory_space<vmem>>) target(%dma_start3A_332 : memref<10112x16xf32, #tpu.memory_space<vmem_shared>>) offsets(%dma_start3A_329 : memref<128xi32, #tpu.memory_space<vmem>>) semaphore(%arg22 : memref<!tpu.dma_semaphore, #tpu.memory_space<semaphore_mem>>) {add = true}
        %mul3A_333 = arith.constant 4 : i32
        %mul3A_334 = arith.muli %mul3A_333, %scan3A_269 : i32
        %add3A_335 = arith.constant 2 : i32
        %add3A_336 = arith.addi %mul3A_334, %add3A_335 : i32
        %sub3A_337 = arith.constant 2 : i32
        %sub3A_338 = arith.subi %add3A_336, %sub3A_337 : i32
        %dma_wait3A_339 = arith.constant 0 : i32
        %dma_wait3A_340 = tpu.memref_slice %arg8[%sub3A_338, %dma_wait3A_339] : memref<80x128xi32, #tpu.memory_space<vmem>> -> memref<1x128xi32, #tpu.memory_space<vmem>>
        %dma_wait3A_341 = tpu.memref_squeeze %dma_wait3A_340 : memref<1x128xi32, #tpu.memory_space<vmem>> -> memref<128xi32, #tpu.memory_space<vmem>>
        %dma_wait3A_342 = arith.constant 0 : i32
        %dma_wait3A_343 = arith.constant 0 : i32
        %dma_wait3A_344 = tpu.memref_slice %arg15[%dma_wait3A_342, %dma_wait3A_343] : memref<10112x16xf32, #tpu.memory_space<vmem_shared>> -> memref<10112x16xf32, #tpu.memory_space<vmem_shared>>
        tpu.wait_indirect_dma semaphore(%arg21 : memref<!tpu.dma_semaphore, #tpu.memory_space<semaphore_mem>>) src(%arg9 : memref<128x16xf32, #tpu.memory_space<vmem>>) dst(%dma_wait3A_344 : memref<10112x16xf32, #tpu.memory_space<vmem_shared>>)
        %add3A_345 = arith.constant 2 : i32
        %add3A_346 = arith.addi %add3A_336, %add3A_345 : i32
        %dma_start3A_347 = arith.constant 0 : i32
        %dma_start3A_348 = tpu.memref_slice %arg7[%add3A_346, %dma_start3A_347] : memref<80x128xi32, #tpu.memory_space<vmem>> -> memref<1x128xi32, #tpu.memory_space<vmem>>
        %dma_start3A_349 = tpu.memref_squeeze %dma_start3A_348 : memref<1x128xi32, #tpu.memory_space<vmem>> -> memref<128xi32, #tpu.memory_space<vmem>>
        %dma_start3A_350 = arith.constant 0 : i32
        %dma_start3A_351 = arith.constant 0 : i32
        %dma_start3A_352 = tpu.memref_slice %arg16[%dma_start3A_350, %dma_start3A_351] : memref<10112x16xf32, #tpu.memory_space<vmem_shared>> -> memref<10112x16xf32, #tpu.memory_space<vmem_shared>>
        tpu.enqueue_indirect_dma source(%dma_start3A_352 : memref<10112x16xf32, #tpu.memory_space<vmem_shared>>) target(%arg9 : memref<128x16xf32, #tpu.memory_space<vmem>>) offsets(%dma_start3A_349 : memref<128xi32, #tpu.memory_space<vmem>>) semaphore(%arg17 : memref<!tpu.dma_semaphore, #tpu.memory_space<semaphore_mem>>)
        %dma_wait3A_353 = arith.constant 0 : i32
        %dma_wait3A_354 = tpu.memref_slice %arg7[%add3A_336, %dma_wait3A_353] : memref<80x128xi32, #tpu.memory_space<vmem>> -> memref<1x128xi32, #tpu.memory_space<vmem>>
        %dma_wait3A_355 = tpu.memref_squeeze %dma_wait3A_354 : memref<1x128xi32, #tpu.memory_space<vmem>> -> memref<128xi32, #tpu.memory_space<vmem>>
        %dma_wait3A_356 = arith.constant 0 : i32
        %dma_wait3A_357 = arith.constant 0 : i32
        %dma_wait3A_358 = tpu.memref_slice %arg16[%dma_wait3A_356, %dma_wait3A_357] : memref<10112x16xf32, #tpu.memory_space<vmem_shared>> -> memref<10112x16xf32, #tpu.memory_space<vmem_shared>>
        tpu.wait_indirect_dma semaphore(%arg19 : memref<!tpu.dma_semaphore, #tpu.memory_space<semaphore_mem>>) src(%dma_wait3A_358 : memref<10112x16xf32, #tpu.memory_space<vmem_shared>>) dst(%arg11 : memref<128x16xf32, #tpu.memory_space<vmem>>)
        %dma_start3A_359 = arith.constant 0 : i32
        %dma_start3A_360 = tpu.memref_slice %arg8[%add3A_336, %dma_start3A_359] : memref<80x128xi32, #tpu.memory_space<vmem>> -> memref<1x128xi32, #tpu.memory_space<vmem>>
        %dma_start3A_361 = tpu.memref_squeeze %dma_start3A_360 : memref<1x128xi32, #tpu.memory_space<vmem>> -> memref<128xi32, #tpu.memory_space<vmem>>
        %dma_start3A_362 = arith.constant 0 : i32
        %dma_start3A_363 = arith.constant 0 : i32
        %dma_start3A_364 = tpu.memref_slice %arg15[%dma_start3A_362, %dma_start3A_363] : memref<10112x16xf32, #tpu.memory_space<vmem_shared>> -> memref<10112x16xf32, #tpu.memory_space<vmem_shared>>
        tpu.enqueue_indirect_dma source(%arg11 : memref<128x16xf32, #tpu.memory_space<vmem>>) target(%dma_start3A_364 : memref<10112x16xf32, #tpu.memory_space<vmem_shared>>) offsets(%dma_start3A_361 : memref<128xi32, #tpu.memory_space<vmem>>) semaphore(%arg23 : memref<!tpu.dma_semaphore, #tpu.memory_space<semaphore_mem>>) {add = true}
        %mul3A_365 = arith.constant 4 : i32
        %mul3A_366 = arith.muli %mul3A_365, %scan3A_269 : i32
        %add3A_367 = arith.constant 3 : i32
        %add3A_368 = arith.addi %mul3A_366, %add3A_367 : i32
        %sub3A_369 = arith.constant 2 : i32
        %sub3A_370 = arith.subi %add3A_368, %sub3A_369 : i32
        %dma_wait3A_371 = arith.constant 0 : i32
        %dma_wait3A_372 = tpu.memref_slice %arg8[%sub3A_370, %dma_wait3A_371] : memref<80x128xi32, #tpu.memory_space<vmem>> -> memref<1x128xi32, #tpu.memory_space<vmem>>
        %dma_wait3A_373 = tpu.memref_squeeze %dma_wait3A_372 : memref<1x128xi32, #tpu.memory_space<vmem>> -> memref<128xi32, #tpu.memory_space<vmem>>
        %dma_wait3A_374 = arith.constant 0 : i32
        %dma_wait3A_375 = arith.constant 0 : i32
        %dma_wait3A_376 = tpu.memref_slice %arg15[%dma_wait3A_374, %dma_wait3A_375] : memref<10112x16xf32, #tpu.memory_space<vmem_shared>> -> memref<10112x16xf32, #tpu.memory_space<vmem_shared>>
        tpu.wait_indirect_dma semaphore(%arg22 : memref<!tpu.dma_semaphore, #tpu.memory_space<semaphore_mem>>) src(%arg10 : memref<128x16xf32, #tpu.memory_space<vmem>>) dst(%dma_wait3A_376 : memref<10112x16xf32, #tpu.memory_space<vmem_shared>>)
        %add3A_377 = arith.constant 2 : i32
        %add3A_378 = arith.addi %add3A_368, %add3A_377 : i32
        %dma_start3A_379 = arith.constant 0 : i32
        %dma_start3A_380 = tpu.memref_slice %arg7[%add3A_378, %dma_start3A_379] : memref<80x128xi32, #tpu.memory_space<vmem>> -> memref<1x128xi32, #tpu.memory_space<vmem>>
        %dma_start3A_381 = tpu.memref_squeeze %dma_start3A_380 : memref<1x128xi32, #tpu.memory_space<vmem>> -> memref<128xi32, #tpu.memory_space<vmem>>
        %dma_start3A_382 = arith.constant 0 : i32
        %dma_start3A_383 = arith.constant 0 : i32
        %dma_start3A_384 = tpu.memref_slice %arg16[%dma_start3A_382, %dma_start3A_383] : memref<10112x16xf32, #tpu.memory_space<vmem_shared>> -> memref<10112x16xf32, #tpu.memory_space<vmem_shared>>
        tpu.enqueue_indirect_dma source(%dma_start3A_384 : memref<10112x16xf32, #tpu.memory_space<vmem_shared>>) target(%arg10 : memref<128x16xf32, #tpu.memory_space<vmem>>) offsets(%dma_start3A_381 : memref<128xi32, #tpu.memory_space<vmem>>) semaphore(%arg18 : memref<!tpu.dma_semaphore, #tpu.memory_space<semaphore_mem>>)
        %dma_wait3A_385 = arith.constant 0 : i32
        %dma_wait3A_386 = tpu.memref_slice %arg7[%add3A_368, %dma_wait3A_385] : memref<80x128xi32, #tpu.memory_space<vmem>> -> memref<1x128xi32, #tpu.memory_space<vmem>>
        %dma_wait3A_387 = tpu.memref_squeeze %dma_wait3A_386 : memref<1x128xi32, #tpu.memory_space<vmem>> -> memref<128xi32, #tpu.memory_space<vmem>>
        %dma_wait3A_388 = arith.constant 0 : i32
        %dma_wait3A_389 = arith.constant 0 : i32
        %dma_wait3A_390 = tpu.memref_slice %arg16[%dma_wait3A_388, %dma_wait3A_389] : memref<10112x16xf32, #tpu.memory_space<vmem_shared>> -> memref<10112x16xf32, #tpu.memory_space<vmem_shared>>
        tpu.wait_indirect_dma semaphore(%arg20 : memref<!tpu.dma_semaphore, #tpu.memory_space<semaphore_mem>>) src(%dma_wait3A_390 : memref<10112x16xf32, #tpu.memory_space<vmem_shared>>) dst(%arg12 : memref<128x16xf32, #tpu.memory_space<vmem>>)
        %dma_start3A_391 = arith.constant 0 : i32
        %dma_start3A_392 = tpu.memref_slice %arg8[%add3A_368, %dma_start3A_391] : memref<80x128xi32, #tpu.memory_space<vmem>> -> memref<1x128xi32, #tpu.memory_space<vmem>>
        %dma_start3A_393 = tpu.memref_squeeze %dma_start3A_392 : memref<1x128xi32, #tpu.memory_space<vmem>> -> memref<128xi32, #tpu.memory_space<vmem>>
        %dma_start3A_394 = arith.constant 0 : i32
        %dma_start3A_395 = arith.constant 0 : i32
        %dma_start3A_396 = tpu.memref_slice %arg15[%dma_start3A_394, %dma_start3A_395] : memref<10112x16xf32, #tpu.memory_space<vmem_shared>> -> memref<10112x16xf32, #tpu.memory_space<vmem_shared>>
        tpu.enqueue_indirect_dma source(%arg12 : memref<128x16xf32, #tpu.memory_space<vmem>>) target(%dma_start3A_396 : memref<10112x16xf32, #tpu.memory_space<vmem_shared>>) offsets(%dma_start3A_393 : memref<128xi32, #tpu.memory_space<vmem>>) semaphore(%arg24 : memref<!tpu.dma_semaphore, #tpu.memory_space<semaphore_mem>>) {add = true}
      }
      %scan3A_156 = arith.constant 18 : i32
      %dma_wait3A_157 = arith.constant 74 : i32
      %dma_wait3A_158 = arith.constant 0 : i32
      %dma_wait3A_159 = tpu.memref_slice %arg8[%dma_wait3A_157, %dma_wait3A_158] : memref<80x128xi32, #tpu.memory_space<vmem>> -> memref<1x128xi32, #tpu.memory_space<vmem>>
      %dma_wait3A_160 = tpu.memref_squeeze %dma_wait3A_159 : memref<1x128xi32, #tpu.memory_space<vmem>> -> memref<128xi32, #tpu.memory_space<vmem>>
      %dma_wait3A_161 = arith.constant 0 : i32
      %dma_wait3A_162 = arith.constant 0 : i32
      %dma_wait3A_163 = tpu.memref_slice %arg15[%dma_wait3A_161, %dma_wait3A_162] : memref<10112x16xf32, #tpu.memory_space<vmem_shared>> -> memref<10112x16xf32, #tpu.memory_space<vmem_shared>>
      tpu.wait_indirect_dma semaphore(%arg23 : memref<!tpu.dma_semaphore, #tpu.memory_space<semaphore_mem>>) src(%arg11 : memref<128x16xf32, #tpu.memory_space<vmem>>) dst(%dma_wait3A_163 : memref<10112x16xf32, #tpu.memory_space<vmem_shared>>)
      %dma_start3A_164 = arith.constant 78 : i32
      %dma_start3A_165 = arith.constant 0 : i32
      %dma_start3A_166 = tpu.memref_slice %arg7[%dma_start3A_164, %dma_start3A_165] : memref<80x128xi32, #tpu.memory_space<vmem>> -> memref<1x128xi32, #tpu.memory_space<vmem>>
      %dma_start3A_167 = tpu.memref_squeeze %dma_start3A_166 : memref<1x128xi32, #tpu.memory_space<vmem>> -> memref<128xi32, #tpu.memory_space<vmem>>
      %dma_start3A_168 = arith.constant 0 : i32
      %dma_start3A_169 = arith.constant 0 : i32
      %dma_start3A_170 = tpu.memref_slice %arg16[%dma_start3A_168, %dma_start3A_169] : memref<10112x16xf32, #tpu.memory_space<vmem_shared>> -> memref<10112x16xf32, #tpu.memory_space<vmem_shared>>
      tpu.enqueue_indirect_dma source(%dma_start3A_170 : memref<10112x16xf32, #tpu.memory_space<vmem_shared>>) target(%arg11 : memref<128x16xf32, #tpu.memory_space<vmem>>) offsets(%dma_start3A_167 : memref<128xi32, #tpu.memory_space<vmem>>) semaphore(%arg19 : memref<!tpu.dma_semaphore, #tpu.memory_space<semaphore_mem>>)
      %dma_wait3A_171 = arith.constant 76 : i32
      %dma_wait3A_172 = arith.constant 0 : i32
      %dma_wait3A_173 = tpu.memref_slice %arg7[%dma_wait3A_171, %dma_wait3A_172] : memref<80x128xi32, #tpu.memory_space<vmem>> -> memref<1x128xi32, #tpu.memory_space<vmem>>
      %dma_wait3A_174 = tpu.memref_squeeze %dma_wait3A_173 : memref<1x128xi32, #tpu.memory_space<vmem>> -> memref<128xi32, #tpu.memory_space<vmem>>
      %dma_wait3A_175 = arith.constant 0 : i32
      %dma_wait3A_176 = arith.constant 0 : i32
      %dma_wait3A_177 = tpu.memref_slice %arg16[%dma_wait3A_175, %dma_wait3A_176] : memref<10112x16xf32, #tpu.memory_space<vmem_shared>> -> memref<10112x16xf32, #tpu.memory_space<vmem_shared>>
      tpu.wait_indirect_dma semaphore(%arg17 : memref<!tpu.dma_semaphore, #tpu.memory_space<semaphore_mem>>) src(%dma_wait3A_177 : memref<10112x16xf32, #tpu.memory_space<vmem_shared>>) dst(%arg9 : memref<128x16xf32, #tpu.memory_space<vmem>>)
      %dma_start3A_178 = arith.constant 76 : i32
      %dma_start3A_179 = arith.constant 0 : i32
      %dma_start3A_180 = tpu.memref_slice %arg8[%dma_start3A_178, %dma_start3A_179] : memref<80x128xi32, #tpu.memory_space<vmem>> -> memref<1x128xi32, #tpu.memory_space<vmem>>
      %dma_start3A_181 = tpu.memref_squeeze %dma_start3A_180 : memref<1x128xi32, #tpu.memory_space<vmem>> -> memref<128xi32, #tpu.memory_space<vmem>>
      %dma_start3A_182 = arith.constant 0 : i32
      %dma_start3A_183 = arith.constant 0 : i32
      %dma_start3A_184 = tpu.memref_slice %arg15[%dma_start3A_182, %dma_start3A_183] : memref<10112x16xf32, #tpu.memory_space<vmem_shared>> -> memref<10112x16xf32, #tpu.memory_space<vmem_shared>>
      tpu.enqueue_indirect_dma source(%arg9 : memref<128x16xf32, #tpu.memory_space<vmem>>) target(%dma_start3A_184 : memref<10112x16xf32, #tpu.memory_space<vmem_shared>>) offsets(%dma_start3A_181 : memref<128xi32, #tpu.memory_space<vmem>>) semaphore(%arg21 : memref<!tpu.dma_semaphore, #tpu.memory_space<semaphore_mem>>) {add = true}
      %dma_wait3A_185 = arith.constant 75 : i32
      %dma_wait3A_186 = arith.constant 0 : i32
      %dma_wait3A_187 = tpu.memref_slice %arg8[%dma_wait3A_185, %dma_wait3A_186] : memref<80x128xi32, #tpu.memory_space<vmem>> -> memref<1x128xi32, #tpu.memory_space<vmem>>
      %dma_wait3A_188 = tpu.memref_squeeze %dma_wait3A_187 : memref<1x128xi32, #tpu.memory_space<vmem>> -> memref<128xi32, #tpu.memory_space<vmem>>
      %dma_wait3A_189 = arith.constant 0 : i32
      %dma_wait3A_190 = arith.constant 0 : i32
      %dma_wait3A_191 = tpu.memref_slice %arg15[%dma_wait3A_189, %dma_wait3A_190] : memref<10112x16xf32, #tpu.memory_space<vmem_shared>> -> memref<10112x16xf32, #tpu.memory_space<vmem_shared>>
      tpu.wait_indirect_dma semaphore(%arg24 : memref<!tpu.dma_semaphore, #tpu.memory_space<semaphore_mem>>) src(%arg12 : memref<128x16xf32, #tpu.memory_space<vmem>>) dst(%dma_wait3A_191 : memref<10112x16xf32, #tpu.memory_space<vmem_shared>>)
      %dma_start3A_192 = arith.constant 79 : i32
      %dma_start3A_193 = arith.constant 0 : i32
      %dma_start3A_194 = tpu.memref_slice %arg7[%dma_start3A_192, %dma_start3A_193] : memref<80x128xi32, #tpu.memory_space<vmem>> -> memref<1x128xi32, #tpu.memory_space<vmem>>
      %dma_start3A_195 = tpu.memref_squeeze %dma_start3A_194 : memref<1x128xi32, #tpu.memory_space<vmem>> -> memref<128xi32, #tpu.memory_space<vmem>>
      %dma_start3A_196 = arith.constant 0 : i32
      %dma_start3A_197 = arith.constant 0 : i32
      %dma_start3A_198 = tpu.memref_slice %arg16[%dma_start3A_196, %dma_start3A_197] : memref<10112x16xf32, #tpu.memory_space<vmem_shared>> -> memref<10112x16xf32, #tpu.memory_space<vmem_shared>>
      tpu.enqueue_indirect_dma source(%dma_start3A_198 : memref<10112x16xf32, #tpu.memory_space<vmem_shared>>) target(%arg12 : memref<128x16xf32, #tpu.memory_space<vmem>>) offsets(%dma_start3A_195 : memref<128xi32, #tpu.memory_space<vmem>>) semaphore(%arg20 : memref<!tpu.dma_semaphore, #tpu.memory_space<semaphore_mem>>)
      %dma_wait3A_199 = arith.constant 77 : i32
      %dma_wait3A_200 = arith.constant 0 : i32
      %dma_wait3A_201 = tpu.memref_slice %arg7[%dma_wait3A_199, %dma_wait3A_200] : memref<80x128xi32, #tpu.memory_space<vmem>> -> memref<1x128xi32, #tpu.memory_space<vmem>>
      %dma_wait3A_202 = tpu.memref_squeeze %dma_wait3A_201 : memref<1x128xi32, #tpu.memory_space<vmem>> -> memref<128xi32, #tpu.memory_space<vmem>>
      %dma_wait3A_203 = arith.constant 0 : i32
      %dma_wait3A_204 = arith.constant 0 : i32
      %dma_wait3A_205 = tpu.memref_slice %arg16[%dma_wait3A_203, %dma_wait3A_204] : memref<10112x16xf32, #tpu.memory_space<vmem_shared>> -> memref<10112x16xf32, #tpu.memory_space<vmem_shared>>
      tpu.wait_indirect_dma semaphore(%arg18 : memref<!tpu.dma_semaphore, #tpu.memory_space<semaphore_mem>>) src(%dma_wait3A_205 : memref<10112x16xf32, #tpu.memory_space<vmem_shared>>) dst(%arg10 : memref<128x16xf32, #tpu.memory_space<vmem>>)
      %dma_start3A_206 = arith.constant 77 : i32
      %dma_start3A_207 = arith.constant 0 : i32
      %dma_start3A_208 = tpu.memref_slice %arg8[%dma_start3A_206, %dma_start3A_207] : memref<80x128xi32, #tpu.memory_space<vmem>> -> memref<1x128xi32, #tpu.memory_space<vmem>>
      %dma_start3A_209 = tpu.memref_squeeze %dma_start3A_208 : memref<1x128xi32, #tpu.memory_space<vmem>> -> memref<128xi32, #tpu.memory_space<vmem>>
      %dma_start3A_210 = arith.constant 0 : i32
      %dma_start3A_211 = arith.constant 0 : i32
      %dma_start3A_212 = tpu.memref_slice %arg15[%dma_start3A_210, %dma_start3A_211] : memref<10112x16xf32, #tpu.memory_space<vmem_shared>> -> memref<10112x16xf32, #tpu.memory_space<vmem_shared>>
      tpu.enqueue_indirect_dma source(%arg10 : memref<128x16xf32, #tpu.memory_space<vmem>>) target(%dma_start3A_212 : memref<10112x16xf32, #tpu.memory_space<vmem_shared>>) offsets(%dma_start3A_209 : memref<128xi32, #tpu.memory_space<vmem>>) semaphore(%arg22 : memref<!tpu.dma_semaphore, #tpu.memory_space<semaphore_mem>>) {add = true}
      %dma_wait3A_213 = arith.constant 78 : i32
      %dma_wait3A_214 = arith.constant 0 : i32
      %dma_wait3A_215 = tpu.memref_slice %arg7[%dma_wait3A_213, %dma_wait3A_214] : memref<80x128xi32, #tpu.memory_space<vmem>> -> memref<1x128xi32, #tpu.memory_space<vmem>>
      %dma_wait3A_216 = tpu.memref_squeeze %dma_wait3A_215 : memref<1x128xi32, #tpu.memory_space<vmem>> -> memref<128xi32, #tpu.memory_space<vmem>>
      %dma_wait3A_217 = arith.constant 0 : i32
      %dma_wait3A_218 = arith.constant 0 : i32
      %dma_wait3A_219 = tpu.memref_slice %arg16[%dma_wait3A_217, %dma_wait3A_218] : memref<10112x16xf32, #tpu.memory_space<vmem_shared>> -> memref<10112x16xf32, #tpu.memory_space<vmem_shared>>
      tpu.wait_indirect_dma semaphore(%arg19 : memref<!tpu.dma_semaphore, #tpu.memory_space<semaphore_mem>>) src(%dma_wait3A_219 : memref<10112x16xf32, #tpu.memory_space<vmem_shared>>) dst(%arg11 : memref<128x16xf32, #tpu.memory_space<vmem>>)
      %dma_start3A_220 = arith.constant 78 : i32
      %dma_start3A_221 = arith.constant 0 : i32
      %dma_start3A_222 = tpu.memref_slice %arg8[%dma_start3A_220, %dma_start3A_221] : memref<80x128xi32, #tpu.memory_space<vmem>> -> memref<1x128xi32, #tpu.memory_space<vmem>>
      %dma_start3A_223 = tpu.memref_squeeze %dma_start3A_222 : memref<1x128xi32, #tpu.memory_space<vmem>> -> memref<128xi32, #tpu.memory_space<vmem>>
      %dma_start3A_224 = arith.constant 0 : i32
      %dma_start3A_225 = arith.constant 0 : i32
      %dma_start3A_226 = tpu.memref_slice %arg15[%dma_start3A_224, %dma_start3A_225] : memref<10112x16xf32, #tpu.memory_space<vmem_shared>> -> memref<10112x16xf32, #tpu.memory_space<vmem_shared>>
      tpu.enqueue_indirect_dma source(%arg11 : memref<128x16xf32, #tpu.memory_space<vmem>>) target(%dma_start3A_226 : memref<10112x16xf32, #tpu.memory_space<vmem_shared>>) offsets(%dma_start3A_223 : memref<128xi32, #tpu.memory_space<vmem>>) semaphore(%arg23 : memref<!tpu.dma_semaphore, #tpu.memory_space<semaphore_mem>>) {add = true}
      %dma_wait3A_227 = arith.constant 79 : i32
      %dma_wait3A_228 = arith.constant 0 : i32
      %dma_wait3A_229 = tpu.memref_slice %arg7[%dma_wait3A_227, %dma_wait3A_228] : memref<80x128xi32, #tpu.memory_space<vmem>> -> memref<1x128xi32, #tpu.memory_space<vmem>>
      %dma_wait3A_230 = tpu.memref_squeeze %dma_wait3A_229 : memref<1x128xi32, #tpu.memory_space<vmem>> -> memref<128xi32, #tpu.memory_space<vmem>>
      %dma_wait3A_231 = arith.constant 0 : i32
      %dma_wait3A_232 = arith.constant 0 : i32
      %dma_wait3A_233 = tpu.memref_slice %arg16[%dma_wait3A_231, %dma_wait3A_232] : memref<10112x16xf32, #tpu.memory_space<vmem_shared>> -> memref<10112x16xf32, #tpu.memory_space<vmem_shared>>
      tpu.wait_indirect_dma semaphore(%arg20 : memref<!tpu.dma_semaphore, #tpu.memory_space<semaphore_mem>>) src(%dma_wait3A_233 : memref<10112x16xf32, #tpu.memory_space<vmem_shared>>) dst(%arg12 : memref<128x16xf32, #tpu.memory_space<vmem>>)
      %dma_start3A_234 = arith.constant 79 : i32
      %dma_start3A_235 = arith.constant 0 : i32
      %dma_start3A_236 = tpu.memref_slice %arg8[%dma_start3A_234, %dma_start3A_235] : memref<80x128xi32, #tpu.memory_space<vmem>> -> memref<1x128xi32, #tpu.memory_space<vmem>>
      %dma_start3A_237 = tpu.memref_squeeze %dma_start3A_236 : memref<1x128xi32, #tpu.memory_space<vmem>> -> memref<128xi32, #tpu.memory_space<vmem>>
      %dma_start3A_238 = arith.constant 0 : i32
      %dma_start3A_239 = arith.constant 0 : i32
      %dma_start3A_240 = tpu.memref_slice %arg15[%dma_start3A_238, %dma_start3A_239] : memref<10112x16xf32, #tpu.memory_space<vmem_shared>> -> memref<10112x16xf32, #tpu.memory_space<vmem_shared>>
      tpu.enqueue_indirect_dma source(%arg12 : memref<128x16xf32, #tpu.memory_space<vmem>>) target(%dma_start3A_240 : memref<10112x16xf32, #tpu.memory_space<vmem_shared>>) offsets(%dma_start3A_237 : memref<128xi32, #tpu.memory_space<vmem>>) semaphore(%arg24 : memref<!tpu.dma_semaphore, #tpu.memory_space<semaphore_mem>>) {add = true}
      %dma_wait3A_241 = arith.constant 76 : i32
      %dma_wait3A_242 = arith.constant 0 : i32
      %dma_wait3A_243 = tpu.memref_slice %arg8[%dma_wait3A_241, %dma_wait3A_242] : memref<80x128xi32, #tpu.memory_space<vmem>> -> memref<1x128xi32, #tpu.memory_space<vmem>>
      %dma_wait3A_244 = tpu.memref_squeeze %dma_wait3A_243 : memref<1x128xi32, #tpu.memory_space<vmem>> -> memref<128xi32, #tpu.memory_space<vmem>>
      %dma_wait3A_245 = arith.constant 0 : i32
      %dma_wait3A_246 = arith.constant 0 : i32
      %dma_wait3A_247 = tpu.memref_slice %arg15[%dma_wait3A_245, %dma_wait3A_246] : memref<10112x16xf32, #tpu.memory_space<vmem_shared>> -> memref<10112x16xf32, #tpu.memory_space<vmem_shared>>
      tpu.wait_indirect_dma semaphore(%arg21 : memref<!tpu.dma_semaphore, #tpu.memory_space<semaphore_mem>>) src(%arg9 : memref<128x16xf32, #tpu.memory_space<vmem>>) dst(%dma_wait3A_247 : memref<10112x16xf32, #tpu.memory_space<vmem_shared>>)
      %dma_wait3A_248 = arith.constant 77 : i32
      %dma_wait3A_249 = arith.constant 0 : i32
      %dma_wait3A_250 = tpu.memref_slice %arg8[%dma_wait3A_248, %dma_wait3A_249] : memref<80x128xi32, #tpu.memory_space<vmem>> -> memref<1x128xi32, #tpu.memory_space<vmem>>
      %dma_wait3A_251 = tpu.memref_squeeze %dma_wait3A_250 : memref<1x128xi32, #tpu.memory_space<vmem>> -> memref<128xi32, #tpu.memory_space<vmem>>
      %dma_wait3A_252 = arith.constant 0 : i32
      %dma_wait3A_253 = arith.constant 0 : i32
      %dma_wait3A_254 = tpu.memref_slice %arg15[%dma_wait3A_252, %dma_wait3A_253] : memref<10112x16xf32, #tpu.memory_space<vmem_shared>> -> memref<10112x16xf32, #tpu.memory_space<vmem_shared>>
      tpu.wait_indirect_dma semaphore(%arg22 : memref<!tpu.dma_semaphore, #tpu.memory_space<semaphore_mem>>) src(%arg10 : memref<128x16xf32, #tpu.memory_space<vmem>>) dst(%dma_wait3A_254 : memref<10112x16xf32, #tpu.memory_space<vmem_shared>>)
      %dma_wait3A_255 = arith.constant 78 : i32
      %dma_wait3A_256 = arith.constant 0 : i32
      %dma_wait3A_257 = tpu.memref_slice %arg8[%dma_wait3A_255, %dma_wait3A_256] : memref<80x128xi32, #tpu.memory_space<vmem>> -> memref<1x128xi32, #tpu.memory_space<vmem>>
      %dma_wait3A_258 = tpu.memref_squeeze %dma_wait3A_257 : memref<1x128xi32, #tpu.memory_space<vmem>> -> memref<128xi32, #tpu.memory_space<vmem>>
      %dma_wait3A_259 = arith.constant 0 : i32
      %dma_wait3A_260 = arith.constant 0 : i32
      %dma_wait3A_261 = tpu.memref_slice %arg15[%dma_wait3A_259, %dma_wait3A_260] : memref<10112x16xf32, #tpu.memory_space<vmem_shared>> -> memref<10112x16xf32, #tpu.memory_space<vmem_shared>>
      tpu.wait_indirect_dma semaphore(%arg23 : memref<!tpu.dma_semaphore, #tpu.memory_space<semaphore_mem>>) src(%arg11 : memref<128x16xf32, #tpu.memory_space<vmem>>) dst(%dma_wait3A_261 : memref<10112x16xf32, #tpu.memory_space<vmem_shared>>)
      %dma_wait3A_262 = arith.constant 79 : i32
      %dma_wait3A_263 = arith.constant 0 : i32
      %dma_wait3A_264 = tpu.memref_slice %arg8[%dma_wait3A_262, %dma_wait3A_263] : memref<80x128xi32, #tpu.memory_space<vmem>> -> memref<1x128xi32, #tpu.memory_space<vmem>>
      %dma_wait3A_265 = tpu.memref_squeeze %dma_wait3A_264 : memref<1x128xi32, #tpu.memory_space<vmem>> -> memref<128xi32, #tpu.memory_space<vmem>>
      %dma_wait3A_266 = arith.constant 0 : i32
      %dma_wait3A_267 = arith.constant 0 : i32
      %dma_wait3A_268 = tpu.memref_slice %arg15[%dma_wait3A_266, %dma_wait3A_267] : memref<10112x16xf32, #tpu.memory_space<vmem_shared>> -> memref<10112x16xf32, #tpu.memory_space<vmem_shared>>
      tpu.wait_indirect_dma semaphore(%arg24 : memref<!tpu.dma_semaphore, #tpu.memory_space<semaphore_mem>>) src(%arg12 : memref<128x16xf32, #tpu.memory_space<vmem>>) dst(%dma_wait3A_268 : memref<10112x16xf32, #tpu.memory_space<vmem_shared>>)
    } else {
    }
    %barrier3A_36 = arith.constant 0 : index
    tpu.barrier barrier_id(%barrier3A_36)
    %mul3A_37 = arith.constant 2 : i32
    %mul3A_38 = arith.muli %mul3A_37, %arg0 : i32
    "tpu.region"() ({
      %run_scoped3A = tpu.sem_alloc : memref<!tpu.dma_semaphore, #tpu.memory_space<semaphore_mem>>
      %dma_start3A = arith.constant 0 : i32
      %dma_start3A_43 = arith.constant 0 : i32
      %dma_start3A_44 = tpu.memref_slice %arg6[%mul3A_38, %dma_start3A, %dma_start3A_43] : memref<4x10112x16xf32, #tpu.memory_space<hbm>> -> memref<1x10112x16xf32, #tpu.memory_space<hbm>>
      %dma_start3A_45 = tpu.memref_squeeze %dma_start3A_44 : memref<1x10112x16xf32, #tpu.memory_space<hbm>> -> memref<10112x16xf32, #tpu.memory_space<hbm>>
      %dma_start3A_46 = arith.constant 0 : i32
      %dma_start3A_47 = tpu.memref_slice %dma_start3A_45[%mul3A_2, %dma_start3A_46] : memref<10112x16xf32, #tpu.memory_space<hbm>> -> memref<632x16xf32, #tpu.memory_space<hbm>>
      %dma_start3A_48 = arith.constant 0 : i32
      %dma_start3A_49 = tpu.memref_slice %arg14[%mul3A_2, %dma_start3A_48] : memref<10112x16xf32, #tpu.memory_space<vmem_shared>> -> memref<632x16xf32, #tpu.memory_space<vmem_shared>>
      tpu.enqueue_dma source(%dma_start3A_49 : memref<632x16xf32, #tpu.memory_space<vmem_shared>>) target(%dma_start3A_47 : memref<632x16xf32, #tpu.memory_space<hbm>>) target_semaphore(%run_scoped3A : memref<!tpu.dma_semaphore, #tpu.memory_space<semaphore_mem>>)
      %dma_wait3A = arith.constant 0 : i32
      %dma_wait3A_50 = arith.constant 0 : i32
      %dma_wait3A_51 = tpu.memref_slice %arg6[%mul3A_38, %dma_wait3A, %dma_wait3A_50] : memref<4x10112x16xf32, #tpu.memory_space<hbm>> -> memref<1x10112x16xf32, #tpu.memory_space<hbm>>
      %dma_wait3A_52 = tpu.memref_squeeze %dma_wait3A_51 : memref<1x10112x16xf32, #tpu.memory_space<hbm>> -> memref<10112x16xf32, #tpu.memory_space<hbm>>
      %dma_wait3A_53 = arith.constant 0 : i32
      %dma_wait3A_54 = tpu.memref_slice %dma_wait3A_52[%mul3A_2, %dma_wait3A_53] : memref<10112x16xf32, #tpu.memory_space<hbm>> -> memref<632x16xf32, #tpu.memory_space<hbm>>
      %dma_wait3A_55 = arith.constant 0 : i32
      %dma_wait3A_56 = tpu.memref_slice %arg14[%mul3A_2, %dma_wait3A_55] : memref<10112x16xf32, #tpu.memory_space<vmem_shared>> -> memref<632x16xf32, #tpu.memory_space<vmem_shared>>
      tpu.wait_dma2 semaphore(%run_scoped3A : memref<!tpu.dma_semaphore, #tpu.memory_space<semaphore_mem>>) src(%dma_wait3A_56 : memref<632x16xf32, #tpu.memory_space<vmem_shared>>) dst(%dma_wait3A_54 : memref<632x16xf32, #tpu.memory_space<hbm>>)
      tpu.yield
    }) : () -> ()
    %mul3A_39 = arith.constant 2 : i32
    %mul3A_40 = arith.muli %mul3A_39, %arg0 : i32
    %add3A_41 = arith.constant 1 : i32
    %add3A_42 = arith.addi %mul3A_40, %add3A_41 : i32
    "tpu.region"() ({
      %run_scoped3A = tpu.sem_alloc : memref<!tpu.dma_semaphore, #tpu.memory_space<semaphore_mem>>
      %dma_start3A = arith.constant 0 : i32
      %dma_start3A_43 = arith.constant 0 : i32
      %dma_start3A_44 = tpu.memref_slice %arg6[%add3A_42, %dma_start3A, %dma_start3A_43] : memref<4x10112x16xf32, #tpu.memory_space<hbm>> -> memref<1x10112x16xf32, #tpu.memory_space<hbm>>
      %dma_start3A_45 = tpu.memref_squeeze %dma_start3A_44 : memref<1x10112x16xf32, #tpu.memory_space<hbm>> -> memref<10112x16xf32, #tpu.memory_space<hbm>>
      %dma_start3A_46 = arith.constant 0 : i32
      %dma_start3A_47 = tpu.memref_slice %dma_start3A_45[%mul3A_2, %dma_start3A_46] : memref<10112x16xf32, #tpu.memory_space<hbm>> -> memref<632x16xf32, #tpu.memory_space<hbm>>
      %dma_start3A_48 = arith.constant 0 : i32
      %dma_start3A_49 = tpu.memref_slice %arg15[%mul3A_2, %dma_start3A_48] : memref<10112x16xf32, #tpu.memory_space<vmem_shared>> -> memref<632x16xf32, #tpu.memory_space<vmem_shared>>
      tpu.enqueue_dma source(%dma_start3A_49 : memref<632x16xf32, #tpu.memory_space<vmem_shared>>) target(%dma_start3A_47 : memref<632x16xf32, #tpu.memory_space<hbm>>) target_semaphore(%run_scoped3A : memref<!tpu.dma_semaphore, #tpu.memory_space<semaphore_mem>>)
      %dma_wait3A = arith.constant 0 : i32
      %dma_wait3A_50 = arith.constant 0 : i32
      %dma_wait3A_51 = tpu.memref_slice %arg6[%add3A_42, %dma_wait3A, %dma_wait3A_50] : memref<4x10112x16xf32, #tpu.memory_space<hbm>> -> memref<1x10112x16xf32, #tpu.memory_space<hbm>>
      %dma_wait3A_52 = tpu.memref_squeeze %dma_wait3A_51 : memref<1x10112x16xf32, #tpu.memory_space<hbm>> -> memref<10112x16xf32, #tpu.memory_space<hbm>>
      %dma_wait3A_53 = arith.constant 0 : i32
      %dma_wait3A_54 = tpu.memref_slice %dma_wait3A_52[%mul3A_2, %dma_wait3A_53] : memref<10112x16xf32, #tpu.memory_space<hbm>> -> memref<632x16xf32, #tpu.memory_space<hbm>>
      %dma_wait3A_55 = arith.constant 0 : i32
      %dma_wait3A_56 = tpu.memref_slice %arg15[%mul3A_2, %dma_wait3A_55] : memref<10112x16xf32, #tpu.memory_space<vmem_shared>> -> memref<632x16xf32, #tpu.memory_space<vmem_shared>>
      tpu.wait_dma2 semaphore(%run_scoped3A : memref<!tpu.dma_semaphore, #tpu.memory_space<semaphore_mem>>) src(%dma_wait3A_56 : memref<632x16xf32, #tpu.memory_space<vmem_shared>>) dst(%dma_wait3A_54 : memref<632x16xf32, #tpu.memory_space<hbm>>)
      tpu.yield
    }) : () -> ()
    return
  }
}

#map = affine_map<(d0, d1) -> (0, 0, 0)>
#map1 = affine_map<(d0, d1) -> (0)>
#map2 = affine_map<(d0, d1) -> (0, 0)>
module attributes {stable_mosaic.version = 14 : i64} {
  func.func @_deg_kernel(%arg0: i32, %arg1: i32, %arg2: memref<32x80x128xi32, #tpu.memory_space<hbm>>, %arg3: memref<32x80x128xi32, #tpu.memory_space<hbm>>, %arg4: memref<128xf32, #tpu.memory_space<hbm>>, %arg5: memref<632xf32, #tpu.memory_space<hbm>>, %arg6: memref<2x10112xf32, #tpu.memory_space<hbm>>, %arg7: memref<2x10112xf32, #tpu.memory_space<hbm>>, %arg8: memref<80x128xi32, #tpu.memory_space<vmem>>, %arg9: memref<80x128xi32, #tpu.memory_space<vmem>>, %arg10: memref<128xf32, #tpu.memory_space<vmem>>, %arg11: memref<632xf32, #tpu.memory_space<vmem>>, %arg12: memref<10112xf32, #tpu.memory_space<vmem_shared>>, %arg13: memref<10112xf32, #tpu.memory_space<vmem_shared>>, %arg14: memref<!tpu.dma_semaphore, #tpu.memory_space<semaphore_mem>>, %arg15: memref<!tpu.dma_semaphore, #tpu.memory_space<semaphore_mem>>) attributes {dimension_semantics = [#tpu.dimension_semantics<core_parallel>, #tpu.dimension_semantics<subcore_parallel>], iteration_bounds = array<i64: 2, 16>, scalar_prefetch = 0 : i64, scratch_operands = 8 : i64, tpu.core_type = #tpu.core_type<sc_vector_subcore>, window_params = [{transform_indices = #map}, {transform_indices = #map}, {transform_indices = #map1}, {transform_indices = #map1}, {transform_indices = #map2}, {transform_indices = #map2}]} {
    %mul3A = arith.constant 16 : i32
    %mul3A_0 = arith.muli %arg0, %mul3A : i32
    %add3A = arith.addi %mul3A_0, %arg1 : i32
    "tpu.region"() ({
      %run_scoped3A = tpu.sem_alloc : memref<!tpu.dma_semaphore, #tpu.memory_space<semaphore_mem>>
      %dma_start3A_30 = arith.constant 0 : i32
      %dma_start3A_31 = arith.constant 0 : i32
      %dma_start3A_32 = tpu.memref_slice %arg2[%add3A, %dma_start3A_30, %dma_start3A_31] : memref<32x80x128xi32, #tpu.memory_space<hbm>> -> memref<1x80x128xi32, #tpu.memory_space<hbm>>
      %dma_start3A_33 = tpu.memref_squeeze %dma_start3A_32 : memref<1x80x128xi32, #tpu.memory_space<hbm>> -> memref<80x128xi32, #tpu.memory_space<hbm>>
      %dma_start3A_34 = arith.constant 0 : i32
      %dma_start3A_35 = arith.constant 0 : i32
      %dma_start3A_36 = tpu.memref_slice %arg2[%add3A, %dma_start3A_34, %dma_start3A_35] : memref<32x80x128xi32, #tpu.memory_space<hbm>> -> memref<1x80x128xi32, #tpu.memory_space<hbm>>
      %dma_start3A_37 = tpu.memref_squeeze %dma_start3A_36 : memref<1x80x128xi32, #tpu.memory_space<hbm>> -> memref<80x128xi32, #tpu.memory_space<hbm>>
      tpu.enqueue_dma source(%dma_start3A_37 : memref<80x128xi32, #tpu.memory_space<hbm>>) target(%arg8 : memref<80x128xi32, #tpu.memory_space<vmem>>) target_semaphore(%run_scoped3A : memref<!tpu.dma_semaphore, #tpu.memory_space<semaphore_mem>>)
      %dma_wait3A_38 = arith.constant 0 : i32
      %dma_wait3A_39 = arith.constant 0 : i32
      %dma_wait3A_40 = tpu.memref_slice %arg2[%add3A, %dma_wait3A_38, %dma_wait3A_39] : memref<32x80x128xi32, #tpu.memory_space<hbm>> -> memref<1x80x128xi32, #tpu.memory_space<hbm>>
      %dma_wait3A_41 = tpu.memref_squeeze %dma_wait3A_40 : memref<1x80x128xi32, #tpu.memory_space<hbm>> -> memref<80x128xi32, #tpu.memory_space<hbm>>
      %dma_wait3A_42 = arith.constant 0 : i32
      %dma_wait3A_43 = arith.constant 0 : i32
      %dma_wait3A_44 = tpu.memref_slice %arg2[%add3A, %dma_wait3A_42, %dma_wait3A_43] : memref<32x80x128xi32, #tpu.memory_space<hbm>> -> memref<1x80x128xi32, #tpu.memory_space<hbm>>
      %dma_wait3A_45 = tpu.memref_squeeze %dma_wait3A_44 : memref<1x80x128xi32, #tpu.memory_space<hbm>> -> memref<80x128xi32, #tpu.memory_space<hbm>>
      tpu.wait_dma2 semaphore(%run_scoped3A : memref<!tpu.dma_semaphore, #tpu.memory_space<semaphore_mem>>) src(%dma_wait3A_45 : memref<80x128xi32, #tpu.memory_space<hbm>>) dst(%arg8 : memref<80x128xi32, #tpu.memory_space<vmem>>)
      tpu.yield
    }) : () -> ()
    "tpu.region"() ({
      %run_scoped3A = tpu.sem_alloc : memref<!tpu.dma_semaphore, #tpu.memory_space<semaphore_mem>>
      %dma_start3A_30 = arith.constant 0 : i32
      %dma_start3A_31 = arith.constant 0 : i32
      %dma_start3A_32 = tpu.memref_slice %arg3[%add3A, %dma_start3A_30, %dma_start3A_31] : memref<32x80x128xi32, #tpu.memory_space<hbm>> -> memref<1x80x128xi32, #tpu.memory_space<hbm>>
      %dma_start3A_33 = tpu.memref_squeeze %dma_start3A_32 : memref<1x80x128xi32, #tpu.memory_space<hbm>> -> memref<80x128xi32, #tpu.memory_space<hbm>>
      %dma_start3A_34 = arith.constant 0 : i32
      %dma_start3A_35 = arith.constant 0 : i32
      %dma_start3A_36 = tpu.memref_slice %arg3[%add3A, %dma_start3A_34, %dma_start3A_35] : memref<32x80x128xi32, #tpu.memory_space<hbm>> -> memref<1x80x128xi32, #tpu.memory_space<hbm>>
      %dma_start3A_37 = tpu.memref_squeeze %dma_start3A_36 : memref<1x80x128xi32, #tpu.memory_space<hbm>> -> memref<80x128xi32, #tpu.memory_space<hbm>>
      tpu.enqueue_dma source(%dma_start3A_37 : memref<80x128xi32, #tpu.memory_space<hbm>>) target(%arg9 : memref<80x128xi32, #tpu.memory_space<vmem>>) target_semaphore(%run_scoped3A : memref<!tpu.dma_semaphore, #tpu.memory_space<semaphore_mem>>)
      %dma_wait3A_38 = arith.constant 0 : i32
      %dma_wait3A_39 = arith.constant 0 : i32
      %dma_wait3A_40 = tpu.memref_slice %arg3[%add3A, %dma_wait3A_38, %dma_wait3A_39] : memref<32x80x128xi32, #tpu.memory_space<hbm>> -> memref<1x80x128xi32, #tpu.memory_space<hbm>>
      %dma_wait3A_41 = tpu.memref_squeeze %dma_wait3A_40 : memref<1x80x128xi32, #tpu.memory_space<hbm>> -> memref<80x128xi32, #tpu.memory_space<hbm>>
      %dma_wait3A_42 = arith.constant 0 : i32
      %dma_wait3A_43 = arith.constant 0 : i32
      %dma_wait3A_44 = tpu.memref_slice %arg3[%add3A, %dma_wait3A_42, %dma_wait3A_43] : memref<32x80x128xi32, #tpu.memory_space<hbm>> -> memref<1x80x128xi32, #tpu.memory_space<hbm>>
      %dma_wait3A_45 = tpu.memref_squeeze %dma_wait3A_44 : memref<1x80x128xi32, #tpu.memory_space<hbm>> -> memref<80x128xi32, #tpu.memory_space<hbm>>
      tpu.wait_dma2 semaphore(%run_scoped3A : memref<!tpu.dma_semaphore, #tpu.memory_space<semaphore_mem>>) src(%dma_wait3A_45 : memref<80x128xi32, #tpu.memory_space<hbm>>) dst(%arg9 : memref<80x128xi32, #tpu.memory_space<vmem>>)
      tpu.yield
    }) : () -> ()
    "tpu.region"() ({
      %run_scoped3A = tpu.sem_alloc : memref<!tpu.dma_semaphore, #tpu.memory_space<semaphore_mem>>
      tpu.enqueue_dma source(%arg4 : memref<128xf32, #tpu.memory_space<hbm>>) target(%arg10 : memref<128xf32, #tpu.memory_space<vmem>>) target_semaphore(%run_scoped3A : memref<!tpu.dma_semaphore, #tpu.memory_space<semaphore_mem>>)
      tpu.wait_dma2 semaphore(%run_scoped3A : memref<!tpu.dma_semaphore, #tpu.memory_space<semaphore_mem>>) src(%arg4 : memref<128xf32, #tpu.memory_space<hbm>>) dst(%arg10 : memref<128xf32, #tpu.memory_space<vmem>>)
      tpu.yield
    }) : () -> ()
    "tpu.region"() ({
      %run_scoped3A = tpu.sem_alloc : memref<!tpu.dma_semaphore, #tpu.memory_space<semaphore_mem>>
      tpu.enqueue_dma source(%arg5 : memref<632xf32, #tpu.memory_space<hbm>>) target(%arg11 : memref<632xf32, #tpu.memory_space<vmem>>) target_semaphore(%run_scoped3A : memref<!tpu.dma_semaphore, #tpu.memory_space<semaphore_mem>>)
      tpu.wait_dma2 semaphore(%run_scoped3A : memref<!tpu.dma_semaphore, #tpu.memory_space<semaphore_mem>>) src(%arg5 : memref<632xf32, #tpu.memory_space<hbm>>) dst(%arg11 : memref<632xf32, #tpu.memory_space<vmem>>)
      tpu.yield
    }) : () -> ()
    %mul3A_1 = arith.constant 632 : i32
    %mul3A_2 = arith.muli %arg1, %mul3A_1 : i32
    "tpu.region"() ({
      %run_scoped3A = tpu.sem_alloc : memref<!tpu.dma_semaphore, #tpu.memory_space<semaphore_mem>>
      %dma_start3A_30 = tpu.memref_slice %arg12[%mul3A_2] : memref<10112xf32, #tpu.memory_space<vmem_shared>> -> memref<632xf32, #tpu.memory_space<vmem_shared>>
      %dma_start3A_31 = tpu.memref_slice %arg12[%mul3A_2] : memref<10112xf32, #tpu.memory_space<vmem_shared>> -> memref<632xf32, #tpu.memory_space<vmem_shared>>
      tpu.enqueue_dma source(%arg11 : memref<632xf32, #tpu.memory_space<vmem>>) target(%dma_start3A_31 : memref<632xf32, #tpu.memory_space<vmem_shared>>) target_semaphore(%run_scoped3A : memref<!tpu.dma_semaphore, #tpu.memory_space<semaphore_mem>>)
      %dma_wait3A_32 = tpu.memref_slice %arg12[%mul3A_2] : memref<10112xf32, #tpu.memory_space<vmem_shared>> -> memref<632xf32, #tpu.memory_space<vmem_shared>>
      %dma_wait3A_33 = tpu.memref_slice %arg12[%mul3A_2] : memref<10112xf32, #tpu.memory_space<vmem_shared>> -> memref<632xf32, #tpu.memory_space<vmem_shared>>
      tpu.wait_dma2 semaphore(%run_scoped3A : memref<!tpu.dma_semaphore, #tpu.memory_space<semaphore_mem>>) src(%arg11 : memref<632xf32, #tpu.memory_space<vmem>>) dst(%dma_wait3A_33 : memref<632xf32, #tpu.memory_space<vmem_shared>>)
      tpu.yield
    }) : () -> ()
    "tpu.region"() ({
      %run_scoped3A = tpu.sem_alloc : memref<!tpu.dma_semaphore, #tpu.memory_space<semaphore_mem>>
      %dma_start3A_30 = tpu.memref_slice %arg13[%mul3A_2] : memref<10112xf32, #tpu.memory_space<vmem_shared>> -> memref<632xf32, #tpu.memory_space<vmem_shared>>
      %dma_start3A_31 = tpu.memref_slice %arg13[%mul3A_2] : memref<10112xf32, #tpu.memory_space<vmem_shared>> -> memref<632xf32, #tpu.memory_space<vmem_shared>>
      tpu.enqueue_dma source(%arg11 : memref<632xf32, #tpu.memory_space<vmem>>) target(%dma_start3A_31 : memref<632xf32, #tpu.memory_space<vmem_shared>>) target_semaphore(%run_scoped3A : memref<!tpu.dma_semaphore, #tpu.memory_space<semaphore_mem>>)
      %dma_wait3A_32 = tpu.memref_slice %arg13[%mul3A_2] : memref<10112xf32, #tpu.memory_space<vmem_shared>> -> memref<632xf32, #tpu.memory_space<vmem_shared>>
      %dma_wait3A_33 = tpu.memref_slice %arg13[%mul3A_2] : memref<10112xf32, #tpu.memory_space<vmem_shared>> -> memref<632xf32, #tpu.memory_space<vmem_shared>>
      tpu.wait_dma2 semaphore(%run_scoped3A : memref<!tpu.dma_semaphore, #tpu.memory_space<semaphore_mem>>) src(%arg11 : memref<632xf32, #tpu.memory_space<vmem>>) dst(%dma_wait3A_33 : memref<632xf32, #tpu.memory_space<vmem_shared>>)
      tpu.yield
    }) : () -> ()
    %barrier3A = arith.constant 0 : index
    tpu.barrier barrier_id(%barrier3A)
    %dma_start3A = arith.constant 0 : i32
    %dma_start3A_3 = arith.constant 0 : i32
    %dma_start3A_4 = tpu.memref_slice %arg8[%dma_start3A, %dma_start3A_3] : memref<80x128xi32, #tpu.memory_space<vmem>> -> memref<1x128xi32, #tpu.memory_space<vmem>>
    %dma_start3A_5 = tpu.memref_squeeze %dma_start3A_4 : memref<1x128xi32, #tpu.memory_space<vmem>> -> memref<128xi32, #tpu.memory_space<vmem>>
    %dma_start3A_6 = arith.constant 0 : i32
    %dma_start3A_7 = tpu.memref_slice %arg12[%dma_start3A_6] : memref<10112xf32, #tpu.memory_space<vmem_shared>> -> memref<10112xf32, #tpu.memory_space<vmem_shared>>
    tpu.enqueue_indirect_dma source(%arg10 : memref<128xf32, #tpu.memory_space<vmem>>) target(%dma_start3A_7 : memref<10112xf32, #tpu.memory_space<vmem_shared>>) offsets(%dma_start3A_5 : memref<128xi32, #tpu.memory_space<vmem>>) semaphore(%arg14 : memref<!tpu.dma_semaphore, #tpu.memory_space<semaphore_mem>>) {add = true}
    %dma_start3A_8 = arith.constant 0 : i32
    %dma_start3A_9 = arith.constant 0 : i32
    %dma_start3A_10 = tpu.memref_slice %arg9[%dma_start3A_8, %dma_start3A_9] : memref<80x128xi32, #tpu.memory_space<vmem>> -> memref<1x128xi32, #tpu.memory_space<vmem>>
    %dma_start3A_11 = tpu.memref_squeeze %dma_start3A_10 : memref<1x128xi32, #tpu.memory_space<vmem>> -> memref<128xi32, #tpu.memory_space<vmem>>
    %dma_start3A_12 = arith.constant 0 : i32
    %dma_start3A_13 = tpu.memref_slice %arg13[%dma_start3A_12] : memref<10112xf32, #tpu.memory_space<vmem_shared>> -> memref<10112xf32, #tpu.memory_space<vmem_shared>>
    tpu.enqueue_indirect_dma source(%arg10 : memref<128xf32, #tpu.memory_space<vmem>>) target(%dma_start3A_13 : memref<10112xf32, #tpu.memory_space<vmem_shared>>) offsets(%dma_start3A_11 : memref<128xi32, #tpu.memory_space<vmem>>) semaphore(%arg15 : memref<!tpu.dma_semaphore, #tpu.memory_space<semaphore_mem>>) {add = true}
    %scan3A = arith.constant 1 : i32
    %scan3A_14 = arith.constant 79 : i32
    %scan3A_15 = arith.addi %scan3A, %scan3A_14 : i32
    %scan3A_16 = arith.constant 1 : i32
    scf.for %scan3A_30 = %scan3A to %scan3A_15 step %scan3A_16  : i32 {
      %dma_start3A_31 = arith.constant 0 : i32
      %dma_start3A_32 = tpu.memref_slice %arg8[%scan3A_30, %dma_start3A_31] : memref<80x128xi32, #tpu.memory_space<vmem>> -> memref<1x128xi32, #tpu.memory_space<vmem>>
      %dma_start3A_33 = tpu.memref_squeeze %dma_start3A_32 : memref<1x128xi32, #tpu.memory_space<vmem>> -> memref<128xi32, #tpu.memory_space<vmem>>
      %dma_start3A_34 = arith.constant 0 : i32
      %dma_start3A_35 = tpu.memref_slice %arg12[%dma_start3A_34] : memref<10112xf32, #tpu.memory_space<vmem_shared>> -> memref<10112xf32, #tpu.memory_space<vmem_shared>>
      tpu.enqueue_indirect_dma source(%arg10 : memref<128xf32, #tpu.memory_space<vmem>>) target(%dma_start3A_35 : memref<10112xf32, #tpu.memory_space<vmem_shared>>) offsets(%dma_start3A_33 : memref<128xi32, #tpu.memory_space<vmem>>) semaphore(%arg14 : memref<!tpu.dma_semaphore, #tpu.memory_space<semaphore_mem>>) {add = true}
      %dma_start3A_36 = arith.constant 0 : i32
      %dma_start3A_37 = tpu.memref_slice %arg9[%scan3A_30, %dma_start3A_36] : memref<80x128xi32, #tpu.memory_space<vmem>> -> memref<1x128xi32, #tpu.memory_space<vmem>>
      %dma_start3A_38 = tpu.memref_squeeze %dma_start3A_37 : memref<1x128xi32, #tpu.memory_space<vmem>> -> memref<128xi32, #tpu.memory_space<vmem>>
      %dma_start3A_39 = arith.constant 0 : i32
      %dma_start3A_40 = tpu.memref_slice %arg13[%dma_start3A_39] : memref<10112xf32, #tpu.memory_space<vmem_shared>> -> memref<10112xf32, #tpu.memory_space<vmem_shared>>
      tpu.enqueue_indirect_dma source(%arg10 : memref<128xf32, #tpu.memory_space<vmem>>) target(%dma_start3A_40 : memref<10112xf32, #tpu.memory_space<vmem_shared>>) offsets(%dma_start3A_38 : memref<128xi32, #tpu.memory_space<vmem>>) semaphore(%arg15 : memref<!tpu.dma_semaphore, #tpu.memory_space<semaphore_mem>>) {add = true}
      %sub3A = arith.constant 1 : i32
      %sub3A_41 = arith.subi %scan3A_30, %sub3A : i32
      %dma_wait3A_42 = arith.constant 0 : i32
      %dma_wait3A_43 = tpu.memref_slice %arg8[%sub3A_41, %dma_wait3A_42] : memref<80x128xi32, #tpu.memory_space<vmem>> -> memref<1x128xi32, #tpu.memory_space<vmem>>
      %dma_wait3A_44 = tpu.memref_squeeze %dma_wait3A_43 : memref<1x128xi32, #tpu.memory_space<vmem>> -> memref<128xi32, #tpu.memory_space<vmem>>
      %dma_wait3A_45 = arith.constant 0 : i32
      %dma_wait3A_46 = tpu.memref_slice %arg12[%dma_wait3A_45] : memref<10112xf32, #tpu.memory_space<vmem_shared>> -> memref<10112xf32, #tpu.memory_space<vmem_shared>>
      tpu.wait_indirect_dma semaphore(%arg14 : memref<!tpu.dma_semaphore, #tpu.memory_space<semaphore_mem>>) src(%arg10 : memref<128xf32, #tpu.memory_space<vmem>>) dst(%dma_wait3A_46 : memref<10112xf32, #tpu.memory_space<vmem_shared>>)
      %sub3A_47 = arith.constant 1 : i32
      %sub3A_48 = arith.subi %scan3A_30, %sub3A_47 : i32
      %dma_wait3A_49 = arith.constant 0 : i32
      %dma_wait3A_50 = tpu.memref_slice %arg9[%sub3A_48, %dma_wait3A_49] : memref<80x128xi32, #tpu.memory_space<vmem>> -> memref<1x128xi32, #tpu.memory_space<vmem>>
      %dma_wait3A_51 = tpu.memref_squeeze %dma_wait3A_50 : memref<1x128xi32, #tpu.memory_space<vmem>> -> memref<128xi32, #tpu.memory_space<vmem>>
      %dma_wait3A_52 = arith.constant 0 : i32
      %dma_wait3A_53 = tpu.memref_slice %arg13[%dma_wait3A_52] : memref<10112xf32, #tpu.memory_space<vmem_shared>> -> memref<10112xf32, #tpu.memory_space<vmem_shared>>
      tpu.wait_indirect_dma semaphore(%arg15 : memref<!tpu.dma_semaphore, #tpu.memory_space<semaphore_mem>>) src(%arg10 : memref<128xf32, #tpu.memory_space<vmem>>) dst(%dma_wait3A_53 : memref<10112xf32, #tpu.memory_space<vmem_shared>>)
    }
    %scan3A_17 = arith.constant 79 : i32
    %dma_wait3A = arith.constant 79 : i32
    %dma_wait3A_18 = arith.constant 0 : i32
    %dma_wait3A_19 = tpu.memref_slice %arg8[%dma_wait3A, %dma_wait3A_18] : memref<80x128xi32, #tpu.memory_space<vmem>> -> memref<1x128xi32, #tpu.memory_space<vmem>>
    %dma_wait3A_20 = tpu.memref_squeeze %dma_wait3A_19 : memref<1x128xi32, #tpu.memory_space<vmem>> -> memref<128xi32, #tpu.memory_space<vmem>>
    %dma_wait3A_21 = arith.constant 0 : i32
    %dma_wait3A_22 = tpu.memref_slice %arg12[%dma_wait3A_21] : memref<10112xf32, #tpu.memory_space<vmem_shared>> -> memref<10112xf32, #tpu.memory_space<vmem_shared>>
    tpu.wait_indirect_dma semaphore(%arg14 : memref<!tpu.dma_semaphore, #tpu.memory_space<semaphore_mem>>) src(%arg10 : memref<128xf32, #tpu.memory_space<vmem>>) dst(%dma_wait3A_22 : memref<10112xf32, #tpu.memory_space<vmem_shared>>)
    %dma_wait3A_23 = arith.constant 79 : i32
    %dma_wait3A_24 = arith.constant 0 : i32
    %dma_wait3A_25 = tpu.memref_slice %arg9[%dma_wait3A_23, %dma_wait3A_24] : memref<80x128xi32, #tpu.memory_space<vmem>> -> memref<1x128xi32, #tpu.memory_space<vmem>>
    %dma_wait3A_26 = tpu.memref_squeeze %dma_wait3A_25 : memref<1x128xi32, #tpu.memory_space<vmem>> -> memref<128xi32, #tpu.memory_space<vmem>>
    %dma_wait3A_27 = arith.constant 0 : i32
    %dma_wait3A_28 = tpu.memref_slice %arg13[%dma_wait3A_27] : memref<10112xf32, #tpu.memory_space<vmem_shared>> -> memref<10112xf32, #tpu.memory_space<vmem_shared>>
    tpu.wait_indirect_dma semaphore(%arg15 : memref<!tpu.dma_semaphore, #tpu.memory_space<semaphore_mem>>) src(%arg10 : memref<128xf32, #tpu.memory_space<vmem>>) dst(%dma_wait3A_28 : memref<10112xf32, #tpu.memory_space<vmem_shared>>)
    %barrier3A_29 = arith.constant 0 : index
    tpu.barrier barrier_id(%barrier3A_29)
    "tpu.region"() ({
      %run_scoped3A = tpu.sem_alloc : memref<!tpu.dma_semaphore, #tpu.memory_space<semaphore_mem>>
      %dma_start3A_30 = arith.constant 0 : i32
      %dma_start3A_31 = tpu.memref_slice %arg6[%arg0, %dma_start3A_30] : memref<2x10112xf32, #tpu.memory_space<hbm>> -> memref<1x10112xf32, #tpu.memory_space<hbm>>
      %dma_start3A_32 = tpu.memref_squeeze %dma_start3A_31 : memref<1x10112xf32, #tpu.memory_space<hbm>> -> memref<10112xf32, #tpu.memory_space<hbm>>
      %dma_start3A_33 = tpu.memref_slice %dma_start3A_32[%mul3A_2] : memref<10112xf32, #tpu.memory_space<hbm>> -> memref<632xf32, #tpu.memory_space<hbm>>
      %dma_start3A_34 = tpu.memref_slice %arg12[%mul3A_2] : memref<10112xf32, #tpu.memory_space<vmem_shared>> -> memref<632xf32, #tpu.memory_space<vmem_shared>>
      tpu.enqueue_dma source(%dma_start3A_34 : memref<632xf32, #tpu.memory_space<vmem_shared>>) target(%dma_start3A_33 : memref<632xf32, #tpu.memory_space<hbm>>) target_semaphore(%run_scoped3A : memref<!tpu.dma_semaphore, #tpu.memory_space<semaphore_mem>>)
      %dma_wait3A_35 = arith.constant 0 : i32
      %dma_wait3A_36 = tpu.memref_slice %arg6[%arg0, %dma_wait3A_35] : memref<2x10112xf32, #tpu.memory_space<hbm>> -> memref<1x10112xf32, #tpu.memory_space<hbm>>
      %dma_wait3A_37 = tpu.memref_squeeze %dma_wait3A_36 : memref<1x10112xf32, #tpu.memory_space<hbm>> -> memref<10112xf32, #tpu.memory_space<hbm>>
      %dma_wait3A_38 = tpu.memref_slice %dma_wait3A_37[%mul3A_2] : memref<10112xf32, #tpu.memory_space<hbm>> -> memref<632xf32, #tpu.memory_space<hbm>>
      %dma_wait3A_39 = tpu.memref_slice %arg12[%mul3A_2] : memref<10112xf32, #tpu.memory_space<vmem_shared>> -> memref<632xf32, #tpu.memory_space<vmem_shared>>
      tpu.wait_dma2 semaphore(%run_scoped3A : memref<!tpu.dma_semaphore, #tpu.memory_space<semaphore_mem>>) src(%dma_wait3A_39 : memref<632xf32, #tpu.memory_space<vmem_shared>>) dst(%dma_wait3A_38 : memref<632xf32, #tpu.memory_space<hbm>>)
      tpu.yield
    }) : () -> ()
    "tpu.region"() ({
      %run_scoped3A = tpu.sem_alloc : memref<!tpu.dma_semaphore, #tpu.memory_space<semaphore_mem>>
      %dma_start3A_30 = arith.constant 0 : i32
      %dma_start3A_31 = tpu.memref_slice %arg7[%arg0, %dma_start3A_30] : memref<2x10112xf32, #tpu.memory_space<hbm>> -> memref<1x10112xf32, #tpu.memory_space<hbm>>
      %dma_start3A_32 = tpu.memref_squeeze %dma_start3A_31 : memref<1x10112xf32, #tpu.memory_space<hbm>> -> memref<10112xf32, #tpu.memory_space<hbm>>
      %dma_start3A_33 = tpu.memref_slice %dma_start3A_32[%mul3A_2] : memref<10112xf32, #tpu.memory_space<hbm>> -> memref<632xf32, #tpu.memory_space<hbm>>
      %dma_start3A_34 = tpu.memref_slice %arg13[%mul3A_2] : memref<10112xf32, #tpu.memory_space<vmem_shared>> -> memref<632xf32, #tpu.memory_space<vmem_shared>>
      tpu.enqueue_dma source(%dma_start3A_34 : memref<632xf32, #tpu.memory_space<vmem_shared>>) target(%dma_start3A_33 : memref<632xf32, #tpu.memory_space<hbm>>) target_semaphore(%run_scoped3A : memref<!tpu.dma_semaphore, #tpu.memory_space<semaphore_mem>>)
      %dma_wait3A_35 = arith.constant 0 : i32
      %dma_wait3A_36 = tpu.memref_slice %arg7[%arg0, %dma_wait3A_35] : memref<2x10112xf32, #tpu.memory_space<hbm>> -> memref<1x10112xf32, #tpu.memory_space<hbm>>
      %dma_wait3A_37 = tpu.memref_squeeze %dma_wait3A_36 : memref<1x10112xf32, #tpu.memory_space<hbm>> -> memref<10112xf32, #tpu.memory_space<hbm>>
      %dma_wait3A_38 = tpu.memref_slice %dma_wait3A_37[%mul3A_2] : memref<10112xf32, #tpu.memory_space<hbm>> -> memref<632xf32, #tpu.memory_space<hbm>>
      %dma_wait3A_39 = tpu.memref_slice %arg13[%mul3A_2] : memref<10112xf32, #tpu.memory_space<vmem_shared>> -> memref<632xf32, #tpu.memory_space<vmem_shared>>
      tpu.wait_dma2 semaphore(%run_scoped3A : memref<!tpu.dma_semaphore, #tpu.memory_space<semaphore_mem>>) src(%dma_wait3A_39 : memref<632xf32, #tpu.memory_space<vmem_shared>>) dst(%dma_wait3A_38 : memref<632xf32, #tpu.memory_space<hbm>>)
      tpu.yield
    }) : () -> ()
    return
  }
}

#map = affine_map<(d0, d1) -> (0, 0)>
#map1 = affine_map<(d0, d1) -> (0, 0, 0)>
module attributes {stable_mosaic.version = 14 : i64} {
  func.func @edge_kernel(%arg0: i32, %arg1: i32, %arg2: memref<10112x32xf32, #tpu.memory_space<hbm>>, %arg3: memref<32x80x128xi32, #tpu.memory_space<hbm>>, %arg4: memref<32x80x128xi32, #tpu.memory_space<hbm>>, %arg5: memref<632x32xf32, #tpu.memory_space<hbm>>, %arg6: memref<4x10112x32xf32, #tpu.memory_space<hbm>>, %arg7: memref<80x128xi32, #tpu.memory_space<vmem>>, %arg8: memref<80x128xi32, #tpu.memory_space<vmem>>, %arg9: memref<128x32xf32, #tpu.memory_space<vmem>>, %arg10: memref<128x32xf32, #tpu.memory_space<vmem>>, %arg11: memref<128x32xf32, #tpu.memory_space<vmem>>, %arg12: memref<128x32xf32, #tpu.memory_space<vmem>>, %arg13: memref<632x32xf32, #tpu.memory_space<vmem>>, %arg14: memref<10112x32xf32, #tpu.memory_space<vmem_shared>>, %arg15: memref<10112x32xf32, #tpu.memory_space<vmem_shared>>, %arg16: memref<10112x32xf32, #tpu.memory_space<vmem_shared>>, %arg17: memref<!tpu.dma_semaphore, #tpu.memory_space<semaphore_mem>>, %arg18: memref<!tpu.dma_semaphore, #tpu.memory_space<semaphore_mem>>, %arg19: memref<!tpu.dma_semaphore, #tpu.memory_space<semaphore_mem>>, %arg20: memref<!tpu.dma_semaphore, #tpu.memory_space<semaphore_mem>>, %arg21: memref<!tpu.dma_semaphore, #tpu.memory_space<semaphore_mem>>, %arg22: memref<!tpu.dma_semaphore, #tpu.memory_space<semaphore_mem>>, %arg23: memref<!tpu.dma_semaphore, #tpu.memory_space<semaphore_mem>>, %arg24: memref<!tpu.dma_semaphore, #tpu.memory_space<semaphore_mem>>) attributes {dimension_semantics = [#tpu.dimension_semantics<core_parallel>, #tpu.dimension_semantics<subcore_parallel>], iteration_bounds = array<i64: 2, 16>, scalar_prefetch = 0 : i64, scratch_operands = 18 : i64, tpu.core_type = #tpu.core_type<sc_vector_subcore>, window_params = [{transform_indices = #map}, {transform_indices = #map1}, {transform_indices = #map1}, {transform_indices = #map}, {transform_indices = #map1}]} {
    %mul3A = arith.constant 16 : i32
    %mul3A_0 = arith.muli %arg0, %mul3A : i32
    %add3A = arith.addi %mul3A_0, %arg1 : i32
    "tpu.region"() ({
      %run_scoped3A = tpu.sem_alloc : memref<!tpu.dma_semaphore, #tpu.memory_space<semaphore_mem>>
      %dma_start3A = arith.constant 0 : i32
      %dma_start3A_43 = arith.constant 0 : i32
      %dma_start3A_44 = tpu.memref_slice %arg3[%add3A, %dma_start3A, %dma_start3A_43] : memref<32x80x128xi32, #tpu.memory_space<hbm>> -> memref<1x80x128xi32, #tpu.memory_space<hbm>>
      %dma_start3A_45 = tpu.memref_squeeze %dma_start3A_44 : memref<1x80x128xi32, #tpu.memory_space<hbm>> -> memref<80x128xi32, #tpu.memory_space<hbm>>
      %dma_start3A_46 = arith.constant 0 : i32
      %dma_start3A_47 = arith.constant 0 : i32
      %dma_start3A_48 = tpu.memref_slice %arg3[%add3A, %dma_start3A_46, %dma_start3A_47] : memref<32x80x128xi32, #tpu.memory_space<hbm>> -> memref<1x80x128xi32, #tpu.memory_space<hbm>>
      %dma_start3A_49 = tpu.memref_squeeze %dma_start3A_48 : memref<1x80x128xi32, #tpu.memory_space<hbm>> -> memref<80x128xi32, #tpu.memory_space<hbm>>
      tpu.enqueue_dma source(%dma_start3A_49 : memref<80x128xi32, #tpu.memory_space<hbm>>) target(%arg7 : memref<80x128xi32, #tpu.memory_space<vmem>>) target_semaphore(%run_scoped3A : memref<!tpu.dma_semaphore, #tpu.memory_space<semaphore_mem>>)
      %dma_wait3A = arith.constant 0 : i32
      %dma_wait3A_50 = arith.constant 0 : i32
      %dma_wait3A_51 = tpu.memref_slice %arg3[%add3A, %dma_wait3A, %dma_wait3A_50] : memref<32x80x128xi32, #tpu.memory_space<hbm>> -> memref<1x80x128xi32, #tpu.memory_space<hbm>>
      %dma_wait3A_52 = tpu.memref_squeeze %dma_wait3A_51 : memref<1x80x128xi32, #tpu.memory_space<hbm>> -> memref<80x128xi32, #tpu.memory_space<hbm>>
      %dma_wait3A_53 = arith.constant 0 : i32
      %dma_wait3A_54 = arith.constant 0 : i32
      %dma_wait3A_55 = tpu.memref_slice %arg3[%add3A, %dma_wait3A_53, %dma_wait3A_54] : memref<32x80x128xi32, #tpu.memory_space<hbm>> -> memref<1x80x128xi32, #tpu.memory_space<hbm>>
      %dma_wait3A_56 = tpu.memref_squeeze %dma_wait3A_55 : memref<1x80x128xi32, #tpu.memory_space<hbm>> -> memref<80x128xi32, #tpu.memory_space<hbm>>
      tpu.wait_dma2 semaphore(%run_scoped3A : memref<!tpu.dma_semaphore, #tpu.memory_space<semaphore_mem>>) src(%dma_wait3A_56 : memref<80x128xi32, #tpu.memory_space<hbm>>) dst(%arg7 : memref<80x128xi32, #tpu.memory_space<vmem>>)
      tpu.yield
    }) : () -> ()
    "tpu.region"() ({
      %run_scoped3A = tpu.sem_alloc : memref<!tpu.dma_semaphore, #tpu.memory_space<semaphore_mem>>
      %dma_start3A = arith.constant 0 : i32
      %dma_start3A_43 = arith.constant 0 : i32
      %dma_start3A_44 = tpu.memref_slice %arg4[%add3A, %dma_start3A, %dma_start3A_43] : memref<32x80x128xi32, #tpu.memory_space<hbm>> -> memref<1x80x128xi32, #tpu.memory_space<hbm>>
      %dma_start3A_45 = tpu.memref_squeeze %dma_start3A_44 : memref<1x80x128xi32, #tpu.memory_space<hbm>> -> memref<80x128xi32, #tpu.memory_space<hbm>>
      %dma_start3A_46 = arith.constant 0 : i32
      %dma_start3A_47 = arith.constant 0 : i32
      %dma_start3A_48 = tpu.memref_slice %arg4[%add3A, %dma_start3A_46, %dma_start3A_47] : memref<32x80x128xi32, #tpu.memory_space<hbm>> -> memref<1x80x128xi32, #tpu.memory_space<hbm>>
      %dma_start3A_49 = tpu.memref_squeeze %dma_start3A_48 : memref<1x80x128xi32, #tpu.memory_space<hbm>> -> memref<80x128xi32, #tpu.memory_space<hbm>>
      tpu.enqueue_dma source(%dma_start3A_49 : memref<80x128xi32, #tpu.memory_space<hbm>>) target(%arg8 : memref<80x128xi32, #tpu.memory_space<vmem>>) target_semaphore(%run_scoped3A : memref<!tpu.dma_semaphore, #tpu.memory_space<semaphore_mem>>)
      %dma_wait3A = arith.constant 0 : i32
      %dma_wait3A_50 = arith.constant 0 : i32
      %dma_wait3A_51 = tpu.memref_slice %arg4[%add3A, %dma_wait3A, %dma_wait3A_50] : memref<32x80x128xi32, #tpu.memory_space<hbm>> -> memref<1x80x128xi32, #tpu.memory_space<hbm>>
      %dma_wait3A_52 = tpu.memref_squeeze %dma_wait3A_51 : memref<1x80x128xi32, #tpu.memory_space<hbm>> -> memref<80x128xi32, #tpu.memory_space<hbm>>
      %dma_wait3A_53 = arith.constant 0 : i32
      %dma_wait3A_54 = arith.constant 0 : i32
      %dma_wait3A_55 = tpu.memref_slice %arg4[%add3A, %dma_wait3A_53, %dma_wait3A_54] : memref<32x80x128xi32, #tpu.memory_space<hbm>> -> memref<1x80x128xi32, #tpu.memory_space<hbm>>
      %dma_wait3A_56 = tpu.memref_squeeze %dma_wait3A_55 : memref<1x80x128xi32, #tpu.memory_space<hbm>> -> memref<80x128xi32, #tpu.memory_space<hbm>>
      tpu.wait_dma2 semaphore(%run_scoped3A : memref<!tpu.dma_semaphore, #tpu.memory_space<semaphore_mem>>) src(%dma_wait3A_56 : memref<80x128xi32, #tpu.memory_space<hbm>>) dst(%arg8 : memref<80x128xi32, #tpu.memory_space<vmem>>)
      tpu.yield
    }) : () -> ()
    "tpu.region"() ({
      %run_scoped3A = tpu.sem_alloc : memref<!tpu.dma_semaphore, #tpu.memory_space<semaphore_mem>>
      tpu.enqueue_dma source(%arg5 : memref<632x32xf32, #tpu.memory_space<hbm>>) target(%arg13 : memref<632x32xf32, #tpu.memory_space<vmem>>) target_semaphore(%run_scoped3A : memref<!tpu.dma_semaphore, #tpu.memory_space<semaphore_mem>>)
      tpu.wait_dma2 semaphore(%run_scoped3A : memref<!tpu.dma_semaphore, #tpu.memory_space<semaphore_mem>>) src(%arg5 : memref<632x32xf32, #tpu.memory_space<hbm>>) dst(%arg13 : memref<632x32xf32, #tpu.memory_space<vmem>>)
      tpu.yield
    }) : () -> ()
    %mul3A_1 = arith.constant 632 : i32
    %mul3A_2 = arith.muli %arg1, %mul3A_1 : i32
    "tpu.region"() ({
      %run_scoped3A = tpu.sem_alloc : memref<!tpu.dma_semaphore, #tpu.memory_space<semaphore_mem>>
      %dma_start3A = arith.constant 0 : i32
      %dma_start3A_43 = tpu.memref_slice %arg16[%mul3A_2, %dma_start3A] : memref<10112x32xf32, #tpu.memory_space<vmem_shared>> -> memref<632x32xf32, #tpu.memory_space<vmem_shared>>
      %dma_start3A_44 = arith.constant 0 : i32
      %dma_start3A_45 = tpu.memref_slice %arg2[%mul3A_2, %dma_start3A_44] : memref<10112x32xf32, #tpu.memory_space<hbm>> -> memref<632x32xf32, #tpu.memory_space<hbm>>
      tpu.enqueue_dma source(%dma_start3A_45 : memref<632x32xf32, #tpu.memory_space<hbm>>) target(%dma_start3A_43 : memref<632x32xf32, #tpu.memory_space<vmem_shared>>) target_semaphore(%run_scoped3A : memref<!tpu.dma_semaphore, #tpu.memory_space<semaphore_mem>>)
      %dma_wait3A = arith.constant 0 : i32
      %dma_wait3A_46 = tpu.memref_slice %arg16[%mul3A_2, %dma_wait3A] : memref<10112x32xf32, #tpu.memory_space<vmem_shared>> -> memref<632x32xf32, #tpu.memory_space<vmem_shared>>
      %dma_wait3A_47 = arith.constant 0 : i32
      %dma_wait3A_48 = tpu.memref_slice %arg2[%mul3A_2, %dma_wait3A_47] : memref<10112x32xf32, #tpu.memory_space<hbm>> -> memref<632x32xf32, #tpu.memory_space<hbm>>
      tpu.wait_dma2 semaphore(%run_scoped3A : memref<!tpu.dma_semaphore, #tpu.memory_space<semaphore_mem>>) src(%dma_wait3A_48 : memref<632x32xf32, #tpu.memory_space<hbm>>) dst(%dma_wait3A_46 : memref<632x32xf32, #tpu.memory_space<vmem_shared>>)
      tpu.yield
    }) : () -> ()
    "tpu.region"() ({
      %run_scoped3A = tpu.sem_alloc : memref<!tpu.dma_semaphore, #tpu.memory_space<semaphore_mem>>
      %dma_start3A = arith.constant 0 : i32
      %dma_start3A_43 = tpu.memref_slice %arg14[%mul3A_2, %dma_start3A] : memref<10112x32xf32, #tpu.memory_space<vmem_shared>> -> memref<632x32xf32, #tpu.memory_space<vmem_shared>>
      %dma_start3A_44 = arith.constant 0 : i32
      %dma_start3A_45 = tpu.memref_slice %arg14[%mul3A_2, %dma_start3A_44] : memref<10112x32xf32, #tpu.memory_space<vmem_shared>> -> memref<632x32xf32, #tpu.memory_space<vmem_shared>>
      tpu.enqueue_dma source(%arg13 : memref<632x32xf32, #tpu.memory_space<vmem>>) target(%dma_start3A_45 : memref<632x32xf32, #tpu.memory_space<vmem_shared>>) target_semaphore(%run_scoped3A : memref<!tpu.dma_semaphore, #tpu.memory_space<semaphore_mem>>)
      %dma_wait3A = arith.constant 0 : i32
      %dma_wait3A_46 = tpu.memref_slice %arg14[%mul3A_2, %dma_wait3A] : memref<10112x32xf32, #tpu.memory_space<vmem_shared>> -> memref<632x32xf32, #tpu.memory_space<vmem_shared>>
      %dma_wait3A_47 = arith.constant 0 : i32
      %dma_wait3A_48 = tpu.memref_slice %arg14[%mul3A_2, %dma_wait3A_47] : memref<10112x32xf32, #tpu.memory_space<vmem_shared>> -> memref<632x32xf32, #tpu.memory_space<vmem_shared>>
      tpu.wait_dma2 semaphore(%run_scoped3A : memref<!tpu.dma_semaphore, #tpu.memory_space<semaphore_mem>>) src(%arg13 : memref<632x32xf32, #tpu.memory_space<vmem>>) dst(%dma_wait3A_48 : memref<632x32xf32, #tpu.memory_space<vmem_shared>>)
      tpu.yield
    }) : () -> ()
    "tpu.region"() ({
      %run_scoped3A = tpu.sem_alloc : memref<!tpu.dma_semaphore, #tpu.memory_space<semaphore_mem>>
      %dma_start3A = arith.constant 0 : i32
      %dma_start3A_43 = tpu.memref_slice %arg15[%mul3A_2, %dma_start3A] : memref<10112x32xf32, #tpu.memory_space<vmem_shared>> -> memref<632x32xf32, #tpu.memory_space<vmem_shared>>
      %dma_start3A_44 = arith.constant 0 : i32
      %dma_start3A_45 = tpu.memref_slice %arg15[%mul3A_2, %dma_start3A_44] : memref<10112x32xf32, #tpu.memory_space<vmem_shared>> -> memref<632x32xf32, #tpu.memory_space<vmem_shared>>
      tpu.enqueue_dma source(%arg13 : memref<632x32xf32, #tpu.memory_space<vmem>>) target(%dma_start3A_45 : memref<632x32xf32, #tpu.memory_space<vmem_shared>>) target_semaphore(%run_scoped3A : memref<!tpu.dma_semaphore, #tpu.memory_space<semaphore_mem>>)
      %dma_wait3A = arith.constant 0 : i32
      %dma_wait3A_46 = tpu.memref_slice %arg15[%mul3A_2, %dma_wait3A] : memref<10112x32xf32, #tpu.memory_space<vmem_shared>> -> memref<632x32xf32, #tpu.memory_space<vmem_shared>>
      %dma_wait3A_47 = arith.constant 0 : i32
      %dma_wait3A_48 = tpu.memref_slice %arg15[%mul3A_2, %dma_wait3A_47] : memref<10112x32xf32, #tpu.memory_space<vmem_shared>> -> memref<632x32xf32, #tpu.memory_space<vmem_shared>>
      tpu.wait_dma2 semaphore(%run_scoped3A : memref<!tpu.dma_semaphore, #tpu.memory_space<semaphore_mem>>) src(%arg13 : memref<632x32xf32, #tpu.memory_space<vmem>>) dst(%dma_wait3A_48 : memref<632x32xf32, #tpu.memory_space<vmem_shared>>)
      tpu.yield
    }) : () -> ()
    %barrier3A = arith.constant 0 : index
    tpu.barrier barrier_id(%barrier3A)
    %jit3A = arith.constant 2 : i32
    %eq3A = arith.constant 0 : i32
    %eq3A_3 = arith.cmpi eq, %jit3A, %eq3A : i32
    %jit3A_4 = arith.constant 1 : i32
    %select_n3A = arith.select %eq3A_3, %jit3A_4, %jit3A : i32
    %rem3A = arith.remsi %arg1, %select_n3A : i32
    %ne3A = arith.constant 0 : i32
    %ne3A_5 = arith.cmpi ne, %rem3A, %ne3A : i32
    %lt3A = arith.constant 0 : i32
    %lt3A_6 = arith.cmpi slt, %rem3A, %lt3A : i32
    %lt3A_7 = arith.constant 0 : i32
    %lt3A_8 = arith.cmpi slt, %select_n3A, %lt3A_7 : i32
    %ne3A_9 = arith.xori %lt3A_6, %lt3A_8 : i1
    %and3A = arith.andi %ne3A_9, %ne3A_5 : i1
    %add3A_10 = arith.addi %rem3A, %select_n3A : i32
    %select_n3A_11 = arith.select %and3A, %add3A_10, %rem3A : i32
    %eq3A_12 = arith.constant 0 : i32
    %eq3A_13 = arith.cmpi eq, %select_n3A_11, %eq3A_12 : i32
    %convert_element_type3A = arith.extui %eq3A_13 : i1 to i32
    %cond3A = arith.constant 0 : i32
    %cond3A_14 = arith.cmpi ne, %convert_element_type3A, %cond3A : i32
    scf.if %cond3A_14 {
      %dma_start3A = arith.constant 0 : i32
      %dma_start3A_43 = arith.constant 0 : i32
      %dma_start3A_44 = tpu.memref_slice %arg7[%dma_start3A, %dma_start3A_43] : memref<80x128xi32, #tpu.memory_space<vmem>> -> memref<1x128xi32, #tpu.memory_space<vmem>>
      %dma_start3A_45 = tpu.memref_squeeze %dma_start3A_44 : memref<1x128xi32, #tpu.memory_space<vmem>> -> memref<128xi32, #tpu.memory_space<vmem>>
      %dma_start3A_46 = arith.constant 0 : i32
      %dma_start3A_47 = arith.constant 0 : i32
      %dma_start3A_48 = tpu.memref_slice %arg16[%dma_start3A_46, %dma_start3A_47] : memref<10112x32xf32, #tpu.memory_space<vmem_shared>> -> memref<10112x32xf32, #tpu.memory_space<vmem_shared>>
      tpu.enqueue_indirect_dma source(%dma_start3A_48 : memref<10112x32xf32, #tpu.memory_space<vmem_shared>>) target(%arg9 : memref<128x32xf32, #tpu.memory_space<vmem>>) offsets(%dma_start3A_45 : memref<128xi32, #tpu.memory_space<vmem>>) semaphore(%arg17 : memref<!tpu.dma_semaphore, #tpu.memory_space<semaphore_mem>>)
      %dma_start3A_49 = arith.constant 1 : i32
      %dma_start3A_50 = arith.constant 0 : i32
      %dma_start3A_51 = tpu.memref_slice %arg7[%dma_start3A_49, %dma_start3A_50] : memref<80x128xi32, #tpu.memory_space<vmem>> -> memref<1x128xi32, #tpu.memory_space<vmem>>
      %dma_start3A_52 = tpu.memref_squeeze %dma_start3A_51 : memref<1x128xi32, #tpu.memory_space<vmem>> -> memref<128xi32, #tpu.memory_space<vmem>>
      %dma_start3A_53 = arith.constant 0 : i32
      %dma_start3A_54 = arith.constant 0 : i32
      %dma_start3A_55 = tpu.memref_slice %arg16[%dma_start3A_53, %dma_start3A_54] : memref<10112x32xf32, #tpu.memory_space<vmem_shared>> -> memref<10112x32xf32, #tpu.memory_space<vmem_shared>>
      tpu.enqueue_indirect_dma source(%dma_start3A_55 : memref<10112x32xf32, #tpu.memory_space<vmem_shared>>) target(%arg10 : memref<128x32xf32, #tpu.memory_space<vmem>>) offsets(%dma_start3A_52 : memref<128xi32, #tpu.memory_space<vmem>>) semaphore(%arg18 : memref<!tpu.dma_semaphore, #tpu.memory_space<semaphore_mem>>)
      %dma_start3A_56 = arith.constant 2 : i32
      %dma_start3A_57 = arith.constant 0 : i32
      %dma_start3A_58 = tpu.memref_slice %arg7[%dma_start3A_56, %dma_start3A_57] : memref<80x128xi32, #tpu.memory_space<vmem>> -> memref<1x128xi32, #tpu.memory_space<vmem>>
      %dma_start3A_59 = tpu.memref_squeeze %dma_start3A_58 : memref<1x128xi32, #tpu.memory_space<vmem>> -> memref<128xi32, #tpu.memory_space<vmem>>
      %dma_start3A_60 = arith.constant 0 : i32
      %dma_start3A_61 = arith.constant 0 : i32
      %dma_start3A_62 = tpu.memref_slice %arg16[%dma_start3A_60, %dma_start3A_61] : memref<10112x32xf32, #tpu.memory_space<vmem_shared>> -> memref<10112x32xf32, #tpu.memory_space<vmem_shared>>
      tpu.enqueue_indirect_dma source(%dma_start3A_62 : memref<10112x32xf32, #tpu.memory_space<vmem_shared>>) target(%arg11 : memref<128x32xf32, #tpu.memory_space<vmem>>) offsets(%dma_start3A_59 : memref<128xi32, #tpu.memory_space<vmem>>) semaphore(%arg19 : memref<!tpu.dma_semaphore, #tpu.memory_space<semaphore_mem>>)
      %dma_wait3A = arith.constant 0 : i32
      %dma_wait3A_63 = arith.constant 0 : i32
      %dma_wait3A_64 = tpu.memref_slice %arg7[%dma_wait3A, %dma_wait3A_63] : memref<80x128xi32, #tpu.memory_space<vmem>> -> memref<1x128xi32, #tpu.memory_space<vmem>>
      %dma_wait3A_65 = tpu.memref_squeeze %dma_wait3A_64 : memref<1x128xi32, #tpu.memory_space<vmem>> -> memref<128xi32, #tpu.memory_space<vmem>>
      %dma_wait3A_66 = arith.constant 0 : i32
      %dma_wait3A_67 = arith.constant 0 : i32
      %dma_wait3A_68 = tpu.memref_slice %arg16[%dma_wait3A_66, %dma_wait3A_67] : memref<10112x32xf32, #tpu.memory_space<vmem_shared>> -> memref<10112x32xf32, #tpu.memory_space<vmem_shared>>
      tpu.wait_indirect_dma semaphore(%arg17 : memref<!tpu.dma_semaphore, #tpu.memory_space<semaphore_mem>>) src(%dma_wait3A_68 : memref<10112x32xf32, #tpu.memory_space<vmem_shared>>) dst(%arg9 : memref<128x32xf32, #tpu.memory_space<vmem>>)
      %dma_start3A_69 = arith.constant 0 : i32
      %dma_start3A_70 = arith.constant 0 : i32
      %dma_start3A_71 = tpu.memref_slice %arg8[%dma_start3A_69, %dma_start3A_70] : memref<80x128xi32, #tpu.memory_space<vmem>> -> memref<1x128xi32, #tpu.memory_space<vmem>>
      %dma_start3A_72 = tpu.memref_squeeze %dma_start3A_71 : memref<1x128xi32, #tpu.memory_space<vmem>> -> memref<128xi32, #tpu.memory_space<vmem>>
      %dma_start3A_73 = arith.constant 0 : i32
      %dma_start3A_74 = arith.constant 0 : i32
      %dma_start3A_75 = tpu.memref_slice %arg14[%dma_start3A_73, %dma_start3A_74] : memref<10112x32xf32, #tpu.memory_space<vmem_shared>> -> memref<10112x32xf32, #tpu.memory_space<vmem_shared>>
      tpu.enqueue_indirect_dma source(%arg9 : memref<128x32xf32, #tpu.memory_space<vmem>>) target(%dma_start3A_75 : memref<10112x32xf32, #tpu.memory_space<vmem_shared>>) offsets(%dma_start3A_72 : memref<128xi32, #tpu.memory_space<vmem>>) semaphore(%arg21 : memref<!tpu.dma_semaphore, #tpu.memory_space<semaphore_mem>>) {add = true}
      %dma_start3A_76 = arith.constant 3 : i32
      %dma_start3A_77 = arith.constant 0 : i32
      %dma_start3A_78 = tpu.memref_slice %arg7[%dma_start3A_76, %dma_start3A_77] : memref<80x128xi32, #tpu.memory_space<vmem>> -> memref<1x128xi32, #tpu.memory_space<vmem>>
      %dma_start3A_79 = tpu.memref_squeeze %dma_start3A_78 : memref<1x128xi32, #tpu.memory_space<vmem>> -> memref<128xi32, #tpu.memory_space<vmem>>
      %dma_start3A_80 = arith.constant 0 : i32
      %dma_start3A_81 = arith.constant 0 : i32
      %dma_start3A_82 = tpu.memref_slice %arg16[%dma_start3A_80, %dma_start3A_81] : memref<10112x32xf32, #tpu.memory_space<vmem_shared>> -> memref<10112x32xf32, #tpu.memory_space<vmem_shared>>
      tpu.enqueue_indirect_dma source(%dma_start3A_82 : memref<10112x32xf32, #tpu.memory_space<vmem_shared>>) target(%arg12 : memref<128x32xf32, #tpu.memory_space<vmem>>) offsets(%dma_start3A_79 : memref<128xi32, #tpu.memory_space<vmem>>) semaphore(%arg20 : memref<!tpu.dma_semaphore, #tpu.memory_space<semaphore_mem>>)
      %dma_wait3A_83 = arith.constant 1 : i32
      %dma_wait3A_84 = arith.constant 0 : i32
      %dma_wait3A_85 = tpu.memref_slice %arg7[%dma_wait3A_83, %dma_wait3A_84] : memref<80x128xi32, #tpu.memory_space<vmem>> -> memref<1x128xi32, #tpu.memory_space<vmem>>
      %dma_wait3A_86 = tpu.memref_squeeze %dma_wait3A_85 : memref<1x128xi32, #tpu.memory_space<vmem>> -> memref<128xi32, #tpu.memory_space<vmem>>
      %dma_wait3A_87 = arith.constant 0 : i32
      %dma_wait3A_88 = arith.constant 0 : i32
      %dma_wait3A_89 = tpu.memref_slice %arg16[%dma_wait3A_87, %dma_wait3A_88] : memref<10112x32xf32, #tpu.memory_space<vmem_shared>> -> memref<10112x32xf32, #tpu.memory_space<vmem_shared>>
      tpu.wait_indirect_dma semaphore(%arg18 : memref<!tpu.dma_semaphore, #tpu.memory_space<semaphore_mem>>) src(%dma_wait3A_89 : memref<10112x32xf32, #tpu.memory_space<vmem_shared>>) dst(%arg10 : memref<128x32xf32, #tpu.memory_space<vmem>>)
      %dma_start3A_90 = arith.constant 1 : i32
      %dma_start3A_91 = arith.constant 0 : i32
      %dma_start3A_92 = tpu.memref_slice %arg8[%dma_start3A_90, %dma_start3A_91] : memref<80x128xi32, #tpu.memory_space<vmem>> -> memref<1x128xi32, #tpu.memory_space<vmem>>
      %dma_start3A_93 = tpu.memref_squeeze %dma_start3A_92 : memref<1x128xi32, #tpu.memory_space<vmem>> -> memref<128xi32, #tpu.memory_space<vmem>>
      %dma_start3A_94 = arith.constant 0 : i32
      %dma_start3A_95 = arith.constant 0 : i32
      %dma_start3A_96 = tpu.memref_slice %arg14[%dma_start3A_94, %dma_start3A_95] : memref<10112x32xf32, #tpu.memory_space<vmem_shared>> -> memref<10112x32xf32, #tpu.memory_space<vmem_shared>>
      tpu.enqueue_indirect_dma source(%arg10 : memref<128x32xf32, #tpu.memory_space<vmem>>) target(%dma_start3A_96 : memref<10112x32xf32, #tpu.memory_space<vmem_shared>>) offsets(%dma_start3A_93 : memref<128xi32, #tpu.memory_space<vmem>>) semaphore(%arg22 : memref<!tpu.dma_semaphore, #tpu.memory_space<semaphore_mem>>) {add = true}
      %dma_wait3A_97 = arith.constant 0 : i32
      %dma_wait3A_98 = arith.constant 0 : i32
      %dma_wait3A_99 = tpu.memref_slice %arg8[%dma_wait3A_97, %dma_wait3A_98] : memref<80x128xi32, #tpu.memory_space<vmem>> -> memref<1x128xi32, #tpu.memory_space<vmem>>
      %dma_wait3A_100 = tpu.memref_squeeze %dma_wait3A_99 : memref<1x128xi32, #tpu.memory_space<vmem>> -> memref<128xi32, #tpu.memory_space<vmem>>
      %dma_wait3A_101 = arith.constant 0 : i32
      %dma_wait3A_102 = arith.constant 0 : i32
      %dma_wait3A_103 = tpu.memref_slice %arg14[%dma_wait3A_101, %dma_wait3A_102] : memref<10112x32xf32, #tpu.memory_space<vmem_shared>> -> memref<10112x32xf32, #tpu.memory_space<vmem_shared>>
      tpu.wait_indirect_dma semaphore(%arg21 : memref<!tpu.dma_semaphore, #tpu.memory_space<semaphore_mem>>) src(%arg9 : memref<128x32xf32, #tpu.memory_space<vmem>>) dst(%dma_wait3A_103 : memref<10112x32xf32, #tpu.memory_space<vmem_shared>>)
      %dma_start3A_104 = arith.constant 4 : i32
      %dma_start3A_105 = arith.constant 0 : i32
      %dma_start3A_106 = tpu.memref_slice %arg7[%dma_start3A_104, %dma_start3A_105] : memref<80x128xi32, #tpu.memory_space<vmem>> -> memref<1x128xi32, #tpu.memory_space<vmem>>
      %dma_start3A_107 = tpu.memref_squeeze %dma_start3A_106 : memref<1x128xi32, #tpu.memory_space<vmem>> -> memref<128xi32, #tpu.memory_space<vmem>>
      %dma_start3A_108 = arith.constant 0 : i32
      %dma_start3A_109 = arith.constant 0 : i32
      %dma_start3A_110 = tpu.memref_slice %arg16[%dma_start3A_108, %dma_start3A_109] : memref<10112x32xf32, #tpu.memory_space<vmem_shared>> -> memref<10112x32xf32, #tpu.memory_space<vmem_shared>>
      tpu.enqueue_indirect_dma source(%dma_start3A_110 : memref<10112x32xf32, #tpu.memory_space<vmem_shared>>) target(%arg9 : memref<128x32xf32, #tpu.memory_space<vmem>>) offsets(%dma_start3A_107 : memref<128xi32, #tpu.memory_space<vmem>>) semaphore(%arg17 : memref<!tpu.dma_semaphore, #tpu.memory_space<semaphore_mem>>)
      %dma_wait3A_111 = arith.constant 2 : i32
      %dma_wait3A_112 = arith.constant 0 : i32
      %dma_wait3A_113 = tpu.memref_slice %arg7[%dma_wait3A_111, %dma_wait3A_112] : memref<80x128xi32, #tpu.memory_space<vmem>> -> memref<1x128xi32, #tpu.memory_space<vmem>>
      %dma_wait3A_114 = tpu.memref_squeeze %dma_wait3A_113 : memref<1x128xi32, #tpu.memory_space<vmem>> -> memref<128xi32, #tpu.memory_space<vmem>>
      %dma_wait3A_115 = arith.constant 0 : i32
      %dma_wait3A_116 = arith.constant 0 : i32
      %dma_wait3A_117 = tpu.memref_slice %arg16[%dma_wait3A_115, %dma_wait3A_116] : memref<10112x32xf32, #tpu.memory_space<vmem_shared>> -> memref<10112x32xf32, #tpu.memory_space<vmem_shared>>
      tpu.wait_indirect_dma semaphore(%arg19 : memref<!tpu.dma_semaphore, #tpu.memory_space<semaphore_mem>>) src(%dma_wait3A_117 : memref<10112x32xf32, #tpu.memory_space<vmem_shared>>) dst(%arg11 : memref<128x32xf32, #tpu.memory_space<vmem>>)
      %dma_start3A_118 = arith.constant 2 : i32
      %dma_start3A_119 = arith.constant 0 : i32
      %dma_start3A_120 = tpu.memref_slice %arg8[%dma_start3A_118, %dma_start3A_119] : memref<80x128xi32, #tpu.memory_space<vmem>> -> memref<1x128xi32, #tpu.memory_space<vmem>>
      %dma_start3A_121 = tpu.memref_squeeze %dma_start3A_120 : memref<1x128xi32, #tpu.memory_space<vmem>> -> memref<128xi32, #tpu.memory_space<vmem>>
      %dma_start3A_122 = arith.constant 0 : i32
      %dma_start3A_123 = arith.constant 0 : i32
      %dma_start3A_124 = tpu.memref_slice %arg14[%dma_start3A_122, %dma_start3A_123] : memref<10112x32xf32, #tpu.memory_space<vmem_shared>> -> memref<10112x32xf32, #tpu.memory_space<vmem_shared>>
      tpu.enqueue_indirect_dma source(%arg11 : memref<128x32xf32, #tpu.memory_space<vmem>>) target(%dma_start3A_124 : memref<10112x32xf32, #tpu.memory_space<vmem_shared>>) offsets(%dma_start3A_121 : memref<128xi32, #tpu.memory_space<vmem>>) semaphore(%arg23 : memref<!tpu.dma_semaphore, #tpu.memory_space<semaphore_mem>>) {add = true}
      %dma_wait3A_125 = arith.constant 1 : i32
      %dma_wait3A_126 = arith.constant 0 : i32
      %dma_wait3A_127 = tpu.memref_slice %arg8[%dma_wait3A_125, %dma_wait3A_126] : memref<80x128xi32, #tpu.memory_space<vmem>> -> memref<1x128xi32, #tpu.memory_space<vmem>>
      %dma_wait3A_128 = tpu.memref_squeeze %dma_wait3A_127 : memref<1x128xi32, #tpu.memory_space<vmem>> -> memref<128xi32, #tpu.memory_space<vmem>>
      %dma_wait3A_129 = arith.constant 0 : i32
      %dma_wait3A_130 = arith.constant 0 : i32
      %dma_wait3A_131 = tpu.memref_slice %arg14[%dma_wait3A_129, %dma_wait3A_130] : memref<10112x32xf32, #tpu.memory_space<vmem_shared>> -> memref<10112x32xf32, #tpu.memory_space<vmem_shared>>
      tpu.wait_indirect_dma semaphore(%arg22 : memref<!tpu.dma_semaphore, #tpu.memory_space<semaphore_mem>>) src(%arg10 : memref<128x32xf32, #tpu.memory_space<vmem>>) dst(%dma_wait3A_131 : memref<10112x32xf32, #tpu.memory_space<vmem_shared>>)
      %dma_start3A_132 = arith.constant 5 : i32
      %dma_start3A_133 = arith.constant 0 : i32
      %dma_start3A_134 = tpu.memref_slice %arg7[%dma_start3A_132, %dma_start3A_133] : memref<80x128xi32, #tpu.memory_space<vmem>> -> memref<1x128xi32, #tpu.memory_space<vmem>>
      %dma_start3A_135 = tpu.memref_squeeze %dma_start3A_134 : memref<1x128xi32, #tpu.memory_space<vmem>> -> memref<128xi32, #tpu.memory_space<vmem>>
      %dma_start3A_136 = arith.constant 0 : i32
      %dma_start3A_137 = arith.constant 0 : i32
      %dma_start3A_138 = tpu.memref_slice %arg16[%dma_start3A_136, %dma_start3A_137] : memref<10112x32xf32, #tpu.memory_space<vmem_shared>> -> memref<10112x32xf32, #tpu.memory_space<vmem_shared>>
      tpu.enqueue_indirect_dma source(%dma_start3A_138 : memref<10112x32xf32, #tpu.memory_space<vmem_shared>>) target(%arg10 : memref<128x32xf32, #tpu.memory_space<vmem>>) offsets(%dma_start3A_135 : memref<128xi32, #tpu.memory_space<vmem>>) semaphore(%arg18 : memref<!tpu.dma_semaphore, #tpu.memory_space<semaphore_mem>>)
      %dma_wait3A_139 = arith.constant 3 : i32
      %dma_wait3A_140 = arith.constant 0 : i32
      %dma_wait3A_141 = tpu.memref_slice %arg7[%dma_wait3A_139, %dma_wait3A_140] : memref<80x128xi32, #tpu.memory_space<vmem>> -> memref<1x128xi32, #tpu.memory_space<vmem>>
      %dma_wait3A_142 = tpu.memref_squeeze %dma_wait3A_141 : memref<1x128xi32, #tpu.memory_space<vmem>> -> memref<128xi32, #tpu.memory_space<vmem>>
      %dma_wait3A_143 = arith.constant 0 : i32
      %dma_wait3A_144 = arith.constant 0 : i32
      %dma_wait3A_145 = tpu.memref_slice %arg16[%dma_wait3A_143, %dma_wait3A_144] : memref<10112x32xf32, #tpu.memory_space<vmem_shared>> -> memref<10112x32xf32, #tpu.memory_space<vmem_shared>>
      tpu.wait_indirect_dma semaphore(%arg20 : memref<!tpu.dma_semaphore, #tpu.memory_space<semaphore_mem>>) src(%dma_wait3A_145 : memref<10112x32xf32, #tpu.memory_space<vmem_shared>>) dst(%arg12 : memref<128x32xf32, #tpu.memory_space<vmem>>)
      %dma_start3A_146 = arith.constant 3 : i32
      %dma_start3A_147 = arith.constant 0 : i32
      %dma_start3A_148 = tpu.memref_slice %arg8[%dma_start3A_146, %dma_start3A_147] : memref<80x128xi32, #tpu.memory_space<vmem>> -> memref<1x128xi32, #tpu.memory_space<vmem>>
      %dma_start3A_149 = tpu.memref_squeeze %dma_start3A_148 : memref<1x128xi32, #tpu.memory_space<vmem>> -> memref<128xi32, #tpu.memory_space<vmem>>
      %dma_start3A_150 = arith.constant 0 : i32
      %dma_start3A_151 = arith.constant 0 : i32
      %dma_start3A_152 = tpu.memref_slice %arg14[%dma_start3A_150, %dma_start3A_151] : memref<10112x32xf32, #tpu.memory_space<vmem_shared>> -> memref<10112x32xf32, #tpu.memory_space<vmem_shared>>
      tpu.enqueue_indirect_dma source(%arg12 : memref<128x32xf32, #tpu.memory_space<vmem>>) target(%dma_start3A_152 : memref<10112x32xf32, #tpu.memory_space<vmem_shared>>) offsets(%dma_start3A_149 : memref<128xi32, #tpu.memory_space<vmem>>) semaphore(%arg24 : memref<!tpu.dma_semaphore, #tpu.memory_space<semaphore_mem>>) {add = true}
      %scan3A = arith.constant 1 : i32
      %scan3A_153 = arith.constant 18 : i32
      %scan3A_154 = arith.addi %scan3A, %scan3A_153 : i32
      %scan3A_155 = arith.constant 1 : i32
      scf.for %scan3A_269 = %scan3A to %scan3A_154 step %scan3A_155  : i32 {
        %mul3A_270 = arith.constant 4 : i32
        %mul3A_271 = arith.muli %mul3A_270, %scan3A_269 : i32
        %add3A_272 = arith.constant 0 : i32
        %add3A_273 = arith.addi %mul3A_271, %add3A_272 : i32
        %sub3A = arith.constant 2 : i32
        %sub3A_274 = arith.subi %add3A_273, %sub3A : i32
        %dma_wait3A_275 = arith.constant 0 : i32
        %dma_wait3A_276 = tpu.memref_slice %arg8[%sub3A_274, %dma_wait3A_275] : memref<80x128xi32, #tpu.memory_space<vmem>> -> memref<1x128xi32, #tpu.memory_space<vmem>>
        %dma_wait3A_277 = tpu.memref_squeeze %dma_wait3A_276 : memref<1x128xi32, #tpu.memory_space<vmem>> -> memref<128xi32, #tpu.memory_space<vmem>>
        %dma_wait3A_278 = arith.constant 0 : i32
        %dma_wait3A_279 = arith.constant 0 : i32
        %dma_wait3A_280 = tpu.memref_slice %arg14[%dma_wait3A_278, %dma_wait3A_279] : memref<10112x32xf32, #tpu.memory_space<vmem_shared>> -> memref<10112x32xf32, #tpu.memory_space<vmem_shared>>
        tpu.wait_indirect_dma semaphore(%arg23 : memref<!tpu.dma_semaphore, #tpu.memory_space<semaphore_mem>>) src(%arg11 : memref<128x32xf32, #tpu.memory_space<vmem>>) dst(%dma_wait3A_280 : memref<10112x32xf32, #tpu.memory_space<vmem_shared>>)
        %add3A_281 = arith.constant 2 : i32
        %add3A_282 = arith.addi %add3A_273, %add3A_281 : i32
        %dma_start3A_283 = arith.constant 0 : i32
        %dma_start3A_284 = tpu.memref_slice %arg7[%add3A_282, %dma_start3A_283] : memref<80x128xi32, #tpu.memory_space<vmem>> -> memref<1x128xi32, #tpu.memory_space<vmem>>
        %dma_start3A_285 = tpu.memref_squeeze %dma_start3A_284 : memref<1x128xi32, #tpu.memory_space<vmem>> -> memref<128xi32, #tpu.memory_space<vmem>>
        %dma_start3A_286 = arith.constant 0 : i32
        %dma_start3A_287 = arith.constant 0 : i32
        %dma_start3A_288 = tpu.memref_slice %arg16[%dma_start3A_286, %dma_start3A_287] : memref<10112x32xf32, #tpu.memory_space<vmem_shared>> -> memref<10112x32xf32, #tpu.memory_space<vmem_shared>>
        tpu.enqueue_indirect_dma source(%dma_start3A_288 : memref<10112x32xf32, #tpu.memory_space<vmem_shared>>) target(%arg11 : memref<128x32xf32, #tpu.memory_space<vmem>>) offsets(%dma_start3A_285 : memref<128xi32, #tpu.memory_space<vmem>>) semaphore(%arg19 : memref<!tpu.dma_semaphore, #tpu.memory_space<semaphore_mem>>)
        %dma_wait3A_289 = arith.constant 0 : i32
        %dma_wait3A_290 = tpu.memref_slice %arg7[%add3A_273, %dma_wait3A_289] : memref<80x128xi32, #tpu.memory_space<vmem>> -> memref<1x128xi32, #tpu.memory_space<vmem>>
        %dma_wait3A_291 = tpu.memref_squeeze %dma_wait3A_290 : memref<1x128xi32, #tpu.memory_space<vmem>> -> memref<128xi32, #tpu.memory_space<vmem>>
        %dma_wait3A_292 = arith.constant 0 : i32
        %dma_wait3A_293 = arith.constant 0 : i32
        %dma_wait3A_294 = tpu.memref_slice %arg16[%dma_wait3A_292, %dma_wait3A_293] : memref<10112x32xf32, #tpu.memory_space<vmem_shared>> -> memref<10112x32xf32, #tpu.memory_space<vmem_shared>>
        tpu.wait_indirect_dma semaphore(%arg17 : memref<!tpu.dma_semaphore, #tpu.memory_space<semaphore_mem>>) src(%dma_wait3A_294 : memref<10112x32xf32, #tpu.memory_space<vmem_shared>>) dst(%arg9 : memref<128x32xf32, #tpu.memory_space<vmem>>)
        %dma_start3A_295 = arith.constant 0 : i32
        %dma_start3A_296 = tpu.memref_slice %arg8[%add3A_273, %dma_start3A_295] : memref<80x128xi32, #tpu.memory_space<vmem>> -> memref<1x128xi32, #tpu.memory_space<vmem>>
        %dma_start3A_297 = tpu.memref_squeeze %dma_start3A_296 : memref<1x128xi32, #tpu.memory_space<vmem>> -> memref<128xi32, #tpu.memory_space<vmem>>
        %dma_start3A_298 = arith.constant 0 : i32
        %dma_start3A_299 = arith.constant 0 : i32
        %dma_start3A_300 = tpu.memref_slice %arg14[%dma_start3A_298, %dma_start3A_299] : memref<10112x32xf32, #tpu.memory_space<vmem_shared>> -> memref<10112x32xf32, #tpu.memory_space<vmem_shared>>
        tpu.enqueue_indirect_dma source(%arg9 : memref<128x32xf32, #tpu.memory_space<vmem>>) target(%dma_start3A_300 : memref<10112x32xf32, #tpu.memory_space<vmem_shared>>) offsets(%dma_start3A_297 : memref<128xi32, #tpu.memory_space<vmem>>) semaphore(%arg21 : memref<!tpu.dma_semaphore, #tpu.memory_space<semaphore_mem>>) {add = true}
        %mul3A_301 = arith.constant 4 : i32
        %mul3A_302 = arith.muli %mul3A_301, %scan3A_269 : i32
        %add3A_303 = arith.constant 1 : i32
        %add3A_304 = arith.addi %mul3A_302, %add3A_303 : i32
        %sub3A_305 = arith.constant 2 : i32
        %sub3A_306 = arith.subi %add3A_304, %sub3A_305 : i32
        %dma_wait3A_307 = arith.constant 0 : i32
        %dma_wait3A_308 = tpu.memref_slice %arg8[%sub3A_306, %dma_wait3A_307] : memref<80x128xi32, #tpu.memory_space<vmem>> -> memref<1x128xi32, #tpu.memory_space<vmem>>
        %dma_wait3A_309 = tpu.memref_squeeze %dma_wait3A_308 : memref<1x128xi32, #tpu.memory_space<vmem>> -> memref<128xi32, #tpu.memory_space<vmem>>
        %dma_wait3A_310 = arith.constant 0 : i32
        %dma_wait3A_311 = arith.constant 0 : i32
        %dma_wait3A_312 = tpu.memref_slice %arg14[%dma_wait3A_310, %dma_wait3A_311] : memref<10112x32xf32, #tpu.memory_space<vmem_shared>> -> memref<10112x32xf32, #tpu.memory_space<vmem_shared>>
        tpu.wait_indirect_dma semaphore(%arg24 : memref<!tpu.dma_semaphore, #tpu.memory_space<semaphore_mem>>) src(%arg12 : memref<128x32xf32, #tpu.memory_space<vmem>>) dst(%dma_wait3A_312 : memref<10112x32xf32, #tpu.memory_space<vmem_shared>>)
        %add3A_313 = arith.constant 2 : i32
        %add3A_314 = arith.addi %add3A_304, %add3A_313 : i32
        %dma_start3A_315 = arith.constant 0 : i32
        %dma_start3A_316 = tpu.memref_slice %arg7[%add3A_314, %dma_start3A_315] : memref<80x128xi32, #tpu.memory_space<vmem>> -> memref<1x128xi32, #tpu.memory_space<vmem>>
        %dma_start3A_317 = tpu.memref_squeeze %dma_start3A_316 : memref<1x128xi32, #tpu.memory_space<vmem>> -> memref<128xi32, #tpu.memory_space<vmem>>
        %dma_start3A_318 = arith.constant 0 : i32
        %dma_start3A_319 = arith.constant 0 : i32
        %dma_start3A_320 = tpu.memref_slice %arg16[%dma_start3A_318, %dma_start3A_319] : memref<10112x32xf32, #tpu.memory_space<vmem_shared>> -> memref<10112x32xf32, #tpu.memory_space<vmem_shared>>
        tpu.enqueue_indirect_dma source(%dma_start3A_320 : memref<10112x32xf32, #tpu.memory_space<vmem_shared>>) target(%arg12 : memref<128x32xf32, #tpu.memory_space<vmem>>) offsets(%dma_start3A_317 : memref<128xi32, #tpu.memory_space<vmem>>) semaphore(%arg20 : memref<!tpu.dma_semaphore, #tpu.memory_space<semaphore_mem>>)
        %dma_wait3A_321 = arith.constant 0 : i32
        %dma_wait3A_322 = tpu.memref_slice %arg7[%add3A_304, %dma_wait3A_321] : memref<80x128xi32, #tpu.memory_space<vmem>> -> memref<1x128xi32, #tpu.memory_space<vmem>>
        %dma_wait3A_323 = tpu.memref_squeeze %dma_wait3A_322 : memref<1x128xi32, #tpu.memory_space<vmem>> -> memref<128xi32, #tpu.memory_space<vmem>>
        %dma_wait3A_324 = arith.constant 0 : i32
        %dma_wait3A_325 = arith.constant 0 : i32
        %dma_wait3A_326 = tpu.memref_slice %arg16[%dma_wait3A_324, %dma_wait3A_325] : memref<10112x32xf32, #tpu.memory_space<vmem_shared>> -> memref<10112x32xf32, #tpu.memory_space<vmem_shared>>
        tpu.wait_indirect_dma semaphore(%arg18 : memref<!tpu.dma_semaphore, #tpu.memory_space<semaphore_mem>>) src(%dma_wait3A_326 : memref<10112x32xf32, #tpu.memory_space<vmem_shared>>) dst(%arg10 : memref<128x32xf32, #tpu.memory_space<vmem>>)
        %dma_start3A_327 = arith.constant 0 : i32
        %dma_start3A_328 = tpu.memref_slice %arg8[%add3A_304, %dma_start3A_327] : memref<80x128xi32, #tpu.memory_space<vmem>> -> memref<1x128xi32, #tpu.memory_space<vmem>>
        %dma_start3A_329 = tpu.memref_squeeze %dma_start3A_328 : memref<1x128xi32, #tpu.memory_space<vmem>> -> memref<128xi32, #tpu.memory_space<vmem>>
        %dma_start3A_330 = arith.constant 0 : i32
        %dma_start3A_331 = arith.constant 0 : i32
        %dma_start3A_332 = tpu.memref_slice %arg14[%dma_start3A_330, %dma_start3A_331] : memref<10112x32xf32, #tpu.memory_space<vmem_shared>> -> memref<10112x32xf32, #tpu.memory_space<vmem_shared>>
        tpu.enqueue_indirect_dma source(%arg10 : memref<128x32xf32, #tpu.memory_space<vmem>>) target(%dma_start3A_332 : memref<10112x32xf32, #tpu.memory_space<vmem_shared>>) offsets(%dma_start3A_329 : memref<128xi32, #tpu.memory_space<vmem>>) semaphore(%arg22 : memref<!tpu.dma_semaphore, #tpu.memory_space<semaphore_mem>>) {add = true}
        %mul3A_333 = arith.constant 4 : i32
        %mul3A_334 = arith.muli %mul3A_333, %scan3A_269 : i32
        %add3A_335 = arith.constant 2 : i32
        %add3A_336 = arith.addi %mul3A_334, %add3A_335 : i32
        %sub3A_337 = arith.constant 2 : i32
        %sub3A_338 = arith.subi %add3A_336, %sub3A_337 : i32
        %dma_wait3A_339 = arith.constant 0 : i32
        %dma_wait3A_340 = tpu.memref_slice %arg8[%sub3A_338, %dma_wait3A_339] : memref<80x128xi32, #tpu.memory_space<vmem>> -> memref<1x128xi32, #tpu.memory_space<vmem>>
        %dma_wait3A_341 = tpu.memref_squeeze %dma_wait3A_340 : memref<1x128xi32, #tpu.memory_space<vmem>> -> memref<128xi32, #tpu.memory_space<vmem>>
        %dma_wait3A_342 = arith.constant 0 : i32
        %dma_wait3A_343 = arith.constant 0 : i32
        %dma_wait3A_344 = tpu.memref_slice %arg14[%dma_wait3A_342, %dma_wait3A_343] : memref<10112x32xf32, #tpu.memory_space<vmem_shared>> -> memref<10112x32xf32, #tpu.memory_space<vmem_shared>>
        tpu.wait_indirect_dma semaphore(%arg21 : memref<!tpu.dma_semaphore, #tpu.memory_space<semaphore_mem>>) src(%arg9 : memref<128x32xf32, #tpu.memory_space<vmem>>) dst(%dma_wait3A_344 : memref<10112x32xf32, #tpu.memory_space<vmem_shared>>)
        %add3A_345 = arith.constant 2 : i32
        %add3A_346 = arith.addi %add3A_336, %add3A_345 : i32
        %dma_start3A_347 = arith.constant 0 : i32
        %dma_start3A_348 = tpu.memref_slice %arg7[%add3A_346, %dma_start3A_347] : memref<80x128xi32, #tpu.memory_space<vmem>> -> memref<1x128xi32, #tpu.memory_space<vmem>>
        %dma_start3A_349 = tpu.memref_squeeze %dma_start3A_348 : memref<1x128xi32, #tpu.memory_space<vmem>> -> memref<128xi32, #tpu.memory_space<vmem>>
        %dma_start3A_350 = arith.constant 0 : i32
        %dma_start3A_351 = arith.constant 0 : i32
        %dma_start3A_352 = tpu.memref_slice %arg16[%dma_start3A_350, %dma_start3A_351] : memref<10112x32xf32, #tpu.memory_space<vmem_shared>> -> memref<10112x32xf32, #tpu.memory_space<vmem_shared>>
        tpu.enqueue_indirect_dma source(%dma_start3A_352 : memref<10112x32xf32, #tpu.memory_space<vmem_shared>>) target(%arg9 : memref<128x32xf32, #tpu.memory_space<vmem>>) offsets(%dma_start3A_349 : memref<128xi32, #tpu.memory_space<vmem>>) semaphore(%arg17 : memref<!tpu.dma_semaphore, #tpu.memory_space<semaphore_mem>>)
        %dma_wait3A_353 = arith.constant 0 : i32
        %dma_wait3A_354 = tpu.memref_slice %arg7[%add3A_336, %dma_wait3A_353] : memref<80x128xi32, #tpu.memory_space<vmem>> -> memref<1x128xi32, #tpu.memory_space<vmem>>
        %dma_wait3A_355 = tpu.memref_squeeze %dma_wait3A_354 : memref<1x128xi32, #tpu.memory_space<vmem>> -> memref<128xi32, #tpu.memory_space<vmem>>
        %dma_wait3A_356 = arith.constant 0 : i32
        %dma_wait3A_357 = arith.constant 0 : i32
        %dma_wait3A_358 = tpu.memref_slice %arg16[%dma_wait3A_356, %dma_wait3A_357] : memref<10112x32xf32, #tpu.memory_space<vmem_shared>> -> memref<10112x32xf32, #tpu.memory_space<vmem_shared>>
        tpu.wait_indirect_dma semaphore(%arg19 : memref<!tpu.dma_semaphore, #tpu.memory_space<semaphore_mem>>) src(%dma_wait3A_358 : memref<10112x32xf32, #tpu.memory_space<vmem_shared>>) dst(%arg11 : memref<128x32xf32, #tpu.memory_space<vmem>>)
        %dma_start3A_359 = arith.constant 0 : i32
        %dma_start3A_360 = tpu.memref_slice %arg8[%add3A_336, %dma_start3A_359] : memref<80x128xi32, #tpu.memory_space<vmem>> -> memref<1x128xi32, #tpu.memory_space<vmem>>
        %dma_start3A_361 = tpu.memref_squeeze %dma_start3A_360 : memref<1x128xi32, #tpu.memory_space<vmem>> -> memref<128xi32, #tpu.memory_space<vmem>>
        %dma_start3A_362 = arith.constant 0 : i32
        %dma_start3A_363 = arith.constant 0 : i32
        %dma_start3A_364 = tpu.memref_slice %arg14[%dma_start3A_362, %dma_start3A_363] : memref<10112x32xf32, #tpu.memory_space<vmem_shared>> -> memref<10112x32xf32, #tpu.memory_space<vmem_shared>>
        tpu.enqueue_indirect_dma source(%arg11 : memref<128x32xf32, #tpu.memory_space<vmem>>) target(%dma_start3A_364 : memref<10112x32xf32, #tpu.memory_space<vmem_shared>>) offsets(%dma_start3A_361 : memref<128xi32, #tpu.memory_space<vmem>>) semaphore(%arg23 : memref<!tpu.dma_semaphore, #tpu.memory_space<semaphore_mem>>) {add = true}
        %mul3A_365 = arith.constant 4 : i32
        %mul3A_366 = arith.muli %mul3A_365, %scan3A_269 : i32
        %add3A_367 = arith.constant 3 : i32
        %add3A_368 = arith.addi %mul3A_366, %add3A_367 : i32
        %sub3A_369 = arith.constant 2 : i32
        %sub3A_370 = arith.subi %add3A_368, %sub3A_369 : i32
        %dma_wait3A_371 = arith.constant 0 : i32
        %dma_wait3A_372 = tpu.memref_slice %arg8[%sub3A_370, %dma_wait3A_371] : memref<80x128xi32, #tpu.memory_space<vmem>> -> memref<1x128xi32, #tpu.memory_space<vmem>>
        %dma_wait3A_373 = tpu.memref_squeeze %dma_wait3A_372 : memref<1x128xi32, #tpu.memory_space<vmem>> -> memref<128xi32, #tpu.memory_space<vmem>>
        %dma_wait3A_374 = arith.constant 0 : i32
        %dma_wait3A_375 = arith.constant 0 : i32
        %dma_wait3A_376 = tpu.memref_slice %arg14[%dma_wait3A_374, %dma_wait3A_375] : memref<10112x32xf32, #tpu.memory_space<vmem_shared>> -> memref<10112x32xf32, #tpu.memory_space<vmem_shared>>
        tpu.wait_indirect_dma semaphore(%arg22 : memref<!tpu.dma_semaphore, #tpu.memory_space<semaphore_mem>>) src(%arg10 : memref<128x32xf32, #tpu.memory_space<vmem>>) dst(%dma_wait3A_376 : memref<10112x32xf32, #tpu.memory_space<vmem_shared>>)
        %add3A_377 = arith.constant 2 : i32
        %add3A_378 = arith.addi %add3A_368, %add3A_377 : i32
        %dma_start3A_379 = arith.constant 0 : i32
        %dma_start3A_380 = tpu.memref_slice %arg7[%add3A_378, %dma_start3A_379] : memref<80x128xi32, #tpu.memory_space<vmem>> -> memref<1x128xi32, #tpu.memory_space<vmem>>
        %dma_start3A_381 = tpu.memref_squeeze %dma_start3A_380 : memref<1x128xi32, #tpu.memory_space<vmem>> -> memref<128xi32, #tpu.memory_space<vmem>>
        %dma_start3A_382 = arith.constant 0 : i32
        %dma_start3A_383 = arith.constant 0 : i32
        %dma_start3A_384 = tpu.memref_slice %arg16[%dma_start3A_382, %dma_start3A_383] : memref<10112x32xf32, #tpu.memory_space<vmem_shared>> -> memref<10112x32xf32, #tpu.memory_space<vmem_shared>>
        tpu.enqueue_indirect_dma source(%dma_start3A_384 : memref<10112x32xf32, #tpu.memory_space<vmem_shared>>) target(%arg10 : memref<128x32xf32, #tpu.memory_space<vmem>>) offsets(%dma_start3A_381 : memref<128xi32, #tpu.memory_space<vmem>>) semaphore(%arg18 : memref<!tpu.dma_semaphore, #tpu.memory_space<semaphore_mem>>)
        %dma_wait3A_385 = arith.constant 0 : i32
        %dma_wait3A_386 = tpu.memref_slice %arg7[%add3A_368, %dma_wait3A_385] : memref<80x128xi32, #tpu.memory_space<vmem>> -> memref<1x128xi32, #tpu.memory_space<vmem>>
        %dma_wait3A_387 = tpu.memref_squeeze %dma_wait3A_386 : memref<1x128xi32, #tpu.memory_space<vmem>> -> memref<128xi32, #tpu.memory_space<vmem>>
        %dma_wait3A_388 = arith.constant 0 : i32
        %dma_wait3A_389 = arith.constant 0 : i32
        %dma_wait3A_390 = tpu.memref_slice %arg16[%dma_wait3A_388, %dma_wait3A_389] : memref<10112x32xf32, #tpu.memory_space<vmem_shared>> -> memref<10112x32xf32, #tpu.memory_space<vmem_shared>>
        tpu.wait_indirect_dma semaphore(%arg20 : memref<!tpu.dma_semaphore, #tpu.memory_space<semaphore_mem>>) src(%dma_wait3A_390 : memref<10112x32xf32, #tpu.memory_space<vmem_shared>>) dst(%arg12 : memref<128x32xf32, #tpu.memory_space<vmem>>)
        %dma_start3A_391 = arith.constant 0 : i32
        %dma_start3A_392 = tpu.memref_slice %arg8[%add3A_368, %dma_start3A_391] : memref<80x128xi32, #tpu.memory_space<vmem>> -> memref<1x128xi32, #tpu.memory_space<vmem>>
        %dma_start3A_393 = tpu.memref_squeeze %dma_start3A_392 : memref<1x128xi32, #tpu.memory_space<vmem>> -> memref<128xi32, #tpu.memory_space<vmem>>
        %dma_start3A_394 = arith.constant 0 : i32
        %dma_start3A_395 = arith.constant 0 : i32
        %dma_start3A_396 = tpu.memref_slice %arg14[%dma_start3A_394, %dma_start3A_395] : memref<10112x32xf32, #tpu.memory_space<vmem_shared>> -> memref<10112x32xf32, #tpu.memory_space<vmem_shared>>
        tpu.enqueue_indirect_dma source(%arg12 : memref<128x32xf32, #tpu.memory_space<vmem>>) target(%dma_start3A_396 : memref<10112x32xf32, #tpu.memory_space<vmem_shared>>) offsets(%dma_start3A_393 : memref<128xi32, #tpu.memory_space<vmem>>) semaphore(%arg24 : memref<!tpu.dma_semaphore, #tpu.memory_space<semaphore_mem>>) {add = true}
      }
      %scan3A_156 = arith.constant 18 : i32
      %dma_wait3A_157 = arith.constant 74 : i32
      %dma_wait3A_158 = arith.constant 0 : i32
      %dma_wait3A_159 = tpu.memref_slice %arg8[%dma_wait3A_157, %dma_wait3A_158] : memref<80x128xi32, #tpu.memory_space<vmem>> -> memref<1x128xi32, #tpu.memory_space<vmem>>
      %dma_wait3A_160 = tpu.memref_squeeze %dma_wait3A_159 : memref<1x128xi32, #tpu.memory_space<vmem>> -> memref<128xi32, #tpu.memory_space<vmem>>
      %dma_wait3A_161 = arith.constant 0 : i32
      %dma_wait3A_162 = arith.constant 0 : i32
      %dma_wait3A_163 = tpu.memref_slice %arg14[%dma_wait3A_161, %dma_wait3A_162] : memref<10112x32xf32, #tpu.memory_space<vmem_shared>> -> memref<10112x32xf32, #tpu.memory_space<vmem_shared>>
      tpu.wait_indirect_dma semaphore(%arg23 : memref<!tpu.dma_semaphore, #tpu.memory_space<semaphore_mem>>) src(%arg11 : memref<128x32xf32, #tpu.memory_space<vmem>>) dst(%dma_wait3A_163 : memref<10112x32xf32, #tpu.memory_space<vmem_shared>>)
      %dma_start3A_164 = arith.constant 78 : i32
      %dma_start3A_165 = arith.constant 0 : i32
      %dma_start3A_166 = tpu.memref_slice %arg7[%dma_start3A_164, %dma_start3A_165] : memref<80x128xi32, #tpu.memory_space<vmem>> -> memref<1x128xi32, #tpu.memory_space<vmem>>
      %dma_start3A_167 = tpu.memref_squeeze %dma_start3A_166 : memref<1x128xi32, #tpu.memory_space<vmem>> -> memref<128xi32, #tpu.memory_space<vmem>>
      %dma_start3A_168 = arith.constant 0 : i32
      %dma_start3A_169 = arith.constant 0 : i32
      %dma_start3A_170 = tpu.memref_slice %arg16[%dma_start3A_168, %dma_start3A_169] : memref<10112x32xf32, #tpu.memory_space<vmem_shared>> -> memref<10112x32xf32, #tpu.memory_space<vmem_shared>>
      tpu.enqueue_indirect_dma source(%dma_start3A_170 : memref<10112x32xf32, #tpu.memory_space<vmem_shared>>) target(%arg11 : memref<128x32xf32, #tpu.memory_space<vmem>>) offsets(%dma_start3A_167 : memref<128xi32, #tpu.memory_space<vmem>>) semaphore(%arg19 : memref<!tpu.dma_semaphore, #tpu.memory_space<semaphore_mem>>)
      %dma_wait3A_171 = arith.constant 76 : i32
      %dma_wait3A_172 = arith.constant 0 : i32
      %dma_wait3A_173 = tpu.memref_slice %arg7[%dma_wait3A_171, %dma_wait3A_172] : memref<80x128xi32, #tpu.memory_space<vmem>> -> memref<1x128xi32, #tpu.memory_space<vmem>>
      %dma_wait3A_174 = tpu.memref_squeeze %dma_wait3A_173 : memref<1x128xi32, #tpu.memory_space<vmem>> -> memref<128xi32, #tpu.memory_space<vmem>>
      %dma_wait3A_175 = arith.constant 0 : i32
      %dma_wait3A_176 = arith.constant 0 : i32
      %dma_wait3A_177 = tpu.memref_slice %arg16[%dma_wait3A_175, %dma_wait3A_176] : memref<10112x32xf32, #tpu.memory_space<vmem_shared>> -> memref<10112x32xf32, #tpu.memory_space<vmem_shared>>
      tpu.wait_indirect_dma semaphore(%arg17 : memref<!tpu.dma_semaphore, #tpu.memory_space<semaphore_mem>>) src(%dma_wait3A_177 : memref<10112x32xf32, #tpu.memory_space<vmem_shared>>) dst(%arg9 : memref<128x32xf32, #tpu.memory_space<vmem>>)
      %dma_start3A_178 = arith.constant 76 : i32
      %dma_start3A_179 = arith.constant 0 : i32
      %dma_start3A_180 = tpu.memref_slice %arg8[%dma_start3A_178, %dma_start3A_179] : memref<80x128xi32, #tpu.memory_space<vmem>> -> memref<1x128xi32, #tpu.memory_space<vmem>>
      %dma_start3A_181 = tpu.memref_squeeze %dma_start3A_180 : memref<1x128xi32, #tpu.memory_space<vmem>> -> memref<128xi32, #tpu.memory_space<vmem>>
      %dma_start3A_182 = arith.constant 0 : i32
      %dma_start3A_183 = arith.constant 0 : i32
      %dma_start3A_184 = tpu.memref_slice %arg14[%dma_start3A_182, %dma_start3A_183] : memref<10112x32xf32, #tpu.memory_space<vmem_shared>> -> memref<10112x32xf32, #tpu.memory_space<vmem_shared>>
      tpu.enqueue_indirect_dma source(%arg9 : memref<128x32xf32, #tpu.memory_space<vmem>>) target(%dma_start3A_184 : memref<10112x32xf32, #tpu.memory_space<vmem_shared>>) offsets(%dma_start3A_181 : memref<128xi32, #tpu.memory_space<vmem>>) semaphore(%arg21 : memref<!tpu.dma_semaphore, #tpu.memory_space<semaphore_mem>>) {add = true}
      %dma_wait3A_185 = arith.constant 75 : i32
      %dma_wait3A_186 = arith.constant 0 : i32
      %dma_wait3A_187 = tpu.memref_slice %arg8[%dma_wait3A_185, %dma_wait3A_186] : memref<80x128xi32, #tpu.memory_space<vmem>> -> memref<1x128xi32, #tpu.memory_space<vmem>>
      %dma_wait3A_188 = tpu.memref_squeeze %dma_wait3A_187 : memref<1x128xi32, #tpu.memory_space<vmem>> -> memref<128xi32, #tpu.memory_space<vmem>>
      %dma_wait3A_189 = arith.constant 0 : i32
      %dma_wait3A_190 = arith.constant 0 : i32
      %dma_wait3A_191 = tpu.memref_slice %arg14[%dma_wait3A_189, %dma_wait3A_190] : memref<10112x32xf32, #tpu.memory_space<vmem_shared>> -> memref<10112x32xf32, #tpu.memory_space<vmem_shared>>
      tpu.wait_indirect_dma semaphore(%arg24 : memref<!tpu.dma_semaphore, #tpu.memory_space<semaphore_mem>>) src(%arg12 : memref<128x32xf32, #tpu.memory_space<vmem>>) dst(%dma_wait3A_191 : memref<10112x32xf32, #tpu.memory_space<vmem_shared>>)
      %dma_start3A_192 = arith.constant 79 : i32
      %dma_start3A_193 = arith.constant 0 : i32
      %dma_start3A_194 = tpu.memref_slice %arg7[%dma_start3A_192, %dma_start3A_193] : memref<80x128xi32, #tpu.memory_space<vmem>> -> memref<1x128xi32, #tpu.memory_space<vmem>>
      %dma_start3A_195 = tpu.memref_squeeze %dma_start3A_194 : memref<1x128xi32, #tpu.memory_space<vmem>> -> memref<128xi32, #tpu.memory_space<vmem>>
      %dma_start3A_196 = arith.constant 0 : i32
      %dma_start3A_197 = arith.constant 0 : i32
      %dma_start3A_198 = tpu.memref_slice %arg16[%dma_start3A_196, %dma_start3A_197] : memref<10112x32xf32, #tpu.memory_space<vmem_shared>> -> memref<10112x32xf32, #tpu.memory_space<vmem_shared>>
      tpu.enqueue_indirect_dma source(%dma_start3A_198 : memref<10112x32xf32, #tpu.memory_space<vmem_shared>>) target(%arg12 : memref<128x32xf32, #tpu.memory_space<vmem>>) offsets(%dma_start3A_195 : memref<128xi32, #tpu.memory_space<vmem>>) semaphore(%arg20 : memref<!tpu.dma_semaphore, #tpu.memory_space<semaphore_mem>>)
      %dma_wait3A_199 = arith.constant 77 : i32
      %dma_wait3A_200 = arith.constant 0 : i32
      %dma_wait3A_201 = tpu.memref_slice %arg7[%dma_wait3A_199, %dma_wait3A_200] : memref<80x128xi32, #tpu.memory_space<vmem>> -> memref<1x128xi32, #tpu.memory_space<vmem>>
      %dma_wait3A_202 = tpu.memref_squeeze %dma_wait3A_201 : memref<1x128xi32, #tpu.memory_space<vmem>> -> memref<128xi32, #tpu.memory_space<vmem>>
      %dma_wait3A_203 = arith.constant 0 : i32
      %dma_wait3A_204 = arith.constant 0 : i32
      %dma_wait3A_205 = tpu.memref_slice %arg16[%dma_wait3A_203, %dma_wait3A_204] : memref<10112x32xf32, #tpu.memory_space<vmem_shared>> -> memref<10112x32xf32, #tpu.memory_space<vmem_shared>>
      tpu.wait_indirect_dma semaphore(%arg18 : memref<!tpu.dma_semaphore, #tpu.memory_space<semaphore_mem>>) src(%dma_wait3A_205 : memref<10112x32xf32, #tpu.memory_space<vmem_shared>>) dst(%arg10 : memref<128x32xf32, #tpu.memory_space<vmem>>)
      %dma_start3A_206 = arith.constant 77 : i32
      %dma_start3A_207 = arith.constant 0 : i32
      %dma_start3A_208 = tpu.memref_slice %arg8[%dma_start3A_206, %dma_start3A_207] : memref<80x128xi32, #tpu.memory_space<vmem>> -> memref<1x128xi32, #tpu.memory_space<vmem>>
      %dma_start3A_209 = tpu.memref_squeeze %dma_start3A_208 : memref<1x128xi32, #tpu.memory_space<vmem>> -> memref<128xi32, #tpu.memory_space<vmem>>
      %dma_start3A_210 = arith.constant 0 : i32
      %dma_start3A_211 = arith.constant 0 : i32
      %dma_start3A_212 = tpu.memref_slice %arg14[%dma_start3A_210, %dma_start3A_211] : memref<10112x32xf32, #tpu.memory_space<vmem_shared>> -> memref<10112x32xf32, #tpu.memory_space<vmem_shared>>
      tpu.enqueue_indirect_dma source(%arg10 : memref<128x32xf32, #tpu.memory_space<vmem>>) target(%dma_start3A_212 : memref<10112x32xf32, #tpu.memory_space<vmem_shared>>) offsets(%dma_start3A_209 : memref<128xi32, #tpu.memory_space<vmem>>) semaphore(%arg22 : memref<!tpu.dma_semaphore, #tpu.memory_space<semaphore_mem>>) {add = true}
      %dma_wait3A_213 = arith.constant 78 : i32
      %dma_wait3A_214 = arith.constant 0 : i32
      %dma_wait3A_215 = tpu.memref_slice %arg7[%dma_wait3A_213, %dma_wait3A_214] : memref<80x128xi32, #tpu.memory_space<vmem>> -> memref<1x128xi32, #tpu.memory_space<vmem>>
      %dma_wait3A_216 = tpu.memref_squeeze %dma_wait3A_215 : memref<1x128xi32, #tpu.memory_space<vmem>> -> memref<128xi32, #tpu.memory_space<vmem>>
      %dma_wait3A_217 = arith.constant 0 : i32
      %dma_wait3A_218 = arith.constant 0 : i32
      %dma_wait3A_219 = tpu.memref_slice %arg16[%dma_wait3A_217, %dma_wait3A_218] : memref<10112x32xf32, #tpu.memory_space<vmem_shared>> -> memref<10112x32xf32, #tpu.memory_space<vmem_shared>>
      tpu.wait_indirect_dma semaphore(%arg19 : memref<!tpu.dma_semaphore, #tpu.memory_space<semaphore_mem>>) src(%dma_wait3A_219 : memref<10112x32xf32, #tpu.memory_space<vmem_shared>>) dst(%arg11 : memref<128x32xf32, #tpu.memory_space<vmem>>)
      %dma_start3A_220 = arith.constant 78 : i32
      %dma_start3A_221 = arith.constant 0 : i32
      %dma_start3A_222 = tpu.memref_slice %arg8[%dma_start3A_220, %dma_start3A_221] : memref<80x128xi32, #tpu.memory_space<vmem>> -> memref<1x128xi32, #tpu.memory_space<vmem>>
      %dma_start3A_223 = tpu.memref_squeeze %dma_start3A_222 : memref<1x128xi32, #tpu.memory_space<vmem>> -> memref<128xi32, #tpu.memory_space<vmem>>
      %dma_start3A_224 = arith.constant 0 : i32
      %dma_start3A_225 = arith.constant 0 : i32
      %dma_start3A_226 = tpu.memref_slice %arg14[%dma_start3A_224, %dma_start3A_225] : memref<10112x32xf32, #tpu.memory_space<vmem_shared>> -> memref<10112x32xf32, #tpu.memory_space<vmem_shared>>
      tpu.enqueue_indirect_dma source(%arg11 : memref<128x32xf32, #tpu.memory_space<vmem>>) target(%dma_start3A_226 : memref<10112x32xf32, #tpu.memory_space<vmem_shared>>) offsets(%dma_start3A_223 : memref<128xi32, #tpu.memory_space<vmem>>) semaphore(%arg23 : memref<!tpu.dma_semaphore, #tpu.memory_space<semaphore_mem>>) {add = true}
      %dma_wait3A_227 = arith.constant 79 : i32
      %dma_wait3A_228 = arith.constant 0 : i32
      %dma_wait3A_229 = tpu.memref_slice %arg7[%dma_wait3A_227, %dma_wait3A_228] : memref<80x128xi32, #tpu.memory_space<vmem>> -> memref<1x128xi32, #tpu.memory_space<vmem>>
      %dma_wait3A_230 = tpu.memref_squeeze %dma_wait3A_229 : memref<1x128xi32, #tpu.memory_space<vmem>> -> memref<128xi32, #tpu.memory_space<vmem>>
      %dma_wait3A_231 = arith.constant 0 : i32
      %dma_wait3A_232 = arith.constant 0 : i32
      %dma_wait3A_233 = tpu.memref_slice %arg16[%dma_wait3A_231, %dma_wait3A_232] : memref<10112x32xf32, #tpu.memory_space<vmem_shared>> -> memref<10112x32xf32, #tpu.memory_space<vmem_shared>>
      tpu.wait_indirect_dma semaphore(%arg20 : memref<!tpu.dma_semaphore, #tpu.memory_space<semaphore_mem>>) src(%dma_wait3A_233 : memref<10112x32xf32, #tpu.memory_space<vmem_shared>>) dst(%arg12 : memref<128x32xf32, #tpu.memory_space<vmem>>)
      %dma_start3A_234 = arith.constant 79 : i32
      %dma_start3A_235 = arith.constant 0 : i32
      %dma_start3A_236 = tpu.memref_slice %arg8[%dma_start3A_234, %dma_start3A_235] : memref<80x128xi32, #tpu.memory_space<vmem>> -> memref<1x128xi32, #tpu.memory_space<vmem>>
      %dma_start3A_237 = tpu.memref_squeeze %dma_start3A_236 : memref<1x128xi32, #tpu.memory_space<vmem>> -> memref<128xi32, #tpu.memory_space<vmem>>
      %dma_start3A_238 = arith.constant 0 : i32
      %dma_start3A_239 = arith.constant 0 : i32
      %dma_start3A_240 = tpu.memref_slice %arg14[%dma_start3A_238, %dma_start3A_239] : memref<10112x32xf32, #tpu.memory_space<vmem_shared>> -> memref<10112x32xf32, #tpu.memory_space<vmem_shared>>
      tpu.enqueue_indirect_dma source(%arg12 : memref<128x32xf32, #tpu.memory_space<vmem>>) target(%dma_start3A_240 : memref<10112x32xf32, #tpu.memory_space<vmem_shared>>) offsets(%dma_start3A_237 : memref<128xi32, #tpu.memory_space<vmem>>) semaphore(%arg24 : memref<!tpu.dma_semaphore, #tpu.memory_space<semaphore_mem>>) {add = true}
      %dma_wait3A_241 = arith.constant 76 : i32
      %dma_wait3A_242 = arith.constant 0 : i32
      %dma_wait3A_243 = tpu.memref_slice %arg8[%dma_wait3A_241, %dma_wait3A_242] : memref<80x128xi32, #tpu.memory_space<vmem>> -> memref<1x128xi32, #tpu.memory_space<vmem>>
      %dma_wait3A_244 = tpu.memref_squeeze %dma_wait3A_243 : memref<1x128xi32, #tpu.memory_space<vmem>> -> memref<128xi32, #tpu.memory_space<vmem>>
      %dma_wait3A_245 = arith.constant 0 : i32
      %dma_wait3A_246 = arith.constant 0 : i32
      %dma_wait3A_247 = tpu.memref_slice %arg14[%dma_wait3A_245, %dma_wait3A_246] : memref<10112x32xf32, #tpu.memory_space<vmem_shared>> -> memref<10112x32xf32, #tpu.memory_space<vmem_shared>>
      tpu.wait_indirect_dma semaphore(%arg21 : memref<!tpu.dma_semaphore, #tpu.memory_space<semaphore_mem>>) src(%arg9 : memref<128x32xf32, #tpu.memory_space<vmem>>) dst(%dma_wait3A_247 : memref<10112x32xf32, #tpu.memory_space<vmem_shared>>)
      %dma_wait3A_248 = arith.constant 77 : i32
      %dma_wait3A_249 = arith.constant 0 : i32
      %dma_wait3A_250 = tpu.memref_slice %arg8[%dma_wait3A_248, %dma_wait3A_249] : memref<80x128xi32, #tpu.memory_space<vmem>> -> memref<1x128xi32, #tpu.memory_space<vmem>>
      %dma_wait3A_251 = tpu.memref_squeeze %dma_wait3A_250 : memref<1x128xi32, #tpu.memory_space<vmem>> -> memref<128xi32, #tpu.memory_space<vmem>>
      %dma_wait3A_252 = arith.constant 0 : i32
      %dma_wait3A_253 = arith.constant 0 : i32
      %dma_wait3A_254 = tpu.memref_slice %arg14[%dma_wait3A_252, %dma_wait3A_253] : memref<10112x32xf32, #tpu.memory_space<vmem_shared>> -> memref<10112x32xf32, #tpu.memory_space<vmem_shared>>
      tpu.wait_indirect_dma semaphore(%arg22 : memref<!tpu.dma_semaphore, #tpu.memory_space<semaphore_mem>>) src(%arg10 : memref<128x32xf32, #tpu.memory_space<vmem>>) dst(%dma_wait3A_254 : memref<10112x32xf32, #tpu.memory_space<vmem_shared>>)
      %dma_wait3A_255 = arith.constant 78 : i32
      %dma_wait3A_256 = arith.constant 0 : i32
      %dma_wait3A_257 = tpu.memref_slice %arg8[%dma_wait3A_255, %dma_wait3A_256] : memref<80x128xi32, #tpu.memory_space<vmem>> -> memref<1x128xi32, #tpu.memory_space<vmem>>
      %dma_wait3A_258 = tpu.memref_squeeze %dma_wait3A_257 : memref<1x128xi32, #tpu.memory_space<vmem>> -> memref<128xi32, #tpu.memory_space<vmem>>
      %dma_wait3A_259 = arith.constant 0 : i32
      %dma_wait3A_260 = arith.constant 0 : i32
      %dma_wait3A_261 = tpu.memref_slice %arg14[%dma_wait3A_259, %dma_wait3A_260] : memref<10112x32xf32, #tpu.memory_space<vmem_shared>> -> memref<10112x32xf32, #tpu.memory_space<vmem_shared>>
      tpu.wait_indirect_dma semaphore(%arg23 : memref<!tpu.dma_semaphore, #tpu.memory_space<semaphore_mem>>) src(%arg11 : memref<128x32xf32, #tpu.memory_space<vmem>>) dst(%dma_wait3A_261 : memref<10112x32xf32, #tpu.memory_space<vmem_shared>>)
      %dma_wait3A_262 = arith.constant 79 : i32
      %dma_wait3A_263 = arith.constant 0 : i32
      %dma_wait3A_264 = tpu.memref_slice %arg8[%dma_wait3A_262, %dma_wait3A_263] : memref<80x128xi32, #tpu.memory_space<vmem>> -> memref<1x128xi32, #tpu.memory_space<vmem>>
      %dma_wait3A_265 = tpu.memref_squeeze %dma_wait3A_264 : memref<1x128xi32, #tpu.memory_space<vmem>> -> memref<128xi32, #tpu.memory_space<vmem>>
      %dma_wait3A_266 = arith.constant 0 : i32
      %dma_wait3A_267 = arith.constant 0 : i32
      %dma_wait3A_268 = tpu.memref_slice %arg14[%dma_wait3A_266, %dma_wait3A_267] : memref<10112x32xf32, #tpu.memory_space<vmem_shared>> -> memref<10112x32xf32, #tpu.memory_space<vmem_shared>>
      tpu.wait_indirect_dma semaphore(%arg24 : memref<!tpu.dma_semaphore, #tpu.memory_space<semaphore_mem>>) src(%arg12 : memref<128x32xf32, #tpu.memory_space<vmem>>) dst(%dma_wait3A_268 : memref<10112x32xf32, #tpu.memory_space<vmem_shared>>)
    } else {
    }
    %jit3A_15 = arith.constant 2 : i32
    %eq3A_16 = arith.constant 0 : i32
    %eq3A_17 = arith.cmpi eq, %jit3A_15, %eq3A_16 : i32
    %jit3A_18 = arith.constant 1 : i32
    %select_n3A_19 = arith.select %eq3A_17, %jit3A_18, %jit3A_15 : i32
    %rem3A_20 = arith.remsi %arg1, %select_n3A_19 : i32
    %ne3A_21 = arith.constant 0 : i32
    %ne3A_22 = arith.cmpi ne, %rem3A_20, %ne3A_21 : i32
    %lt3A_23 = arith.constant 0 : i32
    %lt3A_24 = arith.cmpi slt, %rem3A_20, %lt3A_23 : i32
    %lt3A_25 = arith.constant 0 : i32
    %lt3A_26 = arith.cmpi slt, %select_n3A_19, %lt3A_25 : i32
    %ne3A_27 = arith.xori %lt3A_24, %lt3A_26 : i1
    %and3A_28 = arith.andi %ne3A_27, %ne3A_22 : i1
    %add3A_29 = arith.addi %rem3A_20, %select_n3A_19 : i32
    %select_n3A_30 = arith.select %and3A_28, %add3A_29, %rem3A_20 : i32
    %eq3A_31 = arith.constant 1 : i32
    %eq3A_32 = arith.cmpi eq, %select_n3A_30, %eq3A_31 : i32
    %convert_element_type3A_33 = arith.extui %eq3A_32 : i1 to i32
    %cond3A_34 = arith.constant 0 : i32
    %cond3A_35 = arith.cmpi ne, %convert_element_type3A_33, %cond3A_34 : i32
    scf.if %cond3A_35 {
      %dma_start3A = arith.constant 0 : i32
      %dma_start3A_43 = arith.constant 0 : i32
      %dma_start3A_44 = tpu.memref_slice %arg7[%dma_start3A, %dma_start3A_43] : memref<80x128xi32, #tpu.memory_space<vmem>> -> memref<1x128xi32, #tpu.memory_space<vmem>>
      %dma_start3A_45 = tpu.memref_squeeze %dma_start3A_44 : memref<1x128xi32, #tpu.memory_space<vmem>> -> memref<128xi32, #tpu.memory_space<vmem>>
      %dma_start3A_46 = arith.constant 0 : i32
      %dma_start3A_47 = arith.constant 0 : i32
      %dma_start3A_48 = tpu.memref_slice %arg16[%dma_start3A_46, %dma_start3A_47] : memref<10112x32xf32, #tpu.memory_space<vmem_shared>> -> memref<10112x32xf32, #tpu.memory_space<vmem_shared>>
      tpu.enqueue_indirect_dma source(%dma_start3A_48 : memref<10112x32xf32, #tpu.memory_space<vmem_shared>>) target(%arg9 : memref<128x32xf32, #tpu.memory_space<vmem>>) offsets(%dma_start3A_45 : memref<128xi32, #tpu.memory_space<vmem>>) semaphore(%arg17 : memref<!tpu.dma_semaphore, #tpu.memory_space<semaphore_mem>>)
      %dma_start3A_49 = arith.constant 1 : i32
      %dma_start3A_50 = arith.constant 0 : i32
      %dma_start3A_51 = tpu.memref_slice %arg7[%dma_start3A_49, %dma_start3A_50] : memref<80x128xi32, #tpu.memory_space<vmem>> -> memref<1x128xi32, #tpu.memory_space<vmem>>
      %dma_start3A_52 = tpu.memref_squeeze %dma_start3A_51 : memref<1x128xi32, #tpu.memory_space<vmem>> -> memref<128xi32, #tpu.memory_space<vmem>>
      %dma_start3A_53 = arith.constant 0 : i32
      %dma_start3A_54 = arith.constant 0 : i32
      %dma_start3A_55 = tpu.memref_slice %arg16[%dma_start3A_53, %dma_start3A_54] : memref<10112x32xf32, #tpu.memory_space<vmem_shared>> -> memref<10112x32xf32, #tpu.memory_space<vmem_shared>>
      tpu.enqueue_indirect_dma source(%dma_start3A_55 : memref<10112x32xf32, #tpu.memory_space<vmem_shared>>) target(%arg10 : memref<128x32xf32, #tpu.memory_space<vmem>>) offsets(%dma_start3A_52 : memref<128xi32, #tpu.memory_space<vmem>>) semaphore(%arg18 : memref<!tpu.dma_semaphore, #tpu.memory_space<semaphore_mem>>)
      %dma_start3A_56 = arith.constant 2 : i32
      %dma_start3A_57 = arith.constant 0 : i32
      %dma_start3A_58 = tpu.memref_slice %arg7[%dma_start3A_56, %dma_start3A_57] : memref<80x128xi32, #tpu.memory_space<vmem>> -> memref<1x128xi32, #tpu.memory_space<vmem>>
      %dma_start3A_59 = tpu.memref_squeeze %dma_start3A_58 : memref<1x128xi32, #tpu.memory_space<vmem>> -> memref<128xi32, #tpu.memory_space<vmem>>
      %dma_start3A_60 = arith.constant 0 : i32
      %dma_start3A_61 = arith.constant 0 : i32
      %dma_start3A_62 = tpu.memref_slice %arg16[%dma_start3A_60, %dma_start3A_61] : memref<10112x32xf32, #tpu.memory_space<vmem_shared>> -> memref<10112x32xf32, #tpu.memory_space<vmem_shared>>
      tpu.enqueue_indirect_dma source(%dma_start3A_62 : memref<10112x32xf32, #tpu.memory_space<vmem_shared>>) target(%arg11 : memref<128x32xf32, #tpu.memory_space<vmem>>) offsets(%dma_start3A_59 : memref<128xi32, #tpu.memory_space<vmem>>) semaphore(%arg19 : memref<!tpu.dma_semaphore, #tpu.memory_space<semaphore_mem>>)
      %dma_wait3A = arith.constant 0 : i32
      %dma_wait3A_63 = arith.constant 0 : i32
      %dma_wait3A_64 = tpu.memref_slice %arg7[%dma_wait3A, %dma_wait3A_63] : memref<80x128xi32, #tpu.memory_space<vmem>> -> memref<1x128xi32, #tpu.memory_space<vmem>>
      %dma_wait3A_65 = tpu.memref_squeeze %dma_wait3A_64 : memref<1x128xi32, #tpu.memory_space<vmem>> -> memref<128xi32, #tpu.memory_space<vmem>>
      %dma_wait3A_66 = arith.constant 0 : i32
      %dma_wait3A_67 = arith.constant 0 : i32
      %dma_wait3A_68 = tpu.memref_slice %arg16[%dma_wait3A_66, %dma_wait3A_67] : memref<10112x32xf32, #tpu.memory_space<vmem_shared>> -> memref<10112x32xf32, #tpu.memory_space<vmem_shared>>
      tpu.wait_indirect_dma semaphore(%arg17 : memref<!tpu.dma_semaphore, #tpu.memory_space<semaphore_mem>>) src(%dma_wait3A_68 : memref<10112x32xf32, #tpu.memory_space<vmem_shared>>) dst(%arg9 : memref<128x32xf32, #tpu.memory_space<vmem>>)
      %dma_start3A_69 = arith.constant 0 : i32
      %dma_start3A_70 = arith.constant 0 : i32
      %dma_start3A_71 = tpu.memref_slice %arg8[%dma_start3A_69, %dma_start3A_70] : memref<80x128xi32, #tpu.memory_space<vmem>> -> memref<1x128xi32, #tpu.memory_space<vmem>>
      %dma_start3A_72 = tpu.memref_squeeze %dma_start3A_71 : memref<1x128xi32, #tpu.memory_space<vmem>> -> memref<128xi32, #tpu.memory_space<vmem>>
      %dma_start3A_73 = arith.constant 0 : i32
      %dma_start3A_74 = arith.constant 0 : i32
      %dma_start3A_75 = tpu.memref_slice %arg15[%dma_start3A_73, %dma_start3A_74] : memref<10112x32xf32, #tpu.memory_space<vmem_shared>> -> memref<10112x32xf32, #tpu.memory_space<vmem_shared>>
      tpu.enqueue_indirect_dma source(%arg9 : memref<128x32xf32, #tpu.memory_space<vmem>>) target(%dma_start3A_75 : memref<10112x32xf32, #tpu.memory_space<vmem_shared>>) offsets(%dma_start3A_72 : memref<128xi32, #tpu.memory_space<vmem>>) semaphore(%arg21 : memref<!tpu.dma_semaphore, #tpu.memory_space<semaphore_mem>>) {add = true}
      %dma_start3A_76 = arith.constant 3 : i32
      %dma_start3A_77 = arith.constant 0 : i32
      %dma_start3A_78 = tpu.memref_slice %arg7[%dma_start3A_76, %dma_start3A_77] : memref<80x128xi32, #tpu.memory_space<vmem>> -> memref<1x128xi32, #tpu.memory_space<vmem>>
      %dma_start3A_79 = tpu.memref_squeeze %dma_start3A_78 : memref<1x128xi32, #tpu.memory_space<vmem>> -> memref<128xi32, #tpu.memory_space<vmem>>
      %dma_start3A_80 = arith.constant 0 : i32
      %dma_start3A_81 = arith.constant 0 : i32
      %dma_start3A_82 = tpu.memref_slice %arg16[%dma_start3A_80, %dma_start3A_81] : memref<10112x32xf32, #tpu.memory_space<vmem_shared>> -> memref<10112x32xf32, #tpu.memory_space<vmem_shared>>
      tpu.enqueue_indirect_dma source(%dma_start3A_82 : memref<10112x32xf32, #tpu.memory_space<vmem_shared>>) target(%arg12 : memref<128x32xf32, #tpu.memory_space<vmem>>) offsets(%dma_start3A_79 : memref<128xi32, #tpu.memory_space<vmem>>) semaphore(%arg20 : memref<!tpu.dma_semaphore, #tpu.memory_space<semaphore_mem>>)
      %dma_wait3A_83 = arith.constant 1 : i32
      %dma_wait3A_84 = arith.constant 0 : i32
      %dma_wait3A_85 = tpu.memref_slice %arg7[%dma_wait3A_83, %dma_wait3A_84] : memref<80x128xi32, #tpu.memory_space<vmem>> -> memref<1x128xi32, #tpu.memory_space<vmem>>
      %dma_wait3A_86 = tpu.memref_squeeze %dma_wait3A_85 : memref<1x128xi32, #tpu.memory_space<vmem>> -> memref<128xi32, #tpu.memory_space<vmem>>
      %dma_wait3A_87 = arith.constant 0 : i32
      %dma_wait3A_88 = arith.constant 0 : i32
      %dma_wait3A_89 = tpu.memref_slice %arg16[%dma_wait3A_87, %dma_wait3A_88] : memref<10112x32xf32, #tpu.memory_space<vmem_shared>> -> memref<10112x32xf32, #tpu.memory_space<vmem_shared>>
      tpu.wait_indirect_dma semaphore(%arg18 : memref<!tpu.dma_semaphore, #tpu.memory_space<semaphore_mem>>) src(%dma_wait3A_89 : memref<10112x32xf32, #tpu.memory_space<vmem_shared>>) dst(%arg10 : memref<128x32xf32, #tpu.memory_space<vmem>>)
      %dma_start3A_90 = arith.constant 1 : i32
      %dma_start3A_91 = arith.constant 0 : i32
      %dma_start3A_92 = tpu.memref_slice %arg8[%dma_start3A_90, %dma_start3A_91] : memref<80x128xi32, #tpu.memory_space<vmem>> -> memref<1x128xi32, #tpu.memory_space<vmem>>
      %dma_start3A_93 = tpu.memref_squeeze %dma_start3A_92 : memref<1x128xi32, #tpu.memory_space<vmem>> -> memref<128xi32, #tpu.memory_space<vmem>>
      %dma_start3A_94 = arith.constant 0 : i32
      %dma_start3A_95 = arith.constant 0 : i32
      %dma_start3A_96 = tpu.memref_slice %arg15[%dma_start3A_94, %dma_start3A_95] : memref<10112x32xf32, #tpu.memory_space<vmem_shared>> -> memref<10112x32xf32, #tpu.memory_space<vmem_shared>>
      tpu.enqueue_indirect_dma source(%arg10 : memref<128x32xf32, #tpu.memory_space<vmem>>) target(%dma_start3A_96 : memref<10112x32xf32, #tpu.memory_space<vmem_shared>>) offsets(%dma_start3A_93 : memref<128xi32, #tpu.memory_space<vmem>>) semaphore(%arg22 : memref<!tpu.dma_semaphore, #tpu.memory_space<semaphore_mem>>) {add = true}
      %dma_wait3A_97 = arith.constant 0 : i32
      %dma_wait3A_98 = arith.constant 0 : i32
      %dma_wait3A_99 = tpu.memref_slice %arg8[%dma_wait3A_97, %dma_wait3A_98] : memref<80x128xi32, #tpu.memory_space<vmem>> -> memref<1x128xi32, #tpu.memory_space<vmem>>
      %dma_wait3A_100 = tpu.memref_squeeze %dma_wait3A_99 : memref<1x128xi32, #tpu.memory_space<vmem>> -> memref<128xi32, #tpu.memory_space<vmem>>
      %dma_wait3A_101 = arith.constant 0 : i32
      %dma_wait3A_102 = arith.constant 0 : i32
      %dma_wait3A_103 = tpu.memref_slice %arg15[%dma_wait3A_101, %dma_wait3A_102] : memref<10112x32xf32, #tpu.memory_space<vmem_shared>> -> memref<10112x32xf32, #tpu.memory_space<vmem_shared>>
      tpu.wait_indirect_dma semaphore(%arg21 : memref<!tpu.dma_semaphore, #tpu.memory_space<semaphore_mem>>) src(%arg9 : memref<128x32xf32, #tpu.memory_space<vmem>>) dst(%dma_wait3A_103 : memref<10112x32xf32, #tpu.memory_space<vmem_shared>>)
      %dma_start3A_104 = arith.constant 4 : i32
      %dma_start3A_105 = arith.constant 0 : i32
      %dma_start3A_106 = tpu.memref_slice %arg7[%dma_start3A_104, %dma_start3A_105] : memref<80x128xi32, #tpu.memory_space<vmem>> -> memref<1x128xi32, #tpu.memory_space<vmem>>
      %dma_start3A_107 = tpu.memref_squeeze %dma_start3A_106 : memref<1x128xi32, #tpu.memory_space<vmem>> -> memref<128xi32, #tpu.memory_space<vmem>>
      %dma_start3A_108 = arith.constant 0 : i32
      %dma_start3A_109 = arith.constant 0 : i32
      %dma_start3A_110 = tpu.memref_slice %arg16[%dma_start3A_108, %dma_start3A_109] : memref<10112x32xf32, #tpu.memory_space<vmem_shared>> -> memref<10112x32xf32, #tpu.memory_space<vmem_shared>>
      tpu.enqueue_indirect_dma source(%dma_start3A_110 : memref<10112x32xf32, #tpu.memory_space<vmem_shared>>) target(%arg9 : memref<128x32xf32, #tpu.memory_space<vmem>>) offsets(%dma_start3A_107 : memref<128xi32, #tpu.memory_space<vmem>>) semaphore(%arg17 : memref<!tpu.dma_semaphore, #tpu.memory_space<semaphore_mem>>)
      %dma_wait3A_111 = arith.constant 2 : i32
      %dma_wait3A_112 = arith.constant 0 : i32
      %dma_wait3A_113 = tpu.memref_slice %arg7[%dma_wait3A_111, %dma_wait3A_112] : memref<80x128xi32, #tpu.memory_space<vmem>> -> memref<1x128xi32, #tpu.memory_space<vmem>>
      %dma_wait3A_114 = tpu.memref_squeeze %dma_wait3A_113 : memref<1x128xi32, #tpu.memory_space<vmem>> -> memref<128xi32, #tpu.memory_space<vmem>>
      %dma_wait3A_115 = arith.constant 0 : i32
      %dma_wait3A_116 = arith.constant 0 : i32
      %dma_wait3A_117 = tpu.memref_slice %arg16[%dma_wait3A_115, %dma_wait3A_116] : memref<10112x32xf32, #tpu.memory_space<vmem_shared>> -> memref<10112x32xf32, #tpu.memory_space<vmem_shared>>
      tpu.wait_indirect_dma semaphore(%arg19 : memref<!tpu.dma_semaphore, #tpu.memory_space<semaphore_mem>>) src(%dma_wait3A_117 : memref<10112x32xf32, #tpu.memory_space<vmem_shared>>) dst(%arg11 : memref<128x32xf32, #tpu.memory_space<vmem>>)
      %dma_start3A_118 = arith.constant 2 : i32
      %dma_start3A_119 = arith.constant 0 : i32
      %dma_start3A_120 = tpu.memref_slice %arg8[%dma_start3A_118, %dma_start3A_119] : memref<80x128xi32, #tpu.memory_space<vmem>> -> memref<1x128xi32, #tpu.memory_space<vmem>>
      %dma_start3A_121 = tpu.memref_squeeze %dma_start3A_120 : memref<1x128xi32, #tpu.memory_space<vmem>> -> memref<128xi32, #tpu.memory_space<vmem>>
      %dma_start3A_122 = arith.constant 0 : i32
      %dma_start3A_123 = arith.constant 0 : i32
      %dma_start3A_124 = tpu.memref_slice %arg15[%dma_start3A_122, %dma_start3A_123] : memref<10112x32xf32, #tpu.memory_space<vmem_shared>> -> memref<10112x32xf32, #tpu.memory_space<vmem_shared>>
      tpu.enqueue_indirect_dma source(%arg11 : memref<128x32xf32, #tpu.memory_space<vmem>>) target(%dma_start3A_124 : memref<10112x32xf32, #tpu.memory_space<vmem_shared>>) offsets(%dma_start3A_121 : memref<128xi32, #tpu.memory_space<vmem>>) semaphore(%arg23 : memref<!tpu.dma_semaphore, #tpu.memory_space<semaphore_mem>>) {add = true}
      %dma_wait3A_125 = arith.constant 1 : i32
      %dma_wait3A_126 = arith.constant 0 : i32
      %dma_wait3A_127 = tpu.memref_slice %arg8[%dma_wait3A_125, %dma_wait3A_126] : memref<80x128xi32, #tpu.memory_space<vmem>> -> memref<1x128xi32, #tpu.memory_space<vmem>>
      %dma_wait3A_128 = tpu.memref_squeeze %dma_wait3A_127 : memref<1x128xi32, #tpu.memory_space<vmem>> -> memref<128xi32, #tpu.memory_space<vmem>>
      %dma_wait3A_129 = arith.constant 0 : i32
      %dma_wait3A_130 = arith.constant 0 : i32
      %dma_wait3A_131 = tpu.memref_slice %arg15[%dma_wait3A_129, %dma_wait3A_130] : memref<10112x32xf32, #tpu.memory_space<vmem_shared>> -> memref<10112x32xf32, #tpu.memory_space<vmem_shared>>
      tpu.wait_indirect_dma semaphore(%arg22 : memref<!tpu.dma_semaphore, #tpu.memory_space<semaphore_mem>>) src(%arg10 : memref<128x32xf32, #tpu.memory_space<vmem>>) dst(%dma_wait3A_131 : memref<10112x32xf32, #tpu.memory_space<vmem_shared>>)
      %dma_start3A_132 = arith.constant 5 : i32
      %dma_start3A_133 = arith.constant 0 : i32
      %dma_start3A_134 = tpu.memref_slice %arg7[%dma_start3A_132, %dma_start3A_133] : memref<80x128xi32, #tpu.memory_space<vmem>> -> memref<1x128xi32, #tpu.memory_space<vmem>>
      %dma_start3A_135 = tpu.memref_squeeze %dma_start3A_134 : memref<1x128xi32, #tpu.memory_space<vmem>> -> memref<128xi32, #tpu.memory_space<vmem>>
      %dma_start3A_136 = arith.constant 0 : i32
      %dma_start3A_137 = arith.constant 0 : i32
      %dma_start3A_138 = tpu.memref_slice %arg16[%dma_start3A_136, %dma_start3A_137] : memref<10112x32xf32, #tpu.memory_space<vmem_shared>> -> memref<10112x32xf32, #tpu.memory_space<vmem_shared>>
      tpu.enqueue_indirect_dma source(%dma_start3A_138 : memref<10112x32xf32, #tpu.memory_space<vmem_shared>>) target(%arg10 : memref<128x32xf32, #tpu.memory_space<vmem>>) offsets(%dma_start3A_135 : memref<128xi32, #tpu.memory_space<vmem>>) semaphore(%arg18 : memref<!tpu.dma_semaphore, #tpu.memory_space<semaphore_mem>>)
      %dma_wait3A_139 = arith.constant 3 : i32
      %dma_wait3A_140 = arith.constant 0 : i32
      %dma_wait3A_141 = tpu.memref_slice %arg7[%dma_wait3A_139, %dma_wait3A_140] : memref<80x128xi32, #tpu.memory_space<vmem>> -> memref<1x128xi32, #tpu.memory_space<vmem>>
      %dma_wait3A_142 = tpu.memref_squeeze %dma_wait3A_141 : memref<1x128xi32, #tpu.memory_space<vmem>> -> memref<128xi32, #tpu.memory_space<vmem>>
      %dma_wait3A_143 = arith.constant 0 : i32
      %dma_wait3A_144 = arith.constant 0 : i32
      %dma_wait3A_145 = tpu.memref_slice %arg16[%dma_wait3A_143, %dma_wait3A_144] : memref<10112x32xf32, #tpu.memory_space<vmem_shared>> -> memref<10112x32xf32, #tpu.memory_space<vmem_shared>>
      tpu.wait_indirect_dma semaphore(%arg20 : memref<!tpu.dma_semaphore, #tpu.memory_space<semaphore_mem>>) src(%dma_wait3A_145 : memref<10112x32xf32, #tpu.memory_space<vmem_shared>>) dst(%arg12 : memref<128x32xf32, #tpu.memory_space<vmem>>)
      %dma_start3A_146 = arith.constant 3 : i32
      %dma_start3A_147 = arith.constant 0 : i32
      %dma_start3A_148 = tpu.memref_slice %arg8[%dma_start3A_146, %dma_start3A_147] : memref<80x128xi32, #tpu.memory_space<vmem>> -> memref<1x128xi32, #tpu.memory_space<vmem>>
      %dma_start3A_149 = tpu.memref_squeeze %dma_start3A_148 : memref<1x128xi32, #tpu.memory_space<vmem>> -> memref<128xi32, #tpu.memory_space<vmem>>
      %dma_start3A_150 = arith.constant 0 : i32
      %dma_start3A_151 = arith.constant 0 : i32
      %dma_start3A_152 = tpu.memref_slice %arg15[%dma_start3A_150, %dma_start3A_151] : memref<10112x32xf32, #tpu.memory_space<vmem_shared>> -> memref<10112x32xf32, #tpu.memory_space<vmem_shared>>
      tpu.enqueue_indirect_dma source(%arg12 : memref<128x32xf32, #tpu.memory_space<vmem>>) target(%dma_start3A_152 : memref<10112x32xf32, #tpu.memory_space<vmem_shared>>) offsets(%dma_start3A_149 : memref<128xi32, #tpu.memory_space<vmem>>) semaphore(%arg24 : memref<!tpu.dma_semaphore, #tpu.memory_space<semaphore_mem>>) {add = true}
      %scan3A = arith.constant 1 : i32
      %scan3A_153 = arith.constant 18 : i32
      %scan3A_154 = arith.addi %scan3A, %scan3A_153 : i32
      %scan3A_155 = arith.constant 1 : i32
      scf.for %scan3A_269 = %scan3A to %scan3A_154 step %scan3A_155  : i32 {
        %mul3A_270 = arith.constant 4 : i32
        %mul3A_271 = arith.muli %mul3A_270, %scan3A_269 : i32
        %add3A_272 = arith.constant 0 : i32
        %add3A_273 = arith.addi %mul3A_271, %add3A_272 : i32
        %sub3A = arith.constant 2 : i32
        %sub3A_274 = arith.subi %add3A_273, %sub3A : i32
        %dma_wait3A_275 = arith.constant 0 : i32
        %dma_wait3A_276 = tpu.memref_slice %arg8[%sub3A_274, %dma_wait3A_275] : memref<80x128xi32, #tpu.memory_space<vmem>> -> memref<1x128xi32, #tpu.memory_space<vmem>>
        %dma_wait3A_277 = tpu.memref_squeeze %dma_wait3A_276 : memref<1x128xi32, #tpu.memory_space<vmem>> -> memref<128xi32, #tpu.memory_space<vmem>>
        %dma_wait3A_278 = arith.constant 0 : i32
        %dma_wait3A_279 = arith.constant 0 : i32
        %dma_wait3A_280 = tpu.memref_slice %arg15[%dma_wait3A_278, %dma_wait3A_279] : memref<10112x32xf32, #tpu.memory_space<vmem_shared>> -> memref<10112x32xf32, #tpu.memory_space<vmem_shared>>
        tpu.wait_indirect_dma semaphore(%arg23 : memref<!tpu.dma_semaphore, #tpu.memory_space<semaphore_mem>>) src(%arg11 : memref<128x32xf32, #tpu.memory_space<vmem>>) dst(%dma_wait3A_280 : memref<10112x32xf32, #tpu.memory_space<vmem_shared>>)
        %add3A_281 = arith.constant 2 : i32
        %add3A_282 = arith.addi %add3A_273, %add3A_281 : i32
        %dma_start3A_283 = arith.constant 0 : i32
        %dma_start3A_284 = tpu.memref_slice %arg7[%add3A_282, %dma_start3A_283] : memref<80x128xi32, #tpu.memory_space<vmem>> -> memref<1x128xi32, #tpu.memory_space<vmem>>
        %dma_start3A_285 = tpu.memref_squeeze %dma_start3A_284 : memref<1x128xi32, #tpu.memory_space<vmem>> -> memref<128xi32, #tpu.memory_space<vmem>>
        %dma_start3A_286 = arith.constant 0 : i32
        %dma_start3A_287 = arith.constant 0 : i32
        %dma_start3A_288 = tpu.memref_slice %arg16[%dma_start3A_286, %dma_start3A_287] : memref<10112x32xf32, #tpu.memory_space<vmem_shared>> -> memref<10112x32xf32, #tpu.memory_space<vmem_shared>>
        tpu.enqueue_indirect_dma source(%dma_start3A_288 : memref<10112x32xf32, #tpu.memory_space<vmem_shared>>) target(%arg11 : memref<128x32xf32, #tpu.memory_space<vmem>>) offsets(%dma_start3A_285 : memref<128xi32, #tpu.memory_space<vmem>>) semaphore(%arg19 : memref<!tpu.dma_semaphore, #tpu.memory_space<semaphore_mem>>)
        %dma_wait3A_289 = arith.constant 0 : i32
        %dma_wait3A_290 = tpu.memref_slice %arg7[%add3A_273, %dma_wait3A_289] : memref<80x128xi32, #tpu.memory_space<vmem>> -> memref<1x128xi32, #tpu.memory_space<vmem>>
        %dma_wait3A_291 = tpu.memref_squeeze %dma_wait3A_290 : memref<1x128xi32, #tpu.memory_space<vmem>> -> memref<128xi32, #tpu.memory_space<vmem>>
        %dma_wait3A_292 = arith.constant 0 : i32
        %dma_wait3A_293 = arith.constant 0 : i32
        %dma_wait3A_294 = tpu.memref_slice %arg16[%dma_wait3A_292, %dma_wait3A_293] : memref<10112x32xf32, #tpu.memory_space<vmem_shared>> -> memref<10112x32xf32, #tpu.memory_space<vmem_shared>>
        tpu.wait_indirect_dma semaphore(%arg17 : memref<!tpu.dma_semaphore, #tpu.memory_space<semaphore_mem>>) src(%dma_wait3A_294 : memref<10112x32xf32, #tpu.memory_space<vmem_shared>>) dst(%arg9 : memref<128x32xf32, #tpu.memory_space<vmem>>)
        %dma_start3A_295 = arith.constant 0 : i32
        %dma_start3A_296 = tpu.memref_slice %arg8[%add3A_273, %dma_start3A_295] : memref<80x128xi32, #tpu.memory_space<vmem>> -> memref<1x128xi32, #tpu.memory_space<vmem>>
        %dma_start3A_297 = tpu.memref_squeeze %dma_start3A_296 : memref<1x128xi32, #tpu.memory_space<vmem>> -> memref<128xi32, #tpu.memory_space<vmem>>
        %dma_start3A_298 = arith.constant 0 : i32
        %dma_start3A_299 = arith.constant 0 : i32
        %dma_start3A_300 = tpu.memref_slice %arg15[%dma_start3A_298, %dma_start3A_299] : memref<10112x32xf32, #tpu.memory_space<vmem_shared>> -> memref<10112x32xf32, #tpu.memory_space<vmem_shared>>
        tpu.enqueue_indirect_dma source(%arg9 : memref<128x32xf32, #tpu.memory_space<vmem>>) target(%dma_start3A_300 : memref<10112x32xf32, #tpu.memory_space<vmem_shared>>) offsets(%dma_start3A_297 : memref<128xi32, #tpu.memory_space<vmem>>) semaphore(%arg21 : memref<!tpu.dma_semaphore, #tpu.memory_space<semaphore_mem>>) {add = true}
        %mul3A_301 = arith.constant 4 : i32
        %mul3A_302 = arith.muli %mul3A_301, %scan3A_269 : i32
        %add3A_303 = arith.constant 1 : i32
        %add3A_304 = arith.addi %mul3A_302, %add3A_303 : i32
        %sub3A_305 = arith.constant 2 : i32
        %sub3A_306 = arith.subi %add3A_304, %sub3A_305 : i32
        %dma_wait3A_307 = arith.constant 0 : i32
        %dma_wait3A_308 = tpu.memref_slice %arg8[%sub3A_306, %dma_wait3A_307] : memref<80x128xi32, #tpu.memory_space<vmem>> -> memref<1x128xi32, #tpu.memory_space<vmem>>
        %dma_wait3A_309 = tpu.memref_squeeze %dma_wait3A_308 : memref<1x128xi32, #tpu.memory_space<vmem>> -> memref<128xi32, #tpu.memory_space<vmem>>
        %dma_wait3A_310 = arith.constant 0 : i32
        %dma_wait3A_311 = arith.constant 0 : i32
        %dma_wait3A_312 = tpu.memref_slice %arg15[%dma_wait3A_310, %dma_wait3A_311] : memref<10112x32xf32, #tpu.memory_space<vmem_shared>> -> memref<10112x32xf32, #tpu.memory_space<vmem_shared>>
        tpu.wait_indirect_dma semaphore(%arg24 : memref<!tpu.dma_semaphore, #tpu.memory_space<semaphore_mem>>) src(%arg12 : memref<128x32xf32, #tpu.memory_space<vmem>>) dst(%dma_wait3A_312 : memref<10112x32xf32, #tpu.memory_space<vmem_shared>>)
        %add3A_313 = arith.constant 2 : i32
        %add3A_314 = arith.addi %add3A_304, %add3A_313 : i32
        %dma_start3A_315 = arith.constant 0 : i32
        %dma_start3A_316 = tpu.memref_slice %arg7[%add3A_314, %dma_start3A_315] : memref<80x128xi32, #tpu.memory_space<vmem>> -> memref<1x128xi32, #tpu.memory_space<vmem>>
        %dma_start3A_317 = tpu.memref_squeeze %dma_start3A_316 : memref<1x128xi32, #tpu.memory_space<vmem>> -> memref<128xi32, #tpu.memory_space<vmem>>
        %dma_start3A_318 = arith.constant 0 : i32
        %dma_start3A_319 = arith.constant 0 : i32
        %dma_start3A_320 = tpu.memref_slice %arg16[%dma_start3A_318, %dma_start3A_319] : memref<10112x32xf32, #tpu.memory_space<vmem_shared>> -> memref<10112x32xf32, #tpu.memory_space<vmem_shared>>
        tpu.enqueue_indirect_dma source(%dma_start3A_320 : memref<10112x32xf32, #tpu.memory_space<vmem_shared>>) target(%arg12 : memref<128x32xf32, #tpu.memory_space<vmem>>) offsets(%dma_start3A_317 : memref<128xi32, #tpu.memory_space<vmem>>) semaphore(%arg20 : memref<!tpu.dma_semaphore, #tpu.memory_space<semaphore_mem>>)
        %dma_wait3A_321 = arith.constant 0 : i32
        %dma_wait3A_322 = tpu.memref_slice %arg7[%add3A_304, %dma_wait3A_321] : memref<80x128xi32, #tpu.memory_space<vmem>> -> memref<1x128xi32, #tpu.memory_space<vmem>>
        %dma_wait3A_323 = tpu.memref_squeeze %dma_wait3A_322 : memref<1x128xi32, #tpu.memory_space<vmem>> -> memref<128xi32, #tpu.memory_space<vmem>>
        %dma_wait3A_324 = arith.constant 0 : i32
        %dma_wait3A_325 = arith.constant 0 : i32
        %dma_wait3A_326 = tpu.memref_slice %arg16[%dma_wait3A_324, %dma_wait3A_325] : memref<10112x32xf32, #tpu.memory_space<vmem_shared>> -> memref<10112x32xf32, #tpu.memory_space<vmem_shared>>
        tpu.wait_indirect_dma semaphore(%arg18 : memref<!tpu.dma_semaphore, #tpu.memory_space<semaphore_mem>>) src(%dma_wait3A_326 : memref<10112x32xf32, #tpu.memory_space<vmem_shared>>) dst(%arg10 : memref<128x32xf32, #tpu.memory_space<vmem>>)
        %dma_start3A_327 = arith.constant 0 : i32
        %dma_start3A_328 = tpu.memref_slice %arg8[%add3A_304, %dma_start3A_327] : memref<80x128xi32, #tpu.memory_space<vmem>> -> memref<1x128xi32, #tpu.memory_space<vmem>>
        %dma_start3A_329 = tpu.memref_squeeze %dma_start3A_328 : memref<1x128xi32, #tpu.memory_space<vmem>> -> memref<128xi32, #tpu.memory_space<vmem>>
        %dma_start3A_330 = arith.constant 0 : i32
        %dma_start3A_331 = arith.constant 0 : i32
        %dma_start3A_332 = tpu.memref_slice %arg15[%dma_start3A_330, %dma_start3A_331] : memref<10112x32xf32, #tpu.memory_space<vmem_shared>> -> memref<10112x32xf32, #tpu.memory_space<vmem_shared>>
        tpu.enqueue_indirect_dma source(%arg10 : memref<128x32xf32, #tpu.memory_space<vmem>>) target(%dma_start3A_332 : memref<10112x32xf32, #tpu.memory_space<vmem_shared>>) offsets(%dma_start3A_329 : memref<128xi32, #tpu.memory_space<vmem>>) semaphore(%arg22 : memref<!tpu.dma_semaphore, #tpu.memory_space<semaphore_mem>>) {add = true}
        %mul3A_333 = arith.constant 4 : i32
        %mul3A_334 = arith.muli %mul3A_333, %scan3A_269 : i32
        %add3A_335 = arith.constant 2 : i32
        %add3A_336 = arith.addi %mul3A_334, %add3A_335 : i32
        %sub3A_337 = arith.constant 2 : i32
        %sub3A_338 = arith.subi %add3A_336, %sub3A_337 : i32
        %dma_wait3A_339 = arith.constant 0 : i32
        %dma_wait3A_340 = tpu.memref_slice %arg8[%sub3A_338, %dma_wait3A_339] : memref<80x128xi32, #tpu.memory_space<vmem>> -> memref<1x128xi32, #tpu.memory_space<vmem>>
        %dma_wait3A_341 = tpu.memref_squeeze %dma_wait3A_340 : memref<1x128xi32, #tpu.memory_space<vmem>> -> memref<128xi32, #tpu.memory_space<vmem>>
        %dma_wait3A_342 = arith.constant 0 : i32
        %dma_wait3A_343 = arith.constant 0 : i32
        %dma_wait3A_344 = tpu.memref_slice %arg15[%dma_wait3A_342, %dma_wait3A_343] : memref<10112x32xf32, #tpu.memory_space<vmem_shared>> -> memref<10112x32xf32, #tpu.memory_space<vmem_shared>>
        tpu.wait_indirect_dma semaphore(%arg21 : memref<!tpu.dma_semaphore, #tpu.memory_space<semaphore_mem>>) src(%arg9 : memref<128x32xf32, #tpu.memory_space<vmem>>) dst(%dma_wait3A_344 : memref<10112x32xf32, #tpu.memory_space<vmem_shared>>)
        %add3A_345 = arith.constant 2 : i32
        %add3A_346 = arith.addi %add3A_336, %add3A_345 : i32
        %dma_start3A_347 = arith.constant 0 : i32
        %dma_start3A_348 = tpu.memref_slice %arg7[%add3A_346, %dma_start3A_347] : memref<80x128xi32, #tpu.memory_space<vmem>> -> memref<1x128xi32, #tpu.memory_space<vmem>>
        %dma_start3A_349 = tpu.memref_squeeze %dma_start3A_348 : memref<1x128xi32, #tpu.memory_space<vmem>> -> memref<128xi32, #tpu.memory_space<vmem>>
        %dma_start3A_350 = arith.constant 0 : i32
        %dma_start3A_351 = arith.constant 0 : i32
        %dma_start3A_352 = tpu.memref_slice %arg16[%dma_start3A_350, %dma_start3A_351] : memref<10112x32xf32, #tpu.memory_space<vmem_shared>> -> memref<10112x32xf32, #tpu.memory_space<vmem_shared>>
        tpu.enqueue_indirect_dma source(%dma_start3A_352 : memref<10112x32xf32, #tpu.memory_space<vmem_shared>>) target(%arg9 : memref<128x32xf32, #tpu.memory_space<vmem>>) offsets(%dma_start3A_349 : memref<128xi32, #tpu.memory_space<vmem>>) semaphore(%arg17 : memref<!tpu.dma_semaphore, #tpu.memory_space<semaphore_mem>>)
        %dma_wait3A_353 = arith.constant 0 : i32
        %dma_wait3A_354 = tpu.memref_slice %arg7[%add3A_336, %dma_wait3A_353] : memref<80x128xi32, #tpu.memory_space<vmem>> -> memref<1x128xi32, #tpu.memory_space<vmem>>
        %dma_wait3A_355 = tpu.memref_squeeze %dma_wait3A_354 : memref<1x128xi32, #tpu.memory_space<vmem>> -> memref<128xi32, #tpu.memory_space<vmem>>
        %dma_wait3A_356 = arith.constant 0 : i32
        %dma_wait3A_357 = arith.constant 0 : i32
        %dma_wait3A_358 = tpu.memref_slice %arg16[%dma_wait3A_356, %dma_wait3A_357] : memref<10112x32xf32, #tpu.memory_space<vmem_shared>> -> memref<10112x32xf32, #tpu.memory_space<vmem_shared>>
        tpu.wait_indirect_dma semaphore(%arg19 : memref<!tpu.dma_semaphore, #tpu.memory_space<semaphore_mem>>) src(%dma_wait3A_358 : memref<10112x32xf32, #tpu.memory_space<vmem_shared>>) dst(%arg11 : memref<128x32xf32, #tpu.memory_space<vmem>>)
        %dma_start3A_359 = arith.constant 0 : i32
        %dma_start3A_360 = tpu.memref_slice %arg8[%add3A_336, %dma_start3A_359] : memref<80x128xi32, #tpu.memory_space<vmem>> -> memref<1x128xi32, #tpu.memory_space<vmem>>
        %dma_start3A_361 = tpu.memref_squeeze %dma_start3A_360 : memref<1x128xi32, #tpu.memory_space<vmem>> -> memref<128xi32, #tpu.memory_space<vmem>>
        %dma_start3A_362 = arith.constant 0 : i32
        %dma_start3A_363 = arith.constant 0 : i32
        %dma_start3A_364 = tpu.memref_slice %arg15[%dma_start3A_362, %dma_start3A_363] : memref<10112x32xf32, #tpu.memory_space<vmem_shared>> -> memref<10112x32xf32, #tpu.memory_space<vmem_shared>>
        tpu.enqueue_indirect_dma source(%arg11 : memref<128x32xf32, #tpu.memory_space<vmem>>) target(%dma_start3A_364 : memref<10112x32xf32, #tpu.memory_space<vmem_shared>>) offsets(%dma_start3A_361 : memref<128xi32, #tpu.memory_space<vmem>>) semaphore(%arg23 : memref<!tpu.dma_semaphore, #tpu.memory_space<semaphore_mem>>) {add = true}
        %mul3A_365 = arith.constant 4 : i32
        %mul3A_366 = arith.muli %mul3A_365, %scan3A_269 : i32
        %add3A_367 = arith.constant 3 : i32
        %add3A_368 = arith.addi %mul3A_366, %add3A_367 : i32
        %sub3A_369 = arith.constant 2 : i32
        %sub3A_370 = arith.subi %add3A_368, %sub3A_369 : i32
        %dma_wait3A_371 = arith.constant 0 : i32
        %dma_wait3A_372 = tpu.memref_slice %arg8[%sub3A_370, %dma_wait3A_371] : memref<80x128xi32, #tpu.memory_space<vmem>> -> memref<1x128xi32, #tpu.memory_space<vmem>>
        %dma_wait3A_373 = tpu.memref_squeeze %dma_wait3A_372 : memref<1x128xi32, #tpu.memory_space<vmem>> -> memref<128xi32, #tpu.memory_space<vmem>>
        %dma_wait3A_374 = arith.constant 0 : i32
        %dma_wait3A_375 = arith.constant 0 : i32
        %dma_wait3A_376 = tpu.memref_slice %arg15[%dma_wait3A_374, %dma_wait3A_375] : memref<10112x32xf32, #tpu.memory_space<vmem_shared>> -> memref<10112x32xf32, #tpu.memory_space<vmem_shared>>
        tpu.wait_indirect_dma semaphore(%arg22 : memref<!tpu.dma_semaphore, #tpu.memory_space<semaphore_mem>>) src(%arg10 : memref<128x32xf32, #tpu.memory_space<vmem>>) dst(%dma_wait3A_376 : memref<10112x32xf32, #tpu.memory_space<vmem_shared>>)
        %add3A_377 = arith.constant 2 : i32
        %add3A_378 = arith.addi %add3A_368, %add3A_377 : i32
        %dma_start3A_379 = arith.constant 0 : i32
        %dma_start3A_380 = tpu.memref_slice %arg7[%add3A_378, %dma_start3A_379] : memref<80x128xi32, #tpu.memory_space<vmem>> -> memref<1x128xi32, #tpu.memory_space<vmem>>
        %dma_start3A_381 = tpu.memref_squeeze %dma_start3A_380 : memref<1x128xi32, #tpu.memory_space<vmem>> -> memref<128xi32, #tpu.memory_space<vmem>>
        %dma_start3A_382 = arith.constant 0 : i32
        %dma_start3A_383 = arith.constant 0 : i32
        %dma_start3A_384 = tpu.memref_slice %arg16[%dma_start3A_382, %dma_start3A_383] : memref<10112x32xf32, #tpu.memory_space<vmem_shared>> -> memref<10112x32xf32, #tpu.memory_space<vmem_shared>>
        tpu.enqueue_indirect_dma source(%dma_start3A_384 : memref<10112x32xf32, #tpu.memory_space<vmem_shared>>) target(%arg10 : memref<128x32xf32, #tpu.memory_space<vmem>>) offsets(%dma_start3A_381 : memref<128xi32, #tpu.memory_space<vmem>>) semaphore(%arg18 : memref<!tpu.dma_semaphore, #tpu.memory_space<semaphore_mem>>)
        %dma_wait3A_385 = arith.constant 0 : i32
        %dma_wait3A_386 = tpu.memref_slice %arg7[%add3A_368, %dma_wait3A_385] : memref<80x128xi32, #tpu.memory_space<vmem>> -> memref<1x128xi32, #tpu.memory_space<vmem>>
        %dma_wait3A_387 = tpu.memref_squeeze %dma_wait3A_386 : memref<1x128xi32, #tpu.memory_space<vmem>> -> memref<128xi32, #tpu.memory_space<vmem>>
        %dma_wait3A_388 = arith.constant 0 : i32
        %dma_wait3A_389 = arith.constant 0 : i32
        %dma_wait3A_390 = tpu.memref_slice %arg16[%dma_wait3A_388, %dma_wait3A_389] : memref<10112x32xf32, #tpu.memory_space<vmem_shared>> -> memref<10112x32xf32, #tpu.memory_space<vmem_shared>>
        tpu.wait_indirect_dma semaphore(%arg20 : memref<!tpu.dma_semaphore, #tpu.memory_space<semaphore_mem>>) src(%dma_wait3A_390 : memref<10112x32xf32, #tpu.memory_space<vmem_shared>>) dst(%arg12 : memref<128x32xf32, #tpu.memory_space<vmem>>)
        %dma_start3A_391 = arith.constant 0 : i32
        %dma_start3A_392 = tpu.memref_slice %arg8[%add3A_368, %dma_start3A_391] : memref<80x128xi32, #tpu.memory_space<vmem>> -> memref<1x128xi32, #tpu.memory_space<vmem>>
        %dma_start3A_393 = tpu.memref_squeeze %dma_start3A_392 : memref<1x128xi32, #tpu.memory_space<vmem>> -> memref<128xi32, #tpu.memory_space<vmem>>
        %dma_start3A_394 = arith.constant 0 : i32
        %dma_start3A_395 = arith.constant 0 : i32
        %dma_start3A_396 = tpu.memref_slice %arg15[%dma_start3A_394, %dma_start3A_395] : memref<10112x32xf32, #tpu.memory_space<vmem_shared>> -> memref<10112x32xf32, #tpu.memory_space<vmem_shared>>
        tpu.enqueue_indirect_dma source(%arg12 : memref<128x32xf32, #tpu.memory_space<vmem>>) target(%dma_start3A_396 : memref<10112x32xf32, #tpu.memory_space<vmem_shared>>) offsets(%dma_start3A_393 : memref<128xi32, #tpu.memory_space<vmem>>) semaphore(%arg24 : memref<!tpu.dma_semaphore, #tpu.memory_space<semaphore_mem>>) {add = true}
      }
      %scan3A_156 = arith.constant 18 : i32
      %dma_wait3A_157 = arith.constant 74 : i32
      %dma_wait3A_158 = arith.constant 0 : i32
      %dma_wait3A_159 = tpu.memref_slice %arg8[%dma_wait3A_157, %dma_wait3A_158] : memref<80x128xi32, #tpu.memory_space<vmem>> -> memref<1x128xi32, #tpu.memory_space<vmem>>
      %dma_wait3A_160 = tpu.memref_squeeze %dma_wait3A_159 : memref<1x128xi32, #tpu.memory_space<vmem>> -> memref<128xi32, #tpu.memory_space<vmem>>
      %dma_wait3A_161 = arith.constant 0 : i32
      %dma_wait3A_162 = arith.constant 0 : i32
      %dma_wait3A_163 = tpu.memref_slice %arg15[%dma_wait3A_161, %dma_wait3A_162] : memref<10112x32xf32, #tpu.memory_space<vmem_shared>> -> memref<10112x32xf32, #tpu.memory_space<vmem_shared>>
      tpu.wait_indirect_dma semaphore(%arg23 : memref<!tpu.dma_semaphore, #tpu.memory_space<semaphore_mem>>) src(%arg11 : memref<128x32xf32, #tpu.memory_space<vmem>>) dst(%dma_wait3A_163 : memref<10112x32xf32, #tpu.memory_space<vmem_shared>>)
      %dma_start3A_164 = arith.constant 78 : i32
      %dma_start3A_165 = arith.constant 0 : i32
      %dma_start3A_166 = tpu.memref_slice %arg7[%dma_start3A_164, %dma_start3A_165] : memref<80x128xi32, #tpu.memory_space<vmem>> -> memref<1x128xi32, #tpu.memory_space<vmem>>
      %dma_start3A_167 = tpu.memref_squeeze %dma_start3A_166 : memref<1x128xi32, #tpu.memory_space<vmem>> -> memref<128xi32, #tpu.memory_space<vmem>>
      %dma_start3A_168 = arith.constant 0 : i32
      %dma_start3A_169 = arith.constant 0 : i32
      %dma_start3A_170 = tpu.memref_slice %arg16[%dma_start3A_168, %dma_start3A_169] : memref<10112x32xf32, #tpu.memory_space<vmem_shared>> -> memref<10112x32xf32, #tpu.memory_space<vmem_shared>>
      tpu.enqueue_indirect_dma source(%dma_start3A_170 : memref<10112x32xf32, #tpu.memory_space<vmem_shared>>) target(%arg11 : memref<128x32xf32, #tpu.memory_space<vmem>>) offsets(%dma_start3A_167 : memref<128xi32, #tpu.memory_space<vmem>>) semaphore(%arg19 : memref<!tpu.dma_semaphore, #tpu.memory_space<semaphore_mem>>)
      %dma_wait3A_171 = arith.constant 76 : i32
      %dma_wait3A_172 = arith.constant 0 : i32
      %dma_wait3A_173 = tpu.memref_slice %arg7[%dma_wait3A_171, %dma_wait3A_172] : memref<80x128xi32, #tpu.memory_space<vmem>> -> memref<1x128xi32, #tpu.memory_space<vmem>>
      %dma_wait3A_174 = tpu.memref_squeeze %dma_wait3A_173 : memref<1x128xi32, #tpu.memory_space<vmem>> -> memref<128xi32, #tpu.memory_space<vmem>>
      %dma_wait3A_175 = arith.constant 0 : i32
      %dma_wait3A_176 = arith.constant 0 : i32
      %dma_wait3A_177 = tpu.memref_slice %arg16[%dma_wait3A_175, %dma_wait3A_176] : memref<10112x32xf32, #tpu.memory_space<vmem_shared>> -> memref<10112x32xf32, #tpu.memory_space<vmem_shared>>
      tpu.wait_indirect_dma semaphore(%arg17 : memref<!tpu.dma_semaphore, #tpu.memory_space<semaphore_mem>>) src(%dma_wait3A_177 : memref<10112x32xf32, #tpu.memory_space<vmem_shared>>) dst(%arg9 : memref<128x32xf32, #tpu.memory_space<vmem>>)
      %dma_start3A_178 = arith.constant 76 : i32
      %dma_start3A_179 = arith.constant 0 : i32
      %dma_start3A_180 = tpu.memref_slice %arg8[%dma_start3A_178, %dma_start3A_179] : memref<80x128xi32, #tpu.memory_space<vmem>> -> memref<1x128xi32, #tpu.memory_space<vmem>>
      %dma_start3A_181 = tpu.memref_squeeze %dma_start3A_180 : memref<1x128xi32, #tpu.memory_space<vmem>> -> memref<128xi32, #tpu.memory_space<vmem>>
      %dma_start3A_182 = arith.constant 0 : i32
      %dma_start3A_183 = arith.constant 0 : i32
      %dma_start3A_184 = tpu.memref_slice %arg15[%dma_start3A_182, %dma_start3A_183] : memref<10112x32xf32, #tpu.memory_space<vmem_shared>> -> memref<10112x32xf32, #tpu.memory_space<vmem_shared>>
      tpu.enqueue_indirect_dma source(%arg9 : memref<128x32xf32, #tpu.memory_space<vmem>>) target(%dma_start3A_184 : memref<10112x32xf32, #tpu.memory_space<vmem_shared>>) offsets(%dma_start3A_181 : memref<128xi32, #tpu.memory_space<vmem>>) semaphore(%arg21 : memref<!tpu.dma_semaphore, #tpu.memory_space<semaphore_mem>>) {add = true}
      %dma_wait3A_185 = arith.constant 75 : i32
      %dma_wait3A_186 = arith.constant 0 : i32
      %dma_wait3A_187 = tpu.memref_slice %arg8[%dma_wait3A_185, %dma_wait3A_186] : memref<80x128xi32, #tpu.memory_space<vmem>> -> memref<1x128xi32, #tpu.memory_space<vmem>>
      %dma_wait3A_188 = tpu.memref_squeeze %dma_wait3A_187 : memref<1x128xi32, #tpu.memory_space<vmem>> -> memref<128xi32, #tpu.memory_space<vmem>>
      %dma_wait3A_189 = arith.constant 0 : i32
      %dma_wait3A_190 = arith.constant 0 : i32
      %dma_wait3A_191 = tpu.memref_slice %arg15[%dma_wait3A_189, %dma_wait3A_190] : memref<10112x32xf32, #tpu.memory_space<vmem_shared>> -> memref<10112x32xf32, #tpu.memory_space<vmem_shared>>
      tpu.wait_indirect_dma semaphore(%arg24 : memref<!tpu.dma_semaphore, #tpu.memory_space<semaphore_mem>>) src(%arg12 : memref<128x32xf32, #tpu.memory_space<vmem>>) dst(%dma_wait3A_191 : memref<10112x32xf32, #tpu.memory_space<vmem_shared>>)
      %dma_start3A_192 = arith.constant 79 : i32
      %dma_start3A_193 = arith.constant 0 : i32
      %dma_start3A_194 = tpu.memref_slice %arg7[%dma_start3A_192, %dma_start3A_193] : memref<80x128xi32, #tpu.memory_space<vmem>> -> memref<1x128xi32, #tpu.memory_space<vmem>>
      %dma_start3A_195 = tpu.memref_squeeze %dma_start3A_194 : memref<1x128xi32, #tpu.memory_space<vmem>> -> memref<128xi32, #tpu.memory_space<vmem>>
      %dma_start3A_196 = arith.constant 0 : i32
      %dma_start3A_197 = arith.constant 0 : i32
      %dma_start3A_198 = tpu.memref_slice %arg16[%dma_start3A_196, %dma_start3A_197] : memref<10112x32xf32, #tpu.memory_space<vmem_shared>> -> memref<10112x32xf32, #tpu.memory_space<vmem_shared>>
      tpu.enqueue_indirect_dma source(%dma_start3A_198 : memref<10112x32xf32, #tpu.memory_space<vmem_shared>>) target(%arg12 : memref<128x32xf32, #tpu.memory_space<vmem>>) offsets(%dma_start3A_195 : memref<128xi32, #tpu.memory_space<vmem>>) semaphore(%arg20 : memref<!tpu.dma_semaphore, #tpu.memory_space<semaphore_mem>>)
      %dma_wait3A_199 = arith.constant 77 : i32
      %dma_wait3A_200 = arith.constant 0 : i32
      %dma_wait3A_201 = tpu.memref_slice %arg7[%dma_wait3A_199, %dma_wait3A_200] : memref<80x128xi32, #tpu.memory_space<vmem>> -> memref<1x128xi32, #tpu.memory_space<vmem>>
      %dma_wait3A_202 = tpu.memref_squeeze %dma_wait3A_201 : memref<1x128xi32, #tpu.memory_space<vmem>> -> memref<128xi32, #tpu.memory_space<vmem>>
      %dma_wait3A_203 = arith.constant 0 : i32
      %dma_wait3A_204 = arith.constant 0 : i32
      %dma_wait3A_205 = tpu.memref_slice %arg16[%dma_wait3A_203, %dma_wait3A_204] : memref<10112x32xf32, #tpu.memory_space<vmem_shared>> -> memref<10112x32xf32, #tpu.memory_space<vmem_shared>>
      tpu.wait_indirect_dma semaphore(%arg18 : memref<!tpu.dma_semaphore, #tpu.memory_space<semaphore_mem>>) src(%dma_wait3A_205 : memref<10112x32xf32, #tpu.memory_space<vmem_shared>>) dst(%arg10 : memref<128x32xf32, #tpu.memory_space<vmem>>)
      %dma_start3A_206 = arith.constant 77 : i32
      %dma_start3A_207 = arith.constant 0 : i32
      %dma_start3A_208 = tpu.memref_slice %arg8[%dma_start3A_206, %dma_start3A_207] : memref<80x128xi32, #tpu.memory_space<vmem>> -> memref<1x128xi32, #tpu.memory_space<vmem>>
      %dma_start3A_209 = tpu.memref_squeeze %dma_start3A_208 : memref<1x128xi32, #tpu.memory_space<vmem>> -> memref<128xi32, #tpu.memory_space<vmem>>
      %dma_start3A_210 = arith.constant 0 : i32
      %dma_start3A_211 = arith.constant 0 : i32
      %dma_start3A_212 = tpu.memref_slice %arg15[%dma_start3A_210, %dma_start3A_211] : memref<10112x32xf32, #tpu.memory_space<vmem_shared>> -> memref<10112x32xf32, #tpu.memory_space<vmem_shared>>
      tpu.enqueue_indirect_dma source(%arg10 : memref<128x32xf32, #tpu.memory_space<vmem>>) target(%dma_start3A_212 : memref<10112x32xf32, #tpu.memory_space<vmem_shared>>) offsets(%dma_start3A_209 : memref<128xi32, #tpu.memory_space<vmem>>) semaphore(%arg22 : memref<!tpu.dma_semaphore, #tpu.memory_space<semaphore_mem>>) {add = true}
      %dma_wait3A_213 = arith.constant 78 : i32
      %dma_wait3A_214 = arith.constant 0 : i32
      %dma_wait3A_215 = tpu.memref_slice %arg7[%dma_wait3A_213, %dma_wait3A_214] : memref<80x128xi32, #tpu.memory_space<vmem>> -> memref<1x128xi32, #tpu.memory_space<vmem>>
      %dma_wait3A_216 = tpu.memref_squeeze %dma_wait3A_215 : memref<1x128xi32, #tpu.memory_space<vmem>> -> memref<128xi32, #tpu.memory_space<vmem>>
      %dma_wait3A_217 = arith.constant 0 : i32
      %dma_wait3A_218 = arith.constant 0 : i32
      %dma_wait3A_219 = tpu.memref_slice %arg16[%dma_wait3A_217, %dma_wait3A_218] : memref<10112x32xf32, #tpu.memory_space<vmem_shared>> -> memref<10112x32xf32, #tpu.memory_space<vmem_shared>>
      tpu.wait_indirect_dma semaphore(%arg19 : memref<!tpu.dma_semaphore, #tpu.memory_space<semaphore_mem>>) src(%dma_wait3A_219 : memref<10112x32xf32, #tpu.memory_space<vmem_shared>>) dst(%arg11 : memref<128x32xf32, #tpu.memory_space<vmem>>)
      %dma_start3A_220 = arith.constant 78 : i32
      %dma_start3A_221 = arith.constant 0 : i32
      %dma_start3A_222 = tpu.memref_slice %arg8[%dma_start3A_220, %dma_start3A_221] : memref<80x128xi32, #tpu.memory_space<vmem>> -> memref<1x128xi32, #tpu.memory_space<vmem>>
      %dma_start3A_223 = tpu.memref_squeeze %dma_start3A_222 : memref<1x128xi32, #tpu.memory_space<vmem>> -> memref<128xi32, #tpu.memory_space<vmem>>
      %dma_start3A_224 = arith.constant 0 : i32
      %dma_start3A_225 = arith.constant 0 : i32
      %dma_start3A_226 = tpu.memref_slice %arg15[%dma_start3A_224, %dma_start3A_225] : memref<10112x32xf32, #tpu.memory_space<vmem_shared>> -> memref<10112x32xf32, #tpu.memory_space<vmem_shared>>
      tpu.enqueue_indirect_dma source(%arg11 : memref<128x32xf32, #tpu.memory_space<vmem>>) target(%dma_start3A_226 : memref<10112x32xf32, #tpu.memory_space<vmem_shared>>) offsets(%dma_start3A_223 : memref<128xi32, #tpu.memory_space<vmem>>) semaphore(%arg23 : memref<!tpu.dma_semaphore, #tpu.memory_space<semaphore_mem>>) {add = true}
      %dma_wait3A_227 = arith.constant 79 : i32
      %dma_wait3A_228 = arith.constant 0 : i32
      %dma_wait3A_229 = tpu.memref_slice %arg7[%dma_wait3A_227, %dma_wait3A_228] : memref<80x128xi32, #tpu.memory_space<vmem>> -> memref<1x128xi32, #tpu.memory_space<vmem>>
      %dma_wait3A_230 = tpu.memref_squeeze %dma_wait3A_229 : memref<1x128xi32, #tpu.memory_space<vmem>> -> memref<128xi32, #tpu.memory_space<vmem>>
      %dma_wait3A_231 = arith.constant 0 : i32
      %dma_wait3A_232 = arith.constant 0 : i32
      %dma_wait3A_233 = tpu.memref_slice %arg16[%dma_wait3A_231, %dma_wait3A_232] : memref<10112x32xf32, #tpu.memory_space<vmem_shared>> -> memref<10112x32xf32, #tpu.memory_space<vmem_shared>>
      tpu.wait_indirect_dma semaphore(%arg20 : memref<!tpu.dma_semaphore, #tpu.memory_space<semaphore_mem>>) src(%dma_wait3A_233 : memref<10112x32xf32, #tpu.memory_space<vmem_shared>>) dst(%arg12 : memref<128x32xf32, #tpu.memory_space<vmem>>)
      %dma_start3A_234 = arith.constant 79 : i32
      %dma_start3A_235 = arith.constant 0 : i32
      %dma_start3A_236 = tpu.memref_slice %arg8[%dma_start3A_234, %dma_start3A_235] : memref<80x128xi32, #tpu.memory_space<vmem>> -> memref<1x128xi32, #tpu.memory_space<vmem>>
      %dma_start3A_237 = tpu.memref_squeeze %dma_start3A_236 : memref<1x128xi32, #tpu.memory_space<vmem>> -> memref<128xi32, #tpu.memory_space<vmem>>
      %dma_start3A_238 = arith.constant 0 : i32
      %dma_start3A_239 = arith.constant 0 : i32
      %dma_start3A_240 = tpu.memref_slice %arg15[%dma_start3A_238, %dma_start3A_239] : memref<10112x32xf32, #tpu.memory_space<vmem_shared>> -> memref<10112x32xf32, #tpu.memory_space<vmem_shared>>
      tpu.enqueue_indirect_dma source(%arg12 : memref<128x32xf32, #tpu.memory_space<vmem>>) target(%dma_start3A_240 : memref<10112x32xf32, #tpu.memory_space<vmem_shared>>) offsets(%dma_start3A_237 : memref<128xi32, #tpu.memory_space<vmem>>) semaphore(%arg24 : memref<!tpu.dma_semaphore, #tpu.memory_space<semaphore_mem>>) {add = true}
      %dma_wait3A_241 = arith.constant 76 : i32
      %dma_wait3A_242 = arith.constant 0 : i32
      %dma_wait3A_243 = tpu.memref_slice %arg8[%dma_wait3A_241, %dma_wait3A_242] : memref<80x128xi32, #tpu.memory_space<vmem>> -> memref<1x128xi32, #tpu.memory_space<vmem>>
      %dma_wait3A_244 = tpu.memref_squeeze %dma_wait3A_243 : memref<1x128xi32, #tpu.memory_space<vmem>> -> memref<128xi32, #tpu.memory_space<vmem>>
      %dma_wait3A_245 = arith.constant 0 : i32
      %dma_wait3A_246 = arith.constant 0 : i32
      %dma_wait3A_247 = tpu.memref_slice %arg15[%dma_wait3A_245, %dma_wait3A_246] : memref<10112x32xf32, #tpu.memory_space<vmem_shared>> -> memref<10112x32xf32, #tpu.memory_space<vmem_shared>>
      tpu.wait_indirect_dma semaphore(%arg21 : memref<!tpu.dma_semaphore, #tpu.memory_space<semaphore_mem>>) src(%arg9 : memref<128x32xf32, #tpu.memory_space<vmem>>) dst(%dma_wait3A_247 : memref<10112x32xf32, #tpu.memory_space<vmem_shared>>)
      %dma_wait3A_248 = arith.constant 77 : i32
      %dma_wait3A_249 = arith.constant 0 : i32
      %dma_wait3A_250 = tpu.memref_slice %arg8[%dma_wait3A_248, %dma_wait3A_249] : memref<80x128xi32, #tpu.memory_space<vmem>> -> memref<1x128xi32, #tpu.memory_space<vmem>>
      %dma_wait3A_251 = tpu.memref_squeeze %dma_wait3A_250 : memref<1x128xi32, #tpu.memory_space<vmem>> -> memref<128xi32, #tpu.memory_space<vmem>>
      %dma_wait3A_252 = arith.constant 0 : i32
      %dma_wait3A_253 = arith.constant 0 : i32
      %dma_wait3A_254 = tpu.memref_slice %arg15[%dma_wait3A_252, %dma_wait3A_253] : memref<10112x32xf32, #tpu.memory_space<vmem_shared>> -> memref<10112x32xf32, #tpu.memory_space<vmem_shared>>
      tpu.wait_indirect_dma semaphore(%arg22 : memref<!tpu.dma_semaphore, #tpu.memory_space<semaphore_mem>>) src(%arg10 : memref<128x32xf32, #tpu.memory_space<vmem>>) dst(%dma_wait3A_254 : memref<10112x32xf32, #tpu.memory_space<vmem_shared>>)
      %dma_wait3A_255 = arith.constant 78 : i32
      %dma_wait3A_256 = arith.constant 0 : i32
      %dma_wait3A_257 = tpu.memref_slice %arg8[%dma_wait3A_255, %dma_wait3A_256] : memref<80x128xi32, #tpu.memory_space<vmem>> -> memref<1x128xi32, #tpu.memory_space<vmem>>
      %dma_wait3A_258 = tpu.memref_squeeze %dma_wait3A_257 : memref<1x128xi32, #tpu.memory_space<vmem>> -> memref<128xi32, #tpu.memory_space<vmem>>
      %dma_wait3A_259 = arith.constant 0 : i32
      %dma_wait3A_260 = arith.constant 0 : i32
      %dma_wait3A_261 = tpu.memref_slice %arg15[%dma_wait3A_259, %dma_wait3A_260] : memref<10112x32xf32, #tpu.memory_space<vmem_shared>> -> memref<10112x32xf32, #tpu.memory_space<vmem_shared>>
      tpu.wait_indirect_dma semaphore(%arg23 : memref<!tpu.dma_semaphore, #tpu.memory_space<semaphore_mem>>) src(%arg11 : memref<128x32xf32, #tpu.memory_space<vmem>>) dst(%dma_wait3A_261 : memref<10112x32xf32, #tpu.memory_space<vmem_shared>>)
      %dma_wait3A_262 = arith.constant 79 : i32
      %dma_wait3A_263 = arith.constant 0 : i32
      %dma_wait3A_264 = tpu.memref_slice %arg8[%dma_wait3A_262, %dma_wait3A_263] : memref<80x128xi32, #tpu.memory_space<vmem>> -> memref<1x128xi32, #tpu.memory_space<vmem>>
      %dma_wait3A_265 = tpu.memref_squeeze %dma_wait3A_264 : memref<1x128xi32, #tpu.memory_space<vmem>> -> memref<128xi32, #tpu.memory_space<vmem>>
      %dma_wait3A_266 = arith.constant 0 : i32
      %dma_wait3A_267 = arith.constant 0 : i32
      %dma_wait3A_268 = tpu.memref_slice %arg15[%dma_wait3A_266, %dma_wait3A_267] : memref<10112x32xf32, #tpu.memory_space<vmem_shared>> -> memref<10112x32xf32, #tpu.memory_space<vmem_shared>>
      tpu.wait_indirect_dma semaphore(%arg24 : memref<!tpu.dma_semaphore, #tpu.memory_space<semaphore_mem>>) src(%arg12 : memref<128x32xf32, #tpu.memory_space<vmem>>) dst(%dma_wait3A_268 : memref<10112x32xf32, #tpu.memory_space<vmem_shared>>)
    } else {
    }
    %barrier3A_36 = arith.constant 0 : index
    tpu.barrier barrier_id(%barrier3A_36)
    %mul3A_37 = arith.constant 2 : i32
    %mul3A_38 = arith.muli %mul3A_37, %arg0 : i32
    "tpu.region"() ({
      %run_scoped3A = tpu.sem_alloc : memref<!tpu.dma_semaphore, #tpu.memory_space<semaphore_mem>>
      %dma_start3A = arith.constant 0 : i32
      %dma_start3A_43 = arith.constant 0 : i32
      %dma_start3A_44 = tpu.memref_slice %arg6[%mul3A_38, %dma_start3A, %dma_start3A_43] : memref<4x10112x32xf32, #tpu.memory_space<hbm>> -> memref<1x10112x32xf32, #tpu.memory_space<hbm>>
      %dma_start3A_45 = tpu.memref_squeeze %dma_start3A_44 : memref<1x10112x32xf32, #tpu.memory_space<hbm>> -> memref<10112x32xf32, #tpu.memory_space<hbm>>
      %dma_start3A_46 = arith.constant 0 : i32
      %dma_start3A_47 = tpu.memref_slice %dma_start3A_45[%mul3A_2, %dma_start3A_46] : memref<10112x32xf32, #tpu.memory_space<hbm>> -> memref<632x32xf32, #tpu.memory_space<hbm>>
      %dma_start3A_48 = arith.constant 0 : i32
      %dma_start3A_49 = tpu.memref_slice %arg14[%mul3A_2, %dma_start3A_48] : memref<10112x32xf32, #tpu.memory_space<vmem_shared>> -> memref<632x32xf32, #tpu.memory_space<vmem_shared>>
      tpu.enqueue_dma source(%dma_start3A_49 : memref<632x32xf32, #tpu.memory_space<vmem_shared>>) target(%dma_start3A_47 : memref<632x32xf32, #tpu.memory_space<hbm>>) target_semaphore(%run_scoped3A : memref<!tpu.dma_semaphore, #tpu.memory_space<semaphore_mem>>)
      %dma_wait3A = arith.constant 0 : i32
      %dma_wait3A_50 = arith.constant 0 : i32
      %dma_wait3A_51 = tpu.memref_slice %arg6[%mul3A_38, %dma_wait3A, %dma_wait3A_50] : memref<4x10112x32xf32, #tpu.memory_space<hbm>> -> memref<1x10112x32xf32, #tpu.memory_space<hbm>>
      %dma_wait3A_52 = tpu.memref_squeeze %dma_wait3A_51 : memref<1x10112x32xf32, #tpu.memory_space<hbm>> -> memref<10112x32xf32, #tpu.memory_space<hbm>>
      %dma_wait3A_53 = arith.constant 0 : i32
      %dma_wait3A_54 = tpu.memref_slice %dma_wait3A_52[%mul3A_2, %dma_wait3A_53] : memref<10112x32xf32, #tpu.memory_space<hbm>> -> memref<632x32xf32, #tpu.memory_space<hbm>>
      %dma_wait3A_55 = arith.constant 0 : i32
      %dma_wait3A_56 = tpu.memref_slice %arg14[%mul3A_2, %dma_wait3A_55] : memref<10112x32xf32, #tpu.memory_space<vmem_shared>> -> memref<632x32xf32, #tpu.memory_space<vmem_shared>>
      tpu.wait_dma2 semaphore(%run_scoped3A : memref<!tpu.dma_semaphore, #tpu.memory_space<semaphore_mem>>) src(%dma_wait3A_56 : memref<632x32xf32, #tpu.memory_space<vmem_shared>>) dst(%dma_wait3A_54 : memref<632x32xf32, #tpu.memory_space<hbm>>)
      tpu.yield
    }) : () -> ()
    %mul3A_39 = arith.constant 2 : i32
    %mul3A_40 = arith.muli %mul3A_39, %arg0 : i32
    %add3A_41 = arith.constant 1 : i32
    %add3A_42 = arith.addi %mul3A_40, %add3A_41 : i32
    "tpu.region"() ({
      %run_scoped3A = tpu.sem_alloc : memref<!tpu.dma_semaphore, #tpu.memory_space<semaphore_mem>>
      %dma_start3A = arith.constant 0 : i32
      %dma_start3A_43 = arith.constant 0 : i32
      %dma_start3A_44 = tpu.memref_slice %arg6[%add3A_42, %dma_start3A, %dma_start3A_43] : memref<4x10112x32xf32, #tpu.memory_space<hbm>> -> memref<1x10112x32xf32, #tpu.memory_space<hbm>>
      %dma_start3A_45 = tpu.memref_squeeze %dma_start3A_44 : memref<1x10112x32xf32, #tpu.memory_space<hbm>> -> memref<10112x32xf32, #tpu.memory_space<hbm>>
      %dma_start3A_46 = arith.constant 0 : i32
      %dma_start3A_47 = tpu.memref_slice %dma_start3A_45[%mul3A_2, %dma_start3A_46] : memref<10112x32xf32, #tpu.memory_space<hbm>> -> memref<632x32xf32, #tpu.memory_space<hbm>>
      %dma_start3A_48 = arith.constant 0 : i32
      %dma_start3A_49 = tpu.memref_slice %arg15[%mul3A_2, %dma_start3A_48] : memref<10112x32xf32, #tpu.memory_space<vmem_shared>> -> memref<632x32xf32, #tpu.memory_space<vmem_shared>>
      tpu.enqueue_dma source(%dma_start3A_49 : memref<632x32xf32, #tpu.memory_space<vmem_shared>>) target(%dma_start3A_47 : memref<632x32xf32, #tpu.memory_space<hbm>>) target_semaphore(%run_scoped3A : memref<!tpu.dma_semaphore, #tpu.memory_space<semaphore_mem>>)
      %dma_wait3A = arith.constant 0 : i32
      %dma_wait3A_50 = arith.constant 0 : i32
      %dma_wait3A_51 = tpu.memref_slice %arg6[%add3A_42, %dma_wait3A, %dma_wait3A_50] : memref<4x10112x32xf32, #tpu.memory_space<hbm>> -> memref<1x10112x32xf32, #tpu.memory_space<hbm>>
      %dma_wait3A_52 = tpu.memref_squeeze %dma_wait3A_51 : memref<1x10112x32xf32, #tpu.memory_space<hbm>> -> memref<10112x32xf32, #tpu.memory_space<hbm>>
      %dma_wait3A_53 = arith.constant 0 : i32
      %dma_wait3A_54 = tpu.memref_slice %dma_wait3A_52[%mul3A_2, %dma_wait3A_53] : memref<10112x32xf32, #tpu.memory_space<hbm>> -> memref<632x32xf32, #tpu.memory_space<hbm>>
      %dma_wait3A_55 = arith.constant 0 : i32
      %dma_wait3A_56 = tpu.memref_slice %arg15[%mul3A_2, %dma_wait3A_55] : memref<10112x32xf32, #tpu.memory_space<vmem_shared>> -> memref<632x32xf32, #tpu.memory_space<vmem_shared>>
      tpu.wait_dma2 semaphore(%run_scoped3A : memref<!tpu.dma_semaphore, #tpu.memory_space<semaphore_mem>>) src(%dma_wait3A_56 : memref<632x32xf32, #tpu.memory_space<vmem_shared>>) dst(%dma_wait3A_54 : memref<632x32xf32, #tpu.memory_space<hbm>>)
      tpu.yield
    }) : () -> ()
    return
  }
}

module attributes {stable_mosaic.version = 14 : i64} {
  func.func @_mm1_body(%arg0: memref<10112x128xf32, #tpu.memory_space<vmem>>, %arg1: memref<128x16xf32, #tpu.memory_space<vmem>>, %arg2: memref<10112x16xf32, #tpu.memory_space<vmem>>) attributes {dimension_semantics = [], scalar_prefetch = 0 : i64, scratch_operands = 0 : i64, tpu.core_type = #tpu.core_type<tc>} {
    %get3A = arith.constant 0 : index
    %get3A_0 = arith.constant 0 : index
    %get3A_1 = vector.load %arg0[%get3A, %get3A_0] : memref<10112x128xf32, #tpu.memory_space<vmem>>, vector<10112x128xf32>
    %get3A_2 = arith.constant 0 : index
    %get3A_3 = arith.constant 0 : index
    %get3A_4 = vector.load %arg1[%get3A_2, %get3A_3] : memref<128x16xf32, #tpu.memory_space<vmem>>, vector<128x16xf32>
    %dot_general3A = arith.constant dense<0.000000e+00> : vector<10112x16xf32>
    %dot_general3A_5 = tpu.matmul %get3A_1, %get3A_4, %dot_general3A {dimension_numbers = #tpu.dot_dimension_numbers<[1], [0], [0], [1], [0, 0, 1, 1], [], []>, transpose_lhs_hint = false} : vector<10112x128xf32>, vector<128x16xf32>, vector<10112x16xf32> -> vector<10112x16xf32>
    %swap3A = arith.constant 0 : index
    %swap3A_6 = arith.constant 0 : index
    %swap3A_7 = vector.load %arg2[%swap3A, %swap3A_6] : memref<10112x16xf32, #tpu.memory_space<vmem>>, vector<10112x16xf32>
    tpu.vector_store %arg2[%swap3A, %swap3A_6], %dot_general3A_5 {strides = array<i32>} : memref<10112x16xf32, #tpu.memory_space<vmem>>, vector<10112x16xf32>,
    return
  }
}

module attributes {stable_mosaic.version = 14 : i64} {
  func.func @_norm_body(%arg0: memref<10112x16xf32, #tpu.memory_space<vmem>>, %arg1: memref<2x10112x1xf32, #tpu.memory_space<vmem>>, %arg2: memref<2x10112x1xf32, #tpu.memory_space<vmem>>, %arg3: memref<10112x16xf32, #tpu.memory_space<vmem>>, %arg4: memref<10112x1xf32, #tpu.memory_space<vmem>>, %arg5: memref<10112x1xf32, #tpu.memory_space<vmem>>) attributes {dimension_semantics = [], scalar_prefetch = 0 : i64, scratch_operands = 0 : i64, tpu.core_type = #tpu.core_type<tc>} {
    %get3A = arith.constant 0 : index
    %get3A_0 = arith.constant 0 : index
    %get3A_1 = arith.constant 0 : index
    %get3A_2 = vector.load %arg1[%get3A, %get3A_0, %get3A_1] : memref<2x10112x1xf32, #tpu.memory_space<vmem>>, vector<1x10112x1xf32>
    %get3A_3 = vector.shape_cast %get3A_2 : vector<1x10112x1xf32> to vector<10112x1xf32>
    %get3A_4 = arith.constant 1 : index
    %get3A_5 = arith.constant 0 : index
    %get3A_6 = arith.constant 0 : index
    %get3A_7 = vector.load %arg1[%get3A_4, %get3A_5, %get3A_6] : memref<2x10112x1xf32, #tpu.memory_space<vmem>>, vector<1x10112x1xf32>
    %get3A_8 = vector.shape_cast %get3A_7 : vector<1x10112x1xf32> to vector<10112x1xf32>
    %add3A = arith.addf %get3A_3, %get3A_8 : vector<10112x1xf32>
    %max3A = arith.constant 1.000000e+00 : f32
    %max3A_9 = vector.broadcast %max3A : f32 to vector<10112x1xf32>
    %max3A_10 = arith.maximumf %add3A, %max3A_9 : vector<10112x1xf32>
    %rsqrt3A = math.rsqrt %max3A_10 : vector<10112x1xf32>
    %get3A_11 = arith.constant 0 : index
    %get3A_12 = arith.constant 0 : index
    %get3A_13 = arith.constant 0 : index
    %get3A_14 = vector.load %arg2[%get3A_11, %get3A_12, %get3A_13] : memref<2x10112x1xf32, #tpu.memory_space<vmem>>, vector<1x10112x1xf32>
    %get3A_15 = vector.shape_cast %get3A_14 : vector<1x10112x1xf32> to vector<10112x1xf32>
    %get3A_16 = arith.constant 1 : index
    %get3A_17 = arith.constant 0 : index
    %get3A_18 = arith.constant 0 : index
    %get3A_19 = vector.load %arg2[%get3A_16, %get3A_17, %get3A_18] : memref<2x10112x1xf32, #tpu.memory_space<vmem>>, vector<1x10112x1xf32>
    %get3A_20 = vector.shape_cast %get3A_19 : vector<1x10112x1xf32> to vector<10112x1xf32>
    %add3A_21 = arith.addf %get3A_15, %get3A_20 : vector<10112x1xf32>
    %max3A_22 = arith.constant 1.000000e+00 : f32
    %max3A_23 = vector.broadcast %max3A_22 : f32 to vector<10112x1xf32>
    %max3A_24 = arith.maximumf %add3A_21, %max3A_23 : vector<10112x1xf32>
    %rsqrt3A_25 = math.rsqrt %max3A_24 : vector<10112x1xf32>
    %get3A_26 = arith.constant 0 : index
    %get3A_27 = arith.constant 0 : index
    %get3A_28 = vector.load %arg0[%get3A_26, %get3A_27] : memref<10112x16xf32, #tpu.memory_space<vmem>>, vector<10112x16xf32>
    %mul3A = vector.broadcast %rsqrt3A : vector<10112x1xf32> to vector<10112x16xf32>
    %mul3A_29 = arith.mulf %get3A_28, %mul3A : vector<10112x16xf32>
    %swap3A = arith.constant 0 : index
    %swap3A_30 = arith.constant 0 : index
    %swap3A_31 = vector.load %arg3[%swap3A, %swap3A_30] : memref<10112x16xf32, #tpu.memory_space<vmem>>, vector<10112x16xf32>
    tpu.vector_store %arg3[%swap3A, %swap3A_30], %mul3A_29 {strides = array<i32>} : memref<10112x16xf32, #tpu.memory_space<vmem>>, vector<10112x16xf32>,
    %swap3A_32 = arith.constant 0 : index
    %swap3A_33 = arith.constant 0 : index
    %swap3A_34 = vector.load %arg4[%swap3A_32, %swap3A_33] : memref<10112x1xf32, #tpu.memory_space<vmem>>, vector<10112x1xf32>
    tpu.vector_store %arg4[%swap3A_32, %swap3A_33], %rsqrt3A {strides = array<i32>} : memref<10112x1xf32, #tpu.memory_space<vmem>>, vector<10112x1xf32>,
    %swap3A_35 = arith.constant 0 : index
    %swap3A_36 = arith.constant 0 : index
    %swap3A_37 = vector.load %arg5[%swap3A_35, %swap3A_36] : memref<10112x1xf32, #tpu.memory_space<vmem>>, vector<10112x1xf32>
    tpu.vector_store %arg5[%swap3A_35, %swap3A_36], %rsqrt3A_25 {strides = array<i32>} : memref<10112x1xf32, #tpu.memory_space<vmem>>, vector<10112x1xf32>,
    return
  }
}

module attributes {stable_mosaic.version = 14 : i64} {
  func.func @_mid_body(%arg0: memref<4x10112x16xf32, #tpu.memory_space<vmem>>, %arg1: memref<10112x1xf32, #tpu.memory_space<vmem>>, %arg2: memref<10112x1xf32, #tpu.memory_space<vmem>>, %arg3: memref<1x16xf32, #tpu.memory_space<vmem>>, %arg4: memref<16x32xf32, #tpu.memory_space<vmem>>, %arg5: memref<10112x32xf32, #tpu.memory_space<vmem>>) attributes {dimension_semantics = [], scalar_prefetch = 0 : i64, scratch_operands = 0 : i64, tpu.core_type = #tpu.core_type<tc>} {
    %get3A = arith.constant 0 : index
    %get3A_0 = arith.constant 0 : index
    %get3A_1 = arith.constant 0 : index
    %get3A_2 = vector.load %arg0[%get3A, %get3A_0, %get3A_1] : memref<4x10112x16xf32, #tpu.memory_space<vmem>>, vector<1x10112x16xf32>
    %get3A_3 = vector.shape_cast %get3A_2 : vector<1x10112x16xf32> to vector<10112x16xf32>
    %get3A_4 = arith.constant 1 : index
    %get3A_5 = arith.constant 0 : index
    %get3A_6 = arith.constant 0 : index
    %get3A_7 = vector.load %arg0[%get3A_4, %get3A_5, %get3A_6] : memref<4x10112x16xf32, #tpu.memory_space<vmem>>, vector<1x10112x16xf32>
    %get3A_8 = vector.shape_cast %get3A_7 : vector<1x10112x16xf32> to vector<10112x16xf32>
    %add3A = arith.addf %get3A_3, %get3A_8 : vector<10112x16xf32>
    %get3A_9 = arith.constant 2 : index
    %get3A_10 = arith.constant 0 : index
    %get3A_11 = arith.constant 0 : index
    %get3A_12 = vector.load %arg0[%get3A_9, %get3A_10, %get3A_11] : memref<4x10112x16xf32, #tpu.memory_space<vmem>>, vector<1x10112x16xf32>
    %get3A_13 = vector.shape_cast %get3A_12 : vector<1x10112x16xf32> to vector<10112x16xf32>
    %get3A_14 = arith.constant 3 : index
    %get3A_15 = arith.constant 0 : index
    %get3A_16 = arith.constant 0 : index
    %get3A_17 = vector.load %arg0[%get3A_14, %get3A_15, %get3A_16] : memref<4x10112x16xf32, #tpu.memory_space<vmem>>, vector<1x10112x16xf32>
    %get3A_18 = vector.shape_cast %get3A_17 : vector<1x10112x16xf32> to vector<10112x16xf32>
    %add3A_19 = arith.addf %get3A_13, %get3A_18 : vector<10112x16xf32>
    %add3A_20 = arith.addf %add3A, %add3A_19 : vector<10112x16xf32>
    %get3A_21 = arith.constant 0 : index
    %get3A_22 = arith.constant 0 : index
    %get3A_23 = vector.load %arg1[%get3A_21, %get3A_22] : memref<10112x1xf32, #tpu.memory_space<vmem>>, vector<10112x1xf32>
    %mul3A = vector.broadcast %get3A_23 : vector<10112x1xf32> to vector<10112x16xf32>
    %mul3A_24 = arith.mulf %add3A_20, %mul3A : vector<10112x16xf32>
    %get3A_25 = arith.constant 0 : index
    %get3A_26 = arith.constant 0 : index
    %get3A_27 = vector.load %arg3[%get3A_25, %get3A_26] : memref<1x16xf32, #tpu.memory_space<vmem>>, vector<1x16xf32>
    %add3A_28 = vector.broadcast %get3A_27 : vector<1x16xf32> to vector<10112x16xf32>
    %add3A_29 = arith.addf %mul3A_24, %add3A_28 : vector<10112x16xf32>
    %max3A = arith.constant 0.000000e+00 : f32
    %max3A_30 = vector.broadcast %max3A : f32 to vector<10112x16xf32>
    %max3A_31 = arith.maximumf %add3A_29, %max3A_30 : vector<10112x16xf32>
    %get3A_32 = arith.constant 0 : index
    %get3A_33 = arith.constant 0 : index
    %get3A_34 = vector.load %arg4[%get3A_32, %get3A_33] : memref<16x32xf32, #tpu.memory_space<vmem>>, vector<16x32xf32>
    %dot_general3A = arith.constant dense<0.000000e+00> : vector<10112x32xf32>
    %dot_general3A_35 = tpu.matmul %max3A_31, %get3A_34, %dot_general3A {dimension_numbers = #tpu.dot_dimension_numbers<[1], [0], [0], [1], [0, 0, 1, 1], [], []>, transpose_lhs_hint = false} : vector<10112x16xf32>, vector<16x32xf32>, vector<10112x32xf32> -> vector<10112x32xf32>
    %get3A_36 = arith.constant 0 : index
    %get3A_37 = arith.constant 0 : index
    %get3A_38 = vector.load %arg2[%get3A_36, %get3A_37] : memref<10112x1xf32, #tpu.memory_space<vmem>>, vector<10112x1xf32>
    %mul3A_39 = vector.broadcast %get3A_38 : vector<10112x1xf32> to vector<10112x32xf32>
    %mul3A_40 = arith.mulf %dot_general3A_35, %mul3A_39 : vector<10112x32xf32>
    %swap3A = arith.constant 0 : index
    %swap3A_41 = arith.constant 0 : index
    %swap3A_42 = vector.load %arg5[%swap3A, %swap3A_41] : memref<10112x32xf32, #tpu.memory_space<vmem>>, vector<10112x32xf32>
    tpu.vector_store %arg5[%swap3A, %swap3A_41], %mul3A_40 {strides = array<i32>} : memref<10112x32xf32, #tpu.memory_space<vmem>>, vector<10112x32xf32>,
    return
  }
}

module attributes {stable_mosaic.version = 14 : i64} {
  func.func @_out_body(%arg0: memref<4x10112x32xf32, #tpu.memory_space<vmem>>, %arg1: memref<10112x1xf32, #tpu.memory_space<vmem>>, %arg2: memref<1x32xf32, #tpu.memory_space<vmem>>, %arg3: memref<10112x32xf32, #tpu.memory_space<vmem>>) attributes {dimension_semantics = [], scalar_prefetch = 0 : i64, scratch_operands = 0 : i64, tpu.core_type = #tpu.core_type<tc>} {
    %get3A = arith.constant 0 : index
    %get3A_0 = arith.constant 0 : index
    %get3A_1 = arith.constant 0 : index
    %get3A_2 = vector.load %arg0[%get3A, %get3A_0, %get3A_1] : memref<4x10112x32xf32, #tpu.memory_space<vmem>>, vector<1x10112x32xf32>
    %get3A_3 = vector.shape_cast %get3A_2 : vector<1x10112x32xf32> to vector<10112x32xf32>
    %get3A_4 = arith.constant 1 : index
    %get3A_5 = arith.constant 0 : index
    %get3A_6 = arith.constant 0 : index
    %get3A_7 = vector.load %arg0[%get3A_4, %get3A_5, %get3A_6] : memref<4x10112x32xf32, #tpu.memory_space<vmem>>, vector<1x10112x32xf32>
    %get3A_8 = vector.shape_cast %get3A_7 : vector<1x10112x32xf32> to vector<10112x32xf32>
    %add3A = arith.addf %get3A_3, %get3A_8 : vector<10112x32xf32>
    %get3A_9 = arith.constant 2 : index
    %get3A_10 = arith.constant 0 : index
    %get3A_11 = arith.constant 0 : index
    %get3A_12 = vector.load %arg0[%get3A_9, %get3A_10, %get3A_11] : memref<4x10112x32xf32, #tpu.memory_space<vmem>>, vector<1x10112x32xf32>
    %get3A_13 = vector.shape_cast %get3A_12 : vector<1x10112x32xf32> to vector<10112x32xf32>
    %get3A_14 = arith.constant 3 : index
    %get3A_15 = arith.constant 0 : index
    %get3A_16 = arith.constant 0 : index
    %get3A_17 = vector.load %arg0[%get3A_14, %get3A_15, %get3A_16] : memref<4x10112x32xf32, #tpu.memory_space<vmem>>, vector<1x10112x32xf32>
    %get3A_18 = vector.shape_cast %get3A_17 : vector<1x10112x32xf32> to vector<10112x32xf32>
    %add3A_19 = arith.addf %get3A_13, %get3A_18 : vector<10112x32xf32>
    %add3A_20 = arith.addf %add3A, %add3A_19 : vector<10112x32xf32>
    %get3A_21 = arith.constant 0 : index
    %get3A_22 = arith.constant 0 : index
    %get3A_23 = vector.load %arg1[%get3A_21, %get3A_22] : memref<10112x1xf32, #tpu.memory_space<vmem>>, vector<10112x1xf32>
    %mul3A = vector.broadcast %get3A_23 : vector<10112x1xf32> to vector<10112x32xf32>
    %mul3A_24 = arith.mulf %add3A_20, %mul3A : vector<10112x32xf32>
    %get3A_25 = arith.constant 0 : index
    %get3A_26 = arith.constant 0 : index
    %get3A_27 = vector.load %arg2[%get3A_25, %get3A_26] : memref<1x32xf32, #tpu.memory_space<vmem>>, vector<1x32xf32>
    %add3A_28 = vector.broadcast %get3A_27 : vector<1x32xf32> to vector<10112x32xf32>
    %add3A_29 = arith.addf %mul3A_24, %add3A_28 : vector<10112x32xf32>
    %swap3A = arith.constant 0 : index
    %swap3A_30 = arith.constant 0 : index
    %swap3A_31 = vector.load %arg3[%swap3A, %swap3A_30] : memref<10112x32xf32, #tpu.memory_space<vmem>>, vector<10112x32xf32>
    tpu.vector_store %arg3[%swap3A, %swap3A_30], %add3A_29 {strides = array<i32>} : memref<10112x32xf32, #tpu.memory_space<vmem>>, vector<10112x32xf32>,
    return
  }
}

</mosaic_0001>

<sc_bundles>
// kernel: kernel.12.cloned.1.call-start
scs
__scs_entry_jumppad:
0x0: {  	(pc) =	sbr.rel $0x88, $3  }
0x1: {  	(tag) =	ssettag $0x0;
	lr =	simm.s32 $0x1  }
0x2: {  	[smem:$0x3F9B] =	sst lr;
	_ =	strace $0xD0000000  }
0x3: {  	_ = 	snop  }
0x4: {  	_ = 	snop  }
0x5: {  	_ = 	snop  }
0x6: {  	_ = 	snop  }
0x7: {  	_ = 	snop  }
__scs_overlays_trampoline_lowered:
0x8: {  	[smem:$0x3FAA] =	sst s0  }
0x9: {  	[smem:$0x3FAB] =	sst s1  }
0xa: {  	[smem:$0x3FAC] =	sst s2  }
0xb: {  	[smem:$0x3FAD] =	sst s3  }
0xc: {  	[smem:$0x3FAE] =	sst s4  }
0xd: {  	[smem:$0x3FAF] =	sst s5  }
0xe: {  	[smem:$0x3FB0] =	sst s6  }
0xf: {  	[smem:$0x3FB1] =	sst s7  }
0x10: {  	[smem:$0x3FB2] =	sst s8  }
0x11: {  	[smem:$0x3FB3] =	sst s9;
	s0 =	simm.s32 @!p0 $0x0  }
0x12: {  	s1 =	sld [smem:$0x3F99];
	s0 =	simm.s32 @p0 $0x1  }
0x13: {  	[smem:$0x3FB4] =	sst s0;
	s0 =	simm.s32 @!p1 $0x0  }
0x14: {  	s2 =	sld [smem:$0x3F98];
	s0 =	simm.s32 @p1 $0x1  }
0x15: {  	[smem:$0x3FB5] =	sst s0;
	s0 =	simm.s32 @!p2 $0x0  }
0x16: {  	s3 =	sld [smem:$0x3FDB];
	s0 =	simm.s32 @p2 $0x1  }
0x17: {  	s4 =	simm.s32 $0x1BF5;
	[smem:$0x3FB7] =	sst s0  }
0x18: {  	s0 =	sld [smem:$0x3F9A];
	_ =	swait.ge [sflag:s4], $0x0  }
0x19: {  	s7 =	sld [smem:$0x3F9B]  }
0x1a: {  	s8 =	sadd.s32 $0xFFFFE003, lr  }
0x1b: {  	s9 =	sadd.s32 $0xFFFFFEF7, lr;
	s5 =	simm.s32 $0xFFFFFFFF;
	p2 =	slt.u32 s8, $0xFFFFF086  }
0x1c: {  	p1 =	slt.u32 s9, $0xF7A;
	s5 =	simm.s32 @!p2 $0x0  }
0x1d: {  	s5 =	simm.s32 @p1 $0x1;
	p0 =	seq.s32 s7, s2  }
0x1e: {  	s7 =	smul.u32 @!p0 $0xF7A, s2;
	p2 =	seq.s32 @!p0 s5, $0x0  }
0x1f: {  	s9 =	smul.u32 $0xF7A, s1;
	s8 =	simm.s32 @!p0 $0x1BF5;
	p2 =	por !p2, p0  }
0x20: {  	[sflag:s8] =	ssyncset.s32 @!p0 $0xFFFFF086;
	s6 =	sadd.s32 @!p0 s3, s7;
	s7 =	simm.s32 @!p0 $0x108  }
0x21: {  	s3 =	sadd.s32 s3, s9;
	s6 =	sadd.s32 @!p0 $0x88, s6;
	s7 =	simm.s32 @p2 $0x1082  }
0x22: {  	[simem:s7], [sflag:s8] =	dma.local @!p0 [hbm:s6], $0xF7A  }
0x23: {  	s9 =	sor.u32 $0xD0000000, s2;
	s6 =	simm.s32 $0x108;
	_ =	swait.ge @!p0 [sflag:s8], $0x0  }
0x24: {  	s3 =	sadd.s32 $0x88, s3;
	s6 =	simm.s32 @!p1 $0x1082;
	[sflag:s4] =	ssyncset.s32 $0xFFFFF086  }
0x25: {  	[simem:s6], [sflag:s4] =	dma.local [hbm:s3], $0xF7A  }
0x26: {  	[smem:$0x3F9B] =	sst s1;
	(tag) =	ssettag s2;
	_ =	strace s9  }
0x27: {  	s1 =	sld [smem:$0x3FAB]  }
0x28: {  	s2 =	sld [smem:$0x3FAC]  }
0x29: {  	s4 =	sld [smem:$0x3FAE]  }
0x2a: {  	p0 =	seq.s32 s5, $0x0;
	s5 =	sld [smem:$0x3FAF]  }
0x2b: {  	s6 =	sld [smem:$0x3FB0]  }
0x2c: {  	s7 =	sld [smem:$0x3FB1]  }
0x2d: {  	s3 =	simm.s32 $0x108;
	s8 =	sld [smem:$0x3FB2]  }
0x2e: {  	s3 =	simm.s32 @!p0 $0x1082;
	s9 =	sld [smem:$0x3FB3]  }
0x2f: {  	lr =	sadd.s32 s0, s3;
	s0 =	sld [smem:$0x3FAA]  }
0x30: {  	s3 =	sld [smem:$0x3FAD]  }
0x31: {  	[smem:$0x3FB6] =	sst s10  }
0x32: {  	s10 =	sld [smem:$0x3FB4];
	_ =	sdelay $0x3  }
0x33: {  	p0 =	seq.s32 s10, $0x1;
	s10 =	sld [smem:$0x3FB6];
	_ =	sdelay $0x3  }
0x34: {  	[smem:$0x3FB6] =	sst s10  }
0x35: {  	s10 =	sld [smem:$0x3FB5];
	_ =	sdelay $0x3  }
0x36: {  	p1 =	seq.s32 s10, $0x1;
	s10 =	sld [smem:$0x3FB6];
	_ =	sdelay $0x3  }
0x37: {  	[smem:$0x3FB6] =	sst s10  }
0x38: {  	s10 =	sld [smem:$0x3FB7]  }
0x39: {  	_ = 	snop;
	(pc) =	sbr.ind lr, $3  }
0x3a: {  	_ = 	snop  }
0x3b: {  	_ = 	snop  }
0x3c: {  	p2 =	seq.s32 s10, $0x1;
	s10 =	sld [smem:$0x3FB6]  }
0x3d: {  	_ =	shalt  }
0x3e: {  	_ =	shalt  }
0x3f: {  	_ =	shalt  }
0x40: {  	_ =	shalt  }
0x41: {  	_ =	shalt  }
0x42: {  	_ =	shalt  }
0x43: {  	_ =	shalt  }
0x44: {  	_ =	shalt  }
0x45: {  	_ =	shalt  }
0x46: {  	_ =	shalt  }
0x47: {  	_ =	shalt  }
0x48: {  	_ =	shalt  }
0x49: {  	_ =	shalt  }
0x4a: {  	_ =	shalt  }
0x4b: {  	_ =	shalt  }
0x4c: {  	_ =	shalt  }
0x4d: {  	_ =	shalt  }
0x4e: {  	_ =	shalt  }
0x4f: {  	_ =	shalt  }
0x50: {  	_ =	shalt  }
0x51: {  	_ =	shalt  }
0x52: {  	_ =	shalt  }
0x53: {  	_ =	shalt  }
0x54: {  	_ =	shalt  }
0x55: {  	_ =	shalt  }
0x56: {  	_ =	shalt  }
0x57: {  	_ =	shalt  }
0x58: {  	_ =	shalt  }
0x59: {  	_ =	shalt  }
0x5a: {  	_ =	shalt  }
0x5b: {  	_ =	shalt  }
0x5c: {  	_ =	shalt  }
0x5d: {  	_ =	shalt  }
0x5e: {  	_ =	shalt  }
0x5f: {  	_ =	shalt  }
0x60: {  	_ =	shalt  }
0x61: {  	_ =	shalt  }
0x62: {  	_ =	shalt  }
0x63: {  	_ =	shalt  }
0x64: {  	_ =	shalt  }
0x65: {  	_ =	shalt  }
0x66: {  	_ =	shalt  }
0x67: {  	_ =	shalt  }
0x68: {  	_ =	shalt  }
0x69: {  	_ =	shalt  }
0x6a: {  	_ =	shalt  }
0x6b: {  	_ =	shalt  }
0x6c: {  	_ =	shalt  }
0x6d: {  	_ =	shalt  }
0x6e: {  	_ =	shalt  }
0x6f: {  	_ =	shalt  }
0x70: {  	_ =	shalt  }
0x71: {  	_ =	shalt  }
0x72: {  	_ =	shalt  }
0x73: {  	_ =	shalt  }
0x74: {  	_ =	shalt  }
0x75: {  	_ =	shalt  }
0x76: {  	_ =	shalt  }
0x77: {  	_ =	shalt  }
0x78: {  	_ =	shalt  }
0x79: {  	_ =	shalt  }
0x7a: {  	_ =	shalt  }
0x7b: {  	_ =	shalt  }
0x7c: {  	_ =	shalt  }
0x7d: {  	_ =	shalt  }
0x7e: {  	_ =	shalt  }
0x7f: {  	_ =	shalt  }
0x80: {  	_ =	shalt  }
0x81: {  	_ =	shalt  }
0x82: {  	_ =	shalt  }
0x83: {  	_ =	shalt  }
0x84: {  	_ =	shalt  }
0x85: {  	_ =	shalt  }
0x86: {  	_ =	shalt  }
0x87: {  	_ =	shalt  }
.Lfunc_end0:
.L_simem_size_0:
called_computation.1_lowered:
.L_overlay_start_0:
0x88: {  	s2 =	sld [smem:$0x3FD9]  }
0x89: {  	s3 =	sld [smem:$0x3FFE];
	_ =	sdelay $0x1  }
0x8a: {  	s1 =	srdreg.scid  }
0x8b: {  	s0 =	sand.u32 $0x1, s1  }
0x8c: {  	s17 =	sshll.u32 s0, $0xA;
	s2 =	sadd.s32 s3, s2  }
0x8d: {  	s2 =	sadd.s32 s2, s17  }
0x8e: {  	[smem:$0x3FC2] =	sst s2  }
0x8f: {  	_ = 	snop  }
0x90: {  	s2 =	sld [smem:$0x3FD0];
	(tm) =	ssettm $0x1  }
0x91: {  	s18 =	sld [smem:$0x3FFB];
	_ =	sdelay $0x3  }
0x92: {  	_ =	strace s18  }
0x93: {  	s3 =	sld [smem:$0x3FFC];
	_ =	sdelay $0x3  }
0x94: {  	_ =	strace s3  }
0x95: {  	s3 =	sld [smem:$0x3FFD];
	_ =	sdelay $0x3  }
0x96: {  	_ =	strace s3  }
0x97: {  	_ =	strace $0x8FFFFFFF  }
0x98: {  	s19 =	sld [smem:$0x3FDB];
	_ =	sdelay $0x1  }
0x99: {  	s4 =	simm.s32 $_scs_section_size  }
0x9a: {  	s5 =	simm.s32 $_size__tile_overlayer_lowered;
	s6 =	simm.s32 $_tile_overlayer_lowered  }
0x9b: {  	s22 =	simm.s32 $0x1BFF;
	s21 =	sshll.u32 s6, $0x1;
	s3 =	sadd.s32 s4, s19  }
0x9c: {  	s7 =	simm.s32 $0x0;
	s20 =	sshll.u32 s5, $0x1;
	s5 =	sadd.s32 s21, s3  }
0x9d: {  	[timem:s7], [sflag:s22] =	dma.local [hbm:s5], s20  }
0x9e: {  	_ =	swait.ge [sflag:s22], s20  }
0x9f: {  	s4 =	ssub.s32 $0x0, s20;
	[sflag:s22] =	ssyncset.done $0x0  }
0xa0: {  	[sflag:s22] =	ssyncadd.s32 s4;
	_ =	sdelay $0x1  }
0xa1: {  	s23 =	simm.s32 $0x1B8B  }
0xa2: {  	_ =	swait.ge [sflag:s23], $0x1  }
0xa3: {  	[sflag:s23] =	ssyncset.done $0x0  }
0xa4: {  	s25 =	simm.s32 $0x1B8E;
	s24 =	sld [smem:$0x3FFE];
	[sflag:s23] =	ssyncadd.s32 $0xFFFFFFFF  }
0xa5: {  	s26 =	simm.s32 $execute0_lowered;
	[smem:$0x3FD2] =	sst s25  }
0xa6: {  	s5 =	sshll.u32 s26, $0x1;
	_ =	strace $0x80000049;
	[dreg:$0x1] =	wrdreg $0xFFFFFFFF  }
0xa7: {  	s28 =	simm.s32 $_size_execute0_lowered;
	s3 =	sadd.s32 s3, s5;
	[dreg:$0x0] =	wrdreg $0x0  }
0xa8: {  	s5 =	sshll.u32 s28, $0x1;
	[dreg:$0x2] =	wrdreg s3  }
0xa9: {  	[dreg:$0x3] =	wrdreg s5  }
0xaa: {  	[dreg:$0x4] =	wrdreg $0xC0  }
0xab: {  	_ =	task [dreg:s7], $0x5FFFF  }
0xac: {  	[dreg:$0x1] =	wrdreg $0xFFFFFFFF  }
0xad: {  	[dreg:$0x0] =	wrdreg $0x60  }
0xae: {  	[dreg:$0x2] =	wrdreg s2  }
0xaf: {  	[dreg:$0x3] =	wrdreg s24  }
0xb0: {  	[dreg:$0x4] =	wrdreg $0xE6800  }
0xb1: {  	[dreg:$0x5] =	wrdreg $0x97800  }
0xb2: {  	[dreg:$0x6] =	wrdreg $0xBF000  }
0xb3: {  	[dreg:$0x7] =	wrdreg $0x9  }
0xb4: {  	_ =	task.clear_ibuf [dreg:s7], $0x8FFFF;
	_ =	strace $0x90000049  }
0xb5: {  	s29 =	simm.s32 $0x9;
	_ =	strace $0x8000004B  }
0xb6: {  	_ =	swait.ge [sflag:s29], $0x1  }
0xb7: {  	[sflag:s29] =	ssyncadd.s32 $0xFFFFFFFF  }
0xb8: {  	_ =	strace $0x9000004B  }
0xb9: {  	_ =	sfence  }
0xba: {  	s30 =	sld [smem:$0x0];
	_ =	sdelay $0x2  }
0xbb: {  	s31 =	sshll.u32 s1, $0xD;
	s1 =	sshrl.u32 s1, $0x2  }
0xbc: {  	s3 =	sand.u32 $0x4000, s31;
	s1 =	sadd.s32 s1, s30  }
0xbd: {  	s0 =	sor.u32 s3, s0;
	s1 =	sshll.u32 s1, $0x11  }
0xbe: {  	s0 =	sor.u32 s1, s0  }
0xbf: {  	s0 =	sadd.s32 $0x8F2B, s0  }
0xc0: {  	[sflag:s0] =	ssyncadd.remote.s32 $0x1  }
0xc1: {  	_ =	sfence.sel $0xFFFF  }
0xc2: {  	[dreg:$0x0] =	wrdreg $0xFFFFFFFF;
	(pc) =	sbr.abs _section_cstart, $3  }
0xc3: {  	[dreg:$0x1] =	wrdreg $0xFFFFFFFF  }
0xc4: {  	_ =	task.clear_ibuf [dreg:s7], $0x2FFFF;
	_ =	strace $0x9FFFFFFF  }
0xc5: {  	(tm) =	ssettm $0x7FFFFFFF  }
tec
execute0_lowered:
.L_overlay_start_1:
0x0: {  	(tag) =	ssettag $0x1  }
0x1: {  	s0 =	rddreg [dreg:$0x0]  }
0x2: {  	s2 =	rddreg [dreg:$0x1];
	s3 =	srdreg.scid  }
0x3: {  	s1 =	rddreg [dreg:$0x2];
	s15 =	stileid.u32  }
0x4: {  	s4 =	rddreg [dreg:$0x4];
	s13 =	simm.s32 $0x9;
	s14 =	simm.s32 $0x2800  }
0x5: {  	s18 =	simm.s32 $0x80;
	s19 =	simm.s32 $0x5000;
	s20 =	simm.s32 $0x5800  }
0x6: {  	s24 =	simm.s32 $0x6000;
	s28 =	simm.s32 $0x6800;
	s29 =	simm.s32 $0x2  }
0x7: {  	s31 =	simm.s32 $0x5;
	s30 =	simm.s32 $0x7;
	s6 =	sand.u32 $0x1, s3  }
0x8: {  	s3 =	rddreg [dreg:$0x3];
	s9 =	sadd.s32 $0x15C00, s2;
	s11 =	smul.u32 $0x2780, s15  }
0x9: {  	s21 =	sand.u32 $0x1, s15;
	s5 =	sshll.u32 s6, $0x4;
	s12 =	smul.u32 $0x4F000, s6  }
0xa: {  	s8 =	ssub.s32 $0x2, s6;
	s6 =	smul.u32 $0x9E00, s6;
	p0 =	seq.s32 s21, $0x1  }
0xb: {  	p1 =	seq.s32 s21, $0x0;
	s21 =	simm.s32 $0x8;
	s7 =	sor.u32 s15, s5  }
0xc: {  	s5 =	simm.s32 $0x0;
	s25 =	sshrl.u32 s8, $0x1;
	s17 =	sadd.s32 s11, s1  }
0xd: {  	s10 =	sadd.s32 s11, s3;
	s7 =	smul.u32 $0x500, s7;
	[smem:$0x7FF] =	sst s5  }
0xe: {  	s8 =	ssub.s32 s8, s25;
	s12 =	sshrl.u32 s12, $0x3;
	s17 =	sshrl.u32 s17, $0x3  }
0xf: {  	_ =	strace $0x8000004A;
	[dreg:$0x6] =	wrdreg s9;
	s9 =	sshrl.u32 s11, $0x3  }
0x10: {  	s11 =	sadd.s32 s11, s4;
	s7 =	sadd.s32 s7, s2;
	s2 =	sadd.s32 $0x16200, s2  }
0x11: {  	s0 =	sadd.s32 s0, s9;
	s26 =	sadd.s32 $0xBC00, s7;
	s7 =	sadd.s32 $0x1C00, s7  }
0x12: {  	[dreg:$0x9] =	wrdreg s0;
	s12 =	sadd.s32 s2, s12;
	s2 =	sadd.s32 s2, s6  }
.Ltmp0:
0x13: {  	s0 =	simm.s32 $0x3;
	[dreg:$0x7] =	wrdreg s26;
	(pc) =	sbr.rel .LBB2_1-.Ltmp0, $4  }
0x14: {  	s6 =	simm.s32 $0x0;
	[dreg:$0x8] =	wrdreg s7;
	s25 =	sadd.s32 $0x4F00, s12  }
0x15: {  	s12 =	smax.u32 s8, $0x1;
	s26 =	sshll.u32 s15, $0x6;
	s15 =	simm.s32 $0x7000  }
0x16: {  	s22 =	sadd.s32 s9, s2;
	s2 =	simm.s32 $0x4;
	s16 =	sor.u32 $0x1C09, s26  }
0x17: {  	s23 =	sadd.s32 s9, s25;
	s25 =	simm.s32 $0x1;
	s26 =	simm.s32 $0x6  }
.LBB2_8:
0x18: {  	[bflag:$0x0] =	sbarrier.arrive $0xFFFF;
	s7 =	sshrl.u32 s10, $0x3  }
0x19: {  	[hbm:s22], [sflag:s16] =	dma.local [spmem:s7], $0x4F0  }
0x1a: {  	s6 =	sadd.s32 $0x1, s6;
	_ =	swait.ge [sflag:s13], $0x4F0  }
0x1b: {  	p2 =	sne.s32 s6, s12;
	[sflag:s13] =	ssyncset.done $0x0  }
.Ltmp1:
0x1c: {  	s9 =	sshrl.u32 s11, $0x3;
	[sflag:s13] =	ssyncadd.s32 $0xFFFFFB10;
	(pc) =	sbr.rel @!p2 .LBB2_9-.Ltmp1, $4  }
0x1d: {  	[hbm:s23], [sflag:s16] =	dma.local [spmem:s9], $0x4F0  }
0x1e: {  	_ =	swait.ge [sflag:s13], $0x4F0  }
0x1f: {  	[sflag:s13] =	ssyncset.done $0x0  }
0x20: {  	[sflag:s13] =	ssyncadd.s32 $0xFFFFFB10  }
.LBB2_1:
0x21: {  	s7 =	rddreg [dreg:$0x7]  }
0x22: {  	[tilespmem:s5], [sflag:$0x9] =	stream.linear.gather [hbm4b:s7+s5], $0x2800, $0x38;
	[tilespmem:$0x10E00] =	vst v63  }
0x23: {  	_ =	swait.ge [sflag:s13], $0x2800  }
0x24: {  	[sflag:s13] =	ssyncset.done $0x0  }
0x25: {  	s9 =	rddreg [dreg:$0x8];
	[sflag:s13] =	ssyncadd.s32 $0xFFFFD800  }
0x26: {  	[tilespmem:s14], [sflag:$0x9] =	stream.linear.gather [hbm4b:s9+s5], $0x2800, $0x38;
	[tilespmem:$0x10E00] =	vst v63  }
0x27: {  	_ =	swait.ge [sflag:s13], $0x2800  }
0x28: {  	[sflag:s13] =	ssyncset.done $0x0  }
0x29: {  	s8 =	rddreg [dreg:$0x6];
	[sflag:s13] =	ssyncadd.s32 $0xFFFFD800  }
0x2a: {  	[tilespmem:s15], [sflag:$0x9] =	stream.linear.gather [hbm4b:s8+s5], $0x2780, $0x38;
	[tilespmem:$0x10E00] =	vst v63  }
0x2b: {  	_ =	swait.ge [sflag:s13], $0x2780  }
0x2c: {  	[sflag:s13] =	ssyncset.done $0x0  }
0x2d: {  	s9 =	rddreg [dreg:$0x9];
	[sflag:s13] =	ssyncadd.s32 $0xFFFFD880  }
0x2e: {  	[spmem:s17], [sflag:s16] =	dma.local [hbm:s9], $0x4F0  }
0x2f: {  	_ =	swait.ge [sflag:s13], $0x4F0  }
0x30: {  	[sflag:s13] =	ssyncset.done $0x0  }
0x31: {  	[sflag:s13] =	ssyncadd.s32 $0xFFFFFB10  }
0x32: {  	[spmem:s10] =	stream.linear.scatter [tilespmem:s15], [sflag:$0x9], $0x2780, $0x38;
	[tilespmem:$0x10E00] =	vst v63  }
0x33: {  	_ =	swait.ge [sflag:s13], $0x2780  }
0x34: {  	[sflag:s13] =	ssyncset.done $0x0  }
0x35: {  	[sflag:s13] =	ssyncadd.s32 $0xFFFFD880  }
0x36: {  	[spmem:s11] =	stream.linear.scatter [tilespmem:s15], [sflag:$0x9], $0x2780, $0x38;
	[tilespmem:$0x10E00] =	vst v63  }
.Ltmp2:
0x37: {  	_ =	swait.ge [sflag:s13], $0x2780;
	(pc) =	sbr.rel @p0 .LBB2_5-.Ltmp2, $3  }
0x38: {  	[sflag:s13] =	ssyncset.done $0x0  }
0x39: {  	[sflag:s13] =	ssyncadd.s32 $0xFFFFD880  }
0x3a: {  	[bflag:$0x0] =	sbarrier.arrive $0xFFFF;
	_ =	sdelay $0x1  }
0x3b: {  	s7 =	simm.s32 $0x0  }
0x3c: {  	[tilespmem:s19], [sflag:$0x1] =	stream.indirect.gather [spmem:s1], $0x10, s7, s18, $0xb8;
	[tilespmem:$0x10E00] =	vst v63  }
0x3d: {  	_ = 	snop  }
0x3e: {  	[tilespmem:s20], [sflag:$0x2] =	stream.indirect.gather [spmem:s1], $0x10, s18, s18, $0xb8;
	[tilespmem:$0x10E00] =	vst v63  }
0x3f: {  	s8 =	simm.s32 $0x100  }
0x40: {  	[tilespmem:s24], [sflag:$0x3] =	stream.indirect.gather [spmem:s1], $0x10, s8, s18, $0xb8;
	[tilespmem:$0x10E00] =	vst v63  }
0x41: {  	_ =	swait.ge [sflag:s25], $0x800  }
0x42: {  	[sflag:s25] =	ssyncset.done $0x0  }
0x43: {  	[sflag:s25] =	ssyncadd.s32 $0xFFFFF800  }
0x44: {  	[spmem:s3] =	stream.indirect.scatter.add.f32 [tilespmem:s19], [sflag:$0x5], $0x10, s14, s18, $0xb8;
	[tilespmem:$0x10E00] =	vst v63  }
0x45: {  	s9 =	simm.s32 $0x180  }
0x46: {  	[tilespmem:s28], [sflag:$0x4] =	stream.indirect.gather [spmem:s1], $0x10, s9, s18, $0xb8;
	[tilespmem:$0x10E00] =	vst v63  }
0x47: {  	_ =	swait.ge [sflag:s29], $0x800  }
0x48: {  	[sflag:s29] =	ssyncset.done $0x0  }
0x49: {  	s8 =	simm.s32 $0x2880;
	[sflag:s29] =	ssyncadd.s32 $0xFFFFF800  }
0x4a: {  	[spmem:s3] =	stream.indirect.scatter.add.f32 [tilespmem:s20], [sflag:$0x6], $0x10, s8, s18, $0xb8;
	[tilespmem:$0x10E00] =	vst v63  }
0x4b: {  	_ =	swait.ge [sflag:s31], $0x800  }
0x4c: {  	[sflag:s31] =	ssyncset.done $0x0  }
0x4d: {  	s9 =	simm.s32 $0x200;
	[sflag:s31] =	ssyncadd.s32 $0xFFFFF800  }
0x4e: {  	[tilespmem:s19], [sflag:$0x1] =	stream.indirect.gather [spmem:s1], $0x10, s9, s18, $0xb8;
	[tilespmem:$0x10E00] =	vst v63  }
0x4f: {  	_ =	swait.ge [sflag:s0], $0x800  }
0x50: {  	[sflag:s0] =	ssyncset.done $0x0  }
0x51: {  	s8 =	simm.s32 $0x2900;
	[sflag:s0] =	ssyncadd.s32 $0xFFFFF800  }
0x52: {  	[spmem:s3] =	stream.indirect.scatter.add.f32 [tilespmem:s24], [sflag:$0x7], $0x10, s8, s18, $0xb8;
	[tilespmem:$0x10E00] =	vst v63  }
0x53: {  	_ =	swait.ge [sflag:s26], $0x800  }
0x54: {  	[sflag:s26] =	ssyncset.done $0x0  }
0x55: {  	s9 =	simm.s32 $0x280;
	[sflag:s26] =	ssyncadd.s32 $0xFFFFF800  }
0x56: {  	[tilespmem:s20], [sflag:$0x2] =	stream.indirect.gather [spmem:s1], $0x10, s9, s18, $0xb8;
	[tilespmem:$0x10E00] =	vst v63  }
0x57: {  	_ =	swait.ge [sflag:s2], $0x800  }
0x58: {  	[sflag:s2] =	ssyncset.done $0x0  }
0x59: {  	s8 =	simm.s32 $0x2980;
	[sflag:s2] =	ssyncadd.s32 $0xFFFFF800  }
0x5a: {  	[spmem:s3] =	stream.indirect.scatter.add.f32 [tilespmem:s28], [sflag:$0x8], $0x10, s8, s18, $0xb8;
	[tilespmem:$0x10E00] =	vst v63  }
0x5b: {  	_ =	swait.ge [sflag:s30], $0x800  }
0x5c: {  	[sflag:s30] =	ssyncset.done $0x0  }
0x5d: {  	s9 =	simm.s32 $0x300;
	[sflag:s30] =	ssyncadd.s32 $0xFFFFF800  }
0x5e: {  	[tilespmem:s24], [sflag:$0x3] =	stream.indirect.gather [spmem:s1], $0x10, s9, s18, $0xb8;
	[tilespmem:$0x10E00] =	vst v63  }
0x5f: {  	_ =	swait.ge [sflag:s25], $0x800  }
0x60: {  	[sflag:s25] =	ssyncset.done $0x0  }
0x61: {  	s8 =	simm.s32 $0x2A00;
	[sflag:s25] =	ssyncadd.s32 $0xFFFFF800  }
0x62: {  	[spmem:s3] =	stream.indirect.scatter.add.f32 [tilespmem:s19], [sflag:$0x5], $0x10, s8, s18, $0xb8;
	[tilespmem:$0x10E00] =	vst v63  }
0x63: {  	_ =	swait.ge [sflag:s21], $0x800  }
0x64: {  	[sflag:s21] =	ssyncset.done $0x0  }
0x65: {  	s9 =	simm.s32 $0x380;
	[sflag:s21] =	ssyncadd.s32 $0xFFFFF800  }
0x66: {  	[tilespmem:s28], [sflag:$0x4] =	stream.indirect.gather [spmem:s1], $0x10, s9, s18, $0xb8;
	[tilespmem:$0x10E00] =	vst v63  }
0x67: {  	_ =	swait.ge [sflag:s29], $0x800  }
0x68: {  	[sflag:s29] =	ssyncset.done $0x0  }
0x69: {  	s8 =	simm.s32 $0x2A80;
	[sflag:s29] =	ssyncadd.s32 $0xFFFFF800  }
0x6a: {  	[spmem:s3] =	stream.indirect.scatter.add.f32 [tilespmem:s20], [sflag:$0x6], $0x10, s8, s18, $0xb8;
	[tilespmem:$0x10E00] =	vst v63  }
0x6b: {  	_ =	swait.ge [sflag:s31], $0x800  }
0x6c: {  	[sflag:s31] =	ssyncset.done $0x0  }
0x6d: {  	s9 =	simm.s32 $0x400;
	[sflag:s31] =	ssyncadd.s32 $0xFFFFF800  }
0x6e: {  	[tilespmem:s19], [sflag:$0x1] =	stream.indirect.gather [spmem:s1], $0x10, s9, s18, $0xb8;
	[tilespmem:$0x10E00] =	vst v63  }
0x6f: {  	_ =	swait.ge [sflag:s0], $0x800  }
0x70: {  	[sflag:s0] =	ssyncset.done $0x0  }
0x71: {  	s8 =	simm.s32 $0x2B00;
	[sflag:s0] =	ssyncadd.s32 $0xFFFFF800  }
0x72: {  	[spmem:s3] =	stream.indirect.scatter.add.f32 [tilespmem:s24], [sflag:$0x7], $0x10, s8, s18, $0xb8;
	[tilespmem:$0x10E00] =	vst v63  }
0x73: {  	_ =	swait.ge [sflag:s26], $0x800  }
0x74: {  	[sflag:s26] =	ssyncset.done $0x0  }
0x75: {  	s9 =	simm.s32 $0x480;
	[sflag:s26] =	ssyncadd.s32 $0xFFFFF800  }
0x76: {  	[tilespmem:s20], [sflag:$0x2] =	stream.indirect.gather [spmem:s1], $0x10, s9, s18, $0xb8;
	[tilespmem:$0x10E00] =	vst v63  }
0x77: {  	_ =	swait.ge [sflag:s2], $0x800  }
0x78: {  	[sflag:s2] =	ssyncset.done $0x0  }
0x79: {  	s7 =	simm.s32 $0x800;
	s8 =	simm.s32 $0x2B80;
	[sflag:s2] =	ssyncadd.s32 $0xFFFFF800  }
.LBB2_3:
0x7a: {  	[spmem:s3] =	stream.indirect.scatter.add.f32 [tilespmem:s28], [sflag:$0x8], $0x10, s8, s18, $0xb8;
	[tilespmem:$0x10E00] =	vst v63  }
0x7b: {  	s8 =	smov.u32 s7  }
0x7c: {  	p2 =	sne.s32 s7, $0x8800;
	s7 =	sadd.s32 $0x800, s7;
	_ =	swait.ge [sflag:s30], $0x800  }
0x7d: {  	s8 =	sshra.s32 s8, $0x2;
	[sflag:s30] =	ssyncset.done $0x0  }
0x7e: {  	s9 =	sadd.s32 $0x300, s8;
	[sflag:s30] =	ssyncadd.s32 $0xFFFFF800  }
0x7f: {  	[tilespmem:s24], [sflag:$0x3] =	stream.indirect.gather [spmem:s1], $0x10, s9, s18, $0xb8;
	[tilespmem:$0x10E00] =	vst v63  }
0x80: {  	_ =	swait.ge [sflag:s25], $0x800  }
0x81: {  	[sflag:s25] =	ssyncset.done $0x0  }
0x82: {  	s9 =	sadd.s32 $0x2A00, s8;
	[sflag:s25] =	ssyncadd.s32 $0xFFFFF800  }
0x83: {  	[spmem:s3] =	stream.indirect.scatter.add.f32 [tilespmem:s19], [sflag:$0x5], $0x10, s9, s18, $0xb8;
	[tilespmem:$0x10E00] =	vst v63  }
0x84: {  	_ =	swait.ge [sflag:s21], $0x800  }
0x85: {  	[sflag:s21] =	ssyncset.done $0x0  }
0x86: {  	s9 =	sadd.s32 $0x380, s8;
	[sflag:s21] =	ssyncadd.s32 $0xFFFFF800  }
0x87: {  	[tilespmem:s28], [sflag:$0x4] =	stream.indirect.gather [spmem:s1], $0x10, s9, s18, $0xb8;
	[tilespmem:$0x10E00] =	vst v63  }
0x88: {  	_ =	swait.ge [sflag:s29], $0x800  }
0x89: {  	[sflag:s29] =	ssyncset.done $0x0  }
0x8a: {  	s9 =	sadd.s32 $0x2A80, s8;
	[sflag:s29] =	ssyncadd.s32 $0xFFFFF800  }
0x8b: {  	[spmem:s3] =	stream.indirect.scatter.add.f32 [tilespmem:s20], [sflag:$0x6], $0x10, s9, s18, $0xb8;
	[tilespmem:$0x10E00] =	vst v63  }
0x8c: {  	_ =	swait.ge [sflag:s31], $0x800  }
0x8d: {  	[sflag:s31] =	ssyncset.done $0x0  }
0x8e: {  	s9 =	sadd.s32 $0x400, s8;
	[sflag:s31] =	ssyncadd.s32 $0xFFFFF800  }
0x8f: {  	[tilespmem:s19], [sflag:$0x1] =	stream.indirect.gather [spmem:s1], $0x10, s9, s18, $0xb8;
	[tilespmem:$0x10E00] =	vst v63  }
0x90: {  	_ =	swait.ge [sflag:s0], $0x800  }
0x91: {  	[sflag:s0] =	ssyncset.done $0x0  }
0x92: {  	s9 =	sadd.s32 $0x2B00, s8;
	[sflag:s0] =	ssyncadd.s32 $0xFFFFF800  }
0x93: {  	[spmem:s3] =	stream.indirect.scatter.add.f32 [tilespmem:s24], [sflag:$0x7], $0x10, s9, s18, $0xb8;
	[tilespmem:$0x10E00] =	vst v63  }
0x94: {  	_ =	swait.ge [sflag:s26], $0x800  }
0x95: {  	[sflag:s26] =	ssyncset.done $0x0  }
.Ltmp3:
0x96: {  	s9 =	sadd.s32 $0x480, s8;
	[sflag:s26] =	ssyncadd.s32 $0xFFFFF800;
	(pc) =	sbr.rel @p2 .LBB2_3-.Ltmp3, $4  }
0x97: {  	[tilespmem:s20], [sflag:$0x2] =	stream.indirect.gather [spmem:s1], $0x10, s9, s18, $0xb8;
	[tilespmem:$0x10E00] =	vst v63  }
0x98: {  	_ =	swait.ge [sflag:s2], $0x800  }
0x99: {  	[sflag:s2] =	ssyncset.done $0x0  }
0x9a: {  	s8 =	sadd.s32 $0x2B80, s8;
	[sflag:s2] =	ssyncadd.s32 $0xFFFFF800  }
0x9b: {  	[spmem:s3] =	stream.indirect.scatter.add.f32 [tilespmem:s28], [sflag:$0x8], $0x10, s8, s18, $0xb8;
	[tilespmem:$0x10E00] =	vst v63  }
0x9c: {  	_ =	swait.ge [sflag:s30], $0x800  }
0x9d: {  	[sflag:s30] =	ssyncset.done $0x0  }
0x9e: {  	s7 =	simm.s32 $0x2700;
	[sflag:s30] =	ssyncadd.s32 $0xFFFFF800  }
0x9f: {  	[tilespmem:s24], [sflag:$0x3] =	stream.indirect.gather [spmem:s1], $0x10, s7, s18, $0xb8;
	[tilespmem:$0x10E00] =	vst v63  }
0xa0: {  	_ =	swait.ge [sflag:s25], $0x800  }
0xa1: {  	[sflag:s25] =	ssyncset.done $0x0  }
0xa2: {  	s9 =	simm.s32 $0x4E00;
	[sflag:s25] =	ssyncadd.s32 $0xFFFFF800  }
0xa3: {  	[spmem:s3] =	stream.indirect.scatter.add.f32 [tilespmem:s19], [sflag:$0x5], $0x10, s9, s18, $0xb8;
	[tilespmem:$0x10E00] =	vst v63  }
0xa4: {  	_ =	swait.ge [sflag:s21], $0x800  }
0xa5: {  	[sflag:s21] =	ssyncset.done $0x0  }
0xa6: {  	s8 =	simm.s32 $0x2780;
	[sflag:s21] =	ssyncadd.s32 $0xFFFFF800  }
0xa7: {  	[tilespmem:s28], [sflag:$0x4] =	stream.indirect.gather [spmem:s1], $0x10, s8, s18, $0xb8;
	[tilespmem:$0x10E00] =	vst v63  }
0xa8: {  	_ =	swait.ge [sflag:s29], $0x800  }
0xa9: {  	[sflag:s29] =	ssyncset.done $0x0  }
0xaa: {  	s9 =	simm.s32 $0x4E80;
	[sflag:s29] =	ssyncadd.s32 $0xFFFFF800  }
0xab: {  	[spmem:s3] =	stream.indirect.scatter.add.f32 [tilespmem:s20], [sflag:$0x6], $0x10, s9, s18, $0xb8;
	[tilespmem:$0x10E00] =	vst v63  }
0xac: {  	_ =	swait.ge [sflag:s0], $0x800  }
0xad: {  	[sflag:s0] =	ssyncset.done $0x0  }
0xae: {  	s8 =	simm.s32 $0x4F00;
	[sflag:s0] =	ssyncadd.s32 $0xFFFFF800  }
0xaf: {  	[spmem:s3] =	stream.indirect.scatter.add.f32 [tilespmem:s24], [sflag:$0x7], $0x10, s8, s18, $0xb8;
	[tilespmem:$0x10E00] =	vst v63  }
0xb0: {  	_ =	swait.ge [sflag:s2], $0x800  }
0xb1: {  	[sflag:s2] =	ssyncset.done $0x0  }
0xb2: {  	s9 =	simm.s32 $0x4F80;
	[sflag:s2] =	ssyncadd.s32 $0xFFFFF800  }
0xb3: {  	[spmem:s3] =	stream.indirect.scatter.add.f32 [tilespmem:s28], [sflag:$0x8], $0x10, s9, s18, $0xb8;
	[tilespmem:$0x10E00] =	vst v63  }
0xb4: {  	_ =	swait.ge [sflag:s31], $0x800  }
0xb5: {  	[sflag:s31] =	ssyncset.done $0x0  }
0xb6: {  	[sflag:s31] =	ssyncadd.s32 $0xFFFFF800  }
0xb7: {  	_ =	swait.ge [sflag:s26], $0x800  }
0xb8: {  	[sflag:s26] =	ssyncset.done $0x0  }
0xb9: {  	[sflag:s26] =	ssyncadd.s32 $0xFFFFF800  }
0xba: {  	_ =	swait.ge [sflag:s30], $0x800  }
.Ltmp4:
0xbb: {  	[sflag:s30] =	ssyncset.done $0x0;
	(pc) =	sbr.rel @p1 .LBB2_8-.Ltmp4, $4  }
0xbc: {  	[sflag:s30] =	ssyncadd.s32 $0xFFFFF800  }
0xbd: {  	_ =	swait.ge [sflag:s21], $0x800  }
0xbe: {  	[sflag:s21] =	ssyncset.done $0x0  }
0xbf: {  	[sflag:s21] =	ssyncadd.s32 $0xFFFFF800  }
.LBB2_5:
0xc0: {  	s7 =	simm.s32 $0x0  }
0xc1: {  	[tilespmem:s19], [sflag:$0x1] =	stream.indirect.gather [spmem:s1], $0x10, s7, s18, $0xb8;
	[tilespmem:$0x10E00] =	vst v63  }
0xc2: {  	_ = 	snop  }
0xc3: {  	[tilespmem:s20], [sflag:$0x2] =	stream.indirect.gather [spmem:s1], $0x10, s18, s18, $0xb8;
	[tilespmem:$0x10E00] =	vst v63  }
0xc4: {  	s8 =	simm.s32 $0x100  }
0xc5: {  	[tilespmem:s24], [sflag:$0x3] =	stream.indirect.gather [spmem:s1], $0x10, s8, s18, $0xb8;
	[tilespmem:$0x10E00] =	vst v63  }
0xc6: {  	_ =	swait.ge [sflag:s25], $0x800  }
0xc7: {  	[sflag:s25] =	ssyncset.done $0x0  }
0xc8: {  	[sflag:s25] =	ssyncadd.s32 $0xFFFFF800  }
0xc9: {  	[spmem:s4] =	stream.indirect.scatter.add.f32 [tilespmem:s19], [sflag:$0x5], $0x10, s14, s18, $0xb8;
	[tilespmem:$0x10E00] =	vst v63  }
0xca: {  	s9 =	simm.s32 $0x180  }
0xcb: {  	[tilespmem:s28], [sflag:$0x4] =	stream.indirect.gather [spmem:s1], $0x10, s9, s18, $0xb8;
	[tilespmem:$0x10E00] =	vst v63  }
0xcc: {  	_ =	swait.ge [sflag:s29], $0x800  }
0xcd: {  	[sflag:s29] =	ssyncset.done $0x0  }
0xce: {  	s8 =	simm.s32 $0x2880;
	[sflag:s29] =	ssyncadd.s32 $0xFFFFF800  }
0xcf: {  	[spmem:s4] =	stream.indirect.scatter.add.f32 [tilespmem:s20], [sflag:$0x6], $0x10, s8, s18, $0xb8;
	[tilespmem:$0x10E00] =	vst v63  }
0xd0: {  	_ =	swait.ge [sflag:s31], $0x800  }
0xd1: {  	[sflag:s31] =	ssyncset.done $0x0  }
0xd2: {  	s9 =	simm.s32 $0x200;
	[sflag:s31] =	ssyncadd.s32 $0xFFFFF800  }
0xd3: {  	[tilespmem:s19], [sflag:$0x1] =	stream.indirect.gather [spmem:s1], $0x10, s9, s18, $0xb8;
	[tilespmem:$0x10E00] =	vst v63  }
0xd4: {  	_ =	swait.ge [sflag:s0], $0x800  }
0xd5: {  	[sflag:s0] =	ssyncset.done $0x0  }
0xd6: {  	s8 =	simm.s32 $0x2900;
	[sflag:s0] =	ssyncadd.s32 $0xFFFFF800  }
0xd7: {  	[spmem:s4] =	stream.indirect.scatter.add.f32 [tilespmem:s24], [sflag:$0x7], $0x10, s8, s18, $0xb8;
	[tilespmem:$0x10E00] =	vst v63  }
0xd8: {  	_ =	swait.ge [sflag:s26], $0x800  }
0xd9: {  	[sflag:s26] =	ssyncset.done $0x0  }
0xda: {  	s9 =	simm.s32 $0x280;
	[sflag:s26] =	ssyncadd.s32 $0xFFFFF800  }
0xdb: {  	[tilespmem:s20], [sflag:$0x2] =	stream.indirect.gather [spmem:s1], $0x10, s9, s18, $0xb8;
	[tilespmem:$0x10E00] =	vst v63  }
0xdc: {  	_ =	swait.ge [sflag:s2], $0x800  }
0xdd: {  	[sflag:s2] =	ssyncset.done $0x0  }
0xde: {  	s8 =	simm.s32 $0x2980;
	[sflag:s2] =	ssyncadd.s32 $0xFFFFF800  }
0xdf: {  	[spmem:s4] =	stream.indirect.scatter.add.f32 [tilespmem:s28], [sflag:$0x8], $0x10, s8, s18, $0xb8;
	[tilespmem:$0x10E00] =	vst v63  }
0xe0: {  	_ =	swait.ge [sflag:s30], $0x800  }
0xe1: {  	[sflag:s30] =	ssyncset.done $0x0  }
0xe2: {  	s9 =	simm.s32 $0x300;
	[sflag:s30] =	ssyncadd.s32 $0xFFFFF800  }
0xe3: {  	[tilespmem:s24], [sflag:$0x3] =	stream.indirect.gather [spmem:s1], $0x10, s9, s18, $0xb8;
	[tilespmem:$0x10E00] =	vst v63  }
0xe4: {  	_ =	swait.ge [sflag:s25], $0x800  }
0xe5: {  	[sflag:s25] =	ssyncset.done $0x0  }
0xe6: {  	s8 =	simm.s32 $0x2A00;
	[sflag:s25] =	ssyncadd.s32 $0xFFFFF800  }
0xe7: {  	[spmem:s4] =	stream.indirect.scatter.add.f32 [tilespmem:s19], [sflag:$0x5], $0x10, s8, s18, $0xb8;
	[tilespmem:$0x10E00] =	vst v63  }
0xe8: {  	_ =	swait.ge [sflag:s21], $0x800  }
0xe9: {  	[sflag:s21] =	ssyncset.done $0x0  }
0xea: {  	s9 =	simm.s32 $0x380;
	[sflag:s21] =	ssyncadd.s32 $0xFFFFF800  }
0xeb: {  	[tilespmem:s28], [sflag:$0x4] =	stream.indirect.gather [spmem:s1], $0x10, s9, s18, $0xb8;
	[tilespmem:$0x10E00] =	vst v63  }
0xec: {  	_ =	swait.ge [sflag:s29], $0x800  }
0xed: {  	[sflag:s29] =	ssyncset.done $0x0  }
0xee: {  	s8 =	simm.s32 $0x2A80;
	[sflag:s29] =	ssyncadd.s32 $0xFFFFF800  }
0xef: {  	[spmem:s4] =	stream.indirect.scatter.add.f32 [tilespmem:s20], [sflag:$0x6], $0x10, s8, s18, $0xb8;
	[tilespmem:$0x10E00] =	vst v63  }
0xf0: {  	_ =	swait.ge [sflag:s31], $0x800  }
0xf1: {  	[sflag:s31] =	ssyncset.done $0x0  }
0xf2: {  	s9 =	simm.s32 $0x400;
	[sflag:s31] =	ssyncadd.s32 $0xFFFFF800  }
0xf3: {  	[tilespmem:s19], [sflag:$0x1] =	stream.indirect.gather [spmem:s1], $0x10, s9, s18, $0xb8;
	[tilespmem:$0x10E00] =	vst v63  }
0xf4: {  	_ =	swait.ge [sflag:s0], $0x800  }
0xf5: {  	[sflag:s0] =	ssyncset.done $0x0  }
0xf6: {  	s8 =	simm.s32 $0x2B00;
	[sflag:s0] =	ssyncadd.s32 $0xFFFFF800  }
0xf7: {  	[spmem:s4] =	stream.indirect.scatter.add.f32 [tilespmem:s24], [sflag:$0x7], $0x10, s8, s18, $0xb8;
	[tilespmem:$0x10E00] =	vst v63  }
0xf8: {  	_ =	swait.ge [sflag:s26], $0x800  }
0xf9: {  	[sflag:s26] =	ssyncset.done $0x0  }
0xfa: {  	s9 =	simm.s32 $0x480;
	[sflag:s26] =	ssyncadd.s32 $0xFFFFF800  }
0xfb: {  	[tilespmem:s20], [sflag:$0x2] =	stream.indirect.gather [spmem:s1], $0x10, s9, s18, $0xb8;
	[tilespmem:$0x10E00] =	vst v63  }
0xfc: {  	_ =	swait.ge [sflag:s2], $0x800  }
0xfd: {  	[sflag:s2] =	ssyncset.done $0x0  }
0xfe: {  	s7 =	simm.s32 $0x800;
	s8 =	simm.s32 $0x2B80;
	[sflag:s2] =	ssyncadd.s32 $0xFFFFF800  }
.LBB2_6:
0xff: {  	[spmem:s4] =	stream.indirect.scatter.add.f32 [tilespmem:s28], [sflag:$0x8], $0x10, s8, s18, $0xb8;
	[tilespmem:$0x10E00] =	vst v63  }
0x100: {  	s8 =	smov.u32 s7  }
0x101: {  	p2 =	sne.s32 s7, $0x8800;
	s7 =	sadd.s32 $0x800, s7;
	_ =	swait.ge [sflag:s30], $0x800  }
0x102: {  	s8 =	sshra.s32 s8, $0x2;
	[sflag:s30] =	ssyncset.done $0x0  }
0x103: {  	s9 =	sadd.s32 $0x300, s8;
	[sflag:s30] =	ssyncadd.s32 $0xFFFFF800  }
0x104: {  	[tilespmem:s24], [sflag:$0x3] =	stream.indirect.gather [spmem:s1], $0x10, s9, s18, $0xb8;
	[tilespmem:$0x10E00] =	vst v63  }
0x105: {  	_ =	swait.ge [sflag:s25], $0x800  }
0x106: {  	[sflag:s25] =	ssyncset.done $0x0  }
0x107: {  	s9 =	sadd.s32 $0x2A00, s8;
	[sflag:s25] =	ssyncadd.s32 $0xFFFFF800  }
0x108: {  	[spmem:s4] =	stream.indirect.scatter.add.f32 [tilespmem:s19], [sflag:$0x5], $0x10, s9, s18, $0xb8;
	[tilespmem:$0x10E00] =	vst v63  }
0x109: {  	_ =	swait.ge [sflag:s21], $0x800  }
0x10a: {  	[sflag:s21] =	ssyncset.done $0x0  }
0x10b: {  	s9 =	sadd.s32 $0x380, s8;
	[sflag:s21] =	ssyncadd.s32 $0xFFFFF800  }
0x10c: {  	[tilespmem:s28], [sflag:$0x4] =	stream.indirect.gather [spmem:s1], $0x10, s9, s18, $0xb8;
	[tilespmem:$0x10E00] =	vst v63  }
0x10d: {  	_ =	swait.ge [sflag:s29], $0x800  }
0x10e: {  	[sflag:s29] =	ssyncset.done $0x0  }
0x10f: {  	s9 =	sadd.s32 $0x2A80, s8;
	[sflag:s29] =	ssyncadd.s32 $0xFFFFF800  }
0x110: {  	[spmem:s4] =	stream.indirect.scatter.add.f32 [tilespmem:s20], [sflag:$0x6], $0x10, s9, s18, $0xb8;
	[tilespmem:$0x10E00] =	vst v63  }
0x111: {  	_ =	swait.ge [sflag:s31], $0x800  }
0x112: {  	[sflag:s31] =	ssyncset.done $0x0  }
0x113: {  	s9 =	sadd.s32 $0x400, s8;
	[sflag:s31] =	ssyncadd.s32 $0xFFFFF800  }
0x114: {  	[tilespmem:s19], [sflag:$0x1] =	stream.indirect.gather [spmem:s1], $0x10, s9, s18, $0xb8;
	[tilespmem:$0x10E00] =	vst v63  }
0x115: {  	_ =	swait.ge [sflag:s0], $0x800  }
0x116: {  	[sflag:s0] =	ssyncset.done $0x0  }
0x117: {  	s9 =	sadd.s32 $0x2B00, s8;
	[sflag:s0] =	ssyncadd.s32 $0xFFFFF800  }
0x118: {  	[spmem:s4] =	stream.indirect.scatter.add.f32 [tilespmem:s24], [sflag:$0x7], $0x10, s9, s18, $0xb8;
	[tilespmem:$0x10E00] =	vst v63  }
0x119: {  	_ =	swait.ge [sflag:s26], $0x800  }
0x11a: {  	[sflag:s26] =	ssyncset.done $0x0  }
.Ltmp5:
0x11b: {  	s9 =	sadd.s32 $0x480, s8;
	[sflag:s26] =	ssyncadd.s32 $0xFFFFF800;
	(pc) =	sbr.rel @p2 .LBB2_6-.Ltmp5, $4  }
0x11c: {  	[tilespmem:s20], [sflag:$0x2] =	stream.indirect.gather [spmem:s1], $0x10, s9, s18, $0xb8;
	[tilespmem:$0x10E00] =	vst v63  }
0x11d: {  	_ =	swait.ge [sflag:s2], $0x800  }
0x11e: {  	[sflag:s2] =	ssyncset.done $0x0  }
0x11f: {  	s8 =	sadd.s32 $0x2B80, s8;
	[sflag:s2] =	ssyncadd.s32 $0xFFFFF800  }
0x120: {  	[spmem:s4] =	stream.indirect.scatter.add.f32 [tilespmem:s28], [sflag:$0x8], $0x10, s8, s18, $0xb8;
	[tilespmem:$0x10E00] =	vst v63  }
0x121: {  	_ =	swait.ge [sflag:s30], $0x800  }
0x122: {  	[sflag:s30] =	ssyncset.done $0x0  }
0x123: {  	s7 =	simm.s32 $0x2700;
	[sflag:s30] =	ssyncadd.s32 $0xFFFFF800  }
0x124: {  	[tilespmem:s24], [sflag:$0x3] =	stream.indirect.gather [spmem:s1], $0x10, s7, s18, $0xb8;
	[tilespmem:$0x10E00] =	vst v63  }
0x125: {  	_ =	swait.ge [sflag:s25], $0x800  }
0x126: {  	[sflag:s25] =	ssyncset.done $0x0  }
0x127: {  	s9 =	simm.s32 $0x4E00;
	[sflag:s25] =	ssyncadd.s32 $0xFFFFF800  }
0x128: {  	[spmem:s4] =	stream.indirect.scatter.add.f32 [tilespmem:s19], [sflag:$0x5], $0x10, s9, s18, $0xb8;
	[tilespmem:$0x10E00] =	vst v63  }
0x129: {  	_ =	swait.ge [sflag:s21], $0x800  }
0x12a: {  	[sflag:s21] =	ssyncset.done $0x0  }
0x12b: {  	s8 =	simm.s32 $0x2780;
	[sflag:s21] =	ssyncadd.s32 $0xFFFFF800  }
0x12c: {  	[tilespmem:s28], [sflag:$0x4] =	stream.indirect.gather [spmem:s1], $0x10, s8, s18, $0xb8;
	[tilespmem:$0x10E00] =	vst v63  }
0x12d: {  	_ =	swait.ge [sflag:s29], $0x800  }
0x12e: {  	[sflag:s29] =	ssyncset.done $0x0  }
0x12f: {  	s9 =	simm.s32 $0x4E80;
	[sflag:s29] =	ssyncadd.s32 $0xFFFFF800  }
0x130: {  	[spmem:s4] =	stream.indirect.scatter.add.f32 [tilespmem:s20], [sflag:$0x6], $0x10, s9, s18, $0xb8;
	[tilespmem:$0x10E00] =	vst v63  }
0x131: {  	_ =	swait.ge [sflag:s0], $0x800  }
0x132: {  	[sflag:s0] =	ssyncset.done $0x0  }
0x133: {  	s8 =	simm.s32 $0x4F00;
	[sflag:s0] =	ssyncadd.s32 $0xFFFFF800  }
0x134: {  	[spmem:s4] =	stream.indirect.scatter.add.f32 [tilespmem:s24], [sflag:$0x7], $0x10, s8, s18, $0xb8;
	[tilespmem:$0x10E00] =	vst v63  }
0x135: {  	_ =	swait.ge [sflag:s2], $0x800  }
0x136: {  	[sflag:s2] =	ssyncset.done $0x0  }
0x137: {  	s9 =	simm.s32 $0x4F80;
	[sflag:s2] =	ssyncadd.s32 $0xFFFFF800  }
0x138: {  	[spmem:s4] =	stream.indirect.scatter.add.f32 [tilespmem:s28], [sflag:$0x8], $0x10, s9, s18, $0xb8;
	[tilespmem:$0x10E00] =	vst v63  }
0x139: {  	_ =	swait.ge [sflag:s31], $0x800  }
0x13a: {  	[sflag:s31] =	ssyncset.done $0x0  }
0x13b: {  	[sflag:s31] =	ssyncadd.s32 $0xFFFFF800  }
0x13c: {  	_ =	swait.ge [sflag:s26], $0x800  }
0x13d: {  	[sflag:s26] =	ssyncset.done $0x0  }
0x13e: {  	[sflag:s26] =	ssyncadd.s32 $0xFFFFF800  }
0x13f: {  	_ =	swait.ge [sflag:s30], $0x800  }
.Ltmp6:
0x140: {  	[sflag:s30] =	ssyncset.done $0x0;
	(pc) =	sbr.rel .LBB2_8-.Ltmp6, $4  }
0x141: {  	[sflag:s30] =	ssyncadd.s32 $0xFFFFF800  }
0x142: {  	_ =	swait.ge [sflag:s21], $0x800  }
0x143: {  	[sflag:s21] =	ssyncset.done $0x0  }
0x144: {  	[sflag:s21] =	ssyncadd.s32 $0xFFFFF800  }
.LBB2_9:
0x145: {  	_ =	sfence.sel $0x180000  }
0x146: {  	[bflag:$0x0] =	sbarrier.arrive $0xFFFF  }
0x147: {  	_ =	strace $0x9000004A  }
0x148: {  	s0 =	stileid.u32;
	[bflag:$0x2] =	sbarrier.arrive $0xFFFF  }
0x149: {  	p0 =	sne.s32 s0, $0x0;
	s0 =	rddreg [dreg:$0x5]  }
0x14a: {  	s0 =	sadd.s32 @!p0 $0x100000, s0  }
0x14b: {  	[sflag:s0] =	ssyncadd.tile.s32 @!p0 $0x1;
	_ =	shalt  }
.Lfunc_end2:
_tile_overlayer_lowered:
.L_overlay_start_2:
0x14c: {  	(tag) =	ssettag $0x2  }
0x14d: {  	s0 =	rddreg [dreg:$0x0];
	s2 =	stileid.u32  }
0x14e: {  	s1 =	rddreg [dreg:$0x1];
	p0 =	sne.s32 s2, $0x0  }
0x14f: {  	s3 =	rddreg [dreg:$0x2];
	[bflag:$0x3] =	sbarrier.arrive $0xFFFF;
	s2 =	simm.s32 @!p0 $0x1C09  }
0x150: {  	[timem:s3], [sflag:s2] =	dma.local @!p0 [hbm:s0], s1  }
0x151: {  	s0 =	simm.s32 @!p0 $0x9  }
0x152: {  	_ =	swait.ge @!p0 [sflag:s0], s1  }
0x153: {  	s1 =	ssub.s32 @!p0 $0x0, s1;
	[sflag:s0] =	ssyncset.done @!p0 $0x0  }
0x154: {  	[sflag:s0] =	ssyncadd.s32 @!p0 s1  }
0x155: {  	[bflag:$0x3] =	sbarrier.arrive $0xFFFF  }
0x156: {  	_ =	shalt  }

// kernel: kernel.15.cloned.1.call-start
scs
__scs_entry_jumppad:
0x0: {  	(pc) =	sbr.rel $0x88, $3  }
0x1: {  	(tag) =	ssettag $0x0;
	lr =	simm.s32 $0x1  }
0x2: {  	[smem:$0x3F9B] =	sst lr;
	_ =	strace $0xD0000000  }
0x3: {  	_ = 	snop  }
0x4: {  	_ = 	snop  }
0x5: {  	_ = 	snop  }
0x6: {  	_ = 	snop  }
0x7: {  	_ = 	snop  }
__scs_overlays_trampoline_lowered:
0x8: {  	[smem:$0x3FAA] =	sst s0  }
0x9: {  	[smem:$0x3FAB] =	sst s1  }
0xa: {  	[smem:$0x3FAC] =	sst s2  }
0xb: {  	[smem:$0x3FAD] =	sst s3  }
0xc: {  	[smem:$0x3FAE] =	sst s4  }
0xd: {  	[smem:$0x3FAF] =	sst s5  }
0xe: {  	[smem:$0x3FB0] =	sst s6  }
0xf: {  	[smem:$0x3FB1] =	sst s7  }
0x10: {  	[smem:$0x3FB2] =	sst s8  }
0x11: {  	[smem:$0x3FB3] =	sst s9;
	s0 =	simm.s32 @!p0 $0x0  }
0x12: {  	s1 =	sld [smem:$0x3F99];
	s0 =	simm.s32 @p0 $0x1  }
0x13: {  	[smem:$0x3FB4] =	sst s0;
	s0 =	simm.s32 @!p1 $0x0  }
0x14: {  	s2 =	sld [smem:$0x3F98];
	s0 =	simm.s32 @p1 $0x1  }
0x15: {  	[smem:$0x3FB5] =	sst s0;
	s0 =	simm.s32 @!p2 $0x0  }
0x16: {  	s3 =	sld [smem:$0x3FDB];
	s0 =	simm.s32 @p2 $0x1  }
0x17: {  	s4 =	simm.s32 $0x1BF5;
	[smem:$0x3FB7] =	sst s0  }
0x18: {  	s0 =	sld [smem:$0x3F9A];
	_ =	swait.ge [sflag:s4], $0x0  }
0x19: {  	s7 =	sld [smem:$0x3F9B]  }
0x1a: {  	s8 =	sadd.s32 $0xFFFFE003, lr  }
0x1b: {  	s9 =	sadd.s32 $0xFFFFFEF7, lr;
	s5 =	simm.s32 $0xFFFFFFFF;
	p2 =	slt.u32 s8, $0xFFFFF086  }
0x1c: {  	p1 =	slt.u32 s9, $0xF7A;
	s5 =	simm.s32 @!p2 $0x0  }
0x1d: {  	s5 =	simm.s32 @p1 $0x1;
	p0 =	seq.s32 s7, s2  }
0x1e: {  	s7 =	smul.u32 @!p0 $0xF7A, s2;
	p2 =	seq.s32 @!p0 s5, $0x0  }
0x1f: {  	s9 =	smul.u32 $0xF7A, s1;
	s8 =	simm.s32 @!p0 $0x1BF5;
	p2 =	por !p2, p0  }
0x20: {  	[sflag:s8] =	ssyncset.s32 @!p0 $0xFFFFF086;
	s6 =	sadd.s32 @!p0 s3, s7;
	s7 =	simm.s32 @!p0 $0x108  }
0x21: {  	s3 =	sadd.s32 s3, s9;
	s6 =	sadd.s32 @!p0 $0x88, s6;
	s7 =	simm.s32 @p2 $0x1082  }
0x22: {  	[simem:s7], [sflag:s8] =	dma.local @!p0 [hbm:s6], $0xF7A  }
0x23: {  	s9 =	sor.u32 $0xD0000000, s2;
	s6 =	simm.s32 $0x108;
	_ =	swait.ge @!p0 [sflag:s8], $0x0  }
0x24: {  	s3 =	sadd.s32 $0x88, s3;
	s6 =	simm.s32 @!p1 $0x1082;
	[sflag:s4] =	ssyncset.s32 $0xFFFFF086  }
0x25: {  	[simem:s6], [sflag:s4] =	dma.local [hbm:s3], $0xF7A  }
0x26: {  	[smem:$0x3F9B] =	sst s1;
	(tag) =	ssettag s2;
	_ =	strace s9  }
0x27: {  	s1 =	sld [smem:$0x3FAB]  }
0x28: {  	s2 =	sld [smem:$0x3FAC]  }
0x29: {  	s4 =	sld [smem:$0x3FAE]  }
0x2a: {  	p0 =	seq.s32 s5, $0x0;
	s5 =	sld [smem:$0x3FAF]  }
0x2b: {  	s6 =	sld [smem:$0x3FB0]  }
0x2c: {  	s7 =	sld [smem:$0x3FB1]  }
0x2d: {  	s3 =	simm.s32 $0x108;
	s8 =	sld [smem:$0x3FB2]  }
0x2e: {  	s3 =	simm.s32 @!p0 $0x1082;
	s9 =	sld [smem:$0x3FB3]  }
0x2f: {  	lr =	sadd.s32 s0, s3;
	s0 =	sld [smem:$0x3FAA]  }
0x30: {  	s3 =	sld [smem:$0x3FAD]  }
0x31: {  	[smem:$0x3FB6] =	sst s10  }
0x32: {  	s10 =	sld [smem:$0x3FB4];
	_ =	sdelay $0x3  }
0x33: {  	p0 =	seq.s32 s10, $0x1;
	s10 =	sld [smem:$0x3FB6];
	_ =	sdelay $0x3  }
0x34: {  	[smem:$0x3FB6] =	sst s10  }
0x35: {  	s10 =	sld [smem:$0x3FB5];
	_ =	sdelay $0x3  }
0x36: {  	p1 =	seq.s32 s10, $0x1;
	s10 =	sld [smem:$0x3FB6];
	_ =	sdelay $0x3  }
0x37: {  	[smem:$0x3FB6] =	sst s10  }
0x38: {  	s10 =	sld [smem:$0x3FB7]  }
0x39: {  	_ = 	snop;
	(pc) =	sbr.ind lr, $3  }
0x3a: {  	_ = 	snop  }
0x3b: {  	_ = 	snop  }
0x3c: {  	p2 =	seq.s32 s10, $0x1;
	s10 =	sld [smem:$0x3FB6]  }
0x3d: {  	_ =	shalt  }
0x3e: {  	_ =	shalt  }
0x3f: {  	_ =	shalt  }
0x40: {  	_ =	shalt  }
0x41: {  	_ =	shalt  }
0x42: {  	_ =	shalt  }
0x43: {  	_ =	shalt  }
0x44: {  	_ =	shalt  }
0x45: {  	_ =	shalt  }
0x46: {  	_ =	shalt  }
0x47: {  	_ =	shalt  }
0x48: {  	_ =	shalt  }
0x49: {  	_ =	shalt  }
0x4a: {  	_ =	shalt  }
0x4b: {  	_ =	shalt  }
0x4c: {  	_ =	shalt  }
0x4d: {  	_ =	shalt  }
0x4e: {  	_ =	shalt  }
0x4f: {  	_ =	shalt  }
0x50: {  	_ =	shalt  }
0x51: {  	_ =	shalt  }
0x52: {  	_ =	shalt  }
0x53: {  	_ =	shalt  }
0x54: {  	_ =	shalt  }
0x55: {  	_ =	shalt  }
0x56: {  	_ =	shalt  }
0x57: {  	_ =	shalt  }
0x58: {  	_ =	shalt  }
0x59: {  	_ =	shalt  }
0x5a: {  	_ =	shalt  }
0x5b: {  	_ =	shalt  }
0x5c: {  	_ =	shalt  }
0x5d: {  	_ =	shalt  }
0x5e: {  	_ =	shalt  }
0x5f: {  	_ =	shalt  }
0x60: {  	_ =	shalt  }
0x61: {  	_ =	shalt  }
0x62: {  	_ =	shalt  }
0x63: {  	_ =	shalt  }
0x64: {  	_ =	shalt  }
0x65: {  	_ =	shalt  }
0x66: {  	_ =	shalt  }
0x67: {  	_ =	shalt  }
0x68: {  	_ =	shalt  }
0x69: {  	_ =	shalt  }
0x6a: {  	_ =	shalt  }
0x6b: {  	_ =	shalt  }
0x6c: {  	_ =	shalt  }
0x6d: {  	_ =	shalt  }
0x6e: {  	_ =	shalt  }
0x6f: {  	_ =	shalt  }
0x70: {  	_ =	shalt  }
0x71: {  	_ =	shalt  }
0x72: {  	_ =	shalt  }
0x73: {  	_ =	shalt  }
0x74: {  	_ =	shalt  }
0x75: {  	_ =	shalt  }
0x76: {  	_ =	shalt  }
0x77: {  	_ =	shalt  }
0x78: {  	_ =	shalt  }
0x79: {  	_ =	shalt  }
0x7a: {  	_ =	shalt  }
0x7b: {  	_ =	shalt  }
0x7c: {  	_ =	shalt  }
0x7d: {  	_ =	shalt  }
0x7e: {  	_ =	shalt  }
0x7f: {  	_ =	shalt  }
0x80: {  	_ =	shalt  }
0x81: {  	_ =	shalt  }
0x82: {  	_ =	shalt  }
0x83: {  	_ =	shalt  }
0x84: {  	_ =	shalt  }
0x85: {  	_ =	shalt  }
0x86: {  	_ =	shalt  }
0x87: {  	_ =	shalt  }
.Lfunc_end0:
.L_simem_size_0:
called_computation.2_lowered:
.L_overlay_start_0:
0x88: {  	s2 =	sld [smem:$0x3FD9]  }
0x89: {  	s3 =	sld [smem:$0x3FFE];
	_ =	sdelay $0x1  }
0x8a: {  	s1 =	srdreg.scid  }
0x8b: {  	s0 =	sand.u32 $0x1, s1  }
0x8c: {  	s17 =	sshll.u32 s0, $0xA;
	s2 =	sadd.s32 s3, s2  }
0x8d: {  	s2 =	sadd.s32 s2, s17  }
0x8e: {  	[smem:$0x3FC2] =	sst s2  }
0x8f: {  	_ = 	snop  }
0x90: {  	s2 =	sld [smem:$0x3FD0];
	(tm) =	ssettm $0x1  }
0x91: {  	s18 =	sld [smem:$0x3FFB];
	_ =	sdelay $0x3  }
0x92: {  	_ =	strace s18  }
0x93: {  	s3 =	sld [smem:$0x3FFC];
	_ =	sdelay $0x3  }
0x94: {  	_ =	strace s3  }
0x95: {  	s3 =	sld [smem:$0x3FFD];
	_ =	sdelay $0x3  }
0x96: {  	_ =	strace s3  }
0x97: {  	_ =	strace $0x8FFFFFFF  }
0x98: {  	s19 =	sld [smem:$0x3FDB];
	_ =	sdelay $0x1  }
0x99: {  	s4 =	simm.s32 $_scs_section_size  }
0x9a: {  	s5 =	simm.s32 $_size__tile_overlayer_lowered;
	s6 =	simm.s32 $_tile_overlayer_lowered  }
0x9b: {  	s22 =	simm.s32 $0x1BFF;
	s21 =	sshll.u32 s6, $0x1;
	s3 =	sadd.s32 s4, s19  }
0x9c: {  	s7 =	simm.s32 $0x0;
	s20 =	sshll.u32 s5, $0x1;
	s5 =	sadd.s32 s21, s3  }
0x9d: {  	[timem:s7], [sflag:s22] =	dma.local [hbm:s5], s20  }
0x9e: {  	_ =	swait.ge [sflag:s22], s20  }
0x9f: {  	s4 =	ssub.s32 $0x0, s20;
	[sflag:s22] =	ssyncset.done $0x0  }
0xa0: {  	[sflag:s22] =	ssyncadd.s32 s4;
	_ =	sdelay $0x1  }
0xa1: {  	s23 =	simm.s32 $0x1B8B  }
0xa2: {  	_ =	swait.ge [sflag:s23], $0x1  }
0xa3: {  	[sflag:s23] =	ssyncset.done $0x0  }
0xa4: {  	s25 =	simm.s32 $0x1B8E;
	s24 =	sld [smem:$0x3FFE];
	[sflag:s23] =	ssyncadd.s32 $0xFFFFFFFF  }
0xa5: {  	s26 =	simm.s32 $execute0_lowered;
	[smem:$0x3FD2] =	sst s25  }
0xa6: {  	s5 =	sshll.u32 s26, $0x1;
	_ =	strace $0x8000004C;
	[dreg:$0x1] =	wrdreg $0xFFFFFFFF  }
0xa7: {  	s28 =	simm.s32 $_size_execute0_lowered;
	s3 =	sadd.s32 s3, s5;
	[dreg:$0x0] =	wrdreg $0x0  }
0xa8: {  	s5 =	sshll.u32 s28, $0x1;
	[dreg:$0x2] =	wrdreg s3  }
0xa9: {  	[dreg:$0x3] =	wrdreg s5  }
0xaa: {  	[dreg:$0x4] =	wrdreg $0xC0  }
0xab: {  	_ =	task [dreg:s7], $0x5FFFF  }
0xac: {  	[dreg:$0x1] =	wrdreg $0xFFFFFFFF  }
0xad: {  	[dreg:$0x0] =	wrdreg $0x60  }
0xae: {  	[dreg:$0x2] =	wrdreg s2  }
0xaf: {  	[dreg:$0x3] =	wrdreg s24  }
0xb0: {  	[dreg:$0x4] =	wrdreg $0x17D000  }
0xb1: {  	[dreg:$0x5] =	wrdreg $0xDF000  }
0xb2: {  	[dreg:$0x6] =	wrdreg $0x12E000  }
0xb3: {  	[dreg:$0x7] =	wrdreg $0x9  }
0xb4: {  	_ =	task.clear_ibuf [dreg:s7], $0x8FFFF;
	_ =	strace $0x9000004C  }
0xb5: {  	s29 =	simm.s32 $0x9;
	_ =	strace $0x8000004E  }
0xb6: {  	_ =	swait.ge [sflag:s29], $0x1  }
0xb7: {  	[sflag:s29] =	ssyncadd.s32 $0xFFFFFFFF  }
0xb8: {  	_ =	strace $0x9000004E  }
0xb9: {  	_ =	sfence  }
0xba: {  	s30 =	sld [smem:$0x0];
	_ =	sdelay $0x2  }
0xbb: {  	s31 =	sshll.u32 s1, $0xD;
	s1 =	sshrl.u32 s1, $0x2  }
0xbc: {  	s3 =	sand.u32 $0x4000, s31;
	s1 =	sadd.s32 s1, s30  }
0xbd: {  	s0 =	sor.u32 s3, s0;
	s1 =	sshll.u32 s1, $0x11  }
0xbe: {  	s0 =	sor.u32 s1, s0  }
0xbf: {  	s0 =	sadd.s32 $0x8F2B, s0  }
0xc0: {  	[sflag:s0] =	ssyncadd.remote.s32 $0x1  }
0xc1: {  	_ =	sfence.sel $0xFFFF  }
0xc2: {  	[dreg:$0x0] =	wrdreg $0xFFFFFFFF;
	(pc) =	sbr.abs _section_cstart, $3  }
0xc3: {  	[dreg:$0x1] =	wrdreg $0xFFFFFFFF  }
0xc4: {  	_ =	task.clear_ibuf [dreg:s7], $0x2FFFF;
	_ =	strace $0x9FFFFFFF  }
0xc5: {  	(tm) =	ssettm $0x7FFFFFFF  }
tec
execute0_lowered:
.L_overlay_start_1:
0x0: {  	(tag) =	ssettag $0x1  }
0x1: {  	s0 =	rddreg [dreg:$0x0]  }
0x2: {  	s2 =	rddreg [dreg:$0x1];
	s3 =	srdreg.scid  }
0x3: {  	s1 =	rddreg [dreg:$0x2];
	s15 =	stileid.u32  }
0x4: {  	s4 =	rddreg [dreg:$0x4];
	s13 =	simm.s32 $0x9;
	s14 =	simm.s32 $0x2800  }
0x5: {  	s18 =	simm.s32 $0x80;
	s19 =	simm.s32 $0x5000;
	s20 =	simm.s32 $0x6000  }
0x6: {  	s24 =	simm.s32 $0x7000;
	s28 =	simm.s32 $0x8000;
	s29 =	simm.s32 $0x2  }
0x7: {  	s31 =	simm.s32 $0x5;
	s30 =	simm.s32 $0x7;
	s6 =	sand.u32 $0x1, s3  }
0x8: {  	s3 =	rddreg [dreg:$0x3];
	s9 =	sadd.s32 $0x15C00, s2;
	s11 =	smul.u32 $0x4F00, s15  }
0x9: {  	s21 =	sand.u32 $0x1, s15;
	s5 =	sshll.u32 s6, $0x4;
	s12 =	smul.u32 $0x9E000, s6  }
0xa: {  	s8 =	ssub.s32 $0x2, s6;
	s6 =	smul.u32 $0x13C00, s6;
	p0 =	seq.s32 s21, $0x1  }
0xb: {  	p1 =	seq.s32 s21, $0x0;
	s21 =	simm.s32 $0x8;
	s7 =	sor.u32 s15, s5  }
0xc: {  	s5 =	simm.s32 $0x0;
	s25 =	sshrl.u32 s8, $0x1;
	s17 =	sadd.s32 s11, s1  }
0xd: {  	s10 =	sadd.s32 s11, s3;
	s7 =	smul.u32 $0x500, s7;
	[smem:$0x7FF] =	sst s5  }
0xe: {  	s8 =	ssub.s32 s8, s25;
	s12 =	sshrl.u32 s12, $0x3;
	s17 =	sshrl.u32 s17, $0x3  }
0xf: {  	_ =	strace $0x8000004D;
	[dreg:$0x6] =	wrdreg s9;
	s9 =	sshrl.u32 s11, $0x3  }
0x10: {  	s11 =	sadd.s32 s11, s4;
	s7 =	sadd.s32 s7, s2;
	s2 =	sadd.s32 $0x16600, s2  }
0x11: {  	s0 =	sadd.s32 s0, s9;
	s26 =	sadd.s32 $0xBC00, s7;
	s7 =	sadd.s32 $0x1C00, s7  }
0x12: {  	[dreg:$0x9] =	wrdreg s0;
	s12 =	sadd.s32 s2, s12;
	s2 =	sadd.s32 s2, s6  }
.Ltmp0:
0x13: {  	s0 =	simm.s32 $0x3;
	[dreg:$0x7] =	wrdreg s26;
	(pc) =	sbr.rel .LBB2_1-.Ltmp0, $4  }
0x14: {  	s6 =	simm.s32 $0x0;
	[dreg:$0x8] =	wrdreg s7;
	s25 =	sadd.s32 $0x9E00, s12  }
0x15: {  	s12 =	smax.u32 s8, $0x1;
	s26 =	sshll.u32 s15, $0x6;
	s15 =	simm.s32 $0x9000  }
0x16: {  	s22 =	sadd.s32 s9, s2;
	s2 =	simm.s32 $0x4;
	s16 =	sor.u32 $0x1C09, s26  }
0x17: {  	s23 =	sadd.s32 s9, s25;
	s25 =	simm.s32 $0x1;
	s26 =	simm.s32 $0x6  }
.LBB2_8:
0x18: {  	[bflag:$0x0] =	sbarrier.arrive $0xFFFF;
	s7 =	sshrl.u32 s10, $0x3  }
0x19: {  	[hbm:s22], [sflag:s16] =	dma.local [spmem:s7], $0x9E0  }
0x1a: {  	s6 =	sadd.s32 $0x1, s6;
	_ =	swait.ge [sflag:s13], $0x9E0  }
0x1b: {  	p2 =	sne.s32 s6, s12;
	[sflag:s13] =	ssyncset.done $0x0  }
.Ltmp1:
0x1c: {  	s9 =	sshrl.u32 s11, $0x3;
	[sflag:s13] =	ssyncadd.s32 $0xFFFFF620;
	(pc) =	sbr.rel @!p2 .LBB2_9-.Ltmp1, $4  }
0x1d: {  	[hbm:s23], [sflag:s16] =	dma.local [spmem:s9], $0x9E0  }
0x1e: {  	_ =	swait.ge [sflag:s13], $0x9E0  }
0x1f: {  	[sflag:s13] =	ssyncset.done $0x0  }
0x20: {  	[sflag:s13] =	ssyncadd.s32 $0xFFFFF620  }
.LBB2_1:
0x21: {  	s7 =	rddreg [dreg:$0x7]  }
0x22: {  	[tilespmem:s5], [sflag:$0x9] =	stream.linear.gather [hbm4b:s7+s5], $0x2800, $0x38;
	[tilespmem:$0x1CC00] =	vst v63  }
0x23: {  	_ =	swait.ge [sflag:s13], $0x2800  }
0x24: {  	[sflag:s13] =	ssyncset.done $0x0  }
0x25: {  	s9 =	rddreg [dreg:$0x8];
	[sflag:s13] =	ssyncadd.s32 $0xFFFFD800  }
0x26: {  	[tilespmem:s14], [sflag:$0x9] =	stream.linear.gather [hbm4b:s9+s5], $0x2800, $0x38;
	[tilespmem:$0x1CC00] =	vst v63  }
0x27: {  	_ =	swait.ge [sflag:s13], $0x2800  }
0x28: {  	[sflag:s13] =	ssyncset.done $0x0  }
0x29: {  	s8 =	rddreg [dreg:$0x6];
	[sflag:s13] =	ssyncadd.s32 $0xFFFFD800  }
0x2a: {  	[tilespmem:s15], [sflag:$0x9] =	stream.linear.gather [hbm4b:s8+s5], $0x4F00, $0x38;
	[tilespmem:$0x1CC00] =	vst v63  }
0x2b: {  	_ =	swait.ge [sflag:s13], $0x4F00  }
0x2c: {  	[sflag:s13] =	ssyncset.done $0x0  }
0x2d: {  	s9 =	rddreg [dreg:$0x9];
	[sflag:s13] =	ssyncadd.s32 $0xFFFFB100  }
0x2e: {  	[spmem:s17], [sflag:s16] =	dma.local [hbm:s9], $0x9E0  }
0x2f: {  	_ =	swait.ge [sflag:s13], $0x9E0  }
0x30: {  	[sflag:s13] =	ssyncset.done $0x0  }
0x31: {  	[sflag:s13] =	ssyncadd.s32 $0xFFFFF620  }
0x32: {  	[spmem:s10] =	stream.linear.scatter [tilespmem:s15], [sflag:$0x9], $0x4F00, $0x38;
	[tilespmem:$0x1CC00] =	vst v63  }
0x33: {  	_ =	swait.ge [sflag:s13], $0x4F00  }
0x34: {  	[sflag:s13] =	ssyncset.done $0x0  }
0x35: {  	[sflag:s13] =	ssyncadd.s32 $0xFFFFB100  }
0x36: {  	[spmem:s11] =	stream.linear.scatter [tilespmem:s15], [sflag:$0x9], $0x4F00, $0x38;
	[tilespmem:$0x1CC00] =	vst v63  }
.Ltmp2:
0x37: {  	_ =	swait.ge [sflag:s13], $0x4F00;
	(pc) =	sbr.rel @p0 .LBB2_5-.Ltmp2, $3  }
0x38: {  	[sflag:s13] =	ssyncset.done $0x0  }
0x39: {  	[sflag:s13] =	ssyncadd.s32 $0xFFFFB100  }
0x3a: {  	[bflag:$0x0] =	sbarrier.arrive $0xFFFF;
	_ =	sdelay $0x1  }
0x3b: {  	s7 =	simm.s32 $0x0  }
0x3c: {  	[tilespmem:s19], [sflag:$0x1] =	stream.indirect.gather [spmem:s1], $0x20, s7, s18, $0xb8;
	[tilespmem:$0x1CC00] =	vst v63  }
0x3d: {  	_ = 	snop  }
0x3e: {  	[tilespmem:s20], [sflag:$0x2] =	stream.indirect.gather [spmem:s1], $0x20, s18, s18, $0xb8;
	[tilespmem:$0x1CC00] =	vst v63  }
0x3f: {  	s8 =	simm.s32 $0x100  }
0x40: {  	[tilespmem:s24], [sflag:$0x3] =	stream.indirect.gather [spmem:s1], $0x20, s8, s18, $0xb8;
	[tilespmem:$0x1CC00] =	vst v63  }
0x41: {  	_ =	swait.ge [sflag:s25], $0x1000  }
0x42: {  	[sflag:s25] =	ssyncset.done $0x0  }
0x43: {  	[sflag:s25] =	ssyncadd.s32 $0xFFFFF000  }
0x44: {  	[spmem:s3] =	stream.indirect.scatter.add.f32 [tilespmem:s19], [sflag:$0x5], $0x20, s14, s18, $0xb8;
	[tilespmem:$0x1CC00] =	vst v63  }
0x45: {  	s9 =	simm.s32 $0x180  }
0x46: {  	[tilespmem:s28], [sflag:$0x4] =	stream.indirect.gather [spmem:s1], $0x20, s9, s18, $0xb8;
	[tilespmem:$0x1CC00] =	vst v63  }
0x47: {  	_ =	swait.ge [sflag:s29], $0x1000  }
0x48: {  	[sflag:s29] =	ssyncset.done $0x0  }
0x49: {  	s8 =	simm.s32 $0x2880;
	[sflag:s29] =	ssyncadd.s32 $0xFFFFF000  }
0x4a: {  	[spmem:s3] =	stream.indirect.scatter.add.f32 [tilespmem:s20], [sflag:$0x6], $0x20, s8, s18, $0xb8;
	[tilespmem:$0x1CC00] =	vst v63  }
0x4b: {  	_ =	swait.ge [sflag:s31], $0x1000  }
0x4c: {  	[sflag:s31] =	ssyncset.done $0x0  }
0x4d: {  	s9 =	simm.s32 $0x200;
	[sflag:s31] =	ssyncadd.s32 $0xFFFFF000  }
0x4e: {  	[tilespmem:s19], [sflag:$0x1] =	stream.indirect.gather [spmem:s1], $0x20, s9, s18, $0xb8;
	[tilespmem:$0x1CC00] =	vst v63  }
0x4f: {  	_ =	swait.ge [sflag:s0], $0x1000  }
0x50: {  	[sflag:s0] =	ssyncset.done $0x0  }
0x51: {  	s8 =	simm.s32 $0x2900;
	[sflag:s0] =	ssyncadd.s32 $0xFFFFF000  }
0x52: {  	[spmem:s3] =	stream.indirect.scatter.add.f32 [tilespmem:s24], [sflag:$0x7], $0x20, s8, s18, $0xb8;
	[tilespmem:$0x1CC00] =	vst v63  }
0x53: {  	_ =	swait.ge [sflag:s26], $0x1000  }
0x54: {  	[sflag:s26] =	ssyncset.done $0x0  }
0x55: {  	s9 =	simm.s32 $0x280;
	[sflag:s26] =	ssyncadd.s32 $0xFFFFF000  }
0x56: {  	[tilespmem:s20], [sflag:$0x2] =	stream.indirect.gather [spmem:s1], $0x20, s9, s18, $0xb8;
	[tilespmem:$0x1CC00] =	vst v63  }
0x57: {  	_ =	swait.ge [sflag:s2], $0x1000  }
0x58: {  	[sflag:s2] =	ssyncset.done $0x0  }
0x59: {  	s8 =	simm.s32 $0x2980;
	[sflag:s2] =	ssyncadd.s32 $0xFFFFF000  }
0x5a: {  	[spmem:s3] =	stream.indirect.scatter.add.f32 [tilespmem:s28], [sflag:$0x8], $0x20, s8, s18, $0xb8;
	[tilespmem:$0x1CC00] =	vst v63  }
0x5b: {  	_ =	swait.ge [sflag:s30], $0x1000  }
0x5c: {  	[sflag:s30] =	ssyncset.done $0x0  }
0x5d: {  	s9 =	simm.s32 $0x300;
	[sflag:s30] =	ssyncadd.s32 $0xFFFFF000  }
0x5e: {  	[tilespmem:s24], [sflag:$0x3] =	stream.indirect.gather [spmem:s1], $0x20, s9, s18, $0xb8;
	[tilespmem:$0x1CC00] =	vst v63  }
0x5f: {  	_ =	swait.ge [sflag:s25], $0x1000  }
0x60: {  	[sflag:s25] =	ssyncset.done $0x0  }
0x61: {  	s8 =	simm.s32 $0x2A00;
	[sflag:s25] =	ssyncadd.s32 $0xFFFFF000  }
0x62: {  	[spmem:s3] =	stream.indirect.scatter.add.f32 [tilespmem:s19], [sflag:$0x5], $0x20, s8, s18, $0xb8;
	[tilespmem:$0x1CC00] =	vst v63  }
0x63: {  	_ =	swait.ge [sflag:s21], $0x1000  }
0x64: {  	[sflag:s21] =	ssyncset.done $0x0  }
0x65: {  	s9 =	simm.s32 $0x380;
	[sflag:s21] =	ssyncadd.s32 $0xFFFFF000  }
0x66: {  	[tilespmem:s28], [sflag:$0x4] =	stream.indirect.gather [spmem:s1], $0x20, s9, s18, $0xb8;
	[tilespmem:$0x1CC00] =	vst v63  }
0x67: {  	_ =	swait.ge [sflag:s29], $0x1000  }
0x68: {  	[sflag:s29] =	ssyncset.done $0x0  }
0x69: {  	s8 =	simm.s32 $0x2A80;
	[sflag:s29] =	ssyncadd.s32 $0xFFFFF000  }
0x6a: {  	[spmem:s3] =	stream.indirect.scatter.add.f32 [tilespmem:s20], [sflag:$0x6], $0x20, s8, s18, $0xb8;
	[tilespmem:$0x1CC00] =	vst v63  }
0x6b: {  	_ =	swait.ge [sflag:s31], $0x1000  }
0x6c: {  	[sflag:s31] =	ssyncset.done $0x0  }
0x6d: {  	s9 =	simm.s32 $0x400;
	[sflag:s31] =	ssyncadd.s32 $0xFFFFF000  }
0x6e: {  	[tilespmem:s19], [sflag:$0x1] =	stream.indirect.gather [spmem:s1], $0x20, s9, s18, $0xb8;
	[tilespmem:$0x1CC00] =	vst v63  }
0x6f: {  	_ =	swait.ge [sflag:s0], $0x1000  }
0x70: {  	[sflag:s0] =	ssyncset.done $0x0  }
0x71: {  	s8 =	simm.s32 $0x2B00;
	[sflag:s0] =	ssyncadd.s32 $0xFFFFF000  }
0x72: {  	[spmem:s3] =	stream.indirect.scatter.add.f32 [tilespmem:s24], [sflag:$0x7], $0x20, s8, s18, $0xb8;
	[tilespmem:$0x1CC00] =	vst v63  }
0x73: {  	_ =	swait.ge [sflag:s26], $0x1000  }
0x74: {  	[sflag:s26] =	ssyncset.done $0x0  }
0x75: {  	s9 =	simm.s32 $0x480;
	[sflag:s26] =	ssyncadd.s32 $0xFFFFF000  }
0x76: {  	[tilespmem:s20], [sflag:$0x2] =	stream.indirect.gather [spmem:s1], $0x20, s9, s18, $0xb8;
	[tilespmem:$0x1CC00] =	vst v63  }
0x77: {  	_ =	swait.ge [sflag:s2], $0x1000  }
0x78: {  	[sflag:s2] =	ssyncset.done $0x0  }
0x79: {  	s7 =	simm.s32 $0x800;
	s8 =	simm.s32 $0x2B80;
	[sflag:s2] =	ssyncadd.s32 $0xFFFFF000  }
.LBB2_3:
0x7a: {  	[spmem:s3] =	stream.indirect.scatter.add.f32 [tilespmem:s28], [sflag:$0x8], $0x20, s8, s18, $0xb8;
	[tilespmem:$0x1CC00] =	vst v63  }
0x7b: {  	s8 =	smov.u32 s7  }
0x7c: {  	p2 =	sne.s32 s7, $0x8800;
	s7 =	sadd.s32 $0x800, s7;
	_ =	swait.ge [sflag:s30], $0x1000  }
0x7d: {  	s8 =	sshra.s32 s8, $0x2;
	[sflag:s30] =	ssyncset.done $0x0  }
0x7e: {  	s9 =	sadd.s32 $0x300, s8;
	[sflag:s30] =	ssyncadd.s32 $0xFFFFF000  }
0x7f: {  	[tilespmem:s24], [sflag:$0x3] =	stream.indirect.gather [spmem:s1], $0x20, s9, s18, $0xb8;
	[tilespmem:$0x1CC00] =	vst v63  }
0x80: {  	_ =	swait.ge [sflag:s25], $0x1000  }
0x81: {  	[sflag:s25] =	ssyncset.done $0x0  }
0x82: {  	s9 =	sadd.s32 $0x2A00, s8;
	[sflag:s25] =	ssyncadd.s32 $0xFFFFF000  }
0x83: {  	[spmem:s3] =	stream.indirect.scatter.add.f32 [tilespmem:s19], [sflag:$0x5], $0x20, s9, s18, $0xb8;
	[tilespmem:$0x1CC00] =	vst v63  }
0x84: {  	_ =	swait.ge [sflag:s21], $0x1000  }
0x85: {  	[sflag:s21] =	ssyncset.done $0x0  }
0x86: {  	s9 =	sadd.s32 $0x380, s8;
	[sflag:s21] =	ssyncadd.s32 $0xFFFFF000  }
0x87: {  	[tilespmem:s28], [sflag:$0x4] =	stream.indirect.gather [spmem:s1], $0x20, s9, s18, $0xb8;
	[tilespmem:$0x1CC00] =	vst v63  }
0x88: {  	_ =	swait.ge [sflag:s29], $0x1000  }
0x89: {  	[sflag:s29] =	ssyncset.done $0x0  }
0x8a: {  	s9 =	sadd.s32 $0x2A80, s8;
	[sflag:s29] =	ssyncadd.s32 $0xFFFFF000  }
0x8b: {  	[spmem:s3] =	stream.indirect.scatter.add.f32 [tilespmem:s20], [sflag:$0x6], $0x20, s9, s18, $0xb8;
	[tilespmem:$0x1CC00] =	vst v63  }
0x8c: {  	_ =	swait.ge [sflag:s31], $0x1000  }
0x8d: {  	[sflag:s31] =	ssyncset.done $0x0  }
0x8e: {  	s9 =	sadd.s32 $0x400, s8;
	[sflag:s31] =	ssyncadd.s32 $0xFFFFF000  }
0x8f: {  	[tilespmem:s19], [sflag:$0x1] =	stream.indirect.gather [spmem:s1], $0x20, s9, s18, $0xb8;
	[tilespmem:$0x1CC00] =	vst v63  }
0x90: {  	_ =	swait.ge [sflag:s0], $0x1000  }
0x91: {  	[sflag:s0] =	ssyncset.done $0x0  }
0x92: {  	s9 =	sadd.s32 $0x2B00, s8;
	[sflag:s0] =	ssyncadd.s32 $0xFFFFF000  }
0x93: {  	[spmem:s3] =	stream.indirect.scatter.add.f32 [tilespmem:s24], [sflag:$0x7], $0x20, s9, s18, $0xb8;
	[tilespmem:$0x1CC00] =	vst v63  }
0x94: {  	_ =	swait.ge [sflag:s26], $0x1000  }
0x95: {  	[sflag:s26] =	ssyncset.done $0x0  }
.Ltmp3:
0x96: {  	s9 =	sadd.s32 $0x480, s8;
	[sflag:s26] =	ssyncadd.s32 $0xFFFFF000;
	(pc) =	sbr.rel @p2 .LBB2_3-.Ltmp3, $4  }
0x97: {  	[tilespmem:s20], [sflag:$0x2] =	stream.indirect.gather [spmem:s1], $0x20, s9, s18, $0xb8;
	[tilespmem:$0x1CC00] =	vst v63  }
0x98: {  	_ =	swait.ge [sflag:s2], $0x1000  }
0x99: {  	[sflag:s2] =	ssyncset.done $0x0  }
0x9a: {  	s8 =	sadd.s32 $0x2B80, s8;
	[sflag:s2] =	ssyncadd.s32 $0xFFFFF000  }
0x9b: {  	[spmem:s3] =	stream.indirect.scatter.add.f32 [tilespmem:s28], [sflag:$0x8], $0x20, s8, s18, $0xb8;
	[tilespmem:$0x1CC00] =	vst v63  }
0x9c: {  	_ =	swait.ge [sflag:s30], $0x1000  }
0x9d: {  	[sflag:s30] =	ssyncset.done $0x0  }
0x9e: {  	s7 =	simm.s32 $0x2700;
	[sflag:s30] =	ssyncadd.s32 $0xFFFFF000  }
0x9f: {  	[tilespmem:s24], [sflag:$0x3] =	stream.indirect.gather [spmem:s1], $0x20, s7, s18, $0xb8;
	[tilespmem:$0x1CC00] =	vst v63  }
0xa0: {  	_ =	swait.ge [sflag:s25], $0x1000  }
0xa1: {  	[sflag:s25] =	ssyncset.done $0x0  }
0xa2: {  	s9 =	simm.s32 $0x4E00;
	[sflag:s25] =	ssyncadd.s32 $0xFFFFF000  }
0xa3: {  	[spmem:s3] =	stream.indirect.scatter.add.f32 [tilespmem:s19], [sflag:$0x5], $0x20, s9, s18, $0xb8;
	[tilespmem:$0x1CC00] =	vst v63  }
0xa4: {  	_ =	swait.ge [sflag:s21], $0x1000  }
0xa5: {  	[sflag:s21] =	ssyncset.done $0x0  }
0xa6: {  	s8 =	simm.s32 $0x2780;
	[sflag:s21] =	ssyncadd.s32 $0xFFFFF000  }
0xa7: {  	[tilespmem:s28], [sflag:$0x4] =	stream.indirect.gather [spmem:s1], $0x20, s8, s18, $0xb8;
	[tilespmem:$0x1CC00] =	vst v63  }
0xa8: {  	_ =	swait.ge [sflag:s29], $0x1000  }
0xa9: {  	[sflag:s29] =	ssyncset.done $0x0  }
0xaa: {  	s9 =	simm.s32 $0x4E80;
	[sflag:s29] =	ssyncadd.s32 $0xFFFFF000  }
0xab: {  	[spmem:s3] =	stream.indirect.scatter.add.f32 [tilespmem:s20], [sflag:$0x6], $0x20, s9, s18, $0xb8;
	[tilespmem:$0x1CC00] =	vst v63  }
0xac: {  	_ =	swait.ge [sflag:s0], $0x1000  }
0xad: {  	[sflag:s0] =	ssyncset.done $0x0  }
0xae: {  	s8 =	simm.s32 $0x4F00;
	[sflag:s0] =	ssyncadd.s32 $0xFFFFF000  }
0xaf: {  	[spmem:s3] =	stream.indirect.scatter.add.f32 [tilespmem:s24], [sflag:$0x7], $0x20, s8, s18, $0xb8;
	[tilespmem:$0x1CC00] =	vst v63  }
0xb0: {  	_ =	swait.ge [sflag:s2], $0x1000  }
0xb1: {  	[sflag:s2] =	ssyncset.done $0x0  }
0xb2: {  	s9 =	simm.s32 $0x4F80;
	[sflag:s2] =	ssyncadd.s32 $0xFFFFF000  }
0xb3: {  	[spmem:s3] =	stream.indirect.scatter.add.f32 [tilespmem:s28], [sflag:$0x8], $0x20, s9, s18, $0xb8;
	[tilespmem:$0x1CC00] =	vst v63  }
0xb4: {  	_ =	swait.ge [sflag:s31], $0x1000  }
0xb5: {  	[sflag:s31] =	ssyncset.done $0x0  }
0xb6: {  	[sflag:s31] =	ssyncadd.s32 $0xFFFFF000  }
0xb7: {  	_ =	swait.ge [sflag:s26], $0x1000  }
0xb8: {  	[sflag:s26] =	ssyncset.done $0x0  }
0xb9: {  	[sflag:s26] =	ssyncadd.s32 $0xFFFFF000  }
0xba: {  	_ =	swait.ge [sflag:s30], $0x1000  }
.Ltmp4:
0xbb: {  	[sflag:s30] =	ssyncset.done $0x0;
	(pc) =	sbr.rel @p1 .LBB2_8-.Ltmp4, $4  }
0xbc: {  	[sflag:s30] =	ssyncadd.s32 $0xFFFFF000  }
0xbd: {  	_ =	swait.ge [sflag:s21], $0x1000  }
0xbe: {  	[sflag:s21] =	ssyncset.done $0x0  }
0xbf: {  	[sflag:s21] =	ssyncadd.s32 $0xFFFFF000  }
.LBB2_5:
0xc0: {  	s7 =	simm.s32 $0x0  }
0xc1: {  	[tilespmem:s19], [sflag:$0x1] =	stream.indirect.gather [spmem:s1], $0x20, s7, s18, $0xb8;
	[tilespmem:$0x1CC00] =	vst v63  }
0xc2: {  	_ = 	snop  }
0xc3: {  	[tilespmem:s20], [sflag:$0x2] =	stream.indirect.gather [spmem:s1], $0x20, s18, s18, $0xb8;
	[tilespmem:$0x1CC00] =	vst v63  }
0xc4: {  	s8 =	simm.s32 $0x100  }
0xc5: {  	[tilespmem:s24], [sflag:$0x3] =	stream.indirect.gather [spmem:s1], $0x20, s8, s18, $0xb8;
	[tilespmem:$0x1CC00] =	vst v63  }
0xc6: {  	_ =	swait.ge [sflag:s25], $0x1000  }
0xc7: {  	[sflag:s25] =	ssyncset.done $0x0  }
0xc8: {  	[sflag:s25] =	ssyncadd.s32 $0xFFFFF000  }
0xc9: {  	[spmem:s4] =	stream.indirect.scatter.add.f32 [tilespmem:s19], [sflag:$0x5], $0x20, s14, s18, $0xb8;
	[tilespmem:$0x1CC00] =	vst v63  }
0xca: {  	s9 =	simm.s32 $0x180  }
0xcb: {  	[tilespmem:s28], [sflag:$0x4] =	stream.indirect.gather [spmem:s1], $0x20, s9, s18, $0xb8;
	[tilespmem:$0x1CC00] =	vst v63  }
0xcc: {  	_ =	swait.ge [sflag:s29], $0x1000  }
0xcd: {  	[sflag:s29] =	ssyncset.done $0x0  }
0xce: {  	s8 =	simm.s32 $0x2880;
	[sflag:s29] =	ssyncadd.s32 $0xFFFFF000  }
0xcf: {  	[spmem:s4] =	stream.indirect.scatter.add.f32 [tilespmem:s20], [sflag:$0x6], $0x20, s8, s18, $0xb8;
	[tilespmem:$0x1CC00] =	vst v63  }
0xd0: {  	_ =	swait.ge [sflag:s31], $0x1000  }
0xd1: {  	[sflag:s31] =	ssyncset.done $0x0  }
0xd2: {  	s9 =	simm.s32 $0x200;
	[sflag:s31] =	ssyncadd.s32 $0xFFFFF000  }
0xd3: {  	[tilespmem:s19], [sflag:$0x1] =	stream.indirect.gather [spmem:s1], $0x20, s9, s18, $0xb8;
	[tilespmem:$0x1CC00] =	vst v63  }
0xd4: {  	_ =	swait.ge [sflag:s0], $0x1000  }
0xd5: {  	[sflag:s0] =	ssyncset.done $0x0  }
0xd6: {  	s8 =	simm.s32 $0x2900;
	[sflag:s0] =	ssyncadd.s32 $0xFFFFF000  }
0xd7: {  	[spmem:s4] =	stream.indirect.scatter.add.f32 [tilespmem:s24], [sflag:$0x7], $0x20, s8, s18, $0xb8;
	[tilespmem:$0x1CC00] =	vst v63  }
0xd8: {  	_ =	swait.ge [sflag:s26], $0x1000  }
0xd9: {  	[sflag:s26] =	ssyncset.done $0x0  }
0xda: {  	s9 =	simm.s32 $0x280;
	[sflag:s26] =	ssyncadd.s32 $0xFFFFF000  }
0xdb: {  	[tilespmem:s20], [sflag:$0x2] =	stream.indirect.gather [spmem:s1], $0x20, s9, s18, $0xb8;
	[tilespmem:$0x1CC00] =	vst v63  }
0xdc: {  	_ =	swait.ge [sflag:s2], $0x1000  }
0xdd: {  	[sflag:s2] =	ssyncset.done $0x0  }
0xde: {  	s8 =	simm.s32 $0x2980;
	[sflag:s2] =	ssyncadd.s32 $0xFFFFF000  }
0xdf: {  	[spmem:s4] =	stream.indirect.scatter.add.f32 [tilespmem:s28], [sflag:$0x8], $0x20, s8, s18, $0xb8;
	[tilespmem:$0x1CC00] =	vst v63  }
0xe0: {  	_ =	swait.ge [sflag:s30], $0x1000  }
0xe1: {  	[sflag:s30] =	ssyncset.done $0x0  }
0xe2: {  	s9 =	simm.s32 $0x300;
	[sflag:s30] =	ssyncadd.s32 $0xFFFFF000  }
0xe3: {  	[tilespmem:s24], [sflag:$0x3] =	stream.indirect.gather [spmem:s1], $0x20, s9, s18, $0xb8;
	[tilespmem:$0x1CC00] =	vst v63  }
0xe4: {  	_ =	swait.ge [sflag:s25], $0x1000  }
0xe5: {  	[sflag:s25] =	ssyncset.done $0x0  }
0xe6: {  	s8 =	simm.s32 $0x2A00;
	[sflag:s25] =	ssyncadd.s32 $0xFFFFF000  }
0xe7: {  	[spmem:s4] =	stream.indirect.scatter.add.f32 [tilespmem:s19], [sflag:$0x5], $0x20, s8, s18, $0xb8;
	[tilespmem:$0x1CC00] =	vst v63  }
0xe8: {  	_ =	swait.ge [sflag:s21], $0x1000  }
0xe9: {  	[sflag:s21] =	ssyncset.done $0x0  }
0xea: {  	s9 =	simm.s32 $0x380;
	[sflag:s21] =	ssyncadd.s32 $0xFFFFF000  }
0xeb: {  	[tilespmem:s28], [sflag:$0x4] =	stream.indirect.gather [spmem:s1], $0x20, s9, s18, $0xb8;
	[tilespmem:$0x1CC00] =	vst v63  }
0xec: {  	_ =	swait.ge [sflag:s29], $0x1000  }
0xed: {  	[sflag:s29] =	ssyncset.done $0x0  }
0xee: {  	s8 =	simm.s32 $0x2A80;
	[sflag:s29] =	ssyncadd.s32 $0xFFFFF000  }
0xef: {  	[spmem:s4] =	stream.indirect.scatter.add.f32 [tilespmem:s20], [sflag:$0x6], $0x20, s8, s18, $0xb8;
	[tilespmem:$0x1CC00] =	vst v63  }
0xf0: {  	_ =	swait.ge [sflag:s31], $0x1000  }
0xf1: {  	[sflag:s31] =	ssyncset.done $0x0  }
0xf2: {  	s9 =	simm.s32 $0x400;
	[sflag:s31] =	ssyncadd.s32 $0xFFFFF000  }
0xf3: {  	[tilespmem:s19], [sflag:$0x1] =	stream.indirect.gather [spmem:s1], $0x20, s9, s18, $0xb8;
	[tilespmem:$0x1CC00] =	vst v63  }
0xf4: {  	_ =	swait.ge [sflag:s0], $0x1000  }
0xf5: {  	[sflag:s0] =	ssyncset.done $0x0  }
0xf6: {  	s8 =	simm.s32 $0x2B00;
	[sflag:s0] =	ssyncadd.s32 $0xFFFFF000  }
0xf7: {  	[spmem:s4] =	stream.indirect.scatter.add.f32 [tilespmem:s24], [sflag:$0x7], $0x20, s8, s18, $0xb8;
	[tilespmem:$0x1CC00] =	vst v63  }
0xf8: {  	_ =	swait.ge [sflag:s26], $0x1000  }
0xf9: {  	[sflag:s26] =	ssyncset.done $0x0  }
0xfa: {  	s9 =	simm.s32 $0x480;
	[sflag:s26] =	ssyncadd.s32 $0xFFFFF000  }
0xfb: {  	[tilespmem:s20], [sflag:$0x2] =	stream.indirect.gather [spmem:s1], $0x20, s9, s18, $0xb8;
	[tilespmem:$0x1CC00] =	vst v63  }
0xfc: {  	_ =	swait.ge [sflag:s2], $0x1000  }
0xfd: {  	[sflag:s2] =	ssyncset.done $0x0  }
0xfe: {  	s7 =	simm.s32 $0x800;
	s8 =	simm.s32 $0x2B80;
	[sflag:s2] =	ssyncadd.s32 $0xFFFFF000  }
.LBB2_6:
0xff: {  	[spmem:s4] =	stream.indirect.scatter.add.f32 [tilespmem:s28], [sflag:$0x8], $0x20, s8, s18, $0xb8;
	[tilespmem:$0x1CC00] =	vst v63  }
0x100: {  	s8 =	smov.u32 s7  }
0x101: {  	p2 =	sne.s32 s7, $0x8800;
	s7 =	sadd.s32 $0x800, s7;
	_ =	swait.ge [sflag:s30], $0x1000  }
0x102: {  	s8 =	sshra.s32 s8, $0x2;
	[sflag:s30] =	ssyncset.done $0x0  }
0x103: {  	s9 =	sadd.s32 $0x300, s8;
	[sflag:s30] =	ssyncadd.s32 $0xFFFFF000  }
0x104: {  	[tilespmem:s24], [sflag:$0x3] =	stream.indirect.gather [spmem:s1], $0x20, s9, s18, $0xb8;
	[tilespmem:$0x1CC00] =	vst v63  }
0x105: {  	_ =	swait.ge [sflag:s25], $0x1000  }
0x106: {  	[sflag:s25] =	ssyncset.done $0x0  }
0x107: {  	s9 =	sadd.s32 $0x2A00, s8;
	[sflag:s25] =	ssyncadd.s32 $0xFFFFF000  }
0x108: {  	[spmem:s4] =	stream.indirect.scatter.add.f32 [tilespmem:s19], [sflag:$0x5], $0x20, s9, s18, $0xb8;
	[tilespmem:$0x1CC00] =	vst v63  }
0x109: {  	_ =	swait.ge [sflag:s21], $0x1000  }
0x10a: {  	[sflag:s21] =	ssyncset.done $0x0  }
0x10b: {  	s9 =	sadd.s32 $0x380, s8;
	[sflag:s21] =	ssyncadd.s32 $0xFFFFF000  }
0x10c: {  	[tilespmem:s28], [sflag:$0x4] =	stream.indirect.gather [spmem:s1], $0x20, s9, s18, $0xb8;
	[tilespmem:$0x1CC00] =	vst v63  }
0x10d: {  	_ =	swait.ge [sflag:s29], $0x1000  }
0x10e: {  	[sflag:s29] =	ssyncset.done $0x0  }
0x10f: {  	s9 =	sadd.s32 $0x2A80, s8;
	[sflag:s29] =	ssyncadd.s32 $0xFFFFF000  }
0x110: {  	[spmem:s4] =	stream.indirect.scatter.add.f32 [tilespmem:s20], [sflag:$0x6], $0x20, s9, s18, $0xb8;
	[tilespmem:$0x1CC00] =	vst v63  }
0x111: {  	_ =	swait.ge [sflag:s31], $0x1000  }
0x112: {  	[sflag:s31] =	ssyncset.done $0x0  }
0x113: {  	s9 =	sadd.s32 $0x400, s8;
	[sflag:s31] =	ssyncadd.s32 $0xFFFFF000  }
0x114: {  	[tilespmem:s19], [sflag:$0x1] =	stream.indirect.gather [spmem:s1], $0x20, s9, s18, $0xb8;
	[tilespmem:$0x1CC00] =	vst v63  }
0x115: {  	_ =	swait.ge [sflag:s0], $0x1000  }
0x116: {  	[sflag:s0] =	ssyncset.done $0x0  }
0x117: {  	s9 =	sadd.s32 $0x2B00, s8;
	[sflag:s0] =	ssyncadd.s32 $0xFFFFF000  }
0x118: {  	[spmem:s4] =	stream.indirect.scatter.add.f32 [tilespmem:s24], [sflag:$0x7], $0x20, s9, s18, $0xb8;
	[tilespmem:$0x1CC00] =	vst v63  }
0x119: {  	_ =	swait.ge [sflag:s26], $0x1000  }
0x11a: {  	[sflag:s26] =	ssyncset.done $0x0  }
.Ltmp5:
0x11b: {  	s9 =	sadd.s32 $0x480, s8;
	[sflag:s26] =	ssyncadd.s32 $0xFFFFF000;
	(pc) =	sbr.rel @p2 .LBB2_6-.Ltmp5, $4  }
0x11c: {  	[tilespmem:s20], [sflag:$0x2] =	stream.indirect.gather [spmem:s1], $0x20, s9, s18, $0xb8;
	[tilespmem:$0x1CC00] =	vst v63  }
0x11d: {  	_ =	swait.ge [sflag:s2], $0x1000  }
0x11e: {  	[sflag:s2] =	ssyncset.done $0x0  }
0x11f: {  	s8 =	sadd.s32 $0x2B80, s8;
	[sflag:s2] =	ssyncadd.s32 $0xFFFFF000  }
0x120: {  	[spmem:s4] =	stream.indirect.scatter.add.f32 [tilespmem:s28], [sflag:$0x8], $0x20, s8, s18, $0xb8;
	[tilespmem:$0x1CC00] =	vst v63  }
0x121: {  	_ =	swait.ge [sflag:s30], $0x1000  }
0x122: {  	[sflag:s30] =	ssyncset.done $0x0  }
0x123: {  	s7 =	simm.s32 $0x2700;
	[sflag:s30] =	ssyncadd.s32 $0xFFFFF000  }
0x124: {  	[tilespmem:s24], [sflag:$0x3] =	stream.indirect.gather [spmem:s1], $0x20, s7, s18, $0xb8;
	[tilespmem:$0x1CC00] =	vst v63  }
0x125: {  	_ =	swait.ge [sflag:s25], $0x1000  }
0x126: {  	[sflag:s25] =	ssyncset.done $0x0  }
0x127: {  	s9 =	simm.s32 $0x4E00;
	[sflag:s25] =	ssyncadd.s32 $0xFFFFF000  }
0x128: {  	[spmem:s4] =	stream.indirect.scatter.add.f32 [tilespmem:s19], [sflag:$0x5], $0x20, s9, s18, $0xb8;
	[tilespmem:$0x1CC00] =	vst v63  }
0x129: {  	_ =	swait.ge [sflag:s21], $0x1000  }
0x12a: {  	[sflag:s21] =	ssyncset.done $0x0  }
0x12b: {  	s8 =	simm.s32 $0x2780;
	[sflag:s21] =	ssyncadd.s32 $0xFFFFF000  }
0x12c: {  	[tilespmem:s28], [sflag:$0x4] =	stream.indirect.gather [spmem:s1], $0x20, s8, s18, $0xb8;
	[tilespmem:$0x1CC00] =	vst v63  }
0x12d: {  	_ =	swait.ge [sflag:s29], $0x1000  }
0x12e: {  	[sflag:s29] =	ssyncset.done $0x0  }
0x12f: {  	s9 =	simm.s32 $0x4E80;
	[sflag:s29] =	ssyncadd.s32 $0xFFFFF000  }
0x130: {  	[spmem:s4] =	stream.indirect.scatter.add.f32 [tilespmem:s20], [sflag:$0x6], $0x20, s9, s18, $0xb8;
	[tilespmem:$0x1CC00] =	vst v63  }
0x131: {  	_ =	swait.ge [sflag:s0], $0x1000  }
0x132: {  	[sflag:s0] =	ssyncset.done $0x0  }
0x133: {  	s8 =	simm.s32 $0x4F00;
	[sflag:s0] =	ssyncadd.s32 $0xFFFFF000  }
0x134: {  	[spmem:s4] =	stream.indirect.scatter.add.f32 [tilespmem:s24], [sflag:$0x7], $0x20, s8, s18, $0xb8;
	[tilespmem:$0x1CC00] =	vst v63  }
0x135: {  	_ =	swait.ge [sflag:s2], $0x1000  }
0x136: {  	[sflag:s2] =	ssyncset.done $0x0  }
0x137: {  	s9 =	simm.s32 $0x4F80;
	[sflag:s2] =	ssyncadd.s32 $0xFFFFF000  }
0x138: {  	[spmem:s4] =	stream.indirect.scatter.add.f32 [tilespmem:s28], [sflag:$0x8], $0x20, s9, s18, $0xb8;
	[tilespmem:$0x1CC00] =	vst v63  }
0x139: {  	_ =	swait.ge [sflag:s31], $0x1000  }
0x13a: {  	[sflag:s31] =	ssyncset.done $0x0  }
0x13b: {  	[sflag:s31] =	ssyncadd.s32 $0xFFFFF000  }
0x13c: {  	_ =	swait.ge [sflag:s26], $0x1000  }
0x13d: {  	[sflag:s26] =	ssyncset.done $0x0  }
0x13e: {  	[sflag:s26] =	ssyncadd.s32 $0xFFFFF000  }
0x13f: {  	_ =	swait.ge [sflag:s30], $0x1000  }
.Ltmp6:
0x140: {  	[sflag:s30] =	ssyncset.done $0x0;
	(pc) =	sbr.rel .LBB2_8-.Ltmp6, $4  }
0x141: {  	[sflag:s30] =	ssyncadd.s32 $0xFFFFF000  }
0x142: {  	_ =	swait.ge [sflag:s21], $0x1000  }
0x143: {  	[sflag:s21] =	ssyncset.done $0x0  }
0x144: {  	[sflag:s21] =	ssyncadd.s32 $0xFFFFF000  }
.LBB2_9:
0x145: {  	_ =	sfence.sel $0x180000  }
0x146: {  	[bflag:$0x0] =	sbarrier.arrive $0xFFFF  }
0x147: {  	_ =	strace $0x9000004D  }
0x148: {  	s0 =	stileid.u32;
	[bflag:$0x2] =	sbarrier.arrive $0xFFFF  }
0x149: {  	p0 =	sne.s32 s0, $0x0;
	s0 =	rddreg [dreg:$0x5]  }
0x14a: {  	s0 =	sadd.s32 @!p0 $0x100000, s0  }
0x14b: {  	[sflag:s0] =	ssyncadd.tile.s32 @!p0 $0x1;
	_ =	shalt  }
.Lfunc_end2:
_tile_overlayer_lowered:
.L_overlay_start_2:
0x14c: {  	(tag) =	ssettag $0x2  }
0x14d: {  	s0 =	rddreg [dreg:$0x0];
	s2 =	stileid.u32  }
0x14e: {  	s1 =	rddreg [dreg:$0x1];
	p0 =	sne.s32 s2, $0x0  }
0x14f: {  	s3 =	rddreg [dreg:$0x2];
	[bflag:$0x3] =	sbarrier.arrive $0xFFFF;
	s2 =	simm.s32 @!p0 $0x1C09  }
0x150: {  	[timem:s3], [sflag:s2] =	dma.local @!p0 [hbm:s0], s1  }
0x151: {  	s0 =	simm.s32 @!p0 $0x9  }
0x152: {  	_ =	swait.ge @!p0 [sflag:s0], s1  }
0x153: {  	s1 =	ssub.s32 @!p0 $0x0, s1;
	[sflag:s0] =	ssyncset.done @!p0 $0x0  }
0x154: {  	[sflag:s0] =	ssyncadd.s32 @!p0 s1  }
0x155: {  	[bflag:$0x3] =	sbarrier.arrive $0xFFFF  }
0x156: {  	_ =	shalt  }

// kernel: kernel.9.cloned.1.call-start
scs
__scs_entry_jumppad:
0x0: {  	(pc) =	sbr.rel $0x88, $3  }
0x1: {  	(tag) =	ssettag $0x0;
	lr =	simm.s32 $0x1  }
0x2: {  	[smem:$0x3F9B] =	sst lr;
	_ =	strace $0xD0000000  }
0x3: {  	_ = 	snop  }
0x4: {  	_ = 	snop  }
0x5: {  	_ = 	snop  }
0x6: {  	_ = 	snop  }
0x7: {  	_ = 	snop  }
__scs_overlays_trampoline_lowered:
0x8: {  	[smem:$0x3FAA] =	sst s0  }
0x9: {  	[smem:$0x3FAB] =	sst s1  }
0xa: {  	[smem:$0x3FAC] =	sst s2  }
0xb: {  	[smem:$0x3FAD] =	sst s3  }
0xc: {  	[smem:$0x3FAE] =	sst s4  }
0xd: {  	[smem:$0x3FAF] =	sst s5  }
0xe: {  	[smem:$0x3FB0] =	sst s6  }
0xf: {  	[smem:$0x3FB1] =	sst s7  }
0x10: {  	[smem:$0x3FB2] =	sst s8  }
0x11: {  	[smem:$0x3FB3] =	sst s9;
	s0 =	simm.s32 @!p0 $0x0  }
0x12: {  	s1 =	sld [smem:$0x3F99];
	s0 =	simm.s32 @p0 $0x1  }
0x13: {  	[smem:$0x3FB4] =	sst s0;
	s0 =	simm.s32 @!p1 $0x0  }
0x14: {  	s2 =	sld [smem:$0x3F98];
	s0 =	simm.s32 @p1 $0x1  }
0x15: {  	[smem:$0x3FB5] =	sst s0;
	s0 =	simm.s32 @!p2 $0x0  }
0x16: {  	s3 =	sld [smem:$0x3FDB];
	s0 =	simm.s32 @p2 $0x1  }
0x17: {  	s4 =	simm.s32 $0x1BF5;
	[smem:$0x3FB7] =	sst s0  }
0x18: {  	s0 =	sld [smem:$0x3F9A];
	_ =	swait.ge [sflag:s4], $0x0  }
0x19: {  	s7 =	sld [smem:$0x3F9B]  }
0x1a: {  	s8 =	sadd.s32 $0xFFFFE003, lr  }
0x1b: {  	s9 =	sadd.s32 $0xFFFFFEF7, lr;
	s5 =	simm.s32 $0xFFFFFFFF;
	p2 =	slt.u32 s8, $0xFFFFF086  }
0x1c: {  	p1 =	slt.u32 s9, $0xF7A;
	s5 =	simm.s32 @!p2 $0x0  }
0x1d: {  	s5 =	simm.s32 @p1 $0x1;
	p0 =	seq.s32 s7, s2  }
0x1e: {  	s7 =	smul.u32 @!p0 $0xF7A, s2;
	p2 =	seq.s32 @!p0 s5, $0x0  }
0x1f: {  	s9 =	smul.u32 $0xF7A, s1;
	s8 =	simm.s32 @!p0 $0x1BF5;
	p2 =	por !p2, p0  }
0x20: {  	[sflag:s8] =	ssyncset.s32 @!p0 $0xFFFFF086;
	s6 =	sadd.s32 @!p0 s3, s7;
	s7 =	simm.s32 @!p0 $0x108  }
0x21: {  	s3 =	sadd.s32 s3, s9;
	s6 =	sadd.s32 @!p0 $0x88, s6;
	s7 =	simm.s32 @p2 $0x1082  }
0x22: {  	[simem:s7], [sflag:s8] =	dma.local @!p0 [hbm:s6], $0xF7A  }
0x23: {  	s9 =	sor.u32 $0xD0000000, s2;
	s6 =	simm.s32 $0x108;
	_ =	swait.ge @!p0 [sflag:s8], $0x0  }
0x24: {  	s3 =	sadd.s32 $0x88, s3;
	s6 =	simm.s32 @!p1 $0x1082;
	[sflag:s4] =	ssyncset.s32 $0xFFFFF086  }
0x25: {  	[simem:s6], [sflag:s4] =	dma.local [hbm:s3], $0xF7A  }
0x26: {  	[smem:$0x3F9B] =	sst s1;
	(tag) =	ssettag s2;
	_ =	strace s9  }
0x27: {  	s1 =	sld [smem:$0x3FAB]  }
0x28: {  	s2 =	sld [smem:$0x3FAC]  }
0x29: {  	s4 =	sld [smem:$0x3FAE]  }
0x2a: {  	p0 =	seq.s32 s5, $0x0;
	s5 =	sld [smem:$0x3FAF]  }
0x2b: {  	s6 =	sld [smem:$0x3FB0]  }
0x2c: {  	s7 =	sld [smem:$0x3FB1]  }
0x2d: {  	s3 =	simm.s32 $0x108;
	s8 =	sld [smem:$0x3FB2]  }
0x2e: {  	s3 =	simm.s32 @!p0 $0x1082;
	s9 =	sld [smem:$0x3FB3]  }
0x2f: {  	lr =	sadd.s32 s0, s3;
	s0 =	sld [smem:$0x3FAA]  }
0x30: {  	s3 =	sld [smem:$0x3FAD]  }
0x31: {  	[smem:$0x3FB6] =	sst s10  }
0x32: {  	s10 =	sld [smem:$0x3FB4];
	_ =	sdelay $0x3  }
0x33: {  	p0 =	seq.s32 s10, $0x1;
	s10 =	sld [smem:$0x3FB6];
	_ =	sdelay $0x3  }
0x34: {  	[smem:$0x3FB6] =	sst s10  }
0x35: {  	s10 =	sld [smem:$0x3FB5];
	_ =	sdelay $0x3  }
0x36: {  	p1 =	seq.s32 s10, $0x1;
	s10 =	sld [smem:$0x3FB6];
	_ =	sdelay $0x3  }
0x37: {  	[smem:$0x3FB6] =	sst s10  }
0x38: {  	s10 =	sld [smem:$0x3FB7]  }
0x39: {  	_ = 	snop;
	(pc) =	sbr.ind lr, $3  }
0x3a: {  	_ = 	snop  }
0x3b: {  	_ = 	snop  }
0x3c: {  	p2 =	seq.s32 s10, $0x1;
	s10 =	sld [smem:$0x3FB6]  }
0x3d: {  	_ =	shalt  }
0x3e: {  	_ =	shalt  }
0x3f: {  	_ =	shalt  }
0x40: {  	_ =	shalt  }
0x41: {  	_ =	shalt  }
0x42: {  	_ =	shalt  }
0x43: {  	_ =	shalt  }
0x44: {  	_ =	shalt  }
0x45: {  	_ =	shalt  }
0x46: {  	_ =	shalt  }
0x47: {  	_ =	shalt  }
0x48: {  	_ =	shalt  }
0x49: {  	_ =	shalt  }
0x4a: {  	_ =	shalt  }
0x4b: {  	_ =	shalt  }
0x4c: {  	_ =	shalt  }
0x4d: {  	_ =	shalt  }
0x4e: {  	_ =	shalt  }
0x4f: {  	_ =	shalt  }
0x50: {  	_ =	shalt  }
0x51: {  	_ =	shalt  }
0x52: {  	_ =	shalt  }
0x53: {  	_ =	shalt  }
0x54: {  	_ =	shalt  }
0x55: {  	_ =	shalt  }
0x56: {  	_ =	shalt  }
0x57: {  	_ =	shalt  }
0x58: {  	_ =	shalt  }
0x59: {  	_ =	shalt  }
0x5a: {  	_ =	shalt  }
0x5b: {  	_ =	shalt  }
0x5c: {  	_ =	shalt  }
0x5d: {  	_ =	shalt  }
0x5e: {  	_ =	shalt  }
0x5f: {  	_ =	shalt  }
0x60: {  	_ =	shalt  }
0x61: {  	_ =	shalt  }
0x62: {  	_ =	shalt  }
0x63: {  	_ =	shalt  }
0x64: {  	_ =	shalt  }
0x65: {  	_ =	shalt  }
0x66: {  	_ =	shalt  }
0x67: {  	_ =	shalt  }
0x68: {  	_ =	shalt  }
0x69: {  	_ =	shalt  }
0x6a: {  	_ =	shalt  }
0x6b: {  	_ =	shalt  }
0x6c: {  	_ =	shalt  }
0x6d: {  	_ =	shalt  }
0x6e: {  	_ =	shalt  }
0x6f: {  	_ =	shalt  }
0x70: {  	_ =	shalt  }
0x71: {  	_ =	shalt  }
0x72: {  	_ =	shalt  }
0x73: {  	_ =	shalt  }
0x74: {  	_ =	shalt  }
0x75: {  	_ =	shalt  }
0x76: {  	_ =	shalt  }
0x77: {  	_ =	shalt  }
0x78: {  	_ =	shalt  }
0x79: {  	_ =	shalt  }
0x7a: {  	_ =	shalt  }
0x7b: {  	_ =	shalt  }
0x7c: {  	_ =	shalt  }
0x7d: {  	_ =	shalt  }
0x7e: {  	_ =	shalt  }
0x7f: {  	_ =	shalt  }
0x80: {  	_ =	shalt  }
0x81: {  	_ =	shalt  }
0x82: {  	_ =	shalt  }
0x83: {  	_ =	shalt  }
0x84: {  	_ =	shalt  }
0x85: {  	_ =	shalt  }
0x86: {  	_ =	shalt  }
0x87: {  	_ =	shalt  }
.Lfunc_end0:
.L_simem_size_0:
called_computation_lowered:
.L_overlay_start_0:
0x88: {  	s2 =	sld [smem:$0x3FD9]  }
0x89: {  	s3 =	sld [smem:$0x3FFE];
	_ =	sdelay $0x1  }
0x8a: {  	s1 =	srdreg.scid  }
0x8b: {  	s0 =	sand.u32 $0x1, s1  }
0x8c: {  	s17 =	sshll.u32 s0, $0xA;
	s2 =	sadd.s32 s3, s2  }
0x8d: {  	s2 =	sadd.s32 s2, s17  }
0x8e: {  	[smem:$0x3FC2] =	sst s2  }
0x8f: {  	_ = 	snop  }
0x90: {  	s2 =	sld [smem:$0x3FD0];
	(tm) =	ssettm $0x1  }
0x91: {  	s18 =	sld [smem:$0x3FFB];
	_ =	sdelay $0x3  }
0x92: {  	_ =	strace s18  }
0x93: {  	s3 =	sld [smem:$0x3FFC];
	_ =	sdelay $0x3  }
0x94: {  	_ =	strace s3  }
0x95: {  	s3 =	sld [smem:$0x3FFD];
	_ =	sdelay $0x3  }
0x96: {  	_ =	strace s3  }
0x97: {  	_ =	strace $0x8FFFFFFF  }
0x98: {  	s19 =	sld [smem:$0x3FDB];
	_ =	sdelay $0x1  }
0x99: {  	s4 =	simm.s32 $_scs_section_size  }
0x9a: {  	s5 =	simm.s32 $_size__tile_overlayer_lowered;
	s6 =	simm.s32 $_tile_overlayer_lowered  }
0x9b: {  	s22 =	simm.s32 $0x1BFF;
	s21 =	sshll.u32 s6, $0x1;
	s3 =	sadd.s32 s4, s19  }
0x9c: {  	s7 =	simm.s32 $0x0;
	s20 =	sshll.u32 s5, $0x1;
	s5 =	sadd.s32 s21, s3  }
0x9d: {  	[timem:s7], [sflag:s22] =	dma.local [hbm:s5], s20  }
0x9e: {  	_ =	swait.ge [sflag:s22], s20  }
0x9f: {  	s4 =	ssub.s32 $0x0, s20;
	[sflag:s22] =	ssyncset.done $0x0  }
0xa0: {  	[sflag:s22] =	ssyncadd.s32 s4;
	_ =	sdelay $0x1  }
0xa1: {  	s23 =	simm.s32 $0x1B8B  }
0xa2: {  	_ =	swait.ge [sflag:s23], $0x1  }
0xa3: {  	[sflag:s23] =	ssyncset.done $0x0  }
0xa4: {  	s25 =	simm.s32 $0x1B8E;
	s24 =	sld [smem:$0x3FFE];
	[sflag:s23] =	ssyncadd.s32 $0xFFFFFFFF  }
0xa5: {  	s26 =	simm.s32 $execute0_lowered;
	[smem:$0x3FD2] =	sst s25  }
0xa6: {  	s5 =	sshll.u32 s26, $0x1;
	_ =	strace $0x80000046;
	[dreg:$0x1] =	wrdreg $0xFFFFFFFF  }
0xa7: {  	s28 =	simm.s32 $_size_execute0_lowered;
	s3 =	sadd.s32 s3, s5;
	[dreg:$0x0] =	wrdreg $0x0  }
0xa8: {  	s5 =	sshll.u32 s28, $0x1;
	[dreg:$0x2] =	wrdreg s3  }
0xa9: {  	[dreg:$0x3] =	wrdreg s5  }
0xaa: {  	[dreg:$0x4] =	wrdreg $0xC0  }
0xab: {  	_ =	task [dreg:s7], $0x5FFFF  }
0xac: {  	[dreg:$0x1] =	wrdreg $0xFFFFFFFF  }
0xad: {  	[dreg:$0x0] =	wrdreg $0x60  }
0xae: {  	[dreg:$0x2] =	wrdreg s24  }
0xaf: {  	[dreg:$0x3] =	wrdreg s2  }
0xb0: {  	[dreg:$0x4] =	wrdreg $0x52F80  }
0xb1: {  	[dreg:$0x5] =	wrdreg $0x55700  }
0xb2: {  	[dreg:$0x6] =	wrdreg $0x9  }
0xb3: {  	_ =	task.clear_ibuf [dreg:s7], $0x7FFFF;
	_ =	strace $0x90000046  }
0xb4: {  	s29 =	simm.s32 $0x9;
	_ =	strace $0x80000048  }
0xb5: {  	_ =	swait.ge [sflag:s29], $0x1  }
0xb6: {  	[sflag:s29] =	ssyncadd.s32 $0xFFFFFFFF  }
0xb7: {  	_ =	strace $0x90000048  }
0xb8: {  	_ =	sfence  }
0xb9: {  	s30 =	sld [smem:$0x0];
	_ =	sdelay $0x2  }
0xba: {  	s31 =	sshll.u32 s1, $0xD;
	s1 =	sshrl.u32 s1, $0x2  }
0xbb: {  	s3 =	sand.u32 $0x4000, s31;
	s1 =	sadd.s32 s1, s30  }
0xbc: {  	s0 =	sor.u32 s3, s0;
	s1 =	sshll.u32 s1, $0x11  }
0xbd: {  	s0 =	sor.u32 s1, s0  }
0xbe: {  	s0 =	sadd.s32 $0x8F2B, s0  }
0xbf: {  	[sflag:s0] =	ssyncadd.remote.s32 $0x1  }
0xc0: {  	_ =	sfence.sel $0xFFFF  }
0xc1: {  	[dreg:$0x0] =	wrdreg $0xFFFFFFFF;
	(pc) =	sbr.abs _section_cstart, $3  }
0xc2: {  	[dreg:$0x1] =	wrdreg $0xFFFFFFFF  }
0xc3: {  	_ =	task.clear_ibuf [dreg:s7], $0x2FFFF;
	_ =	strace $0x9FFFFFFF  }
0xc4: {  	(tm) =	ssettm $0x7FFFFFFF  }
0xc5: {  	_ =	shalt  }
tec
execute0_lowered:
.L_overlay_start_1:
0x0: {  	(tag) =	ssettag $0x1  }
0x1: {  	s7 =	rddreg [dreg:$0x0]  }
0x2: {  	s11 =	rddreg [dreg:$0x1]  }
0x3: {  	s2 =	rddreg [dreg:$0x2]  }
0x4: {  	s0 =	srdreg.scid;
	s3 =	rddreg [dreg:$0x3]  }
0x5: {  	s1 =	stileid.u32;
	s4 =	simm.s32 $0x0;
	s16 =	simm.s32 $0x80  }
0x6: {  	s17 =	simm.s32 $0x1;
	s5 =	sand.u32 $0x1, s0;
	s0 =	rddreg [dreg:$0x4]  }
0x7: {  	s18 =	simm.s32 $0x2;
	[smem:$0x7FF] =	sst s4;
	s13 =	smul.u32 $0x278, s1  }
0x8: {  	s20 =	sshll.u32 s1, $0x6;
	s6 =	sshll.u32 s5, $0x4;
	_ =	strace $0x80000047  }
0x9: {  	s12 =	smul.u32 $0x4F0, s5;
	s9 =	ssub.s32 $0x2, s5;
	s5 =	sadd.s32 $0x15E00, s7  }
0xa: {  	s20 =	sor.u32 $0x1C03, s20;
	s6 =	sor.u32 s1, s6;
	s10 =	sshrl.u32 s9, $0x1  }
0xb: {  	s22 =	sshrl.u32 s13, $0x3;
	s6 =	smul.u32 $0x500, s6;
	s14 =	sadd.s32 s12, s7  }
0xc: {  	s15 =	ssub.s32 s9, s10;
	s9 =	sadd.s32 s13, s2;
	s10 =	sadd.s32 s13, s3  }
0xd: {  	s19 =	sadd.s32 s11, s12;
	s12 =	simm.s32 $0x3;
	s13 =	simm.s32 $0x2800  }
0xe: {  	s23 =	sadd.s32 $0x16000, s14;
	s11 =	smax.u32 s15, $0x1;
	s14 =	simm.s32 $0x5000  }
0xf: {  	s15 =	simm.s32 $0x5080;
	s19 =	sadd.s32 s22, s19;
	s21 =	sshrl.u32 s9, $0x3  }
0x10: {  	s8 =	sadd.s32 s6, s7;
	s6 =	sadd.s32 $0x15C00, s7;
	s22 =	sadd.s32 s22, s23  }
0x11: {  	s23 =	simm.s32 $0x0;
	s7 =	sadd.s32 $0xBC00, s8;
	s8 =	sadd.s32 $0x1C00, s8  }
.LBB2_1:
0x12: {  	[tilespmem:s4], [sflag:$0x3] =	stream.linear.gather [hbm4b:s7+s4], $0x2800, $0x38;
	[tilespmem:$0x57E8] =	vst v63  }
0x13: {  	_ =	swait.ge [sflag:s12], $0x2800  }
0x14: {  	[sflag:s12] =	ssyncset.done $0x0  }
0x15: {  	[sflag:s12] =	ssyncadd.s32 $0xFFFFD800  }
0x16: {  	[tilespmem:s13], [sflag:$0x3] =	stream.linear.gather [hbm4b:s8+s4], $0x2800, $0x38;
	[tilespmem:$0x57E8] =	vst v63  }
0x17: {  	_ =	swait.ge [sflag:s12], $0x2800  }
0x18: {  	[sflag:s12] =	ssyncset.done $0x0  }
0x19: {  	[sflag:s12] =	ssyncadd.s32 $0xFFFFD800  }
0x1a: {  	[tilespmem:s14], [sflag:$0x3] =	stream.linear.gather [hbm4b:s5+s4], $0x80, $0x38;
	[tilespmem:$0x57E8] =	vst v63  }
0x1b: {  	_ =	swait.ge [sflag:s12], $0x80  }
0x1c: {  	[sflag:s12] =	ssyncset.done $0x0  }
0x1d: {  	[sflag:s12] =	ssyncadd.s32 $0xFFFFFF80  }
0x1e: {  	[tilespmem:s15], [sflag:$0x3] =	stream.linear.gather [hbm4b:s6+s4], $0x278, $0x38;
	[tilespmem:$0x57E8] =	vst v63  }
0x1f: {  	_ =	swait.ge [sflag:s12], $0x278  }
0x20: {  	[sflag:s12] =	ssyncset.done $0x0  }
0x21: {  	[sflag:s12] =	ssyncadd.s32 $0xFFFFFD88  }
0x22: {  	[spmem:s9] =	stream.linear.scatter [tilespmem:s15], [sflag:$0x3], $0x278, $0x38;
	[tilespmem:$0x57E8] =	vst v63  }
0x23: {  	_ =	swait.ge [sflag:s12], $0x278  }
0x24: {  	[sflag:s12] =	ssyncset.done $0x0  }
0x25: {  	[sflag:s12] =	ssyncadd.s32 $0xFFFFFD88  }
0x26: {  	[spmem:s10] =	stream.linear.scatter [tilespmem:s15], [sflag:$0x3], $0x278, $0x38;
	[tilespmem:$0x57E8] =	vst v63  }
0x27: {  	_ =	swait.ge [sflag:s12], $0x278  }
0x28: {  	[sflag:s12] =	ssyncset.done $0x0  }
0x29: {  	[sflag:s12] =	ssyncadd.s32 $0xFFFFFD88  }
0x2a: {  	[bflag:$0x0] =	sbarrier.arrive $0xFFFF  }
0x2b: {  	[spmem:s2] =	stream.indirect.scatter.add.f32 [tilespmem:s14], [sflag:$0x1], $0x1, s4, s16, $0xb8;
	[tilespmem:$0x57E8] =	vst v63  }
0x2c: {  	_ = 	snop  }
0x2d: {  	[spmem:s3] =	stream.indirect.scatter.add.f32 [tilespmem:s14], [sflag:$0x2], $0x1, s13, s16, $0xb8;
	[tilespmem:$0x57E8] =	vst v63  }
0x2e: {  	s24 =	simm.s32 $0x80  }
0x2f: {  	[spmem:s2] =	stream.indirect.scatter.add.f32 [tilespmem:s14], [sflag:$0x1], $0x1, s24, s16, $0xb8;
	[tilespmem:$0x57E8] =	vst v63  }
0x30: {  	s31 =	simm.s32 $0x2880  }
0x31: {  	[spmem:s3] =	stream.indirect.scatter.add.f32 [tilespmem:s14], [sflag:$0x2], $0x1, s31, s16, $0xb8;
	[tilespmem:$0x57E8] =	vst v63  }
0x32: {  	_ =	swait.ge [sflag:s17], $0x80  }
0x33: {  	[sflag:s17] =	ssyncset.done $0x0  }
0x34: {  	[sflag:s17] =	ssyncadd.s32 $0xFFFFFF80  }
0x35: {  	_ =	swait.ge [sflag:s18], $0x80  }
0x36: {  	s25 =	simm.s32 $0x600;
	s24 =	simm.s32 $0x400;
	[sflag:s18] =	ssyncset.done $0x0  }
.LBB2_2:
0x37: {  	s26 =	sshra.s32 s24, $0x2  }
0x38: {  	[sflag:s18] =	ssyncadd.s32 $0xFFFFFF80;
	s24 =	smov.u32 s25;
	s28 =	sadd.s32 $0x200, s25  }
0x39: {  	[spmem:s2] =	stream.indirect.scatter.add.f32 [tilespmem:s14], [sflag:$0x1], $0x1, s26, s16, $0xb8;
	[tilespmem:$0x57E8] =	vst v63  }
0x3a: {  	p0 =	sne.s32 s25, $0x9E00;
	s25 =	sadd.s32 $0x2800, s26  }
0x3b: {  	[spmem:s3] =	stream.indirect.scatter.add.f32 [tilespmem:s14], [sflag:$0x2], $0x1, s25, s16, $0xb8;
	[tilespmem:$0x57E8] =	vst v63  }
.Ltmp0:
0x3c: {  	_ =	swait.ge [sflag:s17], $0x80;
	(pc) =	sbr.rel @p0 .LBB2_2-.Ltmp0, $4  }
0x3d: {  	[sflag:s17] =	ssyncset.done $0x0  }
0x3e: {  	[sflag:s17] =	ssyncadd.s32 $0xFFFFFF80  }
0x3f: {  	_ =	swait.ge [sflag:s18], $0x80  }
0x40: {  	s25 =	smov.u32 s28;
	[sflag:s18] =	ssyncset.done $0x0  }
0x41: {  	s24 =	sshra.s32 s24, $0x2;
	[sflag:s18] =	ssyncadd.s32 $0xFFFFFF80  }
0x42: {  	[spmem:s2] =	stream.indirect.scatter.add.f32 [tilespmem:s14], [sflag:$0x1], $0x1, s24, s16, $0xb8;
	[tilespmem:$0x57E8] =	vst v63  }
0x43: {  	s24 =	sadd.s32 $0x2800, s24  }
0x44: {  	[spmem:s3] =	stream.indirect.scatter.add.f32 [tilespmem:s14], [sflag:$0x2], $0x1, s24, s16, $0xb8;
	[tilespmem:$0x57E8] =	vst v63  }
0x45: {  	_ =	swait.ge [sflag:s17], $0x80  }
0x46: {  	[sflag:s17] =	ssyncset.done $0x0  }
0x47: {  	[sflag:s17] =	ssyncadd.s32 $0xFFFFFF80  }
0x48: {  	_ =	swait.ge [sflag:s18], $0x80  }
0x49: {  	[sflag:s18] =	ssyncset.done $0x0  }
0x4a: {  	[sflag:s18] =	ssyncadd.s32 $0xFFFFFF80  }
0x4b: {  	_ =	swait.ge [sflag:s17], $0x80  }
0x4c: {  	[sflag:s17] =	ssyncset.done $0x0  }
0x4d: {  	[sflag:s17] =	ssyncadd.s32 $0xFFFFFF80  }
0x4e: {  	_ =	swait.ge [sflag:s18], $0x80  }
0x4f: {  	[sflag:s18] =	ssyncset.done $0x0  }
0x50: {  	[sflag:s18] =	ssyncadd.s32 $0xFFFFFF80  }
0x51: {  	[bflag:$0x0] =	sbarrier.arrive $0xFFFF  }
0x52: {  	[hbm:s19], [sflag:s20] =	dma.local [spmem:s21], $0x4F  }
0x53: {  	s23 =	sadd.s32 $0x1, s23;
	_ =	swait.ge [sflag:s12], $0x4F  }
0x54: {  	p0 =	sne.s32 s23, s11;
	[sflag:s12] =	ssyncset.done $0x0  }
.Ltmp1:
0x55: {  	s31 =	sshrl.u32 s10, $0x3;
	[sflag:s12] =	ssyncadd.s32 $0xFFFFFFB1;
	(pc) =	sbr.rel @p0 .LBB2_1-.Ltmp1, $4  }
0x56: {  	[hbm:s22], [sflag:s20] =	dma.local [spmem:s31], $0x4F  }
0x57: {  	_ =	swait.ge [sflag:s12], $0x4F  }
0x58: {  	[sflag:s12] =	ssyncset.done $0x0  }
0x59: {  	[sflag:s12] =	ssyncadd.s32 $0xFFFFFFB1  }
0x5a: {  	_ =	sfence.sel $0x180000  }
0x5b: {  	[bflag:$0x0] =	sbarrier.arrive $0xFFFF  }
0x5c: {  	p0 =	sne.s32 s1, $0x0;
	_ =	strace $0x90000047  }
0x5d: {  	s0 =	sadd.s32 @!p0 $0x100000, s0;
	[bflag:$0x2] =	sbarrier.arrive $0xFFFF  }
0x5e: {  	[sflag:s0] =	ssyncadd.tile.s32 @!p0 $0x1;
	_ =	shalt  }
.Lfunc_end2:
_tile_overlayer_lowered:
.L_overlay_start_2:
0x5f: {  	(tag) =	ssettag $0x2  }
0x60: {  	s0 =	rddreg [dreg:$0x0];
	s2 =	stileid.u32  }
0x61: {  	s1 =	rddreg [dreg:$0x1];
	p0 =	sne.s32 s2, $0x0  }
0x62: {  	s3 =	rddreg [dreg:$0x2];
	[bflag:$0x3] =	sbarrier.arrive $0xFFFF;
	s2 =	simm.s32 @!p0 $0x1C03  }
0x63: {  	[timem:s3], [sflag:s2] =	dma.local @!p0 [hbm:s0], s1  }
0x64: {  	s0 =	simm.s32 @!p0 $0x3  }
0x65: {  	_ =	swait.ge @!p0 [sflag:s0], s1  }
0x66: {  	s1 =	ssub.s32 @!p0 $0x0, s1;
	[sflag:s0] =	ssyncset.done @!p0 $0x0  }
0x67: {  	[sflag:s0] =	ssyncadd.s32 @!p0 s1  }
0x68: {  	[bflag:$0x3] =	sbarrier.arrive $0xFFFF  }
0x69: {  	_ =	shalt  }

</sc_bundles>
